<compile_context>
chip_gen: v7x
topology: tpu7x:2x2x1
jax: 0.10.2.dev20260603
libtpu: 0.0.44.dev20260713+nightly
codegen_flags: <defaults>
</compile_context>

<pallas_src>
import functools

import jax
import jax.numpy as jnp
import numpy as np
from jax import lax
from jax.experimental import pallas as pl
from jax.experimental.pallas import tpu as pltpu
from jax.experimental.pallas import tpu_sc as plsc

NC, NS, L = 2, 16, 16


@functools.lru_cache(maxsize=None)
def _build(n_nodes, n_edges, n_ch, d_node, d_sh, d_edge, hidden, be, bn):
    F = n_ch * d_node * d_sh
    CD = n_ch * d_node
    assert F == 4 * L and CD == 2 * L and d_sh == 2

    def mix_body(ef_ref, ea_ref, w1_ref, w2_ref, w3_ref, w4_ref, a_ref):
        h = ef_ref[...]
        s1 = np.float32(1.0 / np.sqrt(d_edge))
        s2 = np.float32(1.0 / np.sqrt(hidden))
        h = jax.nn.silu(jnp.dot(h, w1_ref[...], preferred_element_type=jnp.float32) * s1)
        h = jax.nn.silu(jnp.dot(h, w2_ref[...], preferred_element_type=jnp.float32) * s2)
        h = jax.nn.silu(jnp.dot(h, w3_ref[...], preferred_element_type=jnp.float32) * s2)
        h = jnp.dot(h, w4_ref[...], preferred_element_type=jnp.float32)
        ea = ea_ref[...]
        col = lax.broadcasted_iota(jnp.int32, (be, F), 1)
        eab = jnp.where(col < CD, ea[:, 0:1], ea[:, 1:2])
        a_ref[...] = h * eab

    def make_mix(off_blocks, rows):
        assert rows % be == 0
        return pl.pallas_call(
            mix_body,
            grid=(rows // be,),
            in_specs=[
                pl.BlockSpec((be, d_edge), lambda i: (i + off_blocks, 0)),
                pl.BlockSpec((be, d_sh), lambda i: (i + off_blocks, 0)),
                pl.BlockSpec((d_edge, hidden), lambda i: (0, 0)),
                pl.BlockSpec((hidden, hidden), lambda i: (0, 0)),
                pl.BlockSpec((hidden, hidden), lambda i: (0, 0)),
                pl.BlockSpec((hidden, F), lambda i: (0, 0)),
            ],
            out_specs=pl.BlockSpec((be, F), lambda i: (i, 0)),
            out_shape=jax.ShapeDtypeStruct((rows, F), jnp.float32),
        )

    half = n_nodes // NC
    assert half * NC == n_nodes and half % bn == 0
    unit = np.lcm(NS * 8, bn)
    hpad = int(-(-(half + 1) // unit) * unit)
    rpt = hpad // NS
    ch = 80
    zb = ch
    assert rpt % zb == 0

    mesh = plsc.VectorSubcoreMesh(core_axis_name="c", subcore_axis_name="s")

    scratch = (
        [pltpu.VMEM((ch,), jnp.int32) for _ in range(6)] +
        [pltpu.VMEM((ch, CD), jnp.float32) for _ in range(2)] +
        [pltpu.VMEM((ch, F), jnp.float32) for _ in range(4)] +
        [pltpu.VMEM_SHARED((hpad, F), jnp.float32)] +
        [pltpu.SemaphoreType.DMA for _ in range(8)])

    def make_scatter(eoff, nsub):
        ept = nsub // NS
        assert ept * NS == nsub and ept % ch == 0
        nchunk = ept // ch
        assert nchunk >= 4

        @functools.partial(
            pl.kernel,
            out_type=jax.ShapeDtypeStruct((NC * hpad, F), jnp.float32),
            mesh=mesh,
            compiler_params=pltpu.CompilerParams(use_tc_tiling_on_sc=False),
            scratch_types=scratch,
        )
        def scatter(nf_hbm, a_hbm, send_hbm, recv_hbm, out_hbm,
                    s0, s1, r0, r1, j0, j1, g0, g1, a0, m0, a1, m1, acc,
                    is0, is1, gs0, gs1, as0, as1, ss0, ss1):
            sends, recvs, adjs = (s0, s1), (r0, r1), (j0, j1)
            gs, avs, ms = (g0, g1), (a0, a1), (m0, m1)
            i_sems, g_sems = (is0, is1), (gs0, gs1)
            a_sems, s_sems = (as0, as1), (ss0, ss1)
            cid = lax.axis_index("c")
            sid = lax.axis_index("s")
            node_off = cid * half
            zeros = jnp.zeros((L,), jnp.float32)

            def zfill(i, carry):
                m0[i // 4, pl.ds((i % 4) * L, L)] = zeros
                return carry
            lax.fori_loop(0, zb * 4, zfill, 0)
            base_row = sid * rpt

            def zcopy(j, carry):
                pltpu.sync_copy(m0, acc.at[pl.ds(base_row + j * zb, zb)])
                return carry
            lax.fori_loop(0, rpt // zb, zcopy, 0)
            plsc.subcore_barrier()

            ebase = sid * ept

            def issue_idx(k, b):
                off = eoff + ebase + k * ch
                pltpu.async_copy(send_hbm.at[pl.ds(off, ch)], sends[b], i_sems[b])
                pltpu.async_copy(recv_hbm.at[pl.ds(off, ch)], recvs[b], i_sems[b])

            def wait_idx(b):
                pltpu.make_async_copy(send_hbm.at[pl.ds(0, ch)], sends[b], i_sems[b]).wait()
                pltpu.make_async_copy(recv_hbm.at[pl.ds(0, ch)], recvs[b], i_sems[b]).wait()

            def issue_fetch(k, b):
                off = ebase + k * ch
                pltpu.async_copy(nf_hbm.at[sends[b]], gs[b], g_sems[b])
                pltpu.async_copy(a_hbm.at[pl.ds(off, ch)], avs[b], a_sems[b])

            def wait_fetch(b):
                pltpu.make_async_copy(nf_hbm.at[sends[b]], gs[b], g_sems[b]).wait()
                pltpu.make_async_copy(a_hbm.at[pl.ds(0, ch)], avs[b], a_sems[b]).wait()

            def issue_scat(b):
                pltpu.async_copy(ms[b], acc.at[adjs[b]], s_sems[b], add=True)

            def wait_scat(b):
                pltpu.make_async_copy(ms[b], acc.at[adjs[b]], s_sems[b]).wait()

            def compute_adj(b):
                def adj(i, c2):
                    r = recvs[b][pl.ds(i * L, L)]
                    loc = r - node_off
                    ok = (loc >= 0) & (loc < half)
                    adjs[b][pl.ds(i * L, L)] = jnp.where(ok, loc, half)
                    return c2
                lax.fori_loop(0, ch // L, adj, 0)

            def compute_msg(b):
                def msg(e, c2):
                    gv0 = gs[b][e, pl.ds(0, L)]
                    gv1 = gs[b][e, pl.ds(L, L)]
                    ms[b][e, pl.ds(0 * L, L)] = gv0 * avs[b][e, pl.ds(0 * L, L)]
                    ms[b][e, pl.ds(1 * L, L)] = gv1 * avs[b][e, pl.ds(1 * L, L)]
                    ms[b][e, pl.ds(2 * L, L)] = gv0 * avs[b][e, pl.ds(2 * L, L)]
                    ms[b][e, pl.ds(3 * L, L)] = gv1 * avs[b][e, pl.ds(3 * L, L)]
                    return c2
                lax.fori_loop(0, ch, msg, 0)

            def body(k, b, first, last):
                wait_fetch(b)
                if not first:
                    wait_scat(b)
                compute_adj(b)
                if not last:
                    issue_idx(k + 2, b)
                compute_msg(b)
                issue_scat(b)
                if not last:
                    wait_idx(b)
                    issue_fetch(k + 2, b)

            issue_idx(0, 0)
            issue_idx(1, 1)
            wait_idx(0)
            issue_fetch(0, 0)
            wait_idx(1)
            issue_fetch(1, 1)
            body(0, 0, True, False)
            body(1, 1, True, False)

            p = (nchunk - 4) // 2

            def steady(i, carry):
                k = 2 + 2 * i
                body(k, 0, False, False)
                body(k + 1, 1, False, False)
                return carry
            lax.fori_loop(0, p, steady, 0)

            for k in range(2 + 2 * p, nchunk):
                body(k, k % 2, False, k + 2 >= nchunk)
            wait_scat((nchunk - 2) % 2)
            wait_scat((nchunk - 1) % 2)
            plsc.subcore_barrier()

            def drain(j, carry):
                row0 = base_row + j * zb
                pltpu.sync_copy(acc.at[pl.ds(row0, zb)], a0)
                pltpu.sync_copy(a0, out_hbm.at[pl.ds(cid * hpad + row0, zb)])
                return carry
            lax.fori_loop(0, rpt // zb, drain, 0)

        return scatter

    pad_blocks = (hpad - half) // bn

    def perm_body(x_ref, y_ref, p_ref, o_ref):
        o_ref[...] = jnp.dot(x_ref[...] + y_ref[...], p_ref[...],
                             preferred_element_type=jnp.float32)

    def _src_block(i):
        return jnp.where(i < half // bn, i, i + pad_blocks)

    permute = pl.pallas_call(
        perm_body,
        grid=(n_nodes // bn,),
        in_specs=[
            pl.BlockSpec((bn, F), lambda i: (_src_block(i), 0)),
            pl.BlockSpec((bn, F), lambda i: (_src_block(i), 0)),
            pl.BlockSpec((F, F), lambda i: (0, 0)),
        ],
        out_specs=pl.BlockSpec((bn, F), lambda i: (i, 0)),
        out_shape=jax.ShapeDtypeStruct((n_nodes, F), jnp.float32),
    )

    unit2 = int(np.lcm(NS * ch, be))
    e1 = max(unit2, (n_edges // 2 // unit2) * unit2)
    assert 0 < e1 < n_edges and (n_edges - e1) % unit2 == 0
    mix1, mix2 = make_mix(0, e1), make_mix(e1 // be, n_edges - e1)
    sc1, sc2 = make_scatter(0, e1), make_scatter(e1, n_edges - e1)
    return mix1, mix2, sc1, sc2, permute


def kernel(node_feats, edge_attrs, edge_feats, senders, receivers, W1, W2, W3, W4):
    n_nodes, n_ch, d_node = node_feats.shape
    n_edges, d_sh = edge_attrs.shape
    d_edge = edge_feats.shape[1]
    hidden = W2.shape[0]
    F = n_ch * d_node * d_sh
    CD = n_ch * d_node

    p = np.arange(F)
    s, c, d = p // CD, (p % CD) // d_node, p % d_node
    src = c * (d_node * d_sh) + d * d_sh + s
    scale = 1.0 / (np.sqrt(hidden) * np.sqrt(16.0))
    W4P = W4[:, src] * np.float32(scale)

    j = np.arange(F)
    inv_src = (j % d_sh) * CD + (j // (d_node * d_sh)) * d_node + (j // d_sh) % d_node
    P = np.zeros((F, F), np.float32)
    P[inv_src, j] = 1.0
    P = jnp.asarray(P)

    mix1, mix2, sc1, sc2, permute = _build(n_nodes, n_edges, n_ch, d_node,
                                           d_sh, d_edge, hidden, 8000, 200)
    nf2 = node_feats.reshape(n_nodes, CD)
    A1 = mix1(edge_feats, edge_attrs, W1, W2, W3, W4P)
    acc1 = sc1(nf2, A1, senders, receivers)
    A2 = mix2(edge_feats, edge_attrs, W1, W2, W3, W4P)
    acc2 = sc2(nf2, A2, senders, receivers)
    out = permute(acc1, acc2, P)
    return out.reshape(n_nodes, n_ch, d_node * d_sh)

# --- scband reference (transcript-rebuilt; emitter-appended) ---
"""Pipeline reference for scband-message-passing-convolution-5265629905523 (READ-ONLY COPY).

The authoritative reference and input builder live on the scoring server;
editing this copy changes nothing except your own understanding.
"""

import jax, jax.numpy as jnp
import numpy as np

N, C, D = 50000, 8, 4
E, SH = 800000, 2
D_EDGE = 16
HIDDEN = 64
AVG_NUM_NEIGHBORS = 16.0


def setup_inputs(seed: int = 0):
    key = jax.random.key(seed)
    ks = jax.random.split(key, 9)
    node_feats = jax.random.normal(ks[0], (N, C, D), dtype=jnp.float32)
    edge_attrs = jax.random.normal(ks[1], (E, SH), dtype=jnp.float32)
    edge_feats = jax.random.normal(ks[2], (E, D_EDGE), dtype=jnp.float32)
    senders = jax.random.randint(ks[3], (E,), 0, N, dtype=jnp.int32)
    receivers = jax.random.randint(ks[4], (E,), 0, N, dtype=jnp.int32)
    W1 = jax.random.normal(ks[5], (D_EDGE, HIDDEN), dtype=jnp.float32)
    W2 = jax.random.normal(ks[6], (HIDDEN, HIDDEN), dtype=jnp.float32)
    W3 = jax.random.normal(ks[7], (HIDDEN, HIDDEN), dtype=jnp.float32)
    W4 = jax.random.normal(ks[8], (HIDDEN, C * D * SH), dtype=jnp.float32)
    return {"node_feats": node_feats, "edge_attrs": edge_attrs, "edge_feats": edge_feats,
            "senders": senders, "receivers": receivers,
            "W1": W1, "W2": W2, "W3": W3, "W4": W4}


def reference(node_feats, edge_attrs, edge_feats, senders, receivers, W1, W2, W3, W4):
    # node_feats: [N, C, D] (C channels of scalar irreps of dim D)
    # edge_attrs: [E, SH] spherical harmonics (scalar part)
    # edge_feats: [E, D_EDGE] radial edge features
    n_nodes, n_ch, d_node = node_feats.shape
    n_edges, d_sh = edge_attrs.shape
    # messages = tensor_product(node_feats[senders], edge_attrs[:, None, :])
    gathered = node_feats[senders]  # [E, C, D] gather
    messages = (gathered[:, :, :, None] * edge_attrs[:, None, None, :]).reshape(
        n_edges, n_ch, d_node * d_sh)  # [E, C, D*SH]
    # mix = MLP([64, 64, 64, C * num_irreps])(edge_feats), e3nn-style normalized linear layers
    h = edge_feats
    h = jax.nn.silu((h @ W1) / jnp.sqrt(jnp.asarray(h.shape[-1], h.dtype)))
    h = jax.nn.silu((h @ W2) / jnp.sqrt(jnp.asarray(HIDDEN, h.dtype)))
    h = jax.nn.silu((h @ W3) / jnp.sqrt(jnp.asarray(HIDDEN, h.dtype)))
    h = (h @ W4) / jnp.sqrt(jnp.asarray(HIDDEN, h.dtype))  # [E, C*D*SH]
    mix = h.reshape(n_edges, n_ch, d_node * d_sh)  # mul_to_axis(C)
    # elementwise tensor product (scalar irreps -> elementwise multiply)
    messages = messages * mix
    # scatter-add into zeros at receivers
    out = jnp.zeros((n_nodes, n_ch, d_node * d_sh), dtype=messages.dtype).at[receivers].add(messages)
    return out / jnp.sqrt(jnp.asarray(AVG_NUM_NEIGHBORS, out.dtype))

if __name__ == "__main__":
    import jax
    _d = setup_inputs()
    print(jax.jit(kernel)(*tuple(_d.values())))

</pallas_src>

<mosaic_0001>
#map = affine_map<(d0, d1) -> (0, 0)>
#map1 = affine_map<(d0, d1) -> (0)>
module attributes {stable_mosaic.version = 14 : i64} {
  func.func @scatter(%arg0: i32, %arg1: i32, %arg2: memref<50000x32xf32, #tpu.memory_space<hbm>>, %arg3: memref<416000x64xf32, #tpu.memory_space<hbm>>, %arg4: memref<800000xi32, #tpu.memory_space<hbm>>, %arg5: memref<800000xi32, #tpu.memory_space<hbm>>, %arg6: memref<51200x64xf32, #tpu.memory_space<hbm>>, %arg7: memref<80xi32, #tpu.memory_space<vmem>>, %arg8: memref<80xi32, #tpu.memory_space<vmem>>, %arg9: memref<80xi32, #tpu.memory_space<vmem>>, %arg10: memref<80xi32, #tpu.memory_space<vmem>>, %arg11: memref<80xi32, #tpu.memory_space<vmem>>, %arg12: memref<80xi32, #tpu.memory_space<vmem>>, %arg13: memref<80x32xf32, #tpu.memory_space<vmem>>, %arg14: memref<80x32xf32, #tpu.memory_space<vmem>>, %arg15: memref<80x64xf32, #tpu.memory_space<vmem>>, %arg16: memref<80x64xf32, #tpu.memory_space<vmem>>, %arg17: memref<80x64xf32, #tpu.memory_space<vmem>>, %arg18: memref<80x64xf32, #tpu.memory_space<vmem>>, %arg19: memref<25600x64xf32, #tpu.memory_space<vmem_shared>>, %arg20: memref<!tpu.dma_semaphore, #tpu.memory_space<semaphore_mem>>, %arg21: memref<!tpu.dma_semaphore, #tpu.memory_space<semaphore_mem>>, %arg22: memref<!tpu.dma_semaphore, #tpu.memory_space<semaphore_mem>>, %arg23: memref<!tpu.dma_semaphore, #tpu.memory_space<semaphore_mem>>, %arg24: memref<!tpu.dma_semaphore, #tpu.memory_space<semaphore_mem>>, %arg25: memref<!tpu.dma_semaphore, #tpu.memory_space<semaphore_mem>>, %arg26: memref<!tpu.dma_semaphore, #tpu.memory_space<semaphore_mem>>, %arg27: memref<!tpu.dma_semaphore, #tpu.memory_space<semaphore_mem>>) attributes {dimension_semantics = [#tpu.dimension_semantics<core_parallel>, #tpu.dimension_semantics<subcore_parallel>], iteration_bounds = array<i64: 2, 16>, scalar_prefetch = 0 : i64, scratch_operands = 21 : i64, tpu.core_type = #tpu.core_type<sc_vector_subcore>, window_params = [{transform_indices = #map}, {transform_indices = #map}, {transform_indices = #map1}, {transform_indices = #map1}, {transform_indices = #map}]} {
    %mul3A = arith.constant 25000 : i32
    %mul3A_0 = arith.muli %arg0, %mul3A : i32
    %broadcast_in_dim3A = arith.constant 0.000000e+00 : f32
    %broadcast_in_dim3A_1 = vector.broadcast %broadcast_in_dim3A : f32 to vector<16xf32>
    %scan3A = arith.constant 0 : i32
    %scan3A_2 = arith.constant 0 : i32
    %scan3A_3 = arith.constant 320 : i32
    %scan3A_4 = arith.addi %scan3A_2, %scan3A_3 : i32
    %scan3A_5 = arith.constant 1 : i32
    scf.for %scan3A_287 = %scan3A_2 to %scan3A_4 step %scan3A_5  : i32 {
      %jit3A = arith.constant 4 : i32
      %div3A = arith.divsi %scan3A_287, %jit3A : i32
      %sign3A = arith.constant 0 : i32
      %sign3A_288 = arith.cmpi sgt, %scan3A_287, %sign3A : i32
      %sign3A_289 = arith.extui %sign3A_288 : i1 to i32
      %sign3A_290 = arith.constant 0 : i32
      %sign3A_291 = arith.cmpi slt, %scan3A_287, %sign3A_290 : i32
      %sign3A_292 = arith.extui %sign3A_291 : i1 to i32
      %sign3A_293 = arith.subi %sign3A_289, %sign3A_292 : i32
      %sign3A_294 = arith.constant 0 : i32
      %sign3A_295 = arith.cmpi sgt, %jit3A, %sign3A_294 : i32
      %sign3A_296 = arith.extui %sign3A_295 : i1 to i32
      %sign3A_297 = arith.constant 0 : i32
      %sign3A_298 = arith.cmpi slt, %jit3A, %sign3A_297 : i32
      %sign3A_299 = arith.extui %sign3A_298 : i1 to i32
      %sign3A_300 = arith.subi %sign3A_296, %sign3A_299 : i32
      %ne3A = arith.cmpi ne, %sign3A_293, %sign3A_300 : i32
      %rem3A = arith.remsi %scan3A_287, %jit3A : i32
      %ne3A_301 = arith.constant 0 : i32
      %ne3A_302 = arith.cmpi ne, %rem3A, %ne3A_301 : i32
      %and3A = arith.andi %ne3A, %ne3A_302 : i1
      %sub3A = arith.constant 1 : i32
      %sub3A_303 = arith.subi %div3A, %sub3A : i32
      %select_n3A = arith.select %and3A, %sub3A_303, %div3A : i32
      %jit3A_304 = arith.constant 4 : i32
      %eq3A = arith.constant 0 : i32
      %eq3A_305 = arith.cmpi eq, %jit3A_304, %eq3A : i32
      %jit3A_306 = arith.constant 1 : i32
      %select_n3A_307 = arith.select %eq3A_305, %jit3A_306, %jit3A_304 : i32
      %rem3A_308 = arith.remsi %scan3A_287, %select_n3A_307 : i32
      %ne3A_309 = arith.constant 0 : i32
      %ne3A_310 = arith.cmpi ne, %rem3A_308, %ne3A_309 : i32
      %lt3A = arith.constant 0 : i32
      %lt3A_311 = arith.cmpi slt, %rem3A_308, %lt3A : i32
      %lt3A_312 = arith.constant 0 : i32
      %lt3A_313 = arith.cmpi slt, %select_n3A_307, %lt3A_312 : i32
      %ne3A_314 = arith.xori %lt3A_311, %lt3A_313 : i1
      %and3A_315 = arith.andi %ne3A_314, %ne3A_310 : i1
      %add3A_316 = arith.addi %rem3A_308, %select_n3A_307 : i32
      %select_n3A_317 = arith.select %and3A_315, %add3A_316, %rem3A_308 : i32
      %mul3A_318 = arith.constant 16 : i32
      %mul3A_319 = arith.muli %select_n3A_317, %mul3A_318 : i32
      %swap3A = arith.index_cast %select_n3A : i32 to index
      %swap3A_320 = arith.index_cast %mul3A_319 : i32 to index
      %swap3A_321 = tpu.vector_load %arg16[%swap3A, %swap3A_320] {strides = array<i32>} : memref<80x64xf32, #tpu.memory_space<vmem>>, vector<1x16xf32>,
      %swap3A_322 = vector.shape_cast %swap3A_321 : vector<1x16xf32> to vector<16xf32>
      %swap3A_323 = vector.shape_cast %broadcast_in_dim3A_1 : vector<16xf32> to vector<1x16xf32>
      tpu.vector_store %arg16[%swap3A, %swap3A_320], %swap3A_323 {strides = array<i32>} : memref<80x64xf32, #tpu.memory_space<vmem>>, vector<1x16xf32>,
    }
    %scan3A_6 = arith.constant 320 : i32
    %mul3A_7 = arith.constant 1600 : i32
    %mul3A_8 = arith.muli %arg1, %mul3A_7 : i32
    %scan3A_9 = arith.constant 0 : i32
    %scan3A_10 = arith.constant 0 : i32
    %scan3A_11 = arith.constant 20 : i32
    %scan3A_12 = arith.addi %scan3A_10, %scan3A_11 : i32
    %scan3A_13 = arith.constant 1 : i32
    scf.for %scan3A_287 = %scan3A_10 to %scan3A_12 step %scan3A_13  : i32 {
      %mul3A_288 = arith.constant 80 : i32
      %mul3A_289 = arith.muli %scan3A_287, %mul3A_288 : i32
      %add3A_290 = arith.addi %mul3A_8, %mul3A_289 : i32
      "tpu.region"() ({
        %run_scoped3A = tpu.sem_alloc : memref<!tpu.dma_semaphore, #tpu.memory_space<semaphore_mem>>
        %dma_start3A_291 = arith.constant 0 : i32
        %dma_start3A_292 = tpu.memref_slice %arg19[%add3A_290, %dma_start3A_291] : memref<25600x64xf32, #tpu.memory_space<vmem_shared>> -> memref<80x64xf32, #tpu.memory_space<vmem_shared>>
        %dma_start3A_293 = arith.constant 0 : i32
        %dma_start3A_294 = tpu.memref_slice %arg19[%add3A_290, %dma_start3A_293] : memref<25600x64xf32, #tpu.memory_space<vmem_shared>> -> memref<80x64xf32, #tpu.memory_space<vmem_shared>>
        tpu.enqueue_dma source(%arg16 : memref<80x64xf32, #tpu.memory_space<vmem>>) target(%dma_start3A_294 : memref<80x64xf32, #tpu.memory_space<vmem_shared>>) target_semaphore(%run_scoped3A : memref<!tpu.dma_semaphore, #tpu.memory_space<semaphore_mem>>)
        %dma_wait3A_295 = arith.constant 0 : i32
        %dma_wait3A_296 = tpu.memref_slice %arg19[%add3A_290, %dma_wait3A_295] : memref<25600x64xf32, #tpu.memory_space<vmem_shared>> -> memref<80x64xf32, #tpu.memory_space<vmem_shared>>
        %dma_wait3A_297 = arith.constant 0 : i32
        %dma_wait3A_298 = tpu.memref_slice %arg19[%add3A_290, %dma_wait3A_297] : memref<25600x64xf32, #tpu.memory_space<vmem_shared>> -> memref<80x64xf32, #tpu.memory_space<vmem_shared>>
        tpu.wait_dma2 semaphore(%run_scoped3A : memref<!tpu.dma_semaphore, #tpu.memory_space<semaphore_mem>>) src(%arg16 : memref<80x64xf32, #tpu.memory_space<vmem>>) dst(%dma_wait3A_298 : memref<80x64xf32, #tpu.memory_space<vmem_shared>>)
        tpu.yield
      }) : () -> ()
    }
    %scan3A_14 = arith.constant 20 : i32
    %barrier3A = arith.constant 0 : index
    tpu.barrier barrier_id(%barrier3A)
    %mul3A_15 = arith.constant 26000 : i32
    %mul3A_16 = arith.muli %arg1, %mul3A_15 : i32
    %add3A = arith.constant 384000 : i32
    %add3A_17 = arith.addi %add3A, %mul3A_16 : i32
    %add3A_18 = arith.constant 0 : i32
    %add3A_19 = arith.addi %add3A_17, %add3A_18 : i32
    %dma_start3A = tpu.memref_slice %arg4[%add3A_19] : memref<800000xi32, #tpu.memory_space<hbm>> -> memref<80xi32, #tpu.memory_space<hbm>>
    %dma_start3A_20 = tpu.memref_slice %arg4[%add3A_19] : memref<800000xi32, #tpu.memory_space<hbm>> -> memref<80xi32, #tpu.memory_space<hbm>>
    tpu.enqueue_dma source(%dma_start3A_20 : memref<80xi32, #tpu.memory_space<hbm>>) target(%arg7 : memref<80xi32, #tpu.memory_space<vmem>>) target_semaphore(%arg20 : memref<!tpu.dma_semaphore, #tpu.memory_space<semaphore_mem>>)
    %dma_start3A_21 = tpu.memref_slice %arg5[%add3A_19] : memref<800000xi32, #tpu.memory_space<hbm>> -> memref<80xi32, #tpu.memory_space<hbm>>
    %dma_start3A_22 = tpu.memref_slice %arg5[%add3A_19] : memref<800000xi32, #tpu.memory_space<hbm>> -> memref<80xi32, #tpu.memory_space<hbm>>
    tpu.enqueue_dma source(%dma_start3A_22 : memref<80xi32, #tpu.memory_space<hbm>>) target(%arg9 : memref<80xi32, #tpu.memory_space<vmem>>) target_semaphore(%arg20 : memref<!tpu.dma_semaphore, #tpu.memory_space<semaphore_mem>>)
    %add3A_23 = arith.constant 384000 : i32
    %add3A_24 = arith.addi %add3A_23, %mul3A_16 : i32
    %add3A_25 = arith.constant 80 : i32
    %add3A_26 = arith.addi %add3A_24, %add3A_25 : i32
    %dma_start3A_27 = tpu.memref_slice %arg4[%add3A_26] : memref<800000xi32, #tpu.memory_space<hbm>> -> memref<80xi32, #tpu.memory_space<hbm>>
    %dma_start3A_28 = tpu.memref_slice %arg4[%add3A_26] : memref<800000xi32, #tpu.memory_space<hbm>> -> memref<80xi32, #tpu.memory_space<hbm>>
    tpu.enqueue_dma source(%dma_start3A_28 : memref<80xi32, #tpu.memory_space<hbm>>) target(%arg8 : memref<80xi32, #tpu.memory_space<vmem>>) target_semaphore(%arg21 : memref<!tpu.dma_semaphore, #tpu.memory_space<semaphore_mem>>)
    %dma_start3A_29 = tpu.memref_slice %arg5[%add3A_26] : memref<800000xi32, #tpu.memory_space<hbm>> -> memref<80xi32, #tpu.memory_space<hbm>>
    %dma_start3A_30 = tpu.memref_slice %arg5[%add3A_26] : memref<800000xi32, #tpu.memory_space<hbm>> -> memref<80xi32, #tpu.memory_space<hbm>>
    tpu.enqueue_dma source(%dma_start3A_30 : memref<80xi32, #tpu.memory_space<hbm>>) target(%arg10 : memref<80xi32, #tpu.memory_space<vmem>>) target_semaphore(%arg21 : memref<!tpu.dma_semaphore, #tpu.memory_space<semaphore_mem>>)
    %dma_wait3A = arith.constant 0 : i32
    %dma_wait3A_31 = tpu.memref_slice %arg4[%dma_wait3A] : memref<800000xi32, #tpu.memory_space<hbm>> -> memref<80xi32, #tpu.memory_space<hbm>>
    %dma_wait3A_32 = arith.constant 0 : i32
    %dma_wait3A_33 = tpu.memref_slice %arg4[%dma_wait3A_32] : memref<800000xi32, #tpu.memory_space<hbm>> -> memref<80xi32, #tpu.memory_space<hbm>>
    tpu.wait_dma2 semaphore(%arg20 : memref<!tpu.dma_semaphore, #tpu.memory_space<semaphore_mem>>) src(%dma_wait3A_33 : memref<80xi32, #tpu.memory_space<hbm>>) dst(%arg7 : memref<80xi32, #tpu.memory_space<vmem>>)
    %dma_wait3A_34 = arith.constant 0 : i32
    %dma_wait3A_35 = tpu.memref_slice %arg5[%dma_wait3A_34] : memref<800000xi32, #tpu.memory_space<hbm>> -> memref<80xi32, #tpu.memory_space<hbm>>
    %dma_wait3A_36 = arith.constant 0 : i32
    %dma_wait3A_37 = tpu.memref_slice %arg5[%dma_wait3A_36] : memref<800000xi32, #tpu.memory_space<hbm>> -> memref<80xi32, #tpu.memory_space<hbm>>
    tpu.wait_dma2 semaphore(%arg20 : memref<!tpu.dma_semaphore, #tpu.memory_space<semaphore_mem>>) src(%dma_wait3A_37 : memref<80xi32, #tpu.memory_space<hbm>>) dst(%arg9 : memref<80xi32, #tpu.memory_space<vmem>>)
    %add3A_38 = arith.constant 0 : i32
    %add3A_39 = arith.addi %mul3A_16, %add3A_38 : i32
    %dma_start3A_40 = arith.constant 0 : i32
    %dma_start3A_41 = arith.constant 0 : i32
    %dma_start3A_42 = tpu.memref_slice %arg2[%dma_start3A_40, %dma_start3A_41] : memref<50000x32xf32, #tpu.memory_space<hbm>> -> memref<50000x32xf32, #tpu.memory_space<hbm>>
    tpu.enqueue_indirect_dma source(%dma_start3A_42 : memref<50000x32xf32, #tpu.memory_space<hbm>>) target(%arg13 : memref<80x32xf32, #tpu.memory_space<vmem>>) offsets(%arg7 : memref<80xi32, #tpu.memory_space<vmem>>) semaphore(%arg22 : memref<!tpu.dma_semaphore, #tpu.memory_space<semaphore_mem>>)
    %dma_start3A_43 = arith.constant 0 : i32
    %dma_start3A_44 = tpu.memref_slice %arg3[%add3A_39, %dma_start3A_43] : memref<416000x64xf32, #tpu.memory_space<hbm>> -> memref<80x64xf32, #tpu.memory_space<hbm>>
    %dma_start3A_45 = arith.constant 0 : i32
    %dma_start3A_46 = tpu.memref_slice %arg3[%add3A_39, %dma_start3A_45] : memref<416000x64xf32, #tpu.memory_space<hbm>> -> memref<80x64xf32, #tpu.memory_space<hbm>>
    tpu.enqueue_dma source(%dma_start3A_46 : memref<80x64xf32, #tpu.memory_space<hbm>>) target(%arg15 : memref<80x64xf32, #tpu.memory_space<vmem>>) target_semaphore(%arg24 : memref<!tpu.dma_semaphore, #tpu.memory_space<semaphore_mem>>)
    %dma_wait3A_47 = arith.constant 0 : i32
    %dma_wait3A_48 = tpu.memref_slice %arg4[%dma_wait3A_47] : memref<800000xi32, #tpu.memory_space<hbm>> -> memref<80xi32, #tpu.memory_space<hbm>>
    %dma_wait3A_49 = arith.constant 0 : i32
    %dma_wait3A_50 = tpu.memref_slice %arg4[%dma_wait3A_49] : memref<800000xi32, #tpu.memory_space<hbm>> -> memref<80xi32, #tpu.memory_space<hbm>>
    tpu.wait_dma2 semaphore(%arg21 : memref<!tpu.dma_semaphore, #tpu.memory_space<semaphore_mem>>) src(%dma_wait3A_50 : memref<80xi32, #tpu.memory_space<hbm>>) dst(%arg8 : memref<80xi32, #tpu.memory_space<vmem>>)
    %dma_wait3A_51 = arith.constant 0 : i32
    %dma_wait3A_52 = tpu.memref_slice %arg5[%dma_wait3A_51] : memref<800000xi32, #tpu.memory_space<hbm>> -> memref<80xi32, #tpu.memory_space<hbm>>
    %dma_wait3A_53 = arith.constant 0 : i32
    %dma_wait3A_54 = tpu.memref_slice %arg5[%dma_wait3A_53] : memref<800000xi32, #tpu.memory_space<hbm>> -> memref<80xi32, #tpu.memory_space<hbm>>
    tpu.wait_dma2 semaphore(%arg21 : memref<!tpu.dma_semaphore, #tpu.memory_space<semaphore_mem>>) src(%dma_wait3A_54 : memref<80xi32, #tpu.memory_space<hbm>>) dst(%arg10 : memref<80xi32, #tpu.memory_space<vmem>>)
    %add3A_55 = arith.constant 80 : i32
    %add3A_56 = arith.addi %mul3A_16, %add3A_55 : i32
    %dma_start3A_57 = arith.constant 0 : i32
    %dma_start3A_58 = arith.constant 0 : i32
    %dma_start3A_59 = tpu.memref_slice %arg2[%dma_start3A_57, %dma_start3A_58] : memref<50000x32xf32, #tpu.memory_space<hbm>> -> memref<50000x32xf32, #tpu.memory_space<hbm>>
    tpu.enqueue_indirect_dma source(%dma_start3A_59 : memref<50000x32xf32, #tpu.memory_space<hbm>>) target(%arg14 : memref<80x32xf32, #tpu.memory_space<vmem>>) offsets(%arg8 : memref<80xi32, #tpu.memory_space<vmem>>) semaphore(%arg23 : memref<!tpu.dma_semaphore, #tpu.memory_space<semaphore_mem>>)
    %dma_start3A_60 = arith.constant 0 : i32
    %dma_start3A_61 = tpu.memref_slice %arg3[%add3A_56, %dma_start3A_60] : memref<416000x64xf32, #tpu.memory_space<hbm>> -> memref<80x64xf32, #tpu.memory_space<hbm>>
    %dma_start3A_62 = arith.constant 0 : i32
    %dma_start3A_63 = tpu.memref_slice %arg3[%add3A_56, %dma_start3A_62] : memref<416000x64xf32, #tpu.memory_space<hbm>> -> memref<80x64xf32, #tpu.memory_space<hbm>>
    tpu.enqueue_dma source(%dma_start3A_63 : memref<80x64xf32, #tpu.memory_space<hbm>>) target(%arg17 : memref<80x64xf32, #tpu.memory_space<vmem>>) target_semaphore(%arg25 : memref<!tpu.dma_semaphore, #tpu.memory_space<semaphore_mem>>)
    %dma_wait3A_64 = arith.constant 0 : i32
    %dma_wait3A_65 = arith.constant 0 : i32
    %dma_wait3A_66 = tpu.memref_slice %arg2[%dma_wait3A_64, %dma_wait3A_65] : memref<50000x32xf32, #tpu.memory_space<hbm>> -> memref<50000x32xf32, #tpu.memory_space<hbm>>
    tpu.wait_indirect_dma semaphore(%arg22 : memref<!tpu.dma_semaphore, #tpu.memory_space<semaphore_mem>>) src(%dma_wait3A_66 : memref<50000x32xf32, #tpu.memory_space<hbm>>) dst(%arg13 : memref<80x32xf32, #tpu.memory_space<vmem>>)
    %dma_wait3A_67 = arith.constant 0 : i32
    %dma_wait3A_68 = arith.constant 0 : i32
    %dma_wait3A_69 = tpu.memref_slice %arg3[%dma_wait3A_67, %dma_wait3A_68] : memref<416000x64xf32, #tpu.memory_space<hbm>> -> memref<80x64xf32, #tpu.memory_space<hbm>>
    %dma_wait3A_70 = arith.constant 0 : i32
    %dma_wait3A_71 = arith.constant 0 : i32
    %dma_wait3A_72 = tpu.memref_slice %arg3[%dma_wait3A_70, %dma_wait3A_71] : memref<416000x64xf32, #tpu.memory_space<hbm>> -> memref<80x64xf32, #tpu.memory_space<hbm>>
    tpu.wait_dma2 semaphore(%arg24 : memref<!tpu.dma_semaphore, #tpu.memory_space<semaphore_mem>>) src(%dma_wait3A_72 : memref<80x64xf32, #tpu.memory_space<hbm>>) dst(%arg15 : memref<80x64xf32, #tpu.memory_space<vmem>>)
    %scan3A_73 = arith.constant 0 : i32
    %scan3A_74 = arith.constant 0 : i32
    %scan3A_75 = arith.constant 5 : i32
    %scan3A_76 = arith.addi %scan3A_74, %scan3A_75 : i32
    %scan3A_77 = arith.constant 1 : i32
    scf.for %scan3A_287 = %scan3A_74 to %scan3A_76 step %scan3A_77  : i32 {
      %mul3A_288 = arith.constant 16 : i32
      %mul3A_289 = arith.muli %scan3A_287, %mul3A_288 : i32
      %get3A = arith.index_cast %mul3A_289 : i32 to index
      %get3A_290 = tpu.vector_load %arg9[%get3A] {strides = array<i32>} : memref<80xi32, #tpu.memory_space<vmem>>, vector<16xi32>,
      %get3A_291 = vector.shape_cast %get3A_290 : vector<16xi32> to vector<16xi32>
      %sub3A = vector.broadcast %mul3A_0 : i32 to vector<16xi32>
      %sub3A_292 = arith.subi %get3A_291, %sub3A : vector<16xi32>
      %ge3A = arith.constant 0 : i32
      %ge3A_293 = vector.broadcast %ge3A : i32 to vector<16xi32>
      %ge3A_294 = arith.cmpi sge, %sub3A_292, %ge3A_293 : vector<16xi32>
      %lt3A = arith.constant 25000 : i32
      %lt3A_295 = vector.broadcast %lt3A : i32 to vector<16xi32>
      %lt3A_296 = arith.cmpi slt, %sub3A_292, %lt3A_295 : vector<16xi32>
      %and3A = arith.andi %ge3A_294, %lt3A_296 : vector<16xi1>
      %jit3A = arith.constant 25000 : i32
      %broadcast_in_dim3A_297 = vector.broadcast %jit3A : i32 to vector<16xi32>
      %select_n3A = arith.select %and3A, %sub3A_292, %broadcast_in_dim3A_297 : vector<16xi1>, vector<16xi32>
      %mul3A_298 = arith.constant 16 : i32
      %mul3A_299 = arith.muli %scan3A_287, %mul3A_298 : i32
      %swap3A = arith.index_cast %mul3A_299 : i32 to index
      %swap3A_300 = tpu.vector_load %arg11[%swap3A] {strides = array<i32>} : memref<80xi32, #tpu.memory_space<vmem>>, vector<16xi32>,
      %swap3A_301 = vector.shape_cast %swap3A_300 : vector<16xi32> to vector<16xi32>
      %swap3A_302 = vector.shape_cast %select_n3A : vector<16xi32> to vector<16xi32>
      tpu.vector_store %arg11[%swap3A], %swap3A_302 {strides = array<i32>} : memref<80xi32, #tpu.memory_space<vmem>>, vector<16xi32>,
    }
    %scan3A_78 = arith.constant 5 : i32
    %add3A_79 = arith.constant 384000 : i32
    %add3A_80 = arith.addi %add3A_79, %mul3A_16 : i32
    %add3A_81 = arith.constant 160 : i32
    %add3A_82 = arith.addi %add3A_80, %add3A_81 : i32
    %dma_start3A_83 = tpu.memref_slice %arg4[%add3A_82] : memref<800000xi32, #tpu.memory_space<hbm>> -> memref<80xi32, #tpu.memory_space<hbm>>
    %dma_start3A_84 = tpu.memref_slice %arg4[%add3A_82] : memref<800000xi32, #tpu.memory_space<hbm>> -> memref<80xi32, #tpu.memory_space<hbm>>
    tpu.enqueue_dma source(%dma_start3A_84 : memref<80xi32, #tpu.memory_space<hbm>>) target(%arg7 : memref<80xi32, #tpu.memory_space<vmem>>) target_semaphore(%arg20 : memref<!tpu.dma_semaphore, #tpu.memory_space<semaphore_mem>>)
    %dma_start3A_85 = tpu.memref_slice %arg5[%add3A_82] : memref<800000xi32, #tpu.memory_space<hbm>> -> memref<80xi32, #tpu.memory_space<hbm>>
    %dma_start3A_86 = tpu.memref_slice %arg5[%add3A_82] : memref<800000xi32, #tpu.memory_space<hbm>> -> memref<80xi32, #tpu.memory_space<hbm>>
    tpu.enqueue_dma source(%dma_start3A_86 : memref<80xi32, #tpu.memory_space<hbm>>) target(%arg9 : memref<80xi32, #tpu.memory_space<vmem>>) target_semaphore(%arg20 : memref<!tpu.dma_semaphore, #tpu.memory_space<semaphore_mem>>)
    %scan3A_87 = arith.constant 0 : i32
    %scan3A_88 = arith.constant 0 : i32
    %scan3A_89 = arith.constant 80 : i32
    %scan3A_90 = arith.addi %scan3A_88, %scan3A_89 : i32
    %scan3A_91 = arith.constant 1 : i32
    scf.for %scan3A_287 = %scan3A_88 to %scan3A_90 step %scan3A_91  : i32 {
      %get3A = arith.index_cast %scan3A_287 : i32 to index
      %get3A_288 = arith.constant 0 : index
      %get3A_289 = tpu.vector_load %arg13[%get3A, %get3A_288] {strides = array<i32>} : memref<80x32xf32, #tpu.memory_space<vmem>>, vector<1x16xf32>,
      %get3A_290 = vector.shape_cast %get3A_289 : vector<1x16xf32> to vector<16xf32>
      %get3A_291 = arith.index_cast %scan3A_287 : i32 to index
      %get3A_292 = arith.constant 16 : index
      %get3A_293 = tpu.vector_load %arg13[%get3A_291, %get3A_292] {strides = array<i32>} : memref<80x32xf32, #tpu.memory_space<vmem>>, vector<1x16xf32>,
      %get3A_294 = vector.shape_cast %get3A_293 : vector<1x16xf32> to vector<16xf32>
      %get3A_295 = arith.index_cast %scan3A_287 : i32 to index
      %get3A_296 = arith.constant 0 : index
      %get3A_297 = tpu.vector_load %arg15[%get3A_295, %get3A_296] {strides = array<i32>} : memref<80x64xf32, #tpu.memory_space<vmem>>, vector<1x16xf32>,
      %get3A_298 = vector.shape_cast %get3A_297 : vector<1x16xf32> to vector<16xf32>
      %mul3A_299 = arith.mulf %get3A_290, %get3A_298 : vector<16xf32>
      %swap3A = arith.index_cast %scan3A_287 : i32 to index
      %swap3A_300 = arith.constant 0 : index
      %swap3A_301 = tpu.vector_load %arg16[%swap3A, %swap3A_300] {strides = array<i32>} : memref<80x64xf32, #tpu.memory_space<vmem>>, vector<1x16xf32>,
      %swap3A_302 = vector.shape_cast %swap3A_301 : vector<1x16xf32> to vector<16xf32>
      %swap3A_303 = vector.shape_cast %mul3A_299 : vector<16xf32> to vector<1x16xf32>
      tpu.vector_store %arg16[%swap3A, %swap3A_300], %swap3A_303 {strides = array<i32>} : memref<80x64xf32, #tpu.memory_space<vmem>>, vector<1x16xf32>,
      %get3A_304 = arith.index_cast %scan3A_287 : i32 to index
      %get3A_305 = arith.constant 16 : index
      %get3A_306 = tpu.vector_load %arg15[%get3A_304, %get3A_305] {strides = array<i32>} : memref<80x64xf32, #tpu.memory_space<vmem>>, vector<1x16xf32>,
      %get3A_307 = vector.shape_cast %get3A_306 : vector<1x16xf32> to vector<16xf32>
      %mul3A_308 = arith.mulf %get3A_294, %get3A_307 : vector<16xf32>
      %swap3A_309 = arith.index_cast %scan3A_287 : i32 to index
      %swap3A_310 = arith.constant 16 : index
      %swap3A_311 = tpu.vector_load %arg16[%swap3A_309, %swap3A_310] {strides = array<i32>} : memref<80x64xf32, #tpu.memory_space<vmem>>, vector<1x16xf32>,
      %swap3A_312 = vector.shape_cast %swap3A_311 : vector<1x16xf32> to vector<16xf32>
      %swap3A_313 = vector.shape_cast %mul3A_308 : vector<16xf32> to vector<1x16xf32>
      tpu.vector_store %arg16[%swap3A_309, %swap3A_310], %swap3A_313 {strides = array<i32>} : memref<80x64xf32, #tpu.memory_space<vmem>>, vector<1x16xf32>,
      %get3A_314 = arith.index_cast %scan3A_287 : i32 to index
      %get3A_315 = arith.constant 32 : index
      %get3A_316 = tpu.vector_load %arg15[%get3A_314, %get3A_315] {strides = array<i32>} : memref<80x64xf32, #tpu.memory_space<vmem>>, vector<1x16xf32>,
      %get3A_317 = vector.shape_cast %get3A_316 : vector<1x16xf32> to vector<16xf32>
      %mul3A_318 = arith.mulf %get3A_290, %get3A_317 : vector<16xf32>
      %swap3A_319 = arith.index_cast %scan3A_287 : i32 to index
      %swap3A_320 = arith.constant 32 : index
      %swap3A_321 = tpu.vector_load %arg16[%swap3A_319, %swap3A_320] {strides = array<i32>} : memref<80x64xf32, #tpu.memory_space<vmem>>, vector<1x16xf32>,
      %swap3A_322 = vector.shape_cast %swap3A_321 : vector<1x16xf32> to vector<16xf32>
      %swap3A_323 = vector.shape_cast %mul3A_318 : vector<16xf32> to vector<1x16xf32>
      tpu.vector_store %arg16[%swap3A_319, %swap3A_320], %swap3A_323 {strides = array<i32>} : memref<80x64xf32, #tpu.memory_space<vmem>>, vector<1x16xf32>,
      %get3A_324 = arith.index_cast %scan3A_287 : i32 to index
      %get3A_325 = arith.constant 48 : index
      %get3A_326 = tpu.vector_load %arg15[%get3A_324, %get3A_325] {strides = array<i32>} : memref<80x64xf32, #tpu.memory_space<vmem>>, vector<1x16xf32>,
      %get3A_327 = vector.shape_cast %get3A_326 : vector<1x16xf32> to vector<16xf32>
      %mul3A_328 = arith.mulf %get3A_294, %get3A_327 : vector<16xf32>
      %swap3A_329 = arith.index_cast %scan3A_287 : i32 to index
      %swap3A_330 = arith.constant 48 : index
      %swap3A_331 = tpu.vector_load %arg16[%swap3A_329, %swap3A_330] {strides = array<i32>} : memref<80x64xf32, #tpu.memory_space<vmem>>, vector<1x16xf32>,
      %swap3A_332 = vector.shape_cast %swap3A_331 : vector<1x16xf32> to vector<16xf32>
      %swap3A_333 = vector.shape_cast %mul3A_328 : vector<16xf32> to vector<1x16xf32>
      tpu.vector_store %arg16[%swap3A_329, %swap3A_330], %swap3A_333 {strides = array<i32>} : memref<80x64xf32, #tpu.memory_space<vmem>>, vector<1x16xf32>,
    }
    %scan3A_92 = arith.constant 80 : i32
    %dma_start3A_93 = arith.constant 0 : i32
    %dma_start3A_94 = arith.constant 0 : i32
    %dma_start3A_95 = tpu.memref_slice %arg19[%dma_start3A_93, %dma_start3A_94] : memref<25600x64xf32, #tpu.memory_space<vmem_shared>> -> memref<25600x64xf32, #tpu.memory_space<vmem_shared>>
    tpu.enqueue_indirect_dma source(%arg16 : memref<80x64xf32, #tpu.memory_space<vmem>>) target(%dma_start3A_95 : memref<25600x64xf32, #tpu.memory_space<vmem_shared>>) offsets(%arg11 : memref<80xi32, #tpu.memory_space<vmem>>) semaphore(%arg26 : memref<!tpu.dma_semaphore, #tpu.memory_space<semaphore_mem>>) {add = true}
    %dma_wait3A_96 = arith.constant 0 : i32
    %dma_wait3A_97 = tpu.memref_slice %arg4[%dma_wait3A_96] : memref<800000xi32, #tpu.memory_space<hbm>> -> memref<80xi32, #tpu.memory_space<hbm>>
    %dma_wait3A_98 = arith.constant 0 : i32
    %dma_wait3A_99 = tpu.memref_slice %arg4[%dma_wait3A_98] : memref<800000xi32, #tpu.memory_space<hbm>> -> memref<80xi32, #tpu.memory_space<hbm>>
    tpu.wait_dma2 semaphore(%arg20 : memref<!tpu.dma_semaphore, #tpu.memory_space<semaphore_mem>>) src(%dma_wait3A_99 : memref<80xi32, #tpu.memory_space<hbm>>) dst(%arg7 : memref<80xi32, #tpu.memory_space<vmem>>)
    %dma_wait3A_100 = arith.constant 0 : i32
    %dma_wait3A_101 = tpu.memref_slice %arg5[%dma_wait3A_100] : memref<800000xi32, #tpu.memory_space<hbm>> -> memref<80xi32, #tpu.memory_space<hbm>>
    %dma_wait3A_102 = arith.constant 0 : i32
    %dma_wait3A_103 = tpu.memref_slice %arg5[%dma_wait3A_102] : memref<800000xi32, #tpu.memory_space<hbm>> -> memref<80xi32, #tpu.memory_space<hbm>>
    tpu.wait_dma2 semaphore(%arg20 : memref<!tpu.dma_semaphore, #tpu.memory_space<semaphore_mem>>) src(%dma_wait3A_103 : memref<80xi32, #tpu.memory_space<hbm>>) dst(%arg9 : memref<80xi32, #tpu.memory_space<vmem>>)
    %add3A_104 = arith.constant 160 : i32
    %add3A_105 = arith.addi %mul3A_16, %add3A_104 : i32
    %dma_start3A_106 = arith.constant 0 : i32
    %dma_start3A_107 = arith.constant 0 : i32
    %dma_start3A_108 = tpu.memref_slice %arg2[%dma_start3A_106, %dma_start3A_107] : memref<50000x32xf32, #tpu.memory_space<hbm>> -> memref<50000x32xf32, #tpu.memory_space<hbm>>
    tpu.enqueue_indirect_dma source(%dma_start3A_108 : memref<50000x32xf32, #tpu.memory_space<hbm>>) target(%arg13 : memref<80x32xf32, #tpu.memory_space<vmem>>) offsets(%arg7 : memref<80xi32, #tpu.memory_space<vmem>>) semaphore(%arg22 : memref<!tpu.dma_semaphore, #tpu.memory_space<semaphore_mem>>)
    %dma_start3A_109 = arith.constant 0 : i32
    %dma_start3A_110 = tpu.memref_slice %arg3[%add3A_105, %dma_start3A_109] : memref<416000x64xf32, #tpu.memory_space<hbm>> -> memref<80x64xf32, #tpu.memory_space<hbm>>
    %dma_start3A_111 = arith.constant 0 : i32
    %dma_start3A_112 = tpu.memref_slice %arg3[%add3A_105, %dma_start3A_111] : memref<416000x64xf32, #tpu.memory_space<hbm>> -> memref<80x64xf32, #tpu.memory_space<hbm>>
    tpu.enqueue_dma source(%dma_start3A_112 : memref<80x64xf32, #tpu.memory_space<hbm>>) target(%arg15 : memref<80x64xf32, #tpu.memory_space<vmem>>) target_semaphore(%arg24 : memref<!tpu.dma_semaphore, #tpu.memory_space<semaphore_mem>>)
    %dma_wait3A_113 = arith.constant 0 : i32
    %dma_wait3A_114 = arith.constant 0 : i32
    %dma_wait3A_115 = tpu.memref_slice %arg2[%dma_wait3A_113, %dma_wait3A_114] : memref<50000x32xf32, #tpu.memory_space<hbm>> -> memref<50000x32xf32, #tpu.memory_space<hbm>>
    tpu.wait_indirect_dma semaphore(%arg23 : memref<!tpu.dma_semaphore, #tpu.memory_space<semaphore_mem>>) src(%dma_wait3A_115 : memref<50000x32xf32, #tpu.memory_space<hbm>>) dst(%arg14 : memref<80x32xf32, #tpu.memory_space<vmem>>)
    %dma_wait3A_116 = arith.constant 0 : i32
    %dma_wait3A_117 = arith.constant 0 : i32
    %dma_wait3A_118 = tpu.memref_slice %arg3[%dma_wait3A_116, %dma_wait3A_117] : memref<416000x64xf32, #tpu.memory_space<hbm>> -> memref<80x64xf32, #tpu.memory_space<hbm>>
    %dma_wait3A_119 = arith.constant 0 : i32
    %dma_wait3A_120 = arith.constant 0 : i32
    %dma_wait3A_121 = tpu.memref_slice %arg3[%dma_wait3A_119, %dma_wait3A_120] : memref<416000x64xf32, #tpu.memory_space<hbm>> -> memref<80x64xf32, #tpu.memory_space<hbm>>
    tpu.wait_dma2 semaphore(%arg25 : memref<!tpu.dma_semaphore, #tpu.memory_space<semaphore_mem>>) src(%dma_wait3A_121 : memref<80x64xf32, #tpu.memory_space<hbm>>) dst(%arg17 : memref<80x64xf32, #tpu.memory_space<vmem>>)
    %scan3A_122 = arith.constant 0 : i32
    %scan3A_123 = arith.constant 0 : i32
    %scan3A_124 = arith.constant 5 : i32
    %scan3A_125 = arith.addi %scan3A_123, %scan3A_124 : i32
    %scan3A_126 = arith.constant 1 : i32
    scf.for %scan3A_287 = %scan3A_123 to %scan3A_125 step %scan3A_126  : i32 {
      %mul3A_288 = arith.constant 16 : i32
      %mul3A_289 = arith.muli %scan3A_287, %mul3A_288 : i32
      %get3A = arith.index_cast %mul3A_289 : i32 to index
      %get3A_290 = tpu.vector_load %arg10[%get3A] {strides = array<i32>} : memref<80xi32, #tpu.memory_space<vmem>>, vector<16xi32>,
      %get3A_291 = vector.shape_cast %get3A_290 : vector<16xi32> to vector<16xi32>
      %sub3A = vector.broadcast %mul3A_0 : i32 to vector<16xi32>
      %sub3A_292 = arith.subi %get3A_291, %sub3A : vector<16xi32>
      %ge3A = arith.constant 0 : i32
      %ge3A_293 = vector.broadcast %ge3A : i32 to vector<16xi32>
      %ge3A_294 = arith.cmpi sge, %sub3A_292, %ge3A_293 : vector<16xi32>
      %lt3A = arith.constant 25000 : i32
      %lt3A_295 = vector.broadcast %lt3A : i32 to vector<16xi32>
      %lt3A_296 = arith.cmpi slt, %sub3A_292, %lt3A_295 : vector<16xi32>
      %and3A = arith.andi %ge3A_294, %lt3A_296 : vector<16xi1>
      %jit3A = arith.constant 25000 : i32
      %broadcast_in_dim3A_297 = vector.broadcast %jit3A : i32 to vector<16xi32>
      %select_n3A = arith.select %and3A, %sub3A_292, %broadcast_in_dim3A_297 : vector<16xi1>, vector<16xi32>
      %mul3A_298 = arith.constant 16 : i32
      %mul3A_299 = arith.muli %scan3A_287, %mul3A_298 : i32
      %swap3A = arith.index_cast %mul3A_299 : i32 to index
      %swap3A_300 = tpu.vector_load %arg12[%swap3A] {strides = array<i32>} : memref<80xi32, #tpu.memory_space<vmem>>, vector<16xi32>,
      %swap3A_301 = vector.shape_cast %swap3A_300 : vector<16xi32> to vector<16xi32>
      %swap3A_302 = vector.shape_cast %select_n3A : vector<16xi32> to vector<16xi32>
      tpu.vector_store %arg12[%swap3A], %swap3A_302 {strides = array<i32>} : memref<80xi32, #tpu.memory_space<vmem>>, vector<16xi32>,
    }
    %scan3A_127 = arith.constant 5 : i32
    %add3A_128 = arith.constant 384000 : i32
    %add3A_129 = arith.addi %add3A_128, %mul3A_16 : i32
    %add3A_130 = arith.constant 240 : i32
    %add3A_131 = arith.addi %add3A_129, %add3A_130 : i32
    %dma_start3A_132 = tpu.memref_slice %arg4[%add3A_131] : memref<800000xi32, #tpu.memory_space<hbm>> -> memref<80xi32, #tpu.memory_space<hbm>>
    %dma_start3A_133 = tpu.memref_slice %arg4[%add3A_131] : memref<800000xi32, #tpu.memory_space<hbm>> -> memref<80xi32, #tpu.memory_space<hbm>>
    tpu.enqueue_dma source(%dma_start3A_133 : memref<80xi32, #tpu.memory_space<hbm>>) target(%arg8 : memref<80xi32, #tpu.memory_space<vmem>>) target_semaphore(%arg21 : memref<!tpu.dma_semaphore, #tpu.memory_space<semaphore_mem>>)
    %dma_start3A_134 = tpu.memref_slice %arg5[%add3A_131] : memref<800000xi32, #tpu.memory_space<hbm>> -> memref<80xi32, #tpu.memory_space<hbm>>
    %dma_start3A_135 = tpu.memref_slice %arg5[%add3A_131] : memref<800000xi32, #tpu.memory_space<hbm>> -> memref<80xi32, #tpu.memory_space<hbm>>
    tpu.enqueue_dma source(%dma_start3A_135 : memref<80xi32, #tpu.memory_space<hbm>>) target(%arg10 : memref<80xi32, #tpu.memory_space<vmem>>) target_semaphore(%arg21 : memref<!tpu.dma_semaphore, #tpu.memory_space<semaphore_mem>>)
    %scan3A_136 = arith.constant 0 : i32
    %scan3A_137 = arith.constant 0 : i32
    %scan3A_138 = arith.constant 80 : i32
    %scan3A_139 = arith.addi %scan3A_137, %scan3A_138 : i32
    %scan3A_140 = arith.constant 1 : i32
    scf.for %scan3A_287 = %scan3A_137 to %scan3A_139 step %scan3A_140  : i32 {
      %get3A = arith.index_cast %scan3A_287 : i32 to index
      %get3A_288 = arith.constant 0 : index
      %get3A_289 = tpu.vector_load %arg14[%get3A, %get3A_288] {strides = array<i32>} : memref<80x32xf32, #tpu.memory_space<vmem>>, vector<1x16xf32>,
      %get3A_290 = vector.shape_cast %get3A_289 : vector<1x16xf32> to vector<16xf32>
      %get3A_291 = arith.index_cast %scan3A_287 : i32 to index
      %get3A_292 = arith.constant 16 : index
      %get3A_293 = tpu.vector_load %arg14[%get3A_291, %get3A_292] {strides = array<i32>} : memref<80x32xf32, #tpu.memory_space<vmem>>, vector<1x16xf32>,
      %get3A_294 = vector.shape_cast %get3A_293 : vector<1x16xf32> to vector<16xf32>
      %get3A_295 = arith.index_cast %scan3A_287 : i32 to index
      %get3A_296 = arith.constant 0 : index
      %get3A_297 = tpu.vector_load %arg17[%get3A_295, %get3A_296] {strides = array<i32>} : memref<80x64xf32, #tpu.memory_space<vmem>>, vector<1x16xf32>,
      %get3A_298 = vector.shape_cast %get3A_297 : vector<1x16xf32> to vector<16xf32>
      %mul3A_299 = arith.mulf %get3A_290, %get3A_298 : vector<16xf32>
      %swap3A = arith.index_cast %scan3A_287 : i32 to index
      %swap3A_300 = arith.constant 0 : index
      %swap3A_301 = tpu.vector_load %arg18[%swap3A, %swap3A_300] {strides = array<i32>} : memref<80x64xf32, #tpu.memory_space<vmem>>, vector<1x16xf32>,
      %swap3A_302 = vector.shape_cast %swap3A_301 : vector<1x16xf32> to vector<16xf32>
      %swap3A_303 = vector.shape_cast %mul3A_299 : vector<16xf32> to vector<1x16xf32>
      tpu.vector_store %arg18[%swap3A, %swap3A_300], %swap3A_303 {strides = array<i32>} : memref<80x64xf32, #tpu.memory_space<vmem>>, vector<1x16xf32>,
      %get3A_304 = arith.index_cast %scan3A_287 : i32 to index
      %get3A_305 = arith.constant 16 : index
      %get3A_306 = tpu.vector_load %arg17[%get3A_304, %get3A_305] {strides = array<i32>} : memref<80x64xf32, #tpu.memory_space<vmem>>, vector<1x16xf32>,
      %get3A_307 = vector.shape_cast %get3A_306 : vector<1x16xf32> to vector<16xf32>
      %mul3A_308 = arith.mulf %get3A_294, %get3A_307 : vector<16xf32>
      %swap3A_309 = arith.index_cast %scan3A_287 : i32 to index
      %swap3A_310 = arith.constant 16 : index
      %swap3A_311 = tpu.vector_load %arg18[%swap3A_309, %swap3A_310] {strides = array<i32>} : memref<80x64xf32, #tpu.memory_space<vmem>>, vector<1x16xf32>,
      %swap3A_312 = vector.shape_cast %swap3A_311 : vector<1x16xf32> to vector<16xf32>
      %swap3A_313 = vector.shape_cast %mul3A_308 : vector<16xf32> to vector<1x16xf32>
      tpu.vector_store %arg18[%swap3A_309, %swap3A_310], %swap3A_313 {strides = array<i32>} : memref<80x64xf32, #tpu.memory_space<vmem>>, vector<1x16xf32>,
      %get3A_314 = arith.index_cast %scan3A_287 : i32 to index
      %get3A_315 = arith.constant 32 : index
      %get3A_316 = tpu.vector_load %arg17[%get3A_314, %get3A_315] {strides = array<i32>} : memref<80x64xf32, #tpu.memory_space<vmem>>, vector<1x16xf32>,
      %get3A_317 = vector.shape_cast %get3A_316 : vector<1x16xf32> to vector<16xf32>
      %mul3A_318 = arith.mulf %get3A_290, %get3A_317 : vector<16xf32>
      %swap3A_319 = arith.index_cast %scan3A_287 : i32 to index
      %swap3A_320 = arith.constant 32 : index
      %swap3A_321 = tpu.vector_load %arg18[%swap3A_319, %swap3A_320] {strides = array<i32>} : memref<80x64xf32, #tpu.memory_space<vmem>>, vector<1x16xf32>,
      %swap3A_322 = vector.shape_cast %swap3A_321 : vector<1x16xf32> to vector<16xf32>
      %swap3A_323 = vector.shape_cast %mul3A_318 : vector<16xf32> to vector<1x16xf32>
      tpu.vector_store %arg18[%swap3A_319, %swap3A_320], %swap3A_323 {strides = array<i32>} : memref<80x64xf32, #tpu.memory_space<vmem>>, vector<1x16xf32>,
      %get3A_324 = arith.index_cast %scan3A_287 : i32 to index
      %get3A_325 = arith.constant 48 : index
      %get3A_326 = tpu.vector_load %arg17[%get3A_324, %get3A_325] {strides = array<i32>} : memref<80x64xf32, #tpu.memory_space<vmem>>, vector<1x16xf32>,
      %get3A_327 = vector.shape_cast %get3A_326 : vector<1x16xf32> to vector<16xf32>
      %mul3A_328 = arith.mulf %get3A_294, %get3A_327 : vector<16xf32>
      %swap3A_329 = arith.index_cast %scan3A_287 : i32 to index
      %swap3A_330 = arith.constant 48 : index
      %swap3A_331 = tpu.vector_load %arg18[%swap3A_329, %swap3A_330] {strides = array<i32>} : memref<80x64xf32, #tpu.memory_space<vmem>>, vector<1x16xf32>,
      %swap3A_332 = vector.shape_cast %swap3A_331 : vector<1x16xf32> to vector<16xf32>
      %swap3A_333 = vector.shape_cast %mul3A_328 : vector<16xf32> to vector<1x16xf32>
      tpu.vector_store %arg18[%swap3A_329, %swap3A_330], %swap3A_333 {strides = array<i32>} : memref<80x64xf32, #tpu.memory_space<vmem>>, vector<1x16xf32>,
    }
    %scan3A_141 = arith.constant 80 : i32
    %dma_start3A_142 = arith.constant 0 : i32
    %dma_start3A_143 = arith.constant 0 : i32
    %dma_start3A_144 = tpu.memref_slice %arg19[%dma_start3A_142, %dma_start3A_143] : memref<25600x64xf32, #tpu.memory_space<vmem_shared>> -> memref<25600x64xf32, #tpu.memory_space<vmem_shared>>
    tpu.enqueue_indirect_dma source(%arg18 : memref<80x64xf32, #tpu.memory_space<vmem>>) target(%dma_start3A_144 : memref<25600x64xf32, #tpu.memory_space<vmem_shared>>) offsets(%arg12 : memref<80xi32, #tpu.memory_space<vmem>>) semaphore(%arg27 : memref<!tpu.dma_semaphore, #tpu.memory_space<semaphore_mem>>) {add = true}
    %dma_wait3A_145 = arith.constant 0 : i32
    %dma_wait3A_146 = tpu.memref_slice %arg4[%dma_wait3A_145] : memref<800000xi32, #tpu.memory_space<hbm>> -> memref<80xi32, #tpu.memory_space<hbm>>
    %dma_wait3A_147 = arith.constant 0 : i32
    %dma_wait3A_148 = tpu.memref_slice %arg4[%dma_wait3A_147] : memref<800000xi32, #tpu.memory_space<hbm>> -> memref<80xi32, #tpu.memory_space<hbm>>
    tpu.wait_dma2 semaphore(%arg21 : memref<!tpu.dma_semaphore, #tpu.memory_space<semaphore_mem>>) src(%dma_wait3A_148 : memref<80xi32, #tpu.memory_space<hbm>>) dst(%arg8 : memref<80xi32, #tpu.memory_space<vmem>>)
    %dma_wait3A_149 = arith.constant 0 : i32
    %dma_wait3A_150 = tpu.memref_slice %arg5[%dma_wait3A_149] : memref<800000xi32, #tpu.memory_space<hbm>> -> memref<80xi32, #tpu.memory_space<hbm>>
    %dma_wait3A_151 = arith.constant 0 : i32
    %dma_wait3A_152 = tpu.memref_slice %arg5[%dma_wait3A_151] : memref<800000xi32, #tpu.memory_space<hbm>> -> memref<80xi32, #tpu.memory_space<hbm>>
    tpu.wait_dma2 semaphore(%arg21 : memref<!tpu.dma_semaphore, #tpu.memory_space<semaphore_mem>>) src(%dma_wait3A_152 : memref<80xi32, #tpu.memory_space<hbm>>) dst(%arg10 : memref<80xi32, #tpu.memory_space<vmem>>)
    %add3A_153 = arith.constant 240 : i32
    %add3A_154 = arith.addi %mul3A_16, %add3A_153 : i32
    %dma_start3A_155 = arith.constant 0 : i32
    %dma_start3A_156 = arith.constant 0 : i32
    %dma_start3A_157 = tpu.memref_slice %arg2[%dma_start3A_155, %dma_start3A_156] : memref<50000x32xf32, #tpu.memory_space<hbm>> -> memref<50000x32xf32, #tpu.memory_space<hbm>>
    tpu.enqueue_indirect_dma source(%dma_start3A_157 : memref<50000x32xf32, #tpu.memory_space<hbm>>) target(%arg14 : memref<80x32xf32, #tpu.memory_space<vmem>>) offsets(%arg8 : memref<80xi32, #tpu.memory_space<vmem>>) semaphore(%arg23 : memref<!tpu.dma_semaphore, #tpu.memory_space<semaphore_mem>>)
    %dma_start3A_158 = arith.constant 0 : i32
    %dma_start3A_159 = tpu.memref_slice %arg3[%add3A_154, %dma_start3A_158] : memref<416000x64xf32, #tpu.memory_space<hbm>> -> memref<80x64xf32, #tpu.memory_space<hbm>>
    %dma_start3A_160 = arith.constant 0 : i32
    %dma_start3A_161 = tpu.memref_slice %arg3[%add3A_154, %dma_start3A_160] : memref<416000x64xf32, #tpu.memory_space<hbm>> -> memref<80x64xf32, #tpu.memory_space<hbm>>
    tpu.enqueue_dma source(%dma_start3A_161 : memref<80x64xf32, #tpu.memory_space<hbm>>) target(%arg17 : memref<80x64xf32, #tpu.memory_space<vmem>>) target_semaphore(%arg25 : memref<!tpu.dma_semaphore, #tpu.memory_space<semaphore_mem>>)
    %scan3A_162 = arith.constant 0 : i32
    %scan3A_163 = arith.constant 0 : i32
    %scan3A_164 = arith.constant 160 : i32
    %scan3A_165 = arith.addi %scan3A_163, %scan3A_164 : i32
    %scan3A_166 = arith.constant 1 : i32
    scf.for %scan3A_287 = %scan3A_163 to %scan3A_165 step %scan3A_166  : i32 {
      %mul3A_288 = arith.constant 2 : i32
      %mul3A_289 = arith.muli %mul3A_288, %scan3A_287 : i32
      %add3A_290 = arith.constant 2 : i32
      %add3A_291 = arith.addi %add3A_290, %mul3A_289 : i32
      %dma_wait3A_292 = arith.constant 0 : i32
      %dma_wait3A_293 = arith.constant 0 : i32
      %dma_wait3A_294 = tpu.memref_slice %arg2[%dma_wait3A_292, %dma_wait3A_293] : memref<50000x32xf32, #tpu.memory_space<hbm>> -> memref<50000x32xf32, #tpu.memory_space<hbm>>
      tpu.wait_indirect_dma semaphore(%arg22 : memref<!tpu.dma_semaphore, #tpu.memory_space<semaphore_mem>>) src(%dma_wait3A_294 : memref<50000x32xf32, #tpu.memory_space<hbm>>) dst(%arg13 : memref<80x32xf32, #tpu.memory_space<vmem>>)
      %dma_wait3A_295 = arith.constant 0 : i32
      %dma_wait3A_296 = arith.constant 0 : i32
      %dma_wait3A_297 = tpu.memref_slice %arg3[%dma_wait3A_295, %dma_wait3A_296] : memref<416000x64xf32, #tpu.memory_space<hbm>> -> memref<80x64xf32, #tpu.memory_space<hbm>>
      %dma_wait3A_298 = arith.constant 0 : i32
      %dma_wait3A_299 = arith.constant 0 : i32
      %dma_wait3A_300 = tpu.memref_slice %arg3[%dma_wait3A_298, %dma_wait3A_299] : memref<416000x64xf32, #tpu.memory_space<hbm>> -> memref<80x64xf32, #tpu.memory_space<hbm>>
      tpu.wait_dma2 semaphore(%arg24 : memref<!tpu.dma_semaphore, #tpu.memory_space<semaphore_mem>>) src(%dma_wait3A_300 : memref<80x64xf32, #tpu.memory_space<hbm>>) dst(%arg15 : memref<80x64xf32, #tpu.memory_space<vmem>>)
      %dma_wait3A_301 = arith.constant 0 : i32
      %dma_wait3A_302 = arith.constant 0 : i32
      %dma_wait3A_303 = tpu.memref_slice %arg19[%dma_wait3A_301, %dma_wait3A_302] : memref<25600x64xf32, #tpu.memory_space<vmem_shared>> -> memref<25600x64xf32, #tpu.memory_space<vmem_shared>>
      tpu.wait_indirect_dma semaphore(%arg26 : memref<!tpu.dma_semaphore, #tpu.memory_space<semaphore_mem>>) src(%arg16 : memref<80x64xf32, #tpu.memory_space<vmem>>) dst(%dma_wait3A_303 : memref<25600x64xf32, #tpu.memory_space<vmem_shared>>)
      %scan3A_304 = arith.constant 0 : i32
      %scan3A_305 = arith.constant 0 : i32
      %scan3A_306 = arith.constant 5 : i32
      %scan3A_307 = arith.addi %scan3A_305, %scan3A_306 : i32
      %scan3A_308 = arith.constant 1 : i32
      scf.for %scan3A_410 = %scan3A_305 to %scan3A_307 step %scan3A_308  : i32 {
        %mul3A_411 = arith.constant 16 : i32
        %mul3A_412 = arith.muli %scan3A_410, %mul3A_411 : i32
        %get3A = arith.index_cast %mul3A_412 : i32 to index
        %get3A_413 = tpu.vector_load %arg9[%get3A] {strides = array<i32>} : memref<80xi32, #tpu.memory_space<vmem>>, vector<16xi32>,
        %get3A_414 = vector.shape_cast %get3A_413 : vector<16xi32> to vector<16xi32>
        %sub3A = vector.broadcast %mul3A_0 : i32 to vector<16xi32>
        %sub3A_415 = arith.subi %get3A_414, %sub3A : vector<16xi32>
        %ge3A = arith.constant 0 : i32
        %ge3A_416 = vector.broadcast %ge3A : i32 to vector<16xi32>
        %ge3A_417 = arith.cmpi sge, %sub3A_415, %ge3A_416 : vector<16xi32>
        %lt3A = arith.constant 25000 : i32
        %lt3A_418 = vector.broadcast %lt3A : i32 to vector<16xi32>
        %lt3A_419 = arith.cmpi slt, %sub3A_415, %lt3A_418 : vector<16xi32>
        %and3A = arith.andi %ge3A_417, %lt3A_419 : vector<16xi1>
        %jit3A = arith.constant 25000 : i32
        %broadcast_in_dim3A_420 = vector.broadcast %jit3A : i32 to vector<16xi32>
        %select_n3A = arith.select %and3A, %sub3A_415, %broadcast_in_dim3A_420 : vector<16xi1>, vector<16xi32>
        %mul3A_421 = arith.constant 16 : i32
        %mul3A_422 = arith.muli %scan3A_410, %mul3A_421 : i32
        %swap3A = arith.index_cast %mul3A_422 : i32 to index
        %swap3A_423 = tpu.vector_load %arg11[%swap3A] {strides = array<i32>} : memref<80xi32, #tpu.memory_space<vmem>>, vector<16xi32>,
        %swap3A_424 = vector.shape_cast %swap3A_423 : vector<16xi32> to vector<16xi32>
        %swap3A_425 = vector.shape_cast %select_n3A : vector<16xi32> to vector<16xi32>
        tpu.vector_store %arg11[%swap3A], %swap3A_425 {strides = array<i32>} : memref<80xi32, #tpu.memory_space<vmem>>, vector<16xi32>,
      }
      %scan3A_309 = arith.constant 5 : i32
      %add3A_310 = arith.constant 2 : i32
      %add3A_311 = arith.addi %add3A_291, %add3A_310 : i32
      %add3A_312 = arith.constant 384000 : i32
      %add3A_313 = arith.addi %add3A_312, %mul3A_16 : i32
      %mul3A_314 = arith.constant 80 : i32
      %mul3A_315 = arith.muli %add3A_311, %mul3A_314 : i32
      %add3A_316 = arith.addi %add3A_313, %mul3A_315 : i32
      %dma_start3A_317 = tpu.memref_slice %arg4[%add3A_316] : memref<800000xi32, #tpu.memory_space<hbm>> -> memref<80xi32, #tpu.memory_space<hbm>>
      %dma_start3A_318 = tpu.memref_slice %arg4[%add3A_316] : memref<800000xi32, #tpu.memory_space<hbm>> -> memref<80xi32, #tpu.memory_space<hbm>>
      tpu.enqueue_dma source(%dma_start3A_318 : memref<80xi32, #tpu.memory_space<hbm>>) target(%arg7 : memref<80xi32, #tpu.memory_space<vmem>>) target_semaphore(%arg20 : memref<!tpu.dma_semaphore, #tpu.memory_space<semaphore_mem>>)
      %dma_start3A_319 = tpu.memref_slice %arg5[%add3A_316] : memref<800000xi32, #tpu.memory_space<hbm>> -> memref<80xi32, #tpu.memory_space<hbm>>
      %dma_start3A_320 = tpu.memref_slice %arg5[%add3A_316] : memref<800000xi32, #tpu.memory_space<hbm>> -> memref<80xi32, #tpu.memory_space<hbm>>
      tpu.enqueue_dma source(%dma_start3A_320 : memref<80xi32, #tpu.memory_space<hbm>>) target(%arg9 : memref<80xi32, #tpu.memory_space<vmem>>) target_semaphore(%arg20 : memref<!tpu.dma_semaphore, #tpu.memory_space<semaphore_mem>>)
      %scan3A_321 = arith.constant 0 : i32
      %scan3A_322 = arith.constant 0 : i32
      %scan3A_323 = arith.constant 80 : i32
      %scan3A_324 = arith.addi %scan3A_322, %scan3A_323 : i32
      %scan3A_325 = arith.constant 1 : i32
      scf.for %scan3A_410 = %scan3A_322 to %scan3A_324 step %scan3A_325  : i32 {
        %get3A = arith.index_cast %scan3A_410 : i32 to index
        %get3A_411 = arith.constant 0 : index
        %get3A_412 = tpu.vector_load %arg13[%get3A, %get3A_411] {strides = array<i32>} : memref<80x32xf32, #tpu.memory_space<vmem>>, vector<1x16xf32>,
        %get3A_413 = vector.shape_cast %get3A_412 : vector<1x16xf32> to vector<16xf32>
        %get3A_414 = arith.index_cast %scan3A_410 : i32 to index
        %get3A_415 = arith.constant 16 : index
        %get3A_416 = tpu.vector_load %arg13[%get3A_414, %get3A_415] {strides = array<i32>} : memref<80x32xf32, #tpu.memory_space<vmem>>, vector<1x16xf32>,
        %get3A_417 = vector.shape_cast %get3A_416 : vector<1x16xf32> to vector<16xf32>
        %get3A_418 = arith.index_cast %scan3A_410 : i32 to index
        %get3A_419 = arith.constant 0 : index
        %get3A_420 = tpu.vector_load %arg15[%get3A_418, %get3A_419] {strides = array<i32>} : memref<80x64xf32, #tpu.memory_space<vmem>>, vector<1x16xf32>,
        %get3A_421 = vector.shape_cast %get3A_420 : vector<1x16xf32> to vector<16xf32>
        %mul3A_422 = arith.mulf %get3A_413, %get3A_421 : vector<16xf32>
        %swap3A = arith.index_cast %scan3A_410 : i32 to index
        %swap3A_423 = arith.constant 0 : index
        %swap3A_424 = tpu.vector_load %arg16[%swap3A, %swap3A_423] {strides = array<i32>} : memref<80x64xf32, #tpu.memory_space<vmem>>, vector<1x16xf32>,
        %swap3A_425 = vector.shape_cast %swap3A_424 : vector<1x16xf32> to vector<16xf32>
        %swap3A_426 = vector.shape_cast %mul3A_422 : vector<16xf32> to vector<1x16xf32>
        tpu.vector_store %arg16[%swap3A, %swap3A_423], %swap3A_426 {strides = array<i32>} : memref<80x64xf32, #tpu.memory_space<vmem>>, vector<1x16xf32>,
        %get3A_427 = arith.index_cast %scan3A_410 : i32 to index
        %get3A_428 = arith.constant 16 : index
        %get3A_429 = tpu.vector_load %arg15[%get3A_427, %get3A_428] {strides = array<i32>} : memref<80x64xf32, #tpu.memory_space<vmem>>, vector<1x16xf32>,
        %get3A_430 = vector.shape_cast %get3A_429 : vector<1x16xf32> to vector<16xf32>
        %mul3A_431 = arith.mulf %get3A_417, %get3A_430 : vector<16xf32>
        %swap3A_432 = arith.index_cast %scan3A_410 : i32 to index
        %swap3A_433 = arith.constant 16 : index
        %swap3A_434 = tpu.vector_load %arg16[%swap3A_432, %swap3A_433] {strides = array<i32>} : memref<80x64xf32, #tpu.memory_space<vmem>>, vector<1x16xf32>,
        %swap3A_435 = vector.shape_cast %swap3A_434 : vector<1x16xf32> to vector<16xf32>
        %swap3A_436 = vector.shape_cast %mul3A_431 : vector<16xf32> to vector<1x16xf32>
        tpu.vector_store %arg16[%swap3A_432, %swap3A_433], %swap3A_436 {strides = array<i32>} : memref<80x64xf32, #tpu.memory_space<vmem>>, vector<1x16xf32>,
        %get3A_437 = arith.index_cast %scan3A_410 : i32 to index
        %get3A_438 = arith.constant 32 : index
        %get3A_439 = tpu.vector_load %arg15[%get3A_437, %get3A_438] {strides = array<i32>} : memref<80x64xf32, #tpu.memory_space<vmem>>, vector<1x16xf32>,
        %get3A_440 = vector.shape_cast %get3A_439 : vector<1x16xf32> to vector<16xf32>
        %mul3A_441 = arith.mulf %get3A_413, %get3A_440 : vector<16xf32>
        %swap3A_442 = arith.index_cast %scan3A_410 : i32 to index
        %swap3A_443 = arith.constant 32 : index
        %swap3A_444 = tpu.vector_load %arg16[%swap3A_442, %swap3A_443] {strides = array<i32>} : memref<80x64xf32, #tpu.memory_space<vmem>>, vector<1x16xf32>,
        %swap3A_445 = vector.shape_cast %swap3A_444 : vector<1x16xf32> to vector<16xf32>
        %swap3A_446 = vector.shape_cast %mul3A_441 : vector<16xf32> to vector<1x16xf32>
        tpu.vector_store %arg16[%swap3A_442, %swap3A_443], %swap3A_446 {strides = array<i32>} : memref<80x64xf32, #tpu.memory_space<vmem>>, vector<1x16xf32>,
        %get3A_447 = arith.index_cast %scan3A_410 : i32 to index
        %get3A_448 = arith.constant 48 : index
        %get3A_449 = tpu.vector_load %arg15[%get3A_447, %get3A_448] {strides = array<i32>} : memref<80x64xf32, #tpu.memory_space<vmem>>, vector<1x16xf32>,
        %get3A_450 = vector.shape_cast %get3A_449 : vector<1x16xf32> to vector<16xf32>
        %mul3A_451 = arith.mulf %get3A_417, %get3A_450 : vector<16xf32>
        %swap3A_452 = arith.index_cast %scan3A_410 : i32 to index
        %swap3A_453 = arith.constant 48 : index
        %swap3A_454 = tpu.vector_load %arg16[%swap3A_452, %swap3A_453] {strides = array<i32>} : memref<80x64xf32, #tpu.memory_space<vmem>>, vector<1x16xf32>,
        %swap3A_455 = vector.shape_cast %swap3A_454 : vector<1x16xf32> to vector<16xf32>
        %swap3A_456 = vector.shape_cast %mul3A_451 : vector<16xf32> to vector<1x16xf32>
        tpu.vector_store %arg16[%swap3A_452, %swap3A_453], %swap3A_456 {strides = array<i32>} : memref<80x64xf32, #tpu.memory_space<vmem>>, vector<1x16xf32>,
      }
      %scan3A_326 = arith.constant 80 : i32
      %dma_start3A_327 = arith.constant 0 : i32
      %dma_start3A_328 = arith.constant 0 : i32
      %dma_start3A_329 = tpu.memref_slice %arg19[%dma_start3A_327, %dma_start3A_328] : memref<25600x64xf32, #tpu.memory_space<vmem_shared>> -> memref<25600x64xf32, #tpu.memory_space<vmem_shared>>
      tpu.enqueue_indirect_dma source(%arg16 : memref<80x64xf32, #tpu.memory_space<vmem>>) target(%dma_start3A_329 : memref<25600x64xf32, #tpu.memory_space<vmem_shared>>) offsets(%arg11 : memref<80xi32, #tpu.memory_space<vmem>>) semaphore(%arg26 : memref<!tpu.dma_semaphore, #tpu.memory_space<semaphore_mem>>) {add = true}
      %dma_wait3A_330 = arith.constant 0 : i32
      %dma_wait3A_331 = tpu.memref_slice %arg4[%dma_wait3A_330] : memref<800000xi32, #tpu.memory_space<hbm>> -> memref<80xi32, #tpu.memory_space<hbm>>
      %dma_wait3A_332 = arith.constant 0 : i32
      %dma_wait3A_333 = tpu.memref_slice %arg4[%dma_wait3A_332] : memref<800000xi32, #tpu.memory_space<hbm>> -> memref<80xi32, #tpu.memory_space<hbm>>
      tpu.wait_dma2 semaphore(%arg20 : memref<!tpu.dma_semaphore, #tpu.memory_space<semaphore_mem>>) src(%dma_wait3A_333 : memref<80xi32, #tpu.memory_space<hbm>>) dst(%arg7 : memref<80xi32, #tpu.memory_space<vmem>>)
      %dma_wait3A_334 = arith.constant 0 : i32
      %dma_wait3A_335 = tpu.memref_slice %arg5[%dma_wait3A_334] : memref<800000xi32, #tpu.memory_space<hbm>> -> memref<80xi32, #tpu.memory_space<hbm>>
      %dma_wait3A_336 = arith.constant 0 : i32
      %dma_wait3A_337 = tpu.memref_slice %arg5[%dma_wait3A_336] : memref<800000xi32, #tpu.memory_space<hbm>> -> memref<80xi32, #tpu.memory_space<hbm>>
      tpu.wait_dma2 semaphore(%arg20 : memref<!tpu.dma_semaphore, #tpu.memory_space<semaphore_mem>>) src(%dma_wait3A_337 : memref<80xi32, #tpu.memory_space<hbm>>) dst(%arg9 : memref<80xi32, #tpu.memory_space<vmem>>)
      %add3A_338 = arith.constant 2 : i32
      %add3A_339 = arith.addi %add3A_291, %add3A_338 : i32
      %mul3A_340 = arith.constant 80 : i32
      %mul3A_341 = arith.muli %add3A_339, %mul3A_340 : i32
      %add3A_342 = arith.addi %mul3A_16, %mul3A_341 : i32
      %dma_start3A_343 = arith.constant 0 : i32
      %dma_start3A_344 = arith.constant 0 : i32
      %dma_start3A_345 = tpu.memref_slice %arg2[%dma_start3A_343, %dma_start3A_344] : memref<50000x32xf32, #tpu.memory_space<hbm>> -> memref<50000x32xf32, #tpu.memory_space<hbm>>
      tpu.enqueue_indirect_dma source(%dma_start3A_345 : memref<50000x32xf32, #tpu.memory_space<hbm>>) target(%arg13 : memref<80x32xf32, #tpu.memory_space<vmem>>) offsets(%arg7 : memref<80xi32, #tpu.memory_space<vmem>>) semaphore(%arg22 : memref<!tpu.dma_semaphore, #tpu.memory_space<semaphore_mem>>)
      %dma_start3A_346 = arith.constant 0 : i32
      %dma_start3A_347 = tpu.memref_slice %arg3[%add3A_342, %dma_start3A_346] : memref<416000x64xf32, #tpu.memory_space<hbm>> -> memref<80x64xf32, #tpu.memory_space<hbm>>
      %dma_start3A_348 = arith.constant 0 : i32
      %dma_start3A_349 = tpu.memref_slice %arg3[%add3A_342, %dma_start3A_348] : memref<416000x64xf32, #tpu.memory_space<hbm>> -> memref<80x64xf32, #tpu.memory_space<hbm>>
      tpu.enqueue_dma source(%dma_start3A_349 : memref<80x64xf32, #tpu.memory_space<hbm>>) target(%arg15 : memref<80x64xf32, #tpu.memory_space<vmem>>) target_semaphore(%arg24 : memref<!tpu.dma_semaphore, #tpu.memory_space<semaphore_mem>>)
      %add3A_350 = arith.constant 1 : i32
      %add3A_351 = arith.addi %add3A_291, %add3A_350 : i32
      %dma_wait3A_352 = arith.constant 0 : i32
      %dma_wait3A_353 = arith.constant 0 : i32
      %dma_wait3A_354 = tpu.memref_slice %arg2[%dma_wait3A_352, %dma_wait3A_353] : memref<50000x32xf32, #tpu.memory_space<hbm>> -> memref<50000x32xf32, #tpu.memory_space<hbm>>
      tpu.wait_indirect_dma semaphore(%arg23 : memref<!tpu.dma_semaphore, #tpu.memory_space<semaphore_mem>>) src(%dma_wait3A_354 : memref<50000x32xf32, #tpu.memory_space<hbm>>) dst(%arg14 : memref<80x32xf32, #tpu.memory_space<vmem>>)
      %dma_wait3A_355 = arith.constant 0 : i32
      %dma_wait3A_356 = arith.constant 0 : i32
      %dma_wait3A_357 = tpu.memref_slice %arg3[%dma_wait3A_355, %dma_wait3A_356] : memref<416000x64xf32, #tpu.memory_space<hbm>> -> memref<80x64xf32, #tpu.memory_space<hbm>>
      %dma_wait3A_358 = arith.constant 0 : i32
      %dma_wait3A_359 = arith.constant 0 : i32
      %dma_wait3A_360 = tpu.memref_slice %arg3[%dma_wait3A_358, %dma_wait3A_359] : memref<416000x64xf32, #tpu.memory_space<hbm>> -> memref<80x64xf32, #tpu.memory_space<hbm>>
      tpu.wait_dma2 semaphore(%arg25 : memref<!tpu.dma_semaphore, #tpu.memory_space<semaphore_mem>>) src(%dma_wait3A_360 : memref<80x64xf32, #tpu.memory_space<hbm>>) dst(%arg17 : memref<80x64xf32, #tpu.memory_space<vmem>>)
      %dma_wait3A_361 = arith.constant 0 : i32
      %dma_wait3A_362 = arith.constant 0 : i32
      %dma_wait3A_363 = tpu.memref_slice %arg19[%dma_wait3A_361, %dma_wait3A_362] : memref<25600x64xf32, #tpu.memory_space<vmem_shared>> -> memref<25600x64xf32, #tpu.memory_space<vmem_shared>>
      tpu.wait_indirect_dma semaphore(%arg27 : memref<!tpu.dma_semaphore, #tpu.memory_space<semaphore_mem>>) src(%arg18 : memref<80x64xf32, #tpu.memory_space<vmem>>) dst(%dma_wait3A_363 : memref<25600x64xf32, #tpu.memory_space<vmem_shared>>)
      %scan3A_364 = arith.constant 0 : i32
      %scan3A_365 = arith.constant 0 : i32
      %scan3A_366 = arith.constant 5 : i32
      %scan3A_367 = arith.addi %scan3A_365, %scan3A_366 : i32
      %scan3A_368 = arith.constant 1 : i32
      scf.for %scan3A_410 = %scan3A_365 to %scan3A_367 step %scan3A_368  : i32 {
        %mul3A_411 = arith.constant 16 : i32
        %mul3A_412 = arith.muli %scan3A_410, %mul3A_411 : i32
        %get3A = arith.index_cast %mul3A_412 : i32 to index
        %get3A_413 = tpu.vector_load %arg10[%get3A] {strides = array<i32>} : memref<80xi32, #tpu.memory_space<vmem>>, vector<16xi32>,
        %get3A_414 = vector.shape_cast %get3A_413 : vector<16xi32> to vector<16xi32>
        %sub3A = vector.broadcast %mul3A_0 : i32 to vector<16xi32>
        %sub3A_415 = arith.subi %get3A_414, %sub3A : vector<16xi32>
        %ge3A = arith.constant 0 : i32
        %ge3A_416 = vector.broadcast %ge3A : i32 to vector<16xi32>
        %ge3A_417 = arith.cmpi sge, %sub3A_415, %ge3A_416 : vector<16xi32>
        %lt3A = arith.constant 25000 : i32
        %lt3A_418 = vector.broadcast %lt3A : i32 to vector<16xi32>
        %lt3A_419 = arith.cmpi slt, %sub3A_415, %lt3A_418 : vector<16xi32>
        %and3A = arith.andi %ge3A_417, %lt3A_419 : vector<16xi1>
        %jit3A = arith.constant 25000 : i32
        %broadcast_in_dim3A_420 = vector.broadcast %jit3A : i32 to vector<16xi32>
        %select_n3A = arith.select %and3A, %sub3A_415, %broadcast_in_dim3A_420 : vector<16xi1>, vector<16xi32>
        %mul3A_421 = arith.constant 16 : i32
        %mul3A_422 = arith.muli %scan3A_410, %mul3A_421 : i32
        %swap3A = arith.index_cast %mul3A_422 : i32 to index
        %swap3A_423 = tpu.vector_load %arg12[%swap3A] {strides = array<i32>} : memref<80xi32, #tpu.memory_space<vmem>>, vector<16xi32>,
        %swap3A_424 = vector.shape_cast %swap3A_423 : vector<16xi32> to vector<16xi32>
        %swap3A_425 = vector.shape_cast %select_n3A : vector<16xi32> to vector<16xi32>
        tpu.vector_store %arg12[%swap3A], %swap3A_425 {strides = array<i32>} : memref<80xi32, #tpu.memory_space<vmem>>, vector<16xi32>,
      }
      %scan3A_369 = arith.constant 5 : i32
      %add3A_370 = arith.constant 2 : i32
      %add3A_371 = arith.addi %add3A_351, %add3A_370 : i32
      %add3A_372 = arith.constant 384000 : i32
      %add3A_373 = arith.addi %add3A_372, %mul3A_16 : i32
      %mul3A_374 = arith.constant 80 : i32
      %mul3A_375 = arith.muli %add3A_371, %mul3A_374 : i32
      %add3A_376 = arith.addi %add3A_373, %mul3A_375 : i32
      %dma_start3A_377 = tpu.memref_slice %arg4[%add3A_376] : memref<800000xi32, #tpu.memory_space<hbm>> -> memref<80xi32, #tpu.memory_space<hbm>>
      %dma_start3A_378 = tpu.memref_slice %arg4[%add3A_376] : memref<800000xi32, #tpu.memory_space<hbm>> -> memref<80xi32, #tpu.memory_space<hbm>>
      tpu.enqueue_dma source(%dma_start3A_378 : memref<80xi32, #tpu.memory_space<hbm>>) target(%arg8 : memref<80xi32, #tpu.memory_space<vmem>>) target_semaphore(%arg21 : memref<!tpu.dma_semaphore, #tpu.memory_space<semaphore_mem>>)
      %dma_start3A_379 = tpu.memref_slice %arg5[%add3A_376] : memref<800000xi32, #tpu.memory_space<hbm>> -> memref<80xi32, #tpu.memory_space<hbm>>
      %dma_start3A_380 = tpu.memref_slice %arg5[%add3A_376] : memref<800000xi32, #tpu.memory_space<hbm>> -> memref<80xi32, #tpu.memory_space<hbm>>
      tpu.enqueue_dma source(%dma_start3A_380 : memref<80xi32, #tpu.memory_space<hbm>>) target(%arg10 : memref<80xi32, #tpu.memory_space<vmem>>) target_semaphore(%arg21 : memref<!tpu.dma_semaphore, #tpu.memory_space<semaphore_mem>>)
      %scan3A_381 = arith.constant 0 : i32
      %scan3A_382 = arith.constant 0 : i32
      %scan3A_383 = arith.constant 80 : i32
      %scan3A_384 = arith.addi %scan3A_382, %scan3A_383 : i32
      %scan3A_385 = arith.constant 1 : i32
      scf.for %scan3A_410 = %scan3A_382 to %scan3A_384 step %scan3A_385  : i32 {
        %get3A = arith.index_cast %scan3A_410 : i32 to index
        %get3A_411 = arith.constant 0 : index
        %get3A_412 = tpu.vector_load %arg14[%get3A, %get3A_411] {strides = array<i32>} : memref<80x32xf32, #tpu.memory_space<vmem>>, vector<1x16xf32>,
        %get3A_413 = vector.shape_cast %get3A_412 : vector<1x16xf32> to vector<16xf32>
        %get3A_414 = arith.index_cast %scan3A_410 : i32 to index
        %get3A_415 = arith.constant 16 : index
        %get3A_416 = tpu.vector_load %arg14[%get3A_414, %get3A_415] {strides = array<i32>} : memref<80x32xf32, #tpu.memory_space<vmem>>, vector<1x16xf32>,
        %get3A_417 = vector.shape_cast %get3A_416 : vector<1x16xf32> to vector<16xf32>
        %get3A_418 = arith.index_cast %scan3A_410 : i32 to index
        %get3A_419 = arith.constant 0 : index
        %get3A_420 = tpu.vector_load %arg17[%get3A_418, %get3A_419] {strides = array<i32>} : memref<80x64xf32, #tpu.memory_space<vmem>>, vector<1x16xf32>,
        %get3A_421 = vector.shape_cast %get3A_420 : vector<1x16xf32> to vector<16xf32>
        %mul3A_422 = arith.mulf %get3A_413, %get3A_421 : vector<16xf32>
        %swap3A = arith.index_cast %scan3A_410 : i32 to index
        %swap3A_423 = arith.constant 0 : index
        %swap3A_424 = tpu.vector_load %arg18[%swap3A, %swap3A_423] {strides = array<i32>} : memref<80x64xf32, #tpu.memory_space<vmem>>, vector<1x16xf32>,
        %swap3A_425 = vector.shape_cast %swap3A_424 : vector<1x16xf32> to vector<16xf32>
        %swap3A_426 = vector.shape_cast %mul3A_422 : vector<16xf32> to vector<1x16xf32>
        tpu.vector_store %arg18[%swap3A, %swap3A_423], %swap3A_426 {strides = array<i32>} : memref<80x64xf32, #tpu.memory_space<vmem>>, vector<1x16xf32>,
        %get3A_427 = arith.index_cast %scan3A_410 : i32 to index
        %get3A_428 = arith.constant 16 : index
        %get3A_429 = tpu.vector_load %arg17[%get3A_427, %get3A_428] {strides = array<i32>} : memref<80x64xf32, #tpu.memory_space<vmem>>, vector<1x16xf32>,
        %get3A_430 = vector.shape_cast %get3A_429 : vector<1x16xf32> to vector<16xf32>
        %mul3A_431 = arith.mulf %get3A_417, %get3A_430 : vector<16xf32>
        %swap3A_432 = arith.index_cast %scan3A_410 : i32 to index
        %swap3A_433 = arith.constant 16 : index
        %swap3A_434 = tpu.vector_load %arg18[%swap3A_432, %swap3A_433] {strides = array<i32>} : memref<80x64xf32, #tpu.memory_space<vmem>>, vector<1x16xf32>,
        %swap3A_435 = vector.shape_cast %swap3A_434 : vector<1x16xf32> to vector<16xf32>
        %swap3A_436 = vector.shape_cast %mul3A_431 : vector<16xf32> to vector<1x16xf32>
        tpu.vector_store %arg18[%swap3A_432, %swap3A_433], %swap3A_436 {strides = array<i32>} : memref<80x64xf32, #tpu.memory_space<vmem>>, vector<1x16xf32>,
        %get3A_437 = arith.index_cast %scan3A_410 : i32 to index
        %get3A_438 = arith.constant 32 : index
        %get3A_439 = tpu.vector_load %arg17[%get3A_437, %get3A_438] {strides = array<i32>} : memref<80x64xf32, #tpu.memory_space<vmem>>, vector<1x16xf32>,
        %get3A_440 = vector.shape_cast %get3A_439 : vector<1x16xf32> to vector<16xf32>
        %mul3A_441 = arith.mulf %get3A_413, %get3A_440 : vector<16xf32>
        %swap3A_442 = arith.index_cast %scan3A_410 : i32 to index
        %swap3A_443 = arith.constant 32 : index
        %swap3A_444 = tpu.vector_load %arg18[%swap3A_442, %swap3A_443] {strides = array<i32>} : memref<80x64xf32, #tpu.memory_space<vmem>>, vector<1x16xf32>,
        %swap3A_445 = vector.shape_cast %swap3A_444 : vector<1x16xf32> to vector<16xf32>
        %swap3A_446 = vector.shape_cast %mul3A_441 : vector<16xf32> to vector<1x16xf32>
        tpu.vector_store %arg18[%swap3A_442, %swap3A_443], %swap3A_446 {strides = array<i32>} : memref<80x64xf32, #tpu.memory_space<vmem>>, vector<1x16xf32>,
        %get3A_447 = arith.index_cast %scan3A_410 : i32 to index
        %get3A_448 = arith.constant 48 : index
        %get3A_449 = tpu.vector_load %arg17[%get3A_447, %get3A_448] {strides = array<i32>} : memref<80x64xf32, #tpu.memory_space<vmem>>, vector<1x16xf32>,
        %get3A_450 = vector.shape_cast %get3A_449 : vector<1x16xf32> to vector<16xf32>
        %mul3A_451 = arith.mulf %get3A_417, %get3A_450 : vector<16xf32>
        %swap3A_452 = arith.index_cast %scan3A_410 : i32 to index
        %swap3A_453 = arith.constant 48 : index
        %swap3A_454 = tpu.vector_load %arg18[%swap3A_452, %swap3A_453] {strides = array<i32>} : memref<80x64xf32, #tpu.memory_space<vmem>>, vector<1x16xf32>,
        %swap3A_455 = vector.shape_cast %swap3A_454 : vector<1x16xf32> to vector<16xf32>
        %swap3A_456 = vector.shape_cast %mul3A_451 : vector<16xf32> to vector<1x16xf32>
        tpu.vector_store %arg18[%swap3A_452, %swap3A_453], %swap3A_456 {strides = array<i32>} : memref<80x64xf32, #tpu.memory_space<vmem>>, vector<1x16xf32>,
      }
      %scan3A_386 = arith.constant 80 : i32
      %dma_start3A_387 = arith.constant 0 : i32
      %dma_start3A_388 = arith.constant 0 : i32
      %dma_start3A_389 = tpu.memref_slice %arg19[%dma_start3A_387, %dma_start3A_388] : memref<25600x64xf32, #tpu.memory_space<vmem_shared>> -> memref<25600x64xf32, #tpu.memory_space<vmem_shared>>
      tpu.enqueue_indirect_dma source(%arg18 : memref<80x64xf32, #tpu.memory_space<vmem>>) target(%dma_start3A_389 : memref<25600x64xf32, #tpu.memory_space<vmem_shared>>) offsets(%arg12 : memref<80xi32, #tpu.memory_space<vmem>>) semaphore(%arg27 : memref<!tpu.dma_semaphore, #tpu.memory_space<semaphore_mem>>) {add = true}
      %dma_wait3A_390 = arith.constant 0 : i32
      %dma_wait3A_391 = tpu.memref_slice %arg4[%dma_wait3A_390] : memref<800000xi32, #tpu.memory_space<hbm>> -> memref<80xi32, #tpu.memory_space<hbm>>
      %dma_wait3A_392 = arith.constant 0 : i32
      %dma_wait3A_393 = tpu.memref_slice %arg4[%dma_wait3A_392] : memref<800000xi32, #tpu.memory_space<hbm>> -> memref<80xi32, #tpu.memory_space<hbm>>
      tpu.wait_dma2 semaphore(%arg21 : memref<!tpu.dma_semaphore, #tpu.memory_space<semaphore_mem>>) src(%dma_wait3A_393 : memref<80xi32, #tpu.memory_space<hbm>>) dst(%arg8 : memref<80xi32, #tpu.memory_space<vmem>>)
      %dma_wait3A_394 = arith.constant 0 : i32
      %dma_wait3A_395 = tpu.memref_slice %arg5[%dma_wait3A_394] : memref<800000xi32, #tpu.memory_space<hbm>> -> memref<80xi32, #tpu.memory_space<hbm>>
      %dma_wait3A_396 = arith.constant 0 : i32
      %dma_wait3A_397 = tpu.memref_slice %arg5[%dma_wait3A_396] : memref<800000xi32, #tpu.memory_space<hbm>> -> memref<80xi32, #tpu.memory_space<hbm>>
      tpu.wait_dma2 semaphore(%arg21 : memref<!tpu.dma_semaphore, #tpu.memory_space<semaphore_mem>>) src(%dma_wait3A_397 : memref<80xi32, #tpu.memory_space<hbm>>) dst(%arg10 : memref<80xi32, #tpu.memory_space<vmem>>)
      %add3A_398 = arith.constant 2 : i32
      %add3A_399 = arith.addi %add3A_351, %add3A_398 : i32
      %mul3A_400 = arith.constant 80 : i32
      %mul3A_401 = arith.muli %add3A_399, %mul3A_400 : i32
      %add3A_402 = arith.addi %mul3A_16, %mul3A_401 : i32
      %dma_start3A_403 = arith.constant 0 : i32
      %dma_start3A_404 = arith.constant 0 : i32
      %dma_start3A_405 = tpu.memref_slice %arg2[%dma_start3A_403, %dma_start3A_404] : memref<50000x32xf32, #tpu.memory_space<hbm>> -> memref<50000x32xf32, #tpu.memory_space<hbm>>
      tpu.enqueue_indirect_dma source(%dma_start3A_405 : memref<50000x32xf32, #tpu.memory_space<hbm>>) target(%arg14 : memref<80x32xf32, #tpu.memory_space<vmem>>) offsets(%arg8 : memref<80xi32, #tpu.memory_space<vmem>>) semaphore(%arg23 : memref<!tpu.dma_semaphore, #tpu.memory_space<semaphore_mem>>)
      %dma_start3A_406 = arith.constant 0 : i32
      %dma_start3A_407 = tpu.memref_slice %arg3[%add3A_402, %dma_start3A_406] : memref<416000x64xf32, #tpu.memory_space<hbm>> -> memref<80x64xf32, #tpu.memory_space<hbm>>
      %dma_start3A_408 = arith.constant 0 : i32
      %dma_start3A_409 = tpu.memref_slice %arg3[%add3A_402, %dma_start3A_408] : memref<416000x64xf32, #tpu.memory_space<hbm>> -> memref<80x64xf32, #tpu.memory_space<hbm>>
      tpu.enqueue_dma source(%dma_start3A_409 : memref<80x64xf32, #tpu.memory_space<hbm>>) target(%arg17 : memref<80x64xf32, #tpu.memory_space<vmem>>) target_semaphore(%arg25 : memref<!tpu.dma_semaphore, #tpu.memory_space<semaphore_mem>>)
    }
    %scan3A_167 = arith.constant 160 : i32
    %dma_wait3A_168 = arith.constant 0 : i32
    %dma_wait3A_169 = arith.constant 0 : i32
    %dma_wait3A_170 = tpu.memref_slice %arg2[%dma_wait3A_168, %dma_wait3A_169] : memref<50000x32xf32, #tpu.memory_space<hbm>> -> memref<50000x32xf32, #tpu.memory_space<hbm>>
    tpu.wait_indirect_dma semaphore(%arg22 : memref<!tpu.dma_semaphore, #tpu.memory_space<semaphore_mem>>) src(%dma_wait3A_170 : memref<50000x32xf32, #tpu.memory_space<hbm>>) dst(%arg13 : memref<80x32xf32, #tpu.memory_space<vmem>>)
    %dma_wait3A_171 = arith.constant 0 : i32
    %dma_wait3A_172 = arith.constant 0 : i32
    %dma_wait3A_173 = tpu.memref_slice %arg3[%dma_wait3A_171, %dma_wait3A_172] : memref<416000x64xf32, #tpu.memory_space<hbm>> -> memref<80x64xf32, #tpu.memory_space<hbm>>
    %dma_wait3A_174 = arith.constant 0 : i32
    %dma_wait3A_175 = arith.constant 0 : i32
    %dma_wait3A_176 = tpu.memref_slice %arg3[%dma_wait3A_174, %dma_wait3A_175] : memref<416000x64xf32, #tpu.memory_space<hbm>> -> memref<80x64xf32, #tpu.memory_space<hbm>>
    tpu.wait_dma2 semaphore(%arg24 : memref<!tpu.dma_semaphore, #tpu.memory_space<semaphore_mem>>) src(%dma_wait3A_176 : memref<80x64xf32, #tpu.memory_space<hbm>>) dst(%arg15 : memref<80x64xf32, #tpu.memory_space<vmem>>)
    %dma_wait3A_177 = arith.constant 0 : i32
    %dma_wait3A_178 = arith.constant 0 : i32
    %dma_wait3A_179 = tpu.memref_slice %arg19[%dma_wait3A_177, %dma_wait3A_178] : memref<25600x64xf32, #tpu.memory_space<vmem_shared>> -> memref<25600x64xf32, #tpu.memory_space<vmem_shared>>
    tpu.wait_indirect_dma semaphore(%arg26 : memref<!tpu.dma_semaphore, #tpu.memory_space<semaphore_mem>>) src(%arg16 : memref<80x64xf32, #tpu.memory_space<vmem>>) dst(%dma_wait3A_179 : memref<25600x64xf32, #tpu.memory_space<vmem_shared>>)
    %scan3A_180 = arith.constant 0 : i32
    %scan3A_181 = arith.constant 0 : i32
    %scan3A_182 = arith.constant 5 : i32
    %scan3A_183 = arith.addi %scan3A_181, %scan3A_182 : i32
    %scan3A_184 = arith.constant 1 : i32
    scf.for %scan3A_287 = %scan3A_181 to %scan3A_183 step %scan3A_184  : i32 {
      %mul3A_288 = arith.constant 16 : i32
      %mul3A_289 = arith.muli %scan3A_287, %mul3A_288 : i32
      %get3A = arith.index_cast %mul3A_289 : i32 to index
      %get3A_290 = tpu.vector_load %arg9[%get3A] {strides = array<i32>} : memref<80xi32, #tpu.memory_space<vmem>>, vector<16xi32>,
      %get3A_291 = vector.shape_cast %get3A_290 : vector<16xi32> to vector<16xi32>
      %sub3A = vector.broadcast %mul3A_0 : i32 to vector<16xi32>
      %sub3A_292 = arith.subi %get3A_291, %sub3A : vector<16xi32>
      %ge3A = arith.constant 0 : i32
      %ge3A_293 = vector.broadcast %ge3A : i32 to vector<16xi32>
      %ge3A_294 = arith.cmpi sge, %sub3A_292, %ge3A_293 : vector<16xi32>
      %lt3A = arith.constant 25000 : i32
      %lt3A_295 = vector.broadcast %lt3A : i32 to vector<16xi32>
      %lt3A_296 = arith.cmpi slt, %sub3A_292, %lt3A_295 : vector<16xi32>
      %and3A = arith.andi %ge3A_294, %lt3A_296 : vector<16xi1>
      %jit3A = arith.constant 25000 : i32
      %broadcast_in_dim3A_297 = vector.broadcast %jit3A : i32 to vector<16xi32>
      %select_n3A = arith.select %and3A, %sub3A_292, %broadcast_in_dim3A_297 : vector<16xi1>, vector<16xi32>
      %mul3A_298 = arith.constant 16 : i32
      %mul3A_299 = arith.muli %scan3A_287, %mul3A_298 : i32
      %swap3A = arith.index_cast %mul3A_299 : i32 to index
      %swap3A_300 = tpu.vector_load %arg11[%swap3A] {strides = array<i32>} : memref<80xi32, #tpu.memory_space<vmem>>, vector<16xi32>,
      %swap3A_301 = vector.shape_cast %swap3A_300 : vector<16xi32> to vector<16xi32>
      %swap3A_302 = vector.shape_cast %select_n3A : vector<16xi32> to vector<16xi32>
      tpu.vector_store %arg11[%swap3A], %swap3A_302 {strides = array<i32>} : memref<80xi32, #tpu.memory_space<vmem>>, vector<16xi32>,
    }
    %scan3A_185 = arith.constant 5 : i32
    %add3A_186 = arith.constant 384000 : i32
    %add3A_187 = arith.addi %add3A_186, %mul3A_16 : i32
    %add3A_188 = arith.constant 25920 : i32
    %add3A_189 = arith.addi %add3A_187, %add3A_188 : i32
    %dma_start3A_190 = tpu.memref_slice %arg4[%add3A_189] : memref<800000xi32, #tpu.memory_space<hbm>> -> memref<80xi32, #tpu.memory_space<hbm>>
    %dma_start3A_191 = tpu.memref_slice %arg4[%add3A_189] : memref<800000xi32, #tpu.memory_space<hbm>> -> memref<80xi32, #tpu.memory_space<hbm>>
    tpu.enqueue_dma source(%dma_start3A_191 : memref<80xi32, #tpu.memory_space<hbm>>) target(%arg7 : memref<80xi32, #tpu.memory_space<vmem>>) target_semaphore(%arg20 : memref<!tpu.dma_semaphore, #tpu.memory_space<semaphore_mem>>)
    %dma_start3A_192 = tpu.memref_slice %arg5[%add3A_189] : memref<800000xi32, #tpu.memory_space<hbm>> -> memref<80xi32, #tpu.memory_space<hbm>>
    %dma_start3A_193 = tpu.memref_slice %arg5[%add3A_189] : memref<800000xi32, #tpu.memory_space<hbm>> -> memref<80xi32, #tpu.memory_space<hbm>>
    tpu.enqueue_dma source(%dma_start3A_193 : memref<80xi32, #tpu.memory_space<hbm>>) target(%arg9 : memref<80xi32, #tpu.memory_space<vmem>>) target_semaphore(%arg20 : memref<!tpu.dma_semaphore, #tpu.memory_space<semaphore_mem>>)
    %scan3A_194 = arith.constant 0 : i32
    %scan3A_195 = arith.constant 0 : i32
    %scan3A_196 = arith.constant 80 : i32
    %scan3A_197 = arith.addi %scan3A_195, %scan3A_196 : i32
    %scan3A_198 = arith.constant 1 : i32
    scf.for %scan3A_287 = %scan3A_195 to %scan3A_197 step %scan3A_198  : i32 {
      %get3A = arith.index_cast %scan3A_287 : i32 to index
      %get3A_288 = arith.constant 0 : index
      %get3A_289 = tpu.vector_load %arg13[%get3A, %get3A_288] {strides = array<i32>} : memref<80x32xf32, #tpu.memory_space<vmem>>, vector<1x16xf32>,
      %get3A_290 = vector.shape_cast %get3A_289 : vector<1x16xf32> to vector<16xf32>
      %get3A_291 = arith.index_cast %scan3A_287 : i32 to index
      %get3A_292 = arith.constant 16 : index
      %get3A_293 = tpu.vector_load %arg13[%get3A_291, %get3A_292] {strides = array<i32>} : memref<80x32xf32, #tpu.memory_space<vmem>>, vector<1x16xf32>,
      %get3A_294 = vector.shape_cast %get3A_293 : vector<1x16xf32> to vector<16xf32>
      %get3A_295 = arith.index_cast %scan3A_287 : i32 to index
      %get3A_296 = arith.constant 0 : index
      %get3A_297 = tpu.vector_load %arg15[%get3A_295, %get3A_296] {strides = array<i32>} : memref<80x64xf32, #tpu.memory_space<vmem>>, vector<1x16xf32>,
      %get3A_298 = vector.shape_cast %get3A_297 : vector<1x16xf32> to vector<16xf32>
      %mul3A_299 = arith.mulf %get3A_290, %get3A_298 : vector<16xf32>
      %swap3A = arith.index_cast %scan3A_287 : i32 to index
      %swap3A_300 = arith.constant 0 : index
      %swap3A_301 = tpu.vector_load %arg16[%swap3A, %swap3A_300] {strides = array<i32>} : memref<80x64xf32, #tpu.memory_space<vmem>>, vector<1x16xf32>,
      %swap3A_302 = vector.shape_cast %swap3A_301 : vector<1x16xf32> to vector<16xf32>
      %swap3A_303 = vector.shape_cast %mul3A_299 : vector<16xf32> to vector<1x16xf32>
      tpu.vector_store %arg16[%swap3A, %swap3A_300], %swap3A_303 {strides = array<i32>} : memref<80x64xf32, #tpu.memory_space<vmem>>, vector<1x16xf32>,
      %get3A_304 = arith.index_cast %scan3A_287 : i32 to index
      %get3A_305 = arith.constant 16 : index
      %get3A_306 = tpu.vector_load %arg15[%get3A_304, %get3A_305] {strides = array<i32>} : memref<80x64xf32, #tpu.memory_space<vmem>>, vector<1x16xf32>,
      %get3A_307 = vector.shape_cast %get3A_306 : vector<1x16xf32> to vector<16xf32>
      %mul3A_308 = arith.mulf %get3A_294, %get3A_307 : vector<16xf32>
      %swap3A_309 = arith.index_cast %scan3A_287 : i32 to index
      %swap3A_310 = arith.constant 16 : index
      %swap3A_311 = tpu.vector_load %arg16[%swap3A_309, %swap3A_310] {strides = array<i32>} : memref<80x64xf32, #tpu.memory_space<vmem>>, vector<1x16xf32>,
      %swap3A_312 = vector.shape_cast %swap3A_311 : vector<1x16xf32> to vector<16xf32>
      %swap3A_313 = vector.shape_cast %mul3A_308 : vector<16xf32> to vector<1x16xf32>
      tpu.vector_store %arg16[%swap3A_309, %swap3A_310], %swap3A_313 {strides = array<i32>} : memref<80x64xf32, #tpu.memory_space<vmem>>, vector<1x16xf32>,
      %get3A_314 = arith.index_cast %scan3A_287 : i32 to index
      %get3A_315 = arith.constant 32 : index
      %get3A_316 = tpu.vector_load %arg15[%get3A_314, %get3A_315] {strides = array<i32>} : memref<80x64xf32, #tpu.memory_space<vmem>>, vector<1x16xf32>,
      %get3A_317 = vector.shape_cast %get3A_316 : vector<1x16xf32> to vector<16xf32>
      %mul3A_318 = arith.mulf %get3A_290, %get3A_317 : vector<16xf32>
      %swap3A_319 = arith.index_cast %scan3A_287 : i32 to index
      %swap3A_320 = arith.constant 32 : index
      %swap3A_321 = tpu.vector_load %arg16[%swap3A_319, %swap3A_320] {strides = array<i32>} : memref<80x64xf32, #tpu.memory_space<vmem>>, vector<1x16xf32>,
      %swap3A_322 = vector.shape_cast %swap3A_321 : vector<1x16xf32> to vector<16xf32>
      %swap3A_323 = vector.shape_cast %mul3A_318 : vector<16xf32> to vector<1x16xf32>
      tpu.vector_store %arg16[%swap3A_319, %swap3A_320], %swap3A_323 {strides = array<i32>} : memref<80x64xf32, #tpu.memory_space<vmem>>, vector<1x16xf32>,
      %get3A_324 = arith.index_cast %scan3A_287 : i32 to index
      %get3A_325 = arith.constant 48 : index
      %get3A_326 = tpu.vector_load %arg15[%get3A_324, %get3A_325] {strides = array<i32>} : memref<80x64xf32, #tpu.memory_space<vmem>>, vector<1x16xf32>,
      %get3A_327 = vector.shape_cast %get3A_326 : vector<1x16xf32> to vector<16xf32>
      %mul3A_328 = arith.mulf %get3A_294, %get3A_327 : vector<16xf32>
      %swap3A_329 = arith.index_cast %scan3A_287 : i32 to index
      %swap3A_330 = arith.constant 48 : index
      %swap3A_331 = tpu.vector_load %arg16[%swap3A_329, %swap3A_330] {strides = array<i32>} : memref<80x64xf32, #tpu.memory_space<vmem>>, vector<1x16xf32>,
      %swap3A_332 = vector.shape_cast %swap3A_331 : vector<1x16xf32> to vector<16xf32>
      %swap3A_333 = vector.shape_cast %mul3A_328 : vector<16xf32> to vector<1x16xf32>
      tpu.vector_store %arg16[%swap3A_329, %swap3A_330], %swap3A_333 {strides = array<i32>} : memref<80x64xf32, #tpu.memory_space<vmem>>, vector<1x16xf32>,
    }
    %scan3A_199 = arith.constant 80 : i32
    %dma_start3A_200 = arith.constant 0 : i32
    %dma_start3A_201 = arith.constant 0 : i32
    %dma_start3A_202 = tpu.memref_slice %arg19[%dma_start3A_200, %dma_start3A_201] : memref<25600x64xf32, #tpu.memory_space<vmem_shared>> -> memref<25600x64xf32, #tpu.memory_space<vmem_shared>>
    tpu.enqueue_indirect_dma source(%arg16 : memref<80x64xf32, #tpu.memory_space<vmem>>) target(%dma_start3A_202 : memref<25600x64xf32, #tpu.memory_space<vmem_shared>>) offsets(%arg11 : memref<80xi32, #tpu.memory_space<vmem>>) semaphore(%arg26 : memref<!tpu.dma_semaphore, #tpu.memory_space<semaphore_mem>>) {add = true}
    %dma_wait3A_203 = arith.constant 0 : i32
    %dma_wait3A_204 = tpu.memref_slice %arg4[%dma_wait3A_203] : memref<800000xi32, #tpu.memory_space<hbm>> -> memref<80xi32, #tpu.memory_space<hbm>>
    %dma_wait3A_205 = arith.constant 0 : i32
    %dma_wait3A_206 = tpu.memref_slice %arg4[%dma_wait3A_205] : memref<800000xi32, #tpu.memory_space<hbm>> -> memref<80xi32, #tpu.memory_space<hbm>>
    tpu.wait_dma2 semaphore(%arg20 : memref<!tpu.dma_semaphore, #tpu.memory_space<semaphore_mem>>) src(%dma_wait3A_206 : memref<80xi32, #tpu.memory_space<hbm>>) dst(%arg7 : memref<80xi32, #tpu.memory_space<vmem>>)
    %dma_wait3A_207 = arith.constant 0 : i32
    %dma_wait3A_208 = tpu.memref_slice %arg5[%dma_wait3A_207] : memref<800000xi32, #tpu.memory_space<hbm>> -> memref<80xi32, #tpu.memory_space<hbm>>
    %dma_wait3A_209 = arith.constant 0 : i32
    %dma_wait3A_210 = tpu.memref_slice %arg5[%dma_wait3A_209] : memref<800000xi32, #tpu.memory_space<hbm>> -> memref<80xi32, #tpu.memory_space<hbm>>
    tpu.wait_dma2 semaphore(%arg20 : memref<!tpu.dma_semaphore, #tpu.memory_space<semaphore_mem>>) src(%dma_wait3A_210 : memref<80xi32, #tpu.memory_space<hbm>>) dst(%arg9 : memref<80xi32, #tpu.memory_space<vmem>>)
    %add3A_211 = arith.constant 25920 : i32
    %add3A_212 = arith.addi %mul3A_16, %add3A_211 : i32
    %dma_start3A_213 = arith.constant 0 : i32
    %dma_start3A_214 = arith.constant 0 : i32
    %dma_start3A_215 = tpu.memref_slice %arg2[%dma_start3A_213, %dma_start3A_214] : memref<50000x32xf32, #tpu.memory_space<hbm>> -> memref<50000x32xf32, #tpu.memory_space<hbm>>
    tpu.enqueue_indirect_dma source(%dma_start3A_215 : memref<50000x32xf32, #tpu.memory_space<hbm>>) target(%arg13 : memref<80x32xf32, #tpu.memory_space<vmem>>) offsets(%arg7 : memref<80xi32, #tpu.memory_space<vmem>>) semaphore(%arg22 : memref<!tpu.dma_semaphore, #tpu.memory_space<semaphore_mem>>)
    %dma_start3A_216 = arith.constant 0 : i32
    %dma_start3A_217 = tpu.memref_slice %arg3[%add3A_212, %dma_start3A_216] : memref<416000x64xf32, #tpu.memory_space<hbm>> -> memref<80x64xf32, #tpu.memory_space<hbm>>
    %dma_start3A_218 = arith.constant 0 : i32
    %dma_start3A_219 = tpu.memref_slice %arg3[%add3A_212, %dma_start3A_218] : memref<416000x64xf32, #tpu.memory_space<hbm>> -> memref<80x64xf32, #tpu.memory_space<hbm>>
    tpu.enqueue_dma source(%dma_start3A_219 : memref<80x64xf32, #tpu.memory_space<hbm>>) target(%arg15 : memref<80x64xf32, #tpu.memory_space<vmem>>) target_semaphore(%arg24 : memref<!tpu.dma_semaphore, #tpu.memory_space<semaphore_mem>>)
    %dma_wait3A_220 = arith.constant 0 : i32
    %dma_wait3A_221 = arith.constant 0 : i32
    %dma_wait3A_222 = tpu.memref_slice %arg2[%dma_wait3A_220, %dma_wait3A_221] : memref<50000x32xf32, #tpu.memory_space<hbm>> -> memref<50000x32xf32, #tpu.memory_space<hbm>>
    tpu.wait_indirect_dma semaphore(%arg23 : memref<!tpu.dma_semaphore, #tpu.memory_space<semaphore_mem>>) src(%dma_wait3A_222 : memref<50000x32xf32, #tpu.memory_space<hbm>>) dst(%arg14 : memref<80x32xf32, #tpu.memory_space<vmem>>)
    %dma_wait3A_223 = arith.constant 0 : i32
    %dma_wait3A_224 = arith.constant 0 : i32
    %dma_wait3A_225 = tpu.memref_slice %arg3[%dma_wait3A_223, %dma_wait3A_224] : memref<416000x64xf32, #tpu.memory_space<hbm>> -> memref<80x64xf32, #tpu.memory_space<hbm>>
    %dma_wait3A_226 = arith.constant 0 : i32
    %dma_wait3A_227 = arith.constant 0 : i32
    %dma_wait3A_228 = tpu.memref_slice %arg3[%dma_wait3A_226, %dma_wait3A_227] : memref<416000x64xf32, #tpu.memory_space<hbm>> -> memref<80x64xf32, #tpu.memory_space<hbm>>
    tpu.wait_dma2 semaphore(%arg25 : memref<!tpu.dma_semaphore, #tpu.memory_space<semaphore_mem>>) src(%dma_wait3A_228 : memref<80x64xf32, #tpu.memory_space<hbm>>) dst(%arg17 : memref<80x64xf32, #tpu.memory_space<vmem>>)
    %dma_wait3A_229 = arith.constant 0 : i32
    %dma_wait3A_230 = arith.constant 0 : i32
    %dma_wait3A_231 = tpu.memref_slice %arg19[%dma_wait3A_229, %dma_wait3A_230] : memref<25600x64xf32, #tpu.memory_space<vmem_shared>> -> memref<25600x64xf32, #tpu.memory_space<vmem_shared>>
    tpu.wait_indirect_dma semaphore(%arg27 : memref<!tpu.dma_semaphore, #tpu.memory_space<semaphore_mem>>) src(%arg18 : memref<80x64xf32, #tpu.memory_space<vmem>>) dst(%dma_wait3A_231 : memref<25600x64xf32, #tpu.memory_space<vmem_shared>>)
    %scan3A_232 = arith.constant 0 : i32
    %scan3A_233 = arith.constant 0 : i32
    %scan3A_234 = arith.constant 5 : i32
    %scan3A_235 = arith.addi %scan3A_233, %scan3A_234 : i32
    %scan3A_236 = arith.constant 1 : i32
    scf.for %scan3A_287 = %scan3A_233 to %scan3A_235 step %scan3A_236  : i32 {
      %mul3A_288 = arith.constant 16 : i32
      %mul3A_289 = arith.muli %scan3A_287, %mul3A_288 : i32
      %get3A = arith.index_cast %mul3A_289 : i32 to index
      %get3A_290 = tpu.vector_load %arg10[%get3A] {strides = array<i32>} : memref<80xi32, #tpu.memory_space<vmem>>, vector<16xi32>,
      %get3A_291 = vector.shape_cast %get3A_290 : vector<16xi32> to vector<16xi32>
      %sub3A = vector.broadcast %mul3A_0 : i32 to vector<16xi32>
      %sub3A_292 = arith.subi %get3A_291, %sub3A : vector<16xi32>
      %ge3A = arith.constant 0 : i32
      %ge3A_293 = vector.broadcast %ge3A : i32 to vector<16xi32>
      %ge3A_294 = arith.cmpi sge, %sub3A_292, %ge3A_293 : vector<16xi32>
      %lt3A = arith.constant 25000 : i32
      %lt3A_295 = vector.broadcast %lt3A : i32 to vector<16xi32>
      %lt3A_296 = arith.cmpi slt, %sub3A_292, %lt3A_295 : vector<16xi32>
      %and3A = arith.andi %ge3A_294, %lt3A_296 : vector<16xi1>
      %jit3A = arith.constant 25000 : i32
      %broadcast_in_dim3A_297 = vector.broadcast %jit3A : i32 to vector<16xi32>
      %select_n3A = arith.select %and3A, %sub3A_292, %broadcast_in_dim3A_297 : vector<16xi1>, vector<16xi32>
      %mul3A_298 = arith.constant 16 : i32
      %mul3A_299 = arith.muli %scan3A_287, %mul3A_298 : i32
      %swap3A = arith.index_cast %mul3A_299 : i32 to index
      %swap3A_300 = tpu.vector_load %arg12[%swap3A] {strides = array<i32>} : memref<80xi32, #tpu.memory_space<vmem>>, vector<16xi32>,
      %swap3A_301 = vector.shape_cast %swap3A_300 : vector<16xi32> to vector<16xi32>
      %swap3A_302 = vector.shape_cast %select_n3A : vector<16xi32> to vector<16xi32>
      tpu.vector_store %arg12[%swap3A], %swap3A_302 {strides = array<i32>} : memref<80xi32, #tpu.memory_space<vmem>>, vector<16xi32>,
    }
    %scan3A_237 = arith.constant 5 : i32
    %scan3A_238 = arith.constant 0 : i32
    %scan3A_239 = arith.constant 0 : i32
    %scan3A_240 = arith.constant 80 : i32
    %scan3A_241 = arith.addi %scan3A_239, %scan3A_240 : i32
    %scan3A_242 = arith.constant 1 : i32
    scf.for %scan3A_287 = %scan3A_239 to %scan3A_241 step %scan3A_242  : i32 {
      %get3A = arith.index_cast %scan3A_287 : i32 to index
      %get3A_288 = arith.constant 0 : index
      %get3A_289 = tpu.vector_load %arg14[%get3A, %get3A_288] {strides = array<i32>} : memref<80x32xf32, #tpu.memory_space<vmem>>, vector<1x16xf32>,
      %get3A_290 = vector.shape_cast %get3A_289 : vector<1x16xf32> to vector<16xf32>
      %get3A_291 = arith.index_cast %scan3A_287 : i32 to index
      %get3A_292 = arith.constant 16 : index
      %get3A_293 = tpu.vector_load %arg14[%get3A_291, %get3A_292] {strides = array<i32>} : memref<80x32xf32, #tpu.memory_space<vmem>>, vector<1x16xf32>,
      %get3A_294 = vector.shape_cast %get3A_293 : vector<1x16xf32> to vector<16xf32>
      %get3A_295 = arith.index_cast %scan3A_287 : i32 to index
      %get3A_296 = arith.constant 0 : index
      %get3A_297 = tpu.vector_load %arg17[%get3A_295, %get3A_296] {strides = array<i32>} : memref<80x64xf32, #tpu.memory_space<vmem>>, vector<1x16xf32>,
      %get3A_298 = vector.shape_cast %get3A_297 : vector<1x16xf32> to vector<16xf32>
      %mul3A_299 = arith.mulf %get3A_290, %get3A_298 : vector<16xf32>
      %swap3A = arith.index_cast %scan3A_287 : i32 to index
      %swap3A_300 = arith.constant 0 : index
      %swap3A_301 = tpu.vector_load %arg18[%swap3A, %swap3A_300] {strides = array<i32>} : memref<80x64xf32, #tpu.memory_space<vmem>>, vector<1x16xf32>,
      %swap3A_302 = vector.shape_cast %swap3A_301 : vector<1x16xf32> to vector<16xf32>
      %swap3A_303 = vector.shape_cast %mul3A_299 : vector<16xf32> to vector<1x16xf32>
      tpu.vector_store %arg18[%swap3A, %swap3A_300], %swap3A_303 {strides = array<i32>} : memref<80x64xf32, #tpu.memory_space<vmem>>, vector<1x16xf32>,
      %get3A_304 = arith.index_cast %scan3A_287 : i32 to index
      %get3A_305 = arith.constant 16 : index
      %get3A_306 = tpu.vector_load %arg17[%get3A_304, %get3A_305] {strides = array<i32>} : memref<80x64xf32, #tpu.memory_space<vmem>>, vector<1x16xf32>,
      %get3A_307 = vector.shape_cast %get3A_306 : vector<1x16xf32> to vector<16xf32>
      %mul3A_308 = arith.mulf %get3A_294, %get3A_307 : vector<16xf32>
      %swap3A_309 = arith.index_cast %scan3A_287 : i32 to index
      %swap3A_310 = arith.constant 16 : index
      %swap3A_311 = tpu.vector_load %arg18[%swap3A_309, %swap3A_310] {strides = array<i32>} : memref<80x64xf32, #tpu.memory_space<vmem>>, vector<1x16xf32>,
      %swap3A_312 = vector.shape_cast %swap3A_311 : vector<1x16xf32> to vector<16xf32>
      %swap3A_313 = vector.shape_cast %mul3A_308 : vector<16xf32> to vector<1x16xf32>
      tpu.vector_store %arg18[%swap3A_309, %swap3A_310], %swap3A_313 {strides = array<i32>} : memref<80x64xf32, #tpu.memory_space<vmem>>, vector<1x16xf32>,
      %get3A_314 = arith.index_cast %scan3A_287 : i32 to index
      %get3A_315 = arith.constant 32 : index
      %get3A_316 = tpu.vector_load %arg17[%get3A_314, %get3A_315] {strides = array<i32>} : memref<80x64xf32, #tpu.memory_space<vmem>>, vector<1x16xf32>,
      %get3A_317 = vector.shape_cast %get3A_316 : vector<1x16xf32> to vector<16xf32>
      %mul3A_318 = arith.mulf %get3A_290, %get3A_317 : vector<16xf32>
      %swap3A_319 = arith.index_cast %scan3A_287 : i32 to index
      %swap3A_320 = arith.constant 32 : index
      %swap3A_321 = tpu.vector_load %arg18[%swap3A_319, %swap3A_320] {strides = array<i32>} : memref<80x64xf32, #tpu.memory_space<vmem>>, vector<1x16xf32>,
      %swap3A_322 = vector.shape_cast %swap3A_321 : vector<1x16xf32> to vector<16xf32>
      %swap3A_323 = vector.shape_cast %mul3A_318 : vector<16xf32> to vector<1x16xf32>
      tpu.vector_store %arg18[%swap3A_319, %swap3A_320], %swap3A_323 {strides = array<i32>} : memref<80x64xf32, #tpu.memory_space<vmem>>, vector<1x16xf32>,
      %get3A_324 = arith.index_cast %scan3A_287 : i32 to index
      %get3A_325 = arith.constant 48 : index
      %get3A_326 = tpu.vector_load %arg17[%get3A_324, %get3A_325] {strides = array<i32>} : memref<80x64xf32, #tpu.memory_space<vmem>>, vector<1x16xf32>,
      %get3A_327 = vector.shape_cast %get3A_326 : vector<1x16xf32> to vector<16xf32>
      %mul3A_328 = arith.mulf %get3A_294, %get3A_327 : vector<16xf32>
      %swap3A_329 = arith.index_cast %scan3A_287 : i32 to index
      %swap3A_330 = arith.constant 48 : index
      %swap3A_331 = tpu.vector_load %arg18[%swap3A_329, %swap3A_330] {strides = array<i32>} : memref<80x64xf32, #tpu.memory_space<vmem>>, vector<1x16xf32>,
      %swap3A_332 = vector.shape_cast %swap3A_331 : vector<1x16xf32> to vector<16xf32>
      %swap3A_333 = vector.shape_cast %mul3A_328 : vector<16xf32> to vector<1x16xf32>
      tpu.vector_store %arg18[%swap3A_329, %swap3A_330], %swap3A_333 {strides = array<i32>} : memref<80x64xf32, #tpu.memory_space<vmem>>, vector<1x16xf32>,
    }
    %scan3A_243 = arith.constant 80 : i32
    %dma_start3A_244 = arith.constant 0 : i32
    %dma_start3A_245 = arith.constant 0 : i32
    %dma_start3A_246 = tpu.memref_slice %arg19[%dma_start3A_244, %dma_start3A_245] : memref<25600x64xf32, #tpu.memory_space<vmem_shared>> -> memref<25600x64xf32, #tpu.memory_space<vmem_shared>>
    tpu.enqueue_indirect_dma source(%arg18 : memref<80x64xf32, #tpu.memory_space<vmem>>) target(%dma_start3A_246 : memref<25600x64xf32, #tpu.memory_space<vmem_shared>>) offsets(%arg12 : memref<80xi32, #tpu.memory_space<vmem>>) semaphore(%arg27 : memref<!tpu.dma_semaphore, #tpu.memory_space<semaphore_mem>>) {add = true}
    %dma_wait3A_247 = arith.constant 0 : i32
    %dma_wait3A_248 = arith.constant 0 : i32
    %dma_wait3A_249 = tpu.memref_slice %arg2[%dma_wait3A_247, %dma_wait3A_248] : memref<50000x32xf32, #tpu.memory_space<hbm>> -> memref<50000x32xf32, #tpu.memory_space<hbm>>
    tpu.wait_indirect_dma semaphore(%arg22 : memref<!tpu.dma_semaphore, #tpu.memory_space<semaphore_mem>>) src(%dma_wait3A_249 : memref<50000x32xf32, #tpu.memory_space<hbm>>) dst(%arg13 : memref<80x32xf32, #tpu.memory_space<vmem>>)
    %dma_wait3A_250 = arith.constant 0 : i32
    %dma_wait3A_251 = arith.constant 0 : i32
    %dma_wait3A_252 = tpu.memref_slice %arg3[%dma_wait3A_250, %dma_wait3A_251] : memref<416000x64xf32, #tpu.memory_space<hbm>> -> memref<80x64xf32, #tpu.memory_space<hbm>>
    %dma_wait3A_253 = arith.constant 0 : i32
    %dma_wait3A_254 = arith.constant 0 : i32
    %dma_wait3A_255 = tpu.memref_slice %arg3[%dma_wait3A_253, %dma_wait3A_254] : memref<416000x64xf32, #tpu.memory_space<hbm>> -> memref<80x64xf32, #tpu.memory_space<hbm>>
    tpu.wait_dma2 semaphore(%arg24 : memref<!tpu.dma_semaphore, #tpu.memory_space<semaphore_mem>>) src(%dma_wait3A_255 : memref<80x64xf32, #tpu.memory_space<hbm>>) dst(%arg15 : memref<80x64xf32, #tpu.memory_space<vmem>>)
    %dma_wait3A_256 = arith.constant 0 : i32
    %dma_wait3A_257 = arith.constant 0 : i32
    %dma_wait3A_258 = tpu.memref_slice %arg19[%dma_wait3A_256, %dma_wait3A_257] : memref<25600x64xf32, #tpu.memory_space<vmem_shared>> -> memref<25600x64xf32, #tpu.memory_space<vmem_shared>>
    tpu.wait_indirect_dma semaphore(%arg26 : memref<!tpu.dma_semaphore, #tpu.memory_space<semaphore_mem>>) src(%arg16 : memref<80x64xf32, #tpu.memory_space<vmem>>) dst(%dma_wait3A_258 : memref<25600x64xf32, #tpu.memory_space<vmem_shared>>)
    %scan3A_259 = arith.constant 0 : i32
    %scan3A_260 = arith.constant 0 : i32
    %scan3A_261 = arith.constant 5 : i32
    %scan3A_262 = arith.addi %scan3A_260, %scan3A_261 : i32
    %scan3A_263 = arith.constant 1 : i32
    scf.for %scan3A_287 = %scan3A_260 to %scan3A_262 step %scan3A_263  : i32 {
      %mul3A_288 = arith.constant 16 : i32
      %mul3A_289 = arith.muli %scan3A_287, %mul3A_288 : i32
      %get3A = arith.index_cast %mul3A_289 : i32 to index
      %get3A_290 = tpu.vector_load %arg9[%get3A] {strides = array<i32>} : memref<80xi32, #tpu.memory_space<vmem>>, vector<16xi32>,
      %get3A_291 = vector.shape_cast %get3A_290 : vector<16xi32> to vector<16xi32>
      %sub3A = vector.broadcast %mul3A_0 : i32 to vector<16xi32>
      %sub3A_292 = arith.subi %get3A_291, %sub3A : vector<16xi32>
      %ge3A = arith.constant 0 : i32
      %ge3A_293 = vector.broadcast %ge3A : i32 to vector<16xi32>
      %ge3A_294 = arith.cmpi sge, %sub3A_292, %ge3A_293 : vector<16xi32>
      %lt3A = arith.constant 25000 : i32
      %lt3A_295 = vector.broadcast %lt3A : i32 to vector<16xi32>
      %lt3A_296 = arith.cmpi slt, %sub3A_292, %lt3A_295 : vector<16xi32>
      %and3A = arith.andi %ge3A_294, %lt3A_296 : vector<16xi1>
      %jit3A = arith.constant 25000 : i32
      %broadcast_in_dim3A_297 = vector.broadcast %jit3A : i32 to vector<16xi32>
      %select_n3A = arith.select %and3A, %sub3A_292, %broadcast_in_dim3A_297 : vector<16xi1>, vector<16xi32>
      %mul3A_298 = arith.constant 16 : i32
      %mul3A_299 = arith.muli %scan3A_287, %mul3A_298 : i32
      %swap3A = arith.index_cast %mul3A_299 : i32 to index
      %swap3A_300 = tpu.vector_load %arg11[%swap3A] {strides = array<i32>} : memref<80xi32, #tpu.memory_space<vmem>>, vector<16xi32>,
      %swap3A_301 = vector.shape_cast %swap3A_300 : vector<16xi32> to vector<16xi32>
      %swap3A_302 = vector.shape_cast %select_n3A : vector<16xi32> to vector<16xi32>
      tpu.vector_store %arg11[%swap3A], %swap3A_302 {strides = array<i32>} : memref<80xi32, #tpu.memory_space<vmem>>, vector<16xi32>,
    }
    %scan3A_264 = arith.constant 5 : i32
    %scan3A_265 = arith.constant 0 : i32
    %scan3A_266 = arith.constant 0 : i32
    %scan3A_267 = arith.constant 80 : i32
    %scan3A_268 = arith.addi %scan3A_266, %scan3A_267 : i32
    %scan3A_269 = arith.constant 1 : i32
    scf.for %scan3A_287 = %scan3A_266 to %scan3A_268 step %scan3A_269  : i32 {
      %get3A = arith.index_cast %scan3A_287 : i32 to index
      %get3A_288 = arith.constant 0 : index
      %get3A_289 = tpu.vector_load %arg13[%get3A, %get3A_288] {strides = array<i32>} : memref<80x32xf32, #tpu.memory_space<vmem>>, vector<1x16xf32>,
      %get3A_290 = vector.shape_cast %get3A_289 : vector<1x16xf32> to vector<16xf32>
      %get3A_291 = arith.index_cast %scan3A_287 : i32 to index
      %get3A_292 = arith.constant 16 : index
      %get3A_293 = tpu.vector_load %arg13[%get3A_291, %get3A_292] {strides = array<i32>} : memref<80x32xf32, #tpu.memory_space<vmem>>, vector<1x16xf32>,
      %get3A_294 = vector.shape_cast %get3A_293 : vector<1x16xf32> to vector<16xf32>
      %get3A_295 = arith.index_cast %scan3A_287 : i32 to index
      %get3A_296 = arith.constant 0 : index
      %get3A_297 = tpu.vector_load %arg15[%get3A_295, %get3A_296] {strides = array<i32>} : memref<80x64xf32, #tpu.memory_space<vmem>>, vector<1x16xf32>,
      %get3A_298 = vector.shape_cast %get3A_297 : vector<1x16xf32> to vector<16xf32>
      %mul3A_299 = arith.mulf %get3A_290, %get3A_298 : vector<16xf32>
      %swap3A = arith.index_cast %scan3A_287 : i32 to index
      %swap3A_300 = arith.constant 0 : index
      %swap3A_301 = tpu.vector_load %arg16[%swap3A, %swap3A_300] {strides = array<i32>} : memref<80x64xf32, #tpu.memory_space<vmem>>, vector<1x16xf32>,
      %swap3A_302 = vector.shape_cast %swap3A_301 : vector<1x16xf32> to vector<16xf32>
      %swap3A_303 = vector.shape_cast %mul3A_299 : vector<16xf32> to vector<1x16xf32>
      tpu.vector_store %arg16[%swap3A, %swap3A_300], %swap3A_303 {strides = array<i32>} : memref<80x64xf32, #tpu.memory_space<vmem>>, vector<1x16xf32>,
      %get3A_304 = arith.index_cast %scan3A_287 : i32 to index
      %get3A_305 = arith.constant 16 : index
      %get3A_306 = tpu.vector_load %arg15[%get3A_304, %get3A_305] {strides = array<i32>} : memref<80x64xf32, #tpu.memory_space<vmem>>, vector<1x16xf32>,
      %get3A_307 = vector.shape_cast %get3A_306 : vector<1x16xf32> to vector<16xf32>
      %mul3A_308 = arith.mulf %get3A_294, %get3A_307 : vector<16xf32>
      %swap3A_309 = arith.index_cast %scan3A_287 : i32 to index
      %swap3A_310 = arith.constant 16 : index
      %swap3A_311 = tpu.vector_load %arg16[%swap3A_309, %swap3A_310] {strides = array<i32>} : memref<80x64xf32, #tpu.memory_space<vmem>>, vector<1x16xf32>,
      %swap3A_312 = vector.shape_cast %swap3A_311 : vector<1x16xf32> to vector<16xf32>
      %swap3A_313 = vector.shape_cast %mul3A_308 : vector<16xf32> to vector<1x16xf32>
      tpu.vector_store %arg16[%swap3A_309, %swap3A_310], %swap3A_313 {strides = array<i32>} : memref<80x64xf32, #tpu.memory_space<vmem>>, vector<1x16xf32>,
      %get3A_314 = arith.index_cast %scan3A_287 : i32 to index
      %get3A_315 = arith.constant 32 : index
      %get3A_316 = tpu.vector_load %arg15[%get3A_314, %get3A_315] {strides = array<i32>} : memref<80x64xf32, #tpu.memory_space<vmem>>, vector<1x16xf32>,
      %get3A_317 = vector.shape_cast %get3A_316 : vector<1x16xf32> to vector<16xf32>
      %mul3A_318 = arith.mulf %get3A_290, %get3A_317 : vector<16xf32>
      %swap3A_319 = arith.index_cast %scan3A_287 : i32 to index
      %swap3A_320 = arith.constant 32 : index
      %swap3A_321 = tpu.vector_load %arg16[%swap3A_319, %swap3A_320] {strides = array<i32>} : memref<80x64xf32, #tpu.memory_space<vmem>>, vector<1x16xf32>,
      %swap3A_322 = vector.shape_cast %swap3A_321 : vector<1x16xf32> to vector<16xf32>
      %swap3A_323 = vector.shape_cast %mul3A_318 : vector<16xf32> to vector<1x16xf32>
      tpu.vector_store %arg16[%swap3A_319, %swap3A_320], %swap3A_323 {strides = array<i32>} : memref<80x64xf32, #tpu.memory_space<vmem>>, vector<1x16xf32>,
      %get3A_324 = arith.index_cast %scan3A_287 : i32 to index
      %get3A_325 = arith.constant 48 : index
      %get3A_326 = tpu.vector_load %arg15[%get3A_324, %get3A_325] {strides = array<i32>} : memref<80x64xf32, #tpu.memory_space<vmem>>, vector<1x16xf32>,
      %get3A_327 = vector.shape_cast %get3A_326 : vector<1x16xf32> to vector<16xf32>
      %mul3A_328 = arith.mulf %get3A_294, %get3A_327 : vector<16xf32>
      %swap3A_329 = arith.index_cast %scan3A_287 : i32 to index
      %swap3A_330 = arith.constant 48 : index
      %swap3A_331 = tpu.vector_load %arg16[%swap3A_329, %swap3A_330] {strides = array<i32>} : memref<80x64xf32, #tpu.memory_space<vmem>>, vector<1x16xf32>,
      %swap3A_332 = vector.shape_cast %swap3A_331 : vector<1x16xf32> to vector<16xf32>
      %swap3A_333 = vector.shape_cast %mul3A_328 : vector<16xf32> to vector<1x16xf32>
      tpu.vector_store %arg16[%swap3A_329, %swap3A_330], %swap3A_333 {strides = array<i32>} : memref<80x64xf32, #tpu.memory_space<vmem>>, vector<1x16xf32>,
    }
    %scan3A_270 = arith.constant 80 : i32
    %dma_start3A_271 = arith.constant 0 : i32
    %dma_start3A_272 = arith.constant 0 : i32
    %dma_start3A_273 = tpu.memref_slice %arg19[%dma_start3A_271, %dma_start3A_272] : memref<25600x64xf32, #tpu.memory_space<vmem_shared>> -> memref<25600x64xf32, #tpu.memory_space<vmem_shared>>
    tpu.enqueue_indirect_dma source(%arg16 : memref<80x64xf32, #tpu.memory_space<vmem>>) target(%dma_start3A_273 : memref<25600x64xf32, #tpu.memory_space<vmem_shared>>) offsets(%arg11 : memref<80xi32, #tpu.memory_space<vmem>>) semaphore(%arg26 : memref<!tpu.dma_semaphore, #tpu.memory_space<semaphore_mem>>) {add = true}
    %dma_wait3A_274 = arith.constant 0 : i32
    %dma_wait3A_275 = arith.constant 0 : i32
    %dma_wait3A_276 = tpu.memref_slice %arg19[%dma_wait3A_274, %dma_wait3A_275] : memref<25600x64xf32, #tpu.memory_space<vmem_shared>> -> memref<25600x64xf32, #tpu.memory_space<vmem_shared>>
    tpu.wait_indirect_dma semaphore(%arg27 : memref<!tpu.dma_semaphore, #tpu.memory_space<semaphore_mem>>) src(%arg18 : memref<80x64xf32, #tpu.memory_space<vmem>>) dst(%dma_wait3A_276 : memref<25600x64xf32, #tpu.memory_space<vmem_shared>>)
    %dma_wait3A_277 = arith.constant 0 : i32
    %dma_wait3A_278 = arith.constant 0 : i32
    %dma_wait3A_279 = tpu.memref_slice %arg19[%dma_wait3A_277, %dma_wait3A_278] : memref<25600x64xf32, #tpu.memory_space<vmem_shared>> -> memref<25600x64xf32, #tpu.memory_space<vmem_shared>>
    tpu.wait_indirect_dma semaphore(%arg26 : memref<!tpu.dma_semaphore, #tpu.memory_space<semaphore_mem>>) src(%arg16 : memref<80x64xf32, #tpu.memory_space<vmem>>) dst(%dma_wait3A_279 : memref<25600x64xf32, #tpu.memory_space<vmem_shared>>)
    %barrier3A_280 = arith.constant 0 : index
    tpu.barrier barrier_id(%barrier3A_280)
    %scan3A_281 = arith.constant 0 : i32
    %scan3A_282 = arith.constant 0 : i32
    %scan3A_283 = arith.constant 20 : i32
    %scan3A_284 = arith.addi %scan3A_282, %scan3A_283 : i32
    %scan3A_285 = arith.constant 1 : i32
    scf.for %scan3A_287 = %scan3A_282 to %scan3A_284 step %scan3A_285  : i32 {
      %mul3A_288 = arith.constant 80 : i32
      %mul3A_289 = arith.muli %scan3A_287, %mul3A_288 : i32
      %add3A_290 = arith.addi %mul3A_8, %mul3A_289 : i32
      "tpu.region"() ({
        %run_scoped3A = tpu.sem_alloc : memref<!tpu.dma_semaphore, #tpu.memory_space<semaphore_mem>>
        %dma_start3A_294 = arith.constant 0 : i32
        %dma_start3A_295 = tpu.memref_slice %arg19[%add3A_290, %dma_start3A_294] : memref<25600x64xf32, #tpu.memory_space<vmem_shared>> -> memref<80x64xf32, #tpu.memory_space<vmem_shared>>
        %dma_start3A_296 = arith.constant 0 : i32
        %dma_start3A_297 = tpu.memref_slice %arg19[%add3A_290, %dma_start3A_296] : memref<25600x64xf32, #tpu.memory_space<vmem_shared>> -> memref<80x64xf32, #tpu.memory_space<vmem_shared>>
        tpu.enqueue_dma source(%dma_start3A_297 : memref<80x64xf32, #tpu.memory_space<vmem_shared>>) target(%arg15 : memref<80x64xf32, #tpu.memory_space<vmem>>) target_semaphore(%run_scoped3A : memref<!tpu.dma_semaphore, #tpu.memory_space<semaphore_mem>>)
        %dma_wait3A_298 = arith.constant 0 : i32
        %dma_wait3A_299 = tpu.memref_slice %arg19[%add3A_290, %dma_wait3A_298] : memref<25600x64xf32, #tpu.memory_space<vmem_shared>> -> memref<80x64xf32, #tpu.memory_space<vmem_shared>>
        %dma_wait3A_300 = arith.constant 0 : i32
        %dma_wait3A_301 = tpu.memref_slice %arg19[%add3A_290, %dma_wait3A_300] : memref<25600x64xf32, #tpu.memory_space<vmem_shared>> -> memref<80x64xf32, #tpu.memory_space<vmem_shared>>
        tpu.wait_dma2 semaphore(%run_scoped3A : memref<!tpu.dma_semaphore, #tpu.memory_space<semaphore_mem>>) src(%dma_wait3A_301 : memref<80x64xf32, #tpu.memory_space<vmem_shared>>) dst(%arg15 : memref<80x64xf32, #tpu.memory_space<vmem>>)
        tpu.yield
      }) : () -> ()
      %mul3A_291 = arith.constant 25600 : i32
      %mul3A_292 = arith.muli %arg0, %mul3A_291 : i32
      %add3A_293 = arith.addi %mul3A_292, %add3A_290 : i32
      "tpu.region"() ({
        %run_scoped3A = tpu.sem_alloc : memref<!tpu.dma_semaphore, #tpu.memory_space<semaphore_mem>>
        %dma_start3A_294 = arith.constant 0 : i32
        %dma_start3A_295 = tpu.memref_slice %arg6[%add3A_293, %dma_start3A_294] : memref<51200x64xf32, #tpu.memory_space<hbm>> -> memref<80x64xf32, #tpu.memory_space<hbm>>
        %dma_start3A_296 = arith.constant 0 : i32
        %dma_start3A_297 = tpu.memref_slice %arg6[%add3A_293, %dma_start3A_296] : memref<51200x64xf32, #tpu.memory_space<hbm>> -> memref<80x64xf32, #tpu.memory_space<hbm>>
        tpu.enqueue_dma source(%arg15 : memref<80x64xf32, #tpu.memory_space<vmem>>) target(%dma_start3A_297 : memref<80x64xf32, #tpu.memory_space<hbm>>) target_semaphore(%run_scoped3A : memref<!tpu.dma_semaphore, #tpu.memory_space<semaphore_mem>>)
        %dma_wait3A_298 = arith.constant 0 : i32
        %dma_wait3A_299 = tpu.memref_slice %arg6[%add3A_293, %dma_wait3A_298] : memref<51200x64xf32, #tpu.memory_space<hbm>> -> memref<80x64xf32, #tpu.memory_space<hbm>>
        %dma_wait3A_300 = arith.constant 0 : i32
        %dma_wait3A_301 = tpu.memref_slice %arg6[%add3A_293, %dma_wait3A_300] : memref<51200x64xf32, #tpu.memory_space<hbm>> -> memref<80x64xf32, #tpu.memory_space<hbm>>
        tpu.wait_dma2 semaphore(%run_scoped3A : memref<!tpu.dma_semaphore, #tpu.memory_space<semaphore_mem>>) src(%arg15 : memref<80x64xf32, #tpu.memory_space<vmem>>) dst(%dma_wait3A_301 : memref<80x64xf32, #tpu.memory_space<hbm>>)
        tpu.yield
      }) : () -> ()
    }
    %scan3A_286 = arith.constant 20 : i32
    return
  }
}

#map = affine_map<(d0, d1) -> (0, 0)>
#map1 = affine_map<(d0, d1) -> (0)>
module attributes {stable_mosaic.version = 14 : i64} {
  func.func @scatter(%arg0: i32, %arg1: i32, %arg2: memref<50000x32xf32, #tpu.memory_space<hbm>>, %arg3: memref<384000x64xf32, #tpu.memory_space<hbm>>, %arg4: memref<800000xi32, #tpu.memory_space<hbm>>, %arg5: memref<800000xi32, #tpu.memory_space<hbm>>, %arg6: memref<51200x64xf32, #tpu.memory_space<hbm>>, %arg7: memref<80xi32, #tpu.memory_space<vmem>>, %arg8: memref<80xi32, #tpu.memory_space<vmem>>, %arg9: memref<80xi32, #tpu.memory_space<vmem>>, %arg10: memref<80xi32, #tpu.memory_space<vmem>>, %arg11: memref<80xi32, #tpu.memory_space<vmem>>, %arg12: memref<80xi32, #tpu.memory_space<vmem>>, %arg13: memref<80x32xf32, #tpu.memory_space<vmem>>, %arg14: memref<80x32xf32, #tpu.memory_space<vmem>>, %arg15: memref<80x64xf32, #tpu.memory_space<vmem>>, %arg16: memref<80x64xf32, #tpu.memory_space<vmem>>, %arg17: memref<80x64xf32, #tpu.memory_space<vmem>>, %arg18: memref<80x64xf32, #tpu.memory_space<vmem>>, %arg19: memref<25600x64xf32, #tpu.memory_space<vmem_shared>>, %arg20: memref<!tpu.dma_semaphore, #tpu.memory_space<semaphore_mem>>, %arg21: memref<!tpu.dma_semaphore, #tpu.memory_space<semaphore_mem>>, %arg22: memref<!tpu.dma_semaphore, #tpu.memory_space<semaphore_mem>>, %arg23: memref<!tpu.dma_semaphore, #tpu.memory_space<semaphore_mem>>, %arg24: memref<!tpu.dma_semaphore, #tpu.memory_space<semaphore_mem>>, %arg25: memref<!tpu.dma_semaphore, #tpu.memory_space<semaphore_mem>>, %arg26: memref<!tpu.dma_semaphore, #tpu.memory_space<semaphore_mem>>, %arg27: memref<!tpu.dma_semaphore, #tpu.memory_space<semaphore_mem>>) attributes {dimension_semantics = [#tpu.dimension_semantics<core_parallel>, #tpu.dimension_semantics<subcore_parallel>], iteration_bounds = array<i64: 2, 16>, scalar_prefetch = 0 : i64, scratch_operands = 21 : i64, tpu.core_type = #tpu.core_type<sc_vector_subcore>, window_params = [{transform_indices = #map}, {transform_indices = #map}, {transform_indices = #map1}, {transform_indices = #map1}, {transform_indices = #map}]} {
    %mul3A = arith.constant 25000 : i32
    %mul3A_0 = arith.muli %arg0, %mul3A : i32
    %broadcast_in_dim3A = arith.constant 0.000000e+00 : f32
    %broadcast_in_dim3A_1 = vector.broadcast %broadcast_in_dim3A : f32 to vector<16xf32>
    %scan3A = arith.constant 0 : i32
    %scan3A_2 = arith.constant 0 : i32
    %scan3A_3 = arith.constant 320 : i32
    %scan3A_4 = arith.addi %scan3A_2, %scan3A_3 : i32
    %scan3A_5 = arith.constant 1 : i32
    scf.for %scan3A_235 = %scan3A_2 to %scan3A_4 step %scan3A_5  : i32 {
      %jit3A = arith.constant 4 : i32
      %div3A = arith.divsi %scan3A_235, %jit3A : i32
      %sign3A = arith.constant 0 : i32
      %sign3A_236 = arith.cmpi sgt, %scan3A_235, %sign3A : i32
      %sign3A_237 = arith.extui %sign3A_236 : i1 to i32
      %sign3A_238 = arith.constant 0 : i32
      %sign3A_239 = arith.cmpi slt, %scan3A_235, %sign3A_238 : i32
      %sign3A_240 = arith.extui %sign3A_239 : i1 to i32
      %sign3A_241 = arith.subi %sign3A_237, %sign3A_240 : i32
      %sign3A_242 = arith.constant 0 : i32
      %sign3A_243 = arith.cmpi sgt, %jit3A, %sign3A_242 : i32
      %sign3A_244 = arith.extui %sign3A_243 : i1 to i32
      %sign3A_245 = arith.constant 0 : i32
      %sign3A_246 = arith.cmpi slt, %jit3A, %sign3A_245 : i32
      %sign3A_247 = arith.extui %sign3A_246 : i1 to i32
      %sign3A_248 = arith.subi %sign3A_244, %sign3A_247 : i32
      %ne3A = arith.cmpi ne, %sign3A_241, %sign3A_248 : i32
      %rem3A = arith.remsi %scan3A_235, %jit3A : i32
      %ne3A_249 = arith.constant 0 : i32
      %ne3A_250 = arith.cmpi ne, %rem3A, %ne3A_249 : i32
      %and3A = arith.andi %ne3A, %ne3A_250 : i1
      %sub3A = arith.constant 1 : i32
      %sub3A_251 = arith.subi %div3A, %sub3A : i32
      %select_n3A = arith.select %and3A, %sub3A_251, %div3A : i32
      %jit3A_252 = arith.constant 4 : i32
      %eq3A = arith.constant 0 : i32
      %eq3A_253 = arith.cmpi eq, %jit3A_252, %eq3A : i32
      %jit3A_254 = arith.constant 1 : i32
      %select_n3A_255 = arith.select %eq3A_253, %jit3A_254, %jit3A_252 : i32
      %rem3A_256 = arith.remsi %scan3A_235, %select_n3A_255 : i32
      %ne3A_257 = arith.constant 0 : i32
      %ne3A_258 = arith.cmpi ne, %rem3A_256, %ne3A_257 : i32
      %lt3A = arith.constant 0 : i32
      %lt3A_259 = arith.cmpi slt, %rem3A_256, %lt3A : i32
      %lt3A_260 = arith.constant 0 : i32
      %lt3A_261 = arith.cmpi slt, %select_n3A_255, %lt3A_260 : i32
      %ne3A_262 = arith.xori %lt3A_259, %lt3A_261 : i1
      %and3A_263 = arith.andi %ne3A_262, %ne3A_258 : i1
      %add3A_264 = arith.addi %rem3A_256, %select_n3A_255 : i32
      %select_n3A_265 = arith.select %and3A_263, %add3A_264, %rem3A_256 : i32
      %mul3A_266 = arith.constant 16 : i32
      %mul3A_267 = arith.muli %select_n3A_265, %mul3A_266 : i32
      %swap3A = arith.index_cast %select_n3A : i32 to index
      %swap3A_268 = arith.index_cast %mul3A_267 : i32 to index
      %swap3A_269 = tpu.vector_load %arg16[%swap3A, %swap3A_268] {strides = array<i32>} : memref<80x64xf32, #tpu.memory_space<vmem>>, vector<1x16xf32>,
      %swap3A_270 = vector.shape_cast %swap3A_269 : vector<1x16xf32> to vector<16xf32>
      %swap3A_271 = vector.shape_cast %broadcast_in_dim3A_1 : vector<16xf32> to vector<1x16xf32>
      tpu.vector_store %arg16[%swap3A, %swap3A_268], %swap3A_271 {strides = array<i32>} : memref<80x64xf32, #tpu.memory_space<vmem>>, vector<1x16xf32>,
    }
    %scan3A_6 = arith.constant 320 : i32
    %mul3A_7 = arith.constant 1600 : i32
    %mul3A_8 = arith.muli %arg1, %mul3A_7 : i32
    %scan3A_9 = arith.constant 0 : i32
    %scan3A_10 = arith.constant 0 : i32
    %scan3A_11 = arith.constant 20 : i32
    %scan3A_12 = arith.addi %scan3A_10, %scan3A_11 : i32
    %scan3A_13 = arith.constant 1 : i32
    scf.for %scan3A_235 = %scan3A_10 to %scan3A_12 step %scan3A_13  : i32 {
      %mul3A_236 = arith.constant 80 : i32
      %mul3A_237 = arith.muli %scan3A_235, %mul3A_236 : i32
      %add3A_238 = arith.addi %mul3A_8, %mul3A_237 : i32
      "tpu.region"() ({
        %run_scoped3A = tpu.sem_alloc : memref<!tpu.dma_semaphore, #tpu.memory_space<semaphore_mem>>
        %dma_start3A_239 = arith.constant 0 : i32
        %dma_start3A_240 = tpu.memref_slice %arg19[%add3A_238, %dma_start3A_239] : memref<25600x64xf32, #tpu.memory_space<vmem_shared>> -> memref<80x64xf32, #tpu.memory_space<vmem_shared>>
        %dma_start3A_241 = arith.constant 0 : i32
        %dma_start3A_242 = tpu.memref_slice %arg19[%add3A_238, %dma_start3A_241] : memref<25600x64xf32, #tpu.memory_space<vmem_shared>> -> memref<80x64xf32, #tpu.memory_space<vmem_shared>>
        tpu.enqueue_dma source(%arg16 : memref<80x64xf32, #tpu.memory_space<vmem>>) target(%dma_start3A_242 : memref<80x64xf32, #tpu.memory_space<vmem_shared>>) target_semaphore(%run_scoped3A : memref<!tpu.dma_semaphore, #tpu.memory_space<semaphore_mem>>)
        %dma_wait3A_243 = arith.constant 0 : i32
        %dma_wait3A_244 = tpu.memref_slice %arg19[%add3A_238, %dma_wait3A_243] : memref<25600x64xf32, #tpu.memory_space<vmem_shared>> -> memref<80x64xf32, #tpu.memory_space<vmem_shared>>
        %dma_wait3A_245 = arith.constant 0 : i32
        %dma_wait3A_246 = tpu.memref_slice %arg19[%add3A_238, %dma_wait3A_245] : memref<25600x64xf32, #tpu.memory_space<vmem_shared>> -> memref<80x64xf32, #tpu.memory_space<vmem_shared>>
        tpu.wait_dma2 semaphore(%run_scoped3A : memref<!tpu.dma_semaphore, #tpu.memory_space<semaphore_mem>>) src(%arg16 : memref<80x64xf32, #tpu.memory_space<vmem>>) dst(%dma_wait3A_246 : memref<80x64xf32, #tpu.memory_space<vmem_shared>>)
        tpu.yield
      }) : () -> ()
    }
    %scan3A_14 = arith.constant 20 : i32
    %barrier3A = arith.constant 0 : index
    tpu.barrier barrier_id(%barrier3A)
    %mul3A_15 = arith.constant 24000 : i32
    %mul3A_16 = arith.muli %arg1, %mul3A_15 : i32
    %add3A = arith.constant 0 : i32
    %add3A_17 = arith.addi %add3A, %mul3A_16 : i32
    %add3A_18 = arith.constant 0 : i32
    %add3A_19 = arith.addi %add3A_17, %add3A_18 : i32
    %dma_start3A = tpu.memref_slice %arg4[%add3A_19] : memref<800000xi32, #tpu.memory_space<hbm>> -> memref<80xi32, #tpu.memory_space<hbm>>
    %dma_start3A_20 = tpu.memref_slice %arg4[%add3A_19] : memref<800000xi32, #tpu.memory_space<hbm>> -> memref<80xi32, #tpu.memory_space<hbm>>
    tpu.enqueue_dma source(%dma_start3A_20 : memref<80xi32, #tpu.memory_space<hbm>>) target(%arg7 : memref<80xi32, #tpu.memory_space<vmem>>) target_semaphore(%arg20 : memref<!tpu.dma_semaphore, #tpu.memory_space<semaphore_mem>>)
    %dma_start3A_21 = tpu.memref_slice %arg5[%add3A_19] : memref<800000xi32, #tpu.memory_space<hbm>> -> memref<80xi32, #tpu.memory_space<hbm>>
    %dma_start3A_22 = tpu.memref_slice %arg5[%add3A_19] : memref<800000xi32, #tpu.memory_space<hbm>> -> memref<80xi32, #tpu.memory_space<hbm>>
    tpu.enqueue_dma source(%dma_start3A_22 : memref<80xi32, #tpu.memory_space<hbm>>) target(%arg9 : memref<80xi32, #tpu.memory_space<vmem>>) target_semaphore(%arg20 : memref<!tpu.dma_semaphore, #tpu.memory_space<semaphore_mem>>)
    %add3A_23 = arith.constant 0 : i32
    %add3A_24 = arith.addi %add3A_23, %mul3A_16 : i32
    %add3A_25 = arith.constant 80 : i32
    %add3A_26 = arith.addi %add3A_24, %add3A_25 : i32
    %dma_start3A_27 = tpu.memref_slice %arg4[%add3A_26] : memref<800000xi32, #tpu.memory_space<hbm>> -> memref<80xi32, #tpu.memory_space<hbm>>
    %dma_start3A_28 = tpu.memref_slice %arg4[%add3A_26] : memref<800000xi32, #tpu.memory_space<hbm>> -> memref<80xi32, #tpu.memory_space<hbm>>
    tpu.enqueue_dma source(%dma_start3A_28 : memref<80xi32, #tpu.memory_space<hbm>>) target(%arg8 : memref<80xi32, #tpu.memory_space<vmem>>) target_semaphore(%arg21 : memref<!tpu.dma_semaphore, #tpu.memory_space<semaphore_mem>>)
    %dma_start3A_29 = tpu.memref_slice %arg5[%add3A_26] : memref<800000xi32, #tpu.memory_space<hbm>> -> memref<80xi32, #tpu.memory_space<hbm>>
    %dma_start3A_30 = tpu.memref_slice %arg5[%add3A_26] : memref<800000xi32, #tpu.memory_space<hbm>> -> memref<80xi32, #tpu.memory_space<hbm>>
    tpu.enqueue_dma source(%dma_start3A_30 : memref<80xi32, #tpu.memory_space<hbm>>) target(%arg10 : memref<80xi32, #tpu.memory_space<vmem>>) target_semaphore(%arg21 : memref<!tpu.dma_semaphore, #tpu.memory_space<semaphore_mem>>)
    %dma_wait3A = arith.constant 0 : i32
    %dma_wait3A_31 = tpu.memref_slice %arg4[%dma_wait3A] : memref<800000xi32, #tpu.memory_space<hbm>> -> memref<80xi32, #tpu.memory_space<hbm>>
    %dma_wait3A_32 = arith.constant 0 : i32
    %dma_wait3A_33 = tpu.memref_slice %arg4[%dma_wait3A_32] : memref<800000xi32, #tpu.memory_space<hbm>> -> memref<80xi32, #tpu.memory_space<hbm>>
    tpu.wait_dma2 semaphore(%arg20 : memref<!tpu.dma_semaphore, #tpu.memory_space<semaphore_mem>>) src(%dma_wait3A_33 : memref<80xi32, #tpu.memory_space<hbm>>) dst(%arg7 : memref<80xi32, #tpu.memory_space<vmem>>)
    %dma_wait3A_34 = arith.constant 0 : i32
    %dma_wait3A_35 = tpu.memref_slice %arg5[%dma_wait3A_34] : memref<800000xi32, #tpu.memory_space<hbm>> -> memref<80xi32, #tpu.memory_space<hbm>>
    %dma_wait3A_36 = arith.constant 0 : i32
    %dma_wait3A_37 = tpu.memref_slice %arg5[%dma_wait3A_36] : memref<800000xi32, #tpu.memory_space<hbm>> -> memref<80xi32, #tpu.memory_space<hbm>>
    tpu.wait_dma2 semaphore(%arg20 : memref<!tpu.dma_semaphore, #tpu.memory_space<semaphore_mem>>) src(%dma_wait3A_37 : memref<80xi32, #tpu.memory_space<hbm>>) dst(%arg9 : memref<80xi32, #tpu.memory_space<vmem>>)
    %add3A_38 = arith.constant 0 : i32
    %add3A_39 = arith.addi %mul3A_16, %add3A_38 : i32
    %dma_start3A_40 = arith.constant 0 : i32
    %dma_start3A_41 = arith.constant 0 : i32
    %dma_start3A_42 = tpu.memref_slice %arg2[%dma_start3A_40, %dma_start3A_41] : memref<50000x32xf32, #tpu.memory_space<hbm>> -> memref<50000x32xf32, #tpu.memory_space<hbm>>
    tpu.enqueue_indirect_dma source(%dma_start3A_42 : memref<50000x32xf32, #tpu.memory_space<hbm>>) target(%arg13 : memref<80x32xf32, #tpu.memory_space<vmem>>) offsets(%arg7 : memref<80xi32, #tpu.memory_space<vmem>>) semaphore(%arg22 : memref<!tpu.dma_semaphore, #tpu.memory_space<semaphore_mem>>)
    %dma_start3A_43 = arith.constant 0 : i32
    %dma_start3A_44 = tpu.memref_slice %arg3[%add3A_39, %dma_start3A_43] : memref<384000x64xf32, #tpu.memory_space<hbm>> -> memref<80x64xf32, #tpu.memory_space<hbm>>
    %dma_start3A_45 = arith.constant 0 : i32
    %dma_start3A_46 = tpu.memref_slice %arg3[%add3A_39, %dma_start3A_45] : memref<384000x64xf32, #tpu.memory_space<hbm>> -> memref<80x64xf32, #tpu.memory_space<hbm>>
    tpu.enqueue_dma source(%dma_start3A_46 : memref<80x64xf32, #tpu.memory_space<hbm>>) target(%arg15 : memref<80x64xf32, #tpu.memory_space<vmem>>) target_semaphore(%arg24 : memref<!tpu.dma_semaphore, #tpu.memory_space<semaphore_mem>>)
    %dma_wait3A_47 = arith.constant 0 : i32
    %dma_wait3A_48 = tpu.memref_slice %arg4[%dma_wait3A_47] : memref<800000xi32, #tpu.memory_space<hbm>> -> memref<80xi32, #tpu.memory_space<hbm>>
    %dma_wait3A_49 = arith.constant 0 : i32
    %dma_wait3A_50 = tpu.memref_slice %arg4[%dma_wait3A_49] : memref<800000xi32, #tpu.memory_space<hbm>> -> memref<80xi32, #tpu.memory_space<hbm>>
    tpu.wait_dma2 semaphore(%arg21 : memref<!tpu.dma_semaphore, #tpu.memory_space<semaphore_mem>>) src(%dma_wait3A_50 : memref<80xi32, #tpu.memory_space<hbm>>) dst(%arg8 : memref<80xi32, #tpu.memory_space<vmem>>)
    %dma_wait3A_51 = arith.constant 0 : i32
    %dma_wait3A_52 = tpu.memref_slice %arg5[%dma_wait3A_51] : memref<800000xi32, #tpu.memory_space<hbm>> -> memref<80xi32, #tpu.memory_space<hbm>>
    %dma_wait3A_53 = arith.constant 0 : i32
    %dma_wait3A_54 = tpu.memref_slice %arg5[%dma_wait3A_53] : memref<800000xi32, #tpu.memory_space<hbm>> -> memref<80xi32, #tpu.memory_space<hbm>>
    tpu.wait_dma2 semaphore(%arg21 : memref<!tpu.dma_semaphore, #tpu.memory_space<semaphore_mem>>) src(%dma_wait3A_54 : memref<80xi32, #tpu.memory_space<hbm>>) dst(%arg10 : memref<80xi32, #tpu.memory_space<vmem>>)
    %add3A_55 = arith.constant 80 : i32
    %add3A_56 = arith.addi %mul3A_16, %add3A_55 : i32
    %dma_start3A_57 = arith.constant 0 : i32
    %dma_start3A_58 = arith.constant 0 : i32
    %dma_start3A_59 = tpu.memref_slice %arg2[%dma_start3A_57, %dma_start3A_58] : memref<50000x32xf32, #tpu.memory_space<hbm>> -> memref<50000x32xf32, #tpu.memory_space<hbm>>
    tpu.enqueue_indirect_dma source(%dma_start3A_59 : memref<50000x32xf32, #tpu.memory_space<hbm>>) target(%arg14 : memref<80x32xf32, #tpu.memory_space<vmem>>) offsets(%arg8 : memref<80xi32, #tpu.memory_space<vmem>>) semaphore(%arg23 : memref<!tpu.dma_semaphore, #tpu.memory_space<semaphore_mem>>)
    %dma_start3A_60 = arith.constant 0 : i32
    %dma_start3A_61 = tpu.memref_slice %arg3[%add3A_56, %dma_start3A_60] : memref<384000x64xf32, #tpu.memory_space<hbm>> -> memref<80x64xf32, #tpu.memory_space<hbm>>
    %dma_start3A_62 = arith.constant 0 : i32
    %dma_start3A_63 = tpu.memref_slice %arg3[%add3A_56, %dma_start3A_62] : memref<384000x64xf32, #tpu.memory_space<hbm>> -> memref<80x64xf32, #tpu.memory_space<hbm>>
    tpu.enqueue_dma source(%dma_start3A_63 : memref<80x64xf32, #tpu.memory_space<hbm>>) target(%arg17 : memref<80x64xf32, #tpu.memory_space<vmem>>) target_semaphore(%arg25 : memref<!tpu.dma_semaphore, #tpu.memory_space<semaphore_mem>>)
    %dma_wait3A_64 = arith.constant 0 : i32
    %dma_wait3A_65 = arith.constant 0 : i32
    %dma_wait3A_66 = tpu.memref_slice %arg2[%dma_wait3A_64, %dma_wait3A_65] : memref<50000x32xf32, #tpu.memory_space<hbm>> -> memref<50000x32xf32, #tpu.memory_space<hbm>>
    tpu.wait_indirect_dma semaphore(%arg22 : memref<!tpu.dma_semaphore, #tpu.memory_space<semaphore_mem>>) src(%dma_wait3A_66 : memref<50000x32xf32, #tpu.memory_space<hbm>>) dst(%arg13 : memref<80x32xf32, #tpu.memory_space<vmem>>)
    %dma_wait3A_67 = arith.constant 0 : i32
    %dma_wait3A_68 = arith.constant 0 : i32
    %dma_wait3A_69 = tpu.memref_slice %arg3[%dma_wait3A_67, %dma_wait3A_68] : memref<384000x64xf32, #tpu.memory_space<hbm>> -> memref<80x64xf32, #tpu.memory_space<hbm>>
    %dma_wait3A_70 = arith.constant 0 : i32
    %dma_wait3A_71 = arith.constant 0 : i32
    %dma_wait3A_72 = tpu.memref_slice %arg3[%dma_wait3A_70, %dma_wait3A_71] : memref<384000x64xf32, #tpu.memory_space<hbm>> -> memref<80x64xf32, #tpu.memory_space<hbm>>
    tpu.wait_dma2 semaphore(%arg24 : memref<!tpu.dma_semaphore, #tpu.memory_space<semaphore_mem>>) src(%dma_wait3A_72 : memref<80x64xf32, #tpu.memory_space<hbm>>) dst(%arg15 : memref<80x64xf32, #tpu.memory_space<vmem>>)
    %scan3A_73 = arith.constant 0 : i32
    %scan3A_74 = arith.constant 0 : i32
    %scan3A_75 = arith.constant 5 : i32
    %scan3A_76 = arith.addi %scan3A_74, %scan3A_75 : i32
    %scan3A_77 = arith.constant 1 : i32
    scf.for %scan3A_235 = %scan3A_74 to %scan3A_76 step %scan3A_77  : i32 {
      %mul3A_236 = arith.constant 16 : i32
      %mul3A_237 = arith.muli %scan3A_235, %mul3A_236 : i32
      %get3A = arith.index_cast %mul3A_237 : i32 to index
      %get3A_238 = tpu.vector_load %arg9[%get3A] {strides = array<i32>} : memref<80xi32, #tpu.memory_space<vmem>>, vector<16xi32>,
      %get3A_239 = vector.shape_cast %get3A_238 : vector<16xi32> to vector<16xi32>
      %sub3A = vector.broadcast %mul3A_0 : i32 to vector<16xi32>
      %sub3A_240 = arith.subi %get3A_239, %sub3A : vector<16xi32>
      %ge3A = arith.constant 0 : i32
      %ge3A_241 = vector.broadcast %ge3A : i32 to vector<16xi32>
      %ge3A_242 = arith.cmpi sge, %sub3A_240, %ge3A_241 : vector<16xi32>
      %lt3A = arith.constant 25000 : i32
      %lt3A_243 = vector.broadcast %lt3A : i32 to vector<16xi32>
      %lt3A_244 = arith.cmpi slt, %sub3A_240, %lt3A_243 : vector<16xi32>
      %and3A = arith.andi %ge3A_242, %lt3A_244 : vector<16xi1>
      %jit3A = arith.constant 25000 : i32
      %broadcast_in_dim3A_245 = vector.broadcast %jit3A : i32 to vector<16xi32>
      %select_n3A = arith.select %and3A, %sub3A_240, %broadcast_in_dim3A_245 : vector<16xi1>, vector<16xi32>
      %mul3A_246 = arith.constant 16 : i32
      %mul3A_247 = arith.muli %scan3A_235, %mul3A_246 : i32
      %swap3A = arith.index_cast %mul3A_247 : i32 to index
      %swap3A_248 = tpu.vector_load %arg11[%swap3A] {strides = array<i32>} : memref<80xi32, #tpu.memory_space<vmem>>, vector<16xi32>,
      %swap3A_249 = vector.shape_cast %swap3A_248 : vector<16xi32> to vector<16xi32>
      %swap3A_250 = vector.shape_cast %select_n3A : vector<16xi32> to vector<16xi32>
      tpu.vector_store %arg11[%swap3A], %swap3A_250 {strides = array<i32>} : memref<80xi32, #tpu.memory_space<vmem>>, vector<16xi32>,
    }
    %scan3A_78 = arith.constant 5 : i32
    %add3A_79 = arith.constant 0 : i32
    %add3A_80 = arith.addi %add3A_79, %mul3A_16 : i32
    %add3A_81 = arith.constant 160 : i32
    %add3A_82 = arith.addi %add3A_80, %add3A_81 : i32
    %dma_start3A_83 = tpu.memref_slice %arg4[%add3A_82] : memref<800000xi32, #tpu.memory_space<hbm>> -> memref<80xi32, #tpu.memory_space<hbm>>
    %dma_start3A_84 = tpu.memref_slice %arg4[%add3A_82] : memref<800000xi32, #tpu.memory_space<hbm>> -> memref<80xi32, #tpu.memory_space<hbm>>
    tpu.enqueue_dma source(%dma_start3A_84 : memref<80xi32, #tpu.memory_space<hbm>>) target(%arg7 : memref<80xi32, #tpu.memory_space<vmem>>) target_semaphore(%arg20 : memref<!tpu.dma_semaphore, #tpu.memory_space<semaphore_mem>>)
    %dma_start3A_85 = tpu.memref_slice %arg5[%add3A_82] : memref<800000xi32, #tpu.memory_space<hbm>> -> memref<80xi32, #tpu.memory_space<hbm>>
    %dma_start3A_86 = tpu.memref_slice %arg5[%add3A_82] : memref<800000xi32, #tpu.memory_space<hbm>> -> memref<80xi32, #tpu.memory_space<hbm>>
    tpu.enqueue_dma source(%dma_start3A_86 : memref<80xi32, #tpu.memory_space<hbm>>) target(%arg9 : memref<80xi32, #tpu.memory_space<vmem>>) target_semaphore(%arg20 : memref<!tpu.dma_semaphore, #tpu.memory_space<semaphore_mem>>)
    %scan3A_87 = arith.constant 0 : i32
    %scan3A_88 = arith.constant 0 : i32
    %scan3A_89 = arith.constant 80 : i32
    %scan3A_90 = arith.addi %scan3A_88, %scan3A_89 : i32
    %scan3A_91 = arith.constant 1 : i32
    scf.for %scan3A_235 = %scan3A_88 to %scan3A_90 step %scan3A_91  : i32 {
      %get3A = arith.index_cast %scan3A_235 : i32 to index
      %get3A_236 = arith.constant 0 : index
      %get3A_237 = tpu.vector_load %arg13[%get3A, %get3A_236] {strides = array<i32>} : memref<80x32xf32, #tpu.memory_space<vmem>>, vector<1x16xf32>,
      %get3A_238 = vector.shape_cast %get3A_237 : vector<1x16xf32> to vector<16xf32>
      %get3A_239 = arith.index_cast %scan3A_235 : i32 to index
      %get3A_240 = arith.constant 16 : index
      %get3A_241 = tpu.vector_load %arg13[%get3A_239, %get3A_240] {strides = array<i32>} : memref<80x32xf32, #tpu.memory_space<vmem>>, vector<1x16xf32>,
      %get3A_242 = vector.shape_cast %get3A_241 : vector<1x16xf32> to vector<16xf32>
      %get3A_243 = arith.index_cast %scan3A_235 : i32 to index
      %get3A_244 = arith.constant 0 : index
      %get3A_245 = tpu.vector_load %arg15[%get3A_243, %get3A_244] {strides = array<i32>} : memref<80x64xf32, #tpu.memory_space<vmem>>, vector<1x16xf32>,
      %get3A_246 = vector.shape_cast %get3A_245 : vector<1x16xf32> to vector<16xf32>
      %mul3A_247 = arith.mulf %get3A_238, %get3A_246 : vector<16xf32>
      %swap3A = arith.index_cast %scan3A_235 : i32 to index
      %swap3A_248 = arith.constant 0 : index
      %swap3A_249 = tpu.vector_load %arg16[%swap3A, %swap3A_248] {strides = array<i32>} : memref<80x64xf32, #tpu.memory_space<vmem>>, vector<1x16xf32>,
      %swap3A_250 = vector.shape_cast %swap3A_249 : vector<1x16xf32> to vector<16xf32>
      %swap3A_251 = vector.shape_cast %mul3A_247 : vector<16xf32> to vector<1x16xf32>
      tpu.vector_store %arg16[%swap3A, %swap3A_248], %swap3A_251 {strides = array<i32>} : memref<80x64xf32, #tpu.memory_space<vmem>>, vector<1x16xf32>,
      %get3A_252 = arith.index_cast %scan3A_235 : i32 to index
      %get3A_253 = arith.constant 16 : index
      %get3A_254 = tpu.vector_load %arg15[%get3A_252, %get3A_253] {strides = array<i32>} : memref<80x64xf32, #tpu.memory_space<vmem>>, vector<1x16xf32>,
      %get3A_255 = vector.shape_cast %get3A_254 : vector<1x16xf32> to vector<16xf32>
      %mul3A_256 = arith.mulf %get3A_242, %get3A_255 : vector<16xf32>
      %swap3A_257 = arith.index_cast %scan3A_235 : i32 to index
      %swap3A_258 = arith.constant 16 : index
      %swap3A_259 = tpu.vector_load %arg16[%swap3A_257, %swap3A_258] {strides = array<i32>} : memref<80x64xf32, #tpu.memory_space<vmem>>, vector<1x16xf32>,
      %swap3A_260 = vector.shape_cast %swap3A_259 : vector<1x16xf32> to vector<16xf32>
      %swap3A_261 = vector.shape_cast %mul3A_256 : vector<16xf32> to vector<1x16xf32>
      tpu.vector_store %arg16[%swap3A_257, %swap3A_258], %swap3A_261 {strides = array<i32>} : memref<80x64xf32, #tpu.memory_space<vmem>>, vector<1x16xf32>,
      %get3A_262 = arith.index_cast %scan3A_235 : i32 to index
      %get3A_263 = arith.constant 32 : index
      %get3A_264 = tpu.vector_load %arg15[%get3A_262, %get3A_263] {strides = array<i32>} : memref<80x64xf32, #tpu.memory_space<vmem>>, vector<1x16xf32>,
      %get3A_265 = vector.shape_cast %get3A_264 : vector<1x16xf32> to vector<16xf32>
      %mul3A_266 = arith.mulf %get3A_238, %get3A_265 : vector<16xf32>
      %swap3A_267 = arith.index_cast %scan3A_235 : i32 to index
      %swap3A_268 = arith.constant 32 : index
      %swap3A_269 = tpu.vector_load %arg16[%swap3A_267, %swap3A_268] {strides = array<i32>} : memref<80x64xf32, #tpu.memory_space<vmem>>, vector<1x16xf32>,
      %swap3A_270 = vector.shape_cast %swap3A_269 : vector<1x16xf32> to vector<16xf32>
      %swap3A_271 = vector.shape_cast %mul3A_266 : vector<16xf32> to vector<1x16xf32>
      tpu.vector_store %arg16[%swap3A_267, %swap3A_268], %swap3A_271 {strides = array<i32>} : memref<80x64xf32, #tpu.memory_space<vmem>>, vector<1x16xf32>,
      %get3A_272 = arith.index_cast %scan3A_235 : i32 to index
      %get3A_273 = arith.constant 48 : index
      %get3A_274 = tpu.vector_load %arg15[%get3A_272, %get3A_273] {strides = array<i32>} : memref<80x64xf32, #tpu.memory_space<vmem>>, vector<1x16xf32>,
      %get3A_275 = vector.shape_cast %get3A_274 : vector<1x16xf32> to vector<16xf32>
      %mul3A_276 = arith.mulf %get3A_242, %get3A_275 : vector<16xf32>
      %swap3A_277 = arith.index_cast %scan3A_235 : i32 to index
      %swap3A_278 = arith.constant 48 : index
      %swap3A_279 = tpu.vector_load %arg16[%swap3A_277, %swap3A_278] {strides = array<i32>} : memref<80x64xf32, #tpu.memory_space<vmem>>, vector<1x16xf32>,
      %swap3A_280 = vector.shape_cast %swap3A_279 : vector<1x16xf32> to vector<16xf32>
      %swap3A_281 = vector.shape_cast %mul3A_276 : vector<16xf32> to vector<1x16xf32>
      tpu.vector_store %arg16[%swap3A_277, %swap3A_278], %swap3A_281 {strides = array<i32>} : memref<80x64xf32, #tpu.memory_space<vmem>>, vector<1x16xf32>,
    }
    %scan3A_92 = arith.constant 80 : i32
    %dma_start3A_93 = arith.constant 0 : i32
    %dma_start3A_94 = arith.constant 0 : i32
    %dma_start3A_95 = tpu.memref_slice %arg19[%dma_start3A_93, %dma_start3A_94] : memref<25600x64xf32, #tpu.memory_space<vmem_shared>> -> memref<25600x64xf32, #tpu.memory_space<vmem_shared>>
    tpu.enqueue_indirect_dma source(%arg16 : memref<80x64xf32, #tpu.memory_space<vmem>>) target(%dma_start3A_95 : memref<25600x64xf32, #tpu.memory_space<vmem_shared>>) offsets(%arg11 : memref<80xi32, #tpu.memory_space<vmem>>) semaphore(%arg26 : memref<!tpu.dma_semaphore, #tpu.memory_space<semaphore_mem>>) {add = true}
    %dma_wait3A_96 = arith.constant 0 : i32
    %dma_wait3A_97 = tpu.memref_slice %arg4[%dma_wait3A_96] : memref<800000xi32, #tpu.memory_space<hbm>> -> memref<80xi32, #tpu.memory_space<hbm>>
    %dma_wait3A_98 = arith.constant 0 : i32
    %dma_wait3A_99 = tpu.memref_slice %arg4[%dma_wait3A_98] : memref<800000xi32, #tpu.memory_space<hbm>> -> memref<80xi32, #tpu.memory_space<hbm>>
    tpu.wait_dma2 semaphore(%arg20 : memref<!tpu.dma_semaphore, #tpu.memory_space<semaphore_mem>>) src(%dma_wait3A_99 : memref<80xi32, #tpu.memory_space<hbm>>) dst(%arg7 : memref<80xi32, #tpu.memory_space<vmem>>)
    %dma_wait3A_100 = arith.constant 0 : i32
    %dma_wait3A_101 = tpu.memref_slice %arg5[%dma_wait3A_100] : memref<800000xi32, #tpu.memory_space<hbm>> -> memref<80xi32, #tpu.memory_space<hbm>>
    %dma_wait3A_102 = arith.constant 0 : i32
    %dma_wait3A_103 = tpu.memref_slice %arg5[%dma_wait3A_102] : memref<800000xi32, #tpu.memory_space<hbm>> -> memref<80xi32, #tpu.memory_space<hbm>>
    tpu.wait_dma2 semaphore(%arg20 : memref<!tpu.dma_semaphore, #tpu.memory_space<semaphore_mem>>) src(%dma_wait3A_103 : memref<80xi32, #tpu.memory_space<hbm>>) dst(%arg9 : memref<80xi32, #tpu.memory_space<vmem>>)
    %add3A_104 = arith.constant 160 : i32
    %add3A_105 = arith.addi %mul3A_16, %add3A_104 : i32
    %dma_start3A_106 = arith.constant 0 : i32
    %dma_start3A_107 = arith.constant 0 : i32
    %dma_start3A_108 = tpu.memref_slice %arg2[%dma_start3A_106, %dma_start3A_107] : memref<50000x32xf32, #tpu.memory_space<hbm>> -> memref<50000x32xf32, #tpu.memory_space<hbm>>
    tpu.enqueue_indirect_dma source(%dma_start3A_108 : memref<50000x32xf32, #tpu.memory_space<hbm>>) target(%arg13 : memref<80x32xf32, #tpu.memory_space<vmem>>) offsets(%arg7 : memref<80xi32, #tpu.memory_space<vmem>>) semaphore(%arg22 : memref<!tpu.dma_semaphore, #tpu.memory_space<semaphore_mem>>)
    %dma_start3A_109 = arith.constant 0 : i32
    %dma_start3A_110 = tpu.memref_slice %arg3[%add3A_105, %dma_start3A_109] : memref<384000x64xf32, #tpu.memory_space<hbm>> -> memref<80x64xf32, #tpu.memory_space<hbm>>
    %dma_start3A_111 = arith.constant 0 : i32
    %dma_start3A_112 = tpu.memref_slice %arg3[%add3A_105, %dma_start3A_111] : memref<384000x64xf32, #tpu.memory_space<hbm>> -> memref<80x64xf32, #tpu.memory_space<hbm>>
    tpu.enqueue_dma source(%dma_start3A_112 : memref<80x64xf32, #tpu.memory_space<hbm>>) target(%arg15 : memref<80x64xf32, #tpu.memory_space<vmem>>) target_semaphore(%arg24 : memref<!tpu.dma_semaphore, #tpu.memory_space<semaphore_mem>>)
    %dma_wait3A_113 = arith.constant 0 : i32
    %dma_wait3A_114 = arith.constant 0 : i32
    %dma_wait3A_115 = tpu.memref_slice %arg2[%dma_wait3A_113, %dma_wait3A_114] : memref<50000x32xf32, #tpu.memory_space<hbm>> -> memref<50000x32xf32, #tpu.memory_space<hbm>>
    tpu.wait_indirect_dma semaphore(%arg23 : memref<!tpu.dma_semaphore, #tpu.memory_space<semaphore_mem>>) src(%dma_wait3A_115 : memref<50000x32xf32, #tpu.memory_space<hbm>>) dst(%arg14 : memref<80x32xf32, #tpu.memory_space<vmem>>)
    %dma_wait3A_116 = arith.constant 0 : i32
    %dma_wait3A_117 = arith.constant 0 : i32
    %dma_wait3A_118 = tpu.memref_slice %arg3[%dma_wait3A_116, %dma_wait3A_117] : memref<384000x64xf32, #tpu.memory_space<hbm>> -> memref<80x64xf32, #tpu.memory_space<hbm>>
    %dma_wait3A_119 = arith.constant 0 : i32
    %dma_wait3A_120 = arith.constant 0 : i32
    %dma_wait3A_121 = tpu.memref_slice %arg3[%dma_wait3A_119, %dma_wait3A_120] : memref<384000x64xf32, #tpu.memory_space<hbm>> -> memref<80x64xf32, #tpu.memory_space<hbm>>
    tpu.wait_dma2 semaphore(%arg25 : memref<!tpu.dma_semaphore, #tpu.memory_space<semaphore_mem>>) src(%dma_wait3A_121 : memref<80x64xf32, #tpu.memory_space<hbm>>) dst(%arg17 : memref<80x64xf32, #tpu.memory_space<vmem>>)
    %scan3A_122 = arith.constant 0 : i32
    %scan3A_123 = arith.constant 0 : i32
    %scan3A_124 = arith.constant 5 : i32
    %scan3A_125 = arith.addi %scan3A_123, %scan3A_124 : i32
    %scan3A_126 = arith.constant 1 : i32
    scf.for %scan3A_235 = %scan3A_123 to %scan3A_125 step %scan3A_126  : i32 {
      %mul3A_236 = arith.constant 16 : i32
      %mul3A_237 = arith.muli %scan3A_235, %mul3A_236 : i32
      %get3A = arith.index_cast %mul3A_237 : i32 to index
      %get3A_238 = tpu.vector_load %arg10[%get3A] {strides = array<i32>} : memref<80xi32, #tpu.memory_space<vmem>>, vector<16xi32>,
      %get3A_239 = vector.shape_cast %get3A_238 : vector<16xi32> to vector<16xi32>
      %sub3A = vector.broadcast %mul3A_0 : i32 to vector<16xi32>
      %sub3A_240 = arith.subi %get3A_239, %sub3A : vector<16xi32>
      %ge3A = arith.constant 0 : i32
      %ge3A_241 = vector.broadcast %ge3A : i32 to vector<16xi32>
      %ge3A_242 = arith.cmpi sge, %sub3A_240, %ge3A_241 : vector<16xi32>
      %lt3A = arith.constant 25000 : i32
      %lt3A_243 = vector.broadcast %lt3A : i32 to vector<16xi32>
      %lt3A_244 = arith.cmpi slt, %sub3A_240, %lt3A_243 : vector<16xi32>
      %and3A = arith.andi %ge3A_242, %lt3A_244 : vector<16xi1>
      %jit3A = arith.constant 25000 : i32
      %broadcast_in_dim3A_245 = vector.broadcast %jit3A : i32 to vector<16xi32>
      %select_n3A = arith.select %and3A, %sub3A_240, %broadcast_in_dim3A_245 : vector<16xi1>, vector<16xi32>
      %mul3A_246 = arith.constant 16 : i32
      %mul3A_247 = arith.muli %scan3A_235, %mul3A_246 : i32
      %swap3A = arith.index_cast %mul3A_247 : i32 to index
      %swap3A_248 = tpu.vector_load %arg12[%swap3A] {strides = array<i32>} : memref<80xi32, #tpu.memory_space<vmem>>, vector<16xi32>,
      %swap3A_249 = vector.shape_cast %swap3A_248 : vector<16xi32> to vector<16xi32>
      %swap3A_250 = vector.shape_cast %select_n3A : vector<16xi32> to vector<16xi32>
      tpu.vector_store %arg12[%swap3A], %swap3A_250 {strides = array<i32>} : memref<80xi32, #tpu.memory_space<vmem>>, vector<16xi32>,
    }
    %scan3A_127 = arith.constant 5 : i32
    %add3A_128 = arith.constant 0 : i32
    %add3A_129 = arith.addi %add3A_128, %mul3A_16 : i32
    %add3A_130 = arith.constant 240 : i32
    %add3A_131 = arith.addi %add3A_129, %add3A_130 : i32
    %dma_start3A_132 = tpu.memref_slice %arg4[%add3A_131] : memref<800000xi32, #tpu.memory_space<hbm>> -> memref<80xi32, #tpu.memory_space<hbm>>
    %dma_start3A_133 = tpu.memref_slice %arg4[%add3A_131] : memref<800000xi32, #tpu.memory_space<hbm>> -> memref<80xi32, #tpu.memory_space<hbm>>
    tpu.enqueue_dma source(%dma_start3A_133 : memref<80xi32, #tpu.memory_space<hbm>>) target(%arg8 : memref<80xi32, #tpu.memory_space<vmem>>) target_semaphore(%arg21 : memref<!tpu.dma_semaphore, #tpu.memory_space<semaphore_mem>>)
    %dma_start3A_134 = tpu.memref_slice %arg5[%add3A_131] : memref<800000xi32, #tpu.memory_space<hbm>> -> memref<80xi32, #tpu.memory_space<hbm>>
    %dma_start3A_135 = tpu.memref_slice %arg5[%add3A_131] : memref<800000xi32, #tpu.memory_space<hbm>> -> memref<80xi32, #tpu.memory_space<hbm>>
    tpu.enqueue_dma source(%dma_start3A_135 : memref<80xi32, #tpu.memory_space<hbm>>) target(%arg10 : memref<80xi32, #tpu.memory_space<vmem>>) target_semaphore(%arg21 : memref<!tpu.dma_semaphore, #tpu.memory_space<semaphore_mem>>)
    %scan3A_136 = arith.constant 0 : i32
    %scan3A_137 = arith.constant 0 : i32
    %scan3A_138 = arith.constant 80 : i32
    %scan3A_139 = arith.addi %scan3A_137, %scan3A_138 : i32
    %scan3A_140 = arith.constant 1 : i32
    scf.for %scan3A_235 = %scan3A_137 to %scan3A_139 step %scan3A_140  : i32 {
      %get3A = arith.index_cast %scan3A_235 : i32 to index
      %get3A_236 = arith.constant 0 : index
      %get3A_237 = tpu.vector_load %arg14[%get3A, %get3A_236] {strides = array<i32>} : memref<80x32xf32, #tpu.memory_space<vmem>>, vector<1x16xf32>,
      %get3A_238 = vector.shape_cast %get3A_237 : vector<1x16xf32> to vector<16xf32>
      %get3A_239 = arith.index_cast %scan3A_235 : i32 to index
      %get3A_240 = arith.constant 16 : index
      %get3A_241 = tpu.vector_load %arg14[%get3A_239, %get3A_240] {strides = array<i32>} : memref<80x32xf32, #tpu.memory_space<vmem>>, vector<1x16xf32>,
      %get3A_242 = vector.shape_cast %get3A_241 : vector<1x16xf32> to vector<16xf32>
      %get3A_243 = arith.index_cast %scan3A_235 : i32 to index
      %get3A_244 = arith.constant 0 : index
      %get3A_245 = tpu.vector_load %arg17[%get3A_243, %get3A_244] {strides = array<i32>} : memref<80x64xf32, #tpu.memory_space<vmem>>, vector<1x16xf32>,
      %get3A_246 = vector.shape_cast %get3A_245 : vector<1x16xf32> to vector<16xf32>
      %mul3A_247 = arith.mulf %get3A_238, %get3A_246 : vector<16xf32>
      %swap3A = arith.index_cast %scan3A_235 : i32 to index
      %swap3A_248 = arith.constant 0 : index
      %swap3A_249 = tpu.vector_load %arg18[%swap3A, %swap3A_248] {strides = array<i32>} : memref<80x64xf32, #tpu.memory_space<vmem>>, vector<1x16xf32>,
      %swap3A_250 = vector.shape_cast %swap3A_249 : vector<1x16xf32> to vector<16xf32>
      %swap3A_251 = vector.shape_cast %mul3A_247 : vector<16xf32> to vector<1x16xf32>
      tpu.vector_store %arg18[%swap3A, %swap3A_248], %swap3A_251 {strides = array<i32>} : memref<80x64xf32, #tpu.memory_space<vmem>>, vector<1x16xf32>,
      %get3A_252 = arith.index_cast %scan3A_235 : i32 to index
      %get3A_253 = arith.constant 16 : index
      %get3A_254 = tpu.vector_load %arg17[%get3A_252, %get3A_253] {strides = array<i32>} : memref<80x64xf32, #tpu.memory_space<vmem>>, vector<1x16xf32>,
      %get3A_255 = vector.shape_cast %get3A_254 : vector<1x16xf32> to vector<16xf32>
      %mul3A_256 = arith.mulf %get3A_242, %get3A_255 : vector<16xf32>
      %swap3A_257 = arith.index_cast %scan3A_235 : i32 to index
      %swap3A_258 = arith.constant 16 : index
      %swap3A_259 = tpu.vector_load %arg18[%swap3A_257, %swap3A_258] {strides = array<i32>} : memref<80x64xf32, #tpu.memory_space<vmem>>, vector<1x16xf32>,
      %swap3A_260 = vector.shape_cast %swap3A_259 : vector<1x16xf32> to vector<16xf32>
      %swap3A_261 = vector.shape_cast %mul3A_256 : vector<16xf32> to vector<1x16xf32>
      tpu.vector_store %arg18[%swap3A_257, %swap3A_258], %swap3A_261 {strides = array<i32>} : memref<80x64xf32, #tpu.memory_space<vmem>>, vector<1x16xf32>,
      %get3A_262 = arith.index_cast %scan3A_235 : i32 to index
      %get3A_263 = arith.constant 32 : index
      %get3A_264 = tpu.vector_load %arg17[%get3A_262, %get3A_263] {strides = array<i32>} : memref<80x64xf32, #tpu.memory_space<vmem>>, vector<1x16xf32>,
      %get3A_265 = vector.shape_cast %get3A_264 : vector<1x16xf32> to vector<16xf32>
      %mul3A_266 = arith.mulf %get3A_238, %get3A_265 : vector<16xf32>
      %swap3A_267 = arith.index_cast %scan3A_235 : i32 to index
      %swap3A_268 = arith.constant 32 : index
      %swap3A_269 = tpu.vector_load %arg18[%swap3A_267, %swap3A_268] {strides = array<i32>} : memref<80x64xf32, #tpu.memory_space<vmem>>, vector<1x16xf32>,
      %swap3A_270 = vector.shape_cast %swap3A_269 : vector<1x16xf32> to vector<16xf32>
      %swap3A_271 = vector.shape_cast %mul3A_266 : vector<16xf32> to vector<1x16xf32>
      tpu.vector_store %arg18[%swap3A_267, %swap3A_268], %swap3A_271 {strides = array<i32>} : memref<80x64xf32, #tpu.memory_space<vmem>>, vector<1x16xf32>,
      %get3A_272 = arith.index_cast %scan3A_235 : i32 to index
      %get3A_273 = arith.constant 48 : index
      %get3A_274 = tpu.vector_load %arg17[%get3A_272, %get3A_273] {strides = array<i32>} : memref<80x64xf32, #tpu.memory_space<vmem>>, vector<1x16xf32>,
      %get3A_275 = vector.shape_cast %get3A_274 : vector<1x16xf32> to vector<16xf32>
      %mul3A_276 = arith.mulf %get3A_242, %get3A_275 : vector<16xf32>
      %swap3A_277 = arith.index_cast %scan3A_235 : i32 to index
      %swap3A_278 = arith.constant 48 : index
      %swap3A_279 = tpu.vector_load %arg18[%swap3A_277, %swap3A_278] {strides = array<i32>} : memref<80x64xf32, #tpu.memory_space<vmem>>, vector<1x16xf32>,
      %swap3A_280 = vector.shape_cast %swap3A_279 : vector<1x16xf32> to vector<16xf32>
      %swap3A_281 = vector.shape_cast %mul3A_276 : vector<16xf32> to vector<1x16xf32>
      tpu.vector_store %arg18[%swap3A_277, %swap3A_278], %swap3A_281 {strides = array<i32>} : memref<80x64xf32, #tpu.memory_space<vmem>>, vector<1x16xf32>,
    }
    %scan3A_141 = arith.constant 80 : i32
    %dma_start3A_142 = arith.constant 0 : i32
    %dma_start3A_143 = arith.constant 0 : i32
    %dma_start3A_144 = tpu.memref_slice %arg19[%dma_start3A_142, %dma_start3A_143] : memref<25600x64xf32, #tpu.memory_space<vmem_shared>> -> memref<25600x64xf32, #tpu.memory_space<vmem_shared>>
    tpu.enqueue_indirect_dma source(%arg18 : memref<80x64xf32, #tpu.memory_space<vmem>>) target(%dma_start3A_144 : memref<25600x64xf32, #tpu.memory_space<vmem_shared>>) offsets(%arg12 : memref<80xi32, #tpu.memory_space<vmem>>) semaphore(%arg27 : memref<!tpu.dma_semaphore, #tpu.memory_space<semaphore_mem>>) {add = true}
    %dma_wait3A_145 = arith.constant 0 : i32
    %dma_wait3A_146 = tpu.memref_slice %arg4[%dma_wait3A_145] : memref<800000xi32, #tpu.memory_space<hbm>> -> memref<80xi32, #tpu.memory_space<hbm>>
    %dma_wait3A_147 = arith.constant 0 : i32
    %dma_wait3A_148 = tpu.memref_slice %arg4[%dma_wait3A_147] : memref<800000xi32, #tpu.memory_space<hbm>> -> memref<80xi32, #tpu.memory_space<hbm>>
    tpu.wait_dma2 semaphore(%arg21 : memref<!tpu.dma_semaphore, #tpu.memory_space<semaphore_mem>>) src(%dma_wait3A_148 : memref<80xi32, #tpu.memory_space<hbm>>) dst(%arg8 : memref<80xi32, #tpu.memory_space<vmem>>)
    %dma_wait3A_149 = arith.constant 0 : i32
    %dma_wait3A_150 = tpu.memref_slice %arg5[%dma_wait3A_149] : memref<800000xi32, #tpu.memory_space<hbm>> -> memref<80xi32, #tpu.memory_space<hbm>>
    %dma_wait3A_151 = arith.constant 0 : i32
    %dma_wait3A_152 = tpu.memref_slice %arg5[%dma_wait3A_151] : memref<800000xi32, #tpu.memory_space<hbm>> -> memref<80xi32, #tpu.memory_space<hbm>>
    tpu.wait_dma2 semaphore(%arg21 : memref<!tpu.dma_semaphore, #tpu.memory_space<semaphore_mem>>) src(%dma_wait3A_152 : memref<80xi32, #tpu.memory_space<hbm>>) dst(%arg10 : memref<80xi32, #tpu.memory_space<vmem>>)
    %add3A_153 = arith.constant 240 : i32
    %add3A_154 = arith.addi %mul3A_16, %add3A_153 : i32
    %dma_start3A_155 = arith.constant 0 : i32
    %dma_start3A_156 = arith.constant 0 : i32
    %dma_start3A_157 = tpu.memref_slice %arg2[%dma_start3A_155, %dma_start3A_156] : memref<50000x32xf32, #tpu.memory_space<hbm>> -> memref<50000x32xf32, #tpu.memory_space<hbm>>
    tpu.enqueue_indirect_dma source(%dma_start3A_157 : memref<50000x32xf32, #tpu.memory_space<hbm>>) target(%arg14 : memref<80x32xf32, #tpu.memory_space<vmem>>) offsets(%arg8 : memref<80xi32, #tpu.memory_space<vmem>>) semaphore(%arg23 : memref<!tpu.dma_semaphore, #tpu.memory_space<semaphore_mem>>)
    %dma_start3A_158 = arith.constant 0 : i32
    %dma_start3A_159 = tpu.memref_slice %arg3[%add3A_154, %dma_start3A_158] : memref<384000x64xf32, #tpu.memory_space<hbm>> -> memref<80x64xf32, #tpu.memory_space<hbm>>
    %dma_start3A_160 = arith.constant 0 : i32
    %dma_start3A_161 = tpu.memref_slice %arg3[%add3A_154, %dma_start3A_160] : memref<384000x64xf32, #tpu.memory_space<hbm>> -> memref<80x64xf32, #tpu.memory_space<hbm>>
    tpu.enqueue_dma source(%dma_start3A_161 : memref<80x64xf32, #tpu.memory_space<hbm>>) target(%arg17 : memref<80x64xf32, #tpu.memory_space<vmem>>) target_semaphore(%arg25 : memref<!tpu.dma_semaphore, #tpu.memory_space<semaphore_mem>>)
    %scan3A_162 = arith.constant 0 : i32
    %scan3A_163 = arith.constant 0 : i32
    %scan3A_164 = arith.constant 148 : i32
    %scan3A_165 = arith.addi %scan3A_163, %scan3A_164 : i32
    %scan3A_166 = arith.constant 1 : i32
    scf.for %scan3A_235 = %scan3A_163 to %scan3A_165 step %scan3A_166  : i32 {
      %mul3A_236 = arith.constant 2 : i32
      %mul3A_237 = arith.muli %mul3A_236, %scan3A_235 : i32
      %add3A_238 = arith.constant 2 : i32
      %add3A_239 = arith.addi %add3A_238, %mul3A_237 : i32
      %dma_wait3A_240 = arith.constant 0 : i32
      %dma_wait3A_241 = arith.constant 0 : i32
      %dma_wait3A_242 = tpu.memref_slice %arg2[%dma_wait3A_240, %dma_wait3A_241] : memref<50000x32xf32, #tpu.memory_space<hbm>> -> memref<50000x32xf32, #tpu.memory_space<hbm>>
      tpu.wait_indirect_dma semaphore(%arg22 : memref<!tpu.dma_semaphore, #tpu.memory_space<semaphore_mem>>) src(%dma_wait3A_242 : memref<50000x32xf32, #tpu.memory_space<hbm>>) dst(%arg13 : memref<80x32xf32, #tpu.memory_space<vmem>>)
      %dma_wait3A_243 = arith.constant 0 : i32
      %dma_wait3A_244 = arith.constant 0 : i32
      %dma_wait3A_245 = tpu.memref_slice %arg3[%dma_wait3A_243, %dma_wait3A_244] : memref<384000x64xf32, #tpu.memory_space<hbm>> -> memref<80x64xf32, #tpu.memory_space<hbm>>
      %dma_wait3A_246 = arith.constant 0 : i32
      %dma_wait3A_247 = arith.constant 0 : i32
      %dma_wait3A_248 = tpu.memref_slice %arg3[%dma_wait3A_246, %dma_wait3A_247] : memref<384000x64xf32, #tpu.memory_space<hbm>> -> memref<80x64xf32, #tpu.memory_space<hbm>>
      tpu.wait_dma2 semaphore(%arg24 : memref<!tpu.dma_semaphore, #tpu.memory_space<semaphore_mem>>) src(%dma_wait3A_248 : memref<80x64xf32, #tpu.memory_space<hbm>>) dst(%arg15 : memref<80x64xf32, #tpu.memory_space<vmem>>)
      %dma_wait3A_249 = arith.constant 0 : i32
      %dma_wait3A_250 = arith.constant 0 : i32
      %dma_wait3A_251 = tpu.memref_slice %arg19[%dma_wait3A_249, %dma_wait3A_250] : memref<25600x64xf32, #tpu.memory_space<vmem_shared>> -> memref<25600x64xf32, #tpu.memory_space<vmem_shared>>
      tpu.wait_indirect_dma semaphore(%arg26 : memref<!tpu.dma_semaphore, #tpu.memory_space<semaphore_mem>>) src(%arg16 : memref<80x64xf32, #tpu.memory_space<vmem>>) dst(%dma_wait3A_251 : memref<25600x64xf32, #tpu.memory_space<vmem_shared>>)
      %scan3A_252 = arith.constant 0 : i32
      %scan3A_253 = arith.constant 0 : i32
      %scan3A_254 = arith.constant 5 : i32
      %scan3A_255 = arith.addi %scan3A_253, %scan3A_254 : i32
      %scan3A_256 = arith.constant 1 : i32
      scf.for %scan3A_358 = %scan3A_253 to %scan3A_255 step %scan3A_256  : i32 {
        %mul3A_359 = arith.constant 16 : i32
        %mul3A_360 = arith.muli %scan3A_358, %mul3A_359 : i32
        %get3A = arith.index_cast %mul3A_360 : i32 to index
        %get3A_361 = tpu.vector_load %arg9[%get3A] {strides = array<i32>} : memref<80xi32, #tpu.memory_space<vmem>>, vector<16xi32>,
        %get3A_362 = vector.shape_cast %get3A_361 : vector<16xi32> to vector<16xi32>
        %sub3A = vector.broadcast %mul3A_0 : i32 to vector<16xi32>
        %sub3A_363 = arith.subi %get3A_362, %sub3A : vector<16xi32>
        %ge3A = arith.constant 0 : i32
        %ge3A_364 = vector.broadcast %ge3A : i32 to vector<16xi32>
        %ge3A_365 = arith.cmpi sge, %sub3A_363, %ge3A_364 : vector<16xi32>
        %lt3A = arith.constant 25000 : i32
        %lt3A_366 = vector.broadcast %lt3A : i32 to vector<16xi32>
        %lt3A_367 = arith.cmpi slt, %sub3A_363, %lt3A_366 : vector<16xi32>
        %and3A = arith.andi %ge3A_365, %lt3A_367 : vector<16xi1>
        %jit3A = arith.constant 25000 : i32
        %broadcast_in_dim3A_368 = vector.broadcast %jit3A : i32 to vector<16xi32>
        %select_n3A = arith.select %and3A, %sub3A_363, %broadcast_in_dim3A_368 : vector<16xi1>, vector<16xi32>
        %mul3A_369 = arith.constant 16 : i32
        %mul3A_370 = arith.muli %scan3A_358, %mul3A_369 : i32
        %swap3A = arith.index_cast %mul3A_370 : i32 to index
        %swap3A_371 = tpu.vector_load %arg11[%swap3A] {strides = array<i32>} : memref<80xi32, #tpu.memory_space<vmem>>, vector<16xi32>,
        %swap3A_372 = vector.shape_cast %swap3A_371 : vector<16xi32> to vector<16xi32>
        %swap3A_373 = vector.shape_cast %select_n3A : vector<16xi32> to vector<16xi32>
        tpu.vector_store %arg11[%swap3A], %swap3A_373 {strides = array<i32>} : memref<80xi32, #tpu.memory_space<vmem>>, vector<16xi32>,
      }
      %scan3A_257 = arith.constant 5 : i32
      %add3A_258 = arith.constant 2 : i32
      %add3A_259 = arith.addi %add3A_239, %add3A_258 : i32
      %add3A_260 = arith.constant 0 : i32
      %add3A_261 = arith.addi %add3A_260, %mul3A_16 : i32
      %mul3A_262 = arith.constant 80 : i32
      %mul3A_263 = arith.muli %add3A_259, %mul3A_262 : i32
      %add3A_264 = arith.addi %add3A_261, %mul3A_263 : i32
      %dma_start3A_265 = tpu.memref_slice %arg4[%add3A_264] : memref<800000xi32, #tpu.memory_space<hbm>> -> memref<80xi32, #tpu.memory_space<hbm>>
      %dma_start3A_266 = tpu.memref_slice %arg4[%add3A_264] : memref<800000xi32, #tpu.memory_space<hbm>> -> memref<80xi32, #tpu.memory_space<hbm>>
      tpu.enqueue_dma source(%dma_start3A_266 : memref<80xi32, #tpu.memory_space<hbm>>) target(%arg7 : memref<80xi32, #tpu.memory_space<vmem>>) target_semaphore(%arg20 : memref<!tpu.dma_semaphore, #tpu.memory_space<semaphore_mem>>)
      %dma_start3A_267 = tpu.memref_slice %arg5[%add3A_264] : memref<800000xi32, #tpu.memory_space<hbm>> -> memref<80xi32, #tpu.memory_space<hbm>>
      %dma_start3A_268 = tpu.memref_slice %arg5[%add3A_264] : memref<800000xi32, #tpu.memory_space<hbm>> -> memref<80xi32, #tpu.memory_space<hbm>>
      tpu.enqueue_dma source(%dma_start3A_268 : memref<80xi32, #tpu.memory_space<hbm>>) target(%arg9 : memref<80xi32, #tpu.memory_space<vmem>>) target_semaphore(%arg20 : memref<!tpu.dma_semaphore, #tpu.memory_space<semaphore_mem>>)
      %scan3A_269 = arith.constant 0 : i32
      %scan3A_270 = arith.constant 0 : i32
      %scan3A_271 = arith.constant 80 : i32
      %scan3A_272 = arith.addi %scan3A_270, %scan3A_271 : i32
      %scan3A_273 = arith.constant 1 : i32
      scf.for %scan3A_358 = %scan3A_270 to %scan3A_272 step %scan3A_273  : i32 {
        %get3A = arith.index_cast %scan3A_358 : i32 to index
        %get3A_359 = arith.constant 0 : index
        %get3A_360 = tpu.vector_load %arg13[%get3A, %get3A_359] {strides = array<i32>} : memref<80x32xf32, #tpu.memory_space<vmem>>, vector<1x16xf32>,
        %get3A_361 = vector.shape_cast %get3A_360 : vector<1x16xf32> to vector<16xf32>
        %get3A_362 = arith.index_cast %scan3A_358 : i32 to index
        %get3A_363 = arith.constant 16 : index
        %get3A_364 = tpu.vector_load %arg13[%get3A_362, %get3A_363] {strides = array<i32>} : memref<80x32xf32, #tpu.memory_space<vmem>>, vector<1x16xf32>,
        %get3A_365 = vector.shape_cast %get3A_364 : vector<1x16xf32> to vector<16xf32>
        %get3A_366 = arith.index_cast %scan3A_358 : i32 to index
        %get3A_367 = arith.constant 0 : index
        %get3A_368 = tpu.vector_load %arg15[%get3A_366, %get3A_367] {strides = array<i32>} : memref<80x64xf32, #tpu.memory_space<vmem>>, vector<1x16xf32>,
        %get3A_369 = vector.shape_cast %get3A_368 : vector<1x16xf32> to vector<16xf32>
        %mul3A_370 = arith.mulf %get3A_361, %get3A_369 : vector<16xf32>
        %swap3A = arith.index_cast %scan3A_358 : i32 to index
        %swap3A_371 = arith.constant 0 : index
        %swap3A_372 = tpu.vector_load %arg16[%swap3A, %swap3A_371] {strides = array<i32>} : memref<80x64xf32, #tpu.memory_space<vmem>>, vector<1x16xf32>,
        %swap3A_373 = vector.shape_cast %swap3A_372 : vector<1x16xf32> to vector<16xf32>
        %swap3A_374 = vector.shape_cast %mul3A_370 : vector<16xf32> to vector<1x16xf32>
        tpu.vector_store %arg16[%swap3A, %swap3A_371], %swap3A_374 {strides = array<i32>} : memref<80x64xf32, #tpu.memory_space<vmem>>, vector<1x16xf32>,
        %get3A_375 = arith.index_cast %scan3A_358 : i32 to index
        %get3A_376 = arith.constant 16 : index
        %get3A_377 = tpu.vector_load %arg15[%get3A_375, %get3A_376] {strides = array<i32>} : memref<80x64xf32, #tpu.memory_space<vmem>>, vector<1x16xf32>,
        %get3A_378 = vector.shape_cast %get3A_377 : vector<1x16xf32> to vector<16xf32>
        %mul3A_379 = arith.mulf %get3A_365, %get3A_378 : vector<16xf32>
        %swap3A_380 = arith.index_cast %scan3A_358 : i32 to index
        %swap3A_381 = arith.constant 16 : index
        %swap3A_382 = tpu.vector_load %arg16[%swap3A_380, %swap3A_381] {strides = array<i32>} : memref<80x64xf32, #tpu.memory_space<vmem>>, vector<1x16xf32>,
        %swap3A_383 = vector.shape_cast %swap3A_382 : vector<1x16xf32> to vector<16xf32>
        %swap3A_384 = vector.shape_cast %mul3A_379 : vector<16xf32> to vector<1x16xf32>
        tpu.vector_store %arg16[%swap3A_380, %swap3A_381], %swap3A_384 {strides = array<i32>} : memref<80x64xf32, #tpu.memory_space<vmem>>, vector<1x16xf32>,
        %get3A_385 = arith.index_cast %scan3A_358 : i32 to index
        %get3A_386 = arith.constant 32 : index
        %get3A_387 = tpu.vector_load %arg15[%get3A_385, %get3A_386] {strides = array<i32>} : memref<80x64xf32, #tpu.memory_space<vmem>>, vector<1x16xf32>,
        %get3A_388 = vector.shape_cast %get3A_387 : vector<1x16xf32> to vector<16xf32>
        %mul3A_389 = arith.mulf %get3A_361, %get3A_388 : vector<16xf32>
        %swap3A_390 = arith.index_cast %scan3A_358 : i32 to index
        %swap3A_391 = arith.constant 32 : index
        %swap3A_392 = tpu.vector_load %arg16[%swap3A_390, %swap3A_391] {strides = array<i32>} : memref<80x64xf32, #tpu.memory_space<vmem>>, vector<1x16xf32>,
        %swap3A_393 = vector.shape_cast %swap3A_392 : vector<1x16xf32> to vector<16xf32>
        %swap3A_394 = vector.shape_cast %mul3A_389 : vector<16xf32> to vector<1x16xf32>
        tpu.vector_store %arg16[%swap3A_390, %swap3A_391], %swap3A_394 {strides = array<i32>} : memref<80x64xf32, #tpu.memory_space<vmem>>, vector<1x16xf32>,
        %get3A_395 = arith.index_cast %scan3A_358 : i32 to index
        %get3A_396 = arith.constant 48 : index
        %get3A_397 = tpu.vector_load %arg15[%get3A_395, %get3A_396] {strides = array<i32>} : memref<80x64xf32, #tpu.memory_space<vmem>>, vector<1x16xf32>,
        %get3A_398 = vector.shape_cast %get3A_397 : vector<1x16xf32> to vector<16xf32>
        %mul3A_399 = arith.mulf %get3A_365, %get3A_398 : vector<16xf32>
        %swap3A_400 = arith.index_cast %scan3A_358 : i32 to index
        %swap3A_401 = arith.constant 48 : index
        %swap3A_402 = tpu.vector_load %arg16[%swap3A_400, %swap3A_401] {strides = array<i32>} : memref<80x64xf32, #tpu.memory_space<vmem>>, vector<1x16xf32>,
        %swap3A_403 = vector.shape_cast %swap3A_402 : vector<1x16xf32> to vector<16xf32>
        %swap3A_404 = vector.shape_cast %mul3A_399 : vector<16xf32> to vector<1x16xf32>
        tpu.vector_store %arg16[%swap3A_400, %swap3A_401], %swap3A_404 {strides = array<i32>} : memref<80x64xf32, #tpu.memory_space<vmem>>, vector<1x16xf32>,
      }
      %scan3A_274 = arith.constant 80 : i32
      %dma_start3A_275 = arith.constant 0 : i32
      %dma_start3A_276 = arith.constant 0 : i32
      %dma_start3A_277 = tpu.memref_slice %arg19[%dma_start3A_275, %dma_start3A_276] : memref<25600x64xf32, #tpu.memory_space<vmem_shared>> -> memref<25600x64xf32, #tpu.memory_space<vmem_shared>>
      tpu.enqueue_indirect_dma source(%arg16 : memref<80x64xf32, #tpu.memory_space<vmem>>) target(%dma_start3A_277 : memref<25600x64xf32, #tpu.memory_space<vmem_shared>>) offsets(%arg11 : memref<80xi32, #tpu.memory_space<vmem>>) semaphore(%arg26 : memref<!tpu.dma_semaphore, #tpu.memory_space<semaphore_mem>>) {add = true}
      %dma_wait3A_278 = arith.constant 0 : i32
      %dma_wait3A_279 = tpu.memref_slice %arg4[%dma_wait3A_278] : memref<800000xi32, #tpu.memory_space<hbm>> -> memref<80xi32, #tpu.memory_space<hbm>>
      %dma_wait3A_280 = arith.constant 0 : i32
      %dma_wait3A_281 = tpu.memref_slice %arg4[%dma_wait3A_280] : memref<800000xi32, #tpu.memory_space<hbm>> -> memref<80xi32, #tpu.memory_space<hbm>>
      tpu.wait_dma2 semaphore(%arg20 : memref<!tpu.dma_semaphore, #tpu.memory_space<semaphore_mem>>) src(%dma_wait3A_281 : memref<80xi32, #tpu.memory_space<hbm>>) dst(%arg7 : memref<80xi32, #tpu.memory_space<vmem>>)
      %dma_wait3A_282 = arith.constant 0 : i32
      %dma_wait3A_283 = tpu.memref_slice %arg5[%dma_wait3A_282] : memref<800000xi32, #tpu.memory_space<hbm>> -> memref<80xi32, #tpu.memory_space<hbm>>
      %dma_wait3A_284 = arith.constant 0 : i32
      %dma_wait3A_285 = tpu.memref_slice %arg5[%dma_wait3A_284] : memref<800000xi32, #tpu.memory_space<hbm>> -> memref<80xi32, #tpu.memory_space<hbm>>
      tpu.wait_dma2 semaphore(%arg20 : memref<!tpu.dma_semaphore, #tpu.memory_space<semaphore_mem>>) src(%dma_wait3A_285 : memref<80xi32, #tpu.memory_space<hbm>>) dst(%arg9 : memref<80xi32, #tpu.memory_space<vmem>>)
      %add3A_286 = arith.constant 2 : i32
      %add3A_287 = arith.addi %add3A_239, %add3A_286 : i32
      %mul3A_288 = arith.constant 80 : i32
      %mul3A_289 = arith.muli %add3A_287, %mul3A_288 : i32
      %add3A_290 = arith.addi %mul3A_16, %mul3A_289 : i32
      %dma_start3A_291 = arith.constant 0 : i32
      %dma_start3A_292 = arith.constant 0 : i32
      %dma_start3A_293 = tpu.memref_slice %arg2[%dma_start3A_291, %dma_start3A_292] : memref<50000x32xf32, #tpu.memory_space<hbm>> -> memref<50000x32xf32, #tpu.memory_space<hbm>>
      tpu.enqueue_indirect_dma source(%dma_start3A_293 : memref<50000x32xf32, #tpu.memory_space<hbm>>) target(%arg13 : memref<80x32xf32, #tpu.memory_space<vmem>>) offsets(%arg7 : memref<80xi32, #tpu.memory_space<vmem>>) semaphore(%arg22 : memref<!tpu.dma_semaphore, #tpu.memory_space<semaphore_mem>>)
      %dma_start3A_294 = arith.constant 0 : i32
      %dma_start3A_295 = tpu.memref_slice %arg3[%add3A_290, %dma_start3A_294] : memref<384000x64xf32, #tpu.memory_space<hbm>> -> memref<80x64xf32, #tpu.memory_space<hbm>>
      %dma_start3A_296 = arith.constant 0 : i32
      %dma_start3A_297 = tpu.memref_slice %arg3[%add3A_290, %dma_start3A_296] : memref<384000x64xf32, #tpu.memory_space<hbm>> -> memref<80x64xf32, #tpu.memory_space<hbm>>
      tpu.enqueue_dma source(%dma_start3A_297 : memref<80x64xf32, #tpu.memory_space<hbm>>) target(%arg15 : memref<80x64xf32, #tpu.memory_space<vmem>>) target_semaphore(%arg24 : memref<!tpu.dma_semaphore, #tpu.memory_space<semaphore_mem>>)
      %add3A_298 = arith.constant 1 : i32
      %add3A_299 = arith.addi %add3A_239, %add3A_298 : i32
      %dma_wait3A_300 = arith.constant 0 : i32
      %dma_wait3A_301 = arith.constant 0 : i32
      %dma_wait3A_302 = tpu.memref_slice %arg2[%dma_wait3A_300, %dma_wait3A_301] : memref<50000x32xf32, #tpu.memory_space<hbm>> -> memref<50000x32xf32, #tpu.memory_space<hbm>>
      tpu.wait_indirect_dma semaphore(%arg23 : memref<!tpu.dma_semaphore, #tpu.memory_space<semaphore_mem>>) src(%dma_wait3A_302 : memref<50000x32xf32, #tpu.memory_space<hbm>>) dst(%arg14 : memref<80x32xf32, #tpu.memory_space<vmem>>)
      %dma_wait3A_303 = arith.constant 0 : i32
      %dma_wait3A_304 = arith.constant 0 : i32
      %dma_wait3A_305 = tpu.memref_slice %arg3[%dma_wait3A_303, %dma_wait3A_304] : memref<384000x64xf32, #tpu.memory_space<hbm>> -> memref<80x64xf32, #tpu.memory_space<hbm>>
      %dma_wait3A_306 = arith.constant 0 : i32
      %dma_wait3A_307 = arith.constant 0 : i32
      %dma_wait3A_308 = tpu.memref_slice %arg3[%dma_wait3A_306, %dma_wait3A_307] : memref<384000x64xf32, #tpu.memory_space<hbm>> -> memref<80x64xf32, #tpu.memory_space<hbm>>
      tpu.wait_dma2 semaphore(%arg25 : memref<!tpu.dma_semaphore, #tpu.memory_space<semaphore_mem>>) src(%dma_wait3A_308 : memref<80x64xf32, #tpu.memory_space<hbm>>) dst(%arg17 : memref<80x64xf32, #tpu.memory_space<vmem>>)
      %dma_wait3A_309 = arith.constant 0 : i32
      %dma_wait3A_310 = arith.constant 0 : i32
      %dma_wait3A_311 = tpu.memref_slice %arg19[%dma_wait3A_309, %dma_wait3A_310] : memref<25600x64xf32, #tpu.memory_space<vmem_shared>> -> memref<25600x64xf32, #tpu.memory_space<vmem_shared>>
      tpu.wait_indirect_dma semaphore(%arg27 : memref<!tpu.dma_semaphore, #tpu.memory_space<semaphore_mem>>) src(%arg18 : memref<80x64xf32, #tpu.memory_space<vmem>>) dst(%dma_wait3A_311 : memref<25600x64xf32, #tpu.memory_space<vmem_shared>>)
      %scan3A_312 = arith.constant 0 : i32
      %scan3A_313 = arith.constant 0 : i32
      %scan3A_314 = arith.constant 5 : i32
      %scan3A_315 = arith.addi %scan3A_313, %scan3A_314 : i32
      %scan3A_316 = arith.constant 1 : i32
      scf.for %scan3A_358 = %scan3A_313 to %scan3A_315 step %scan3A_316  : i32 {
        %mul3A_359 = arith.constant 16 : i32
        %mul3A_360 = arith.muli %scan3A_358, %mul3A_359 : i32
        %get3A = arith.index_cast %mul3A_360 : i32 to index
        %get3A_361 = tpu.vector_load %arg10[%get3A] {strides = array<i32>} : memref<80xi32, #tpu.memory_space<vmem>>, vector<16xi32>,
        %get3A_362 = vector.shape_cast %get3A_361 : vector<16xi32> to vector<16xi32>
        %sub3A = vector.broadcast %mul3A_0 : i32 to vector<16xi32>
        %sub3A_363 = arith.subi %get3A_362, %sub3A : vector<16xi32>
        %ge3A = arith.constant 0 : i32
        %ge3A_364 = vector.broadcast %ge3A : i32 to vector<16xi32>
        %ge3A_365 = arith.cmpi sge, %sub3A_363, %ge3A_364 : vector<16xi32>
        %lt3A = arith.constant 25000 : i32
        %lt3A_366 = vector.broadcast %lt3A : i32 to vector<16xi32>
        %lt3A_367 = arith.cmpi slt, %sub3A_363, %lt3A_366 : vector<16xi32>
        %and3A = arith.andi %ge3A_365, %lt3A_367 : vector<16xi1>
        %jit3A = arith.constant 25000 : i32
        %broadcast_in_dim3A_368 = vector.broadcast %jit3A : i32 to vector<16xi32>
        %select_n3A = arith.select %and3A, %sub3A_363, %broadcast_in_dim3A_368 : vector<16xi1>, vector<16xi32>
        %mul3A_369 = arith.constant 16 : i32
        %mul3A_370 = arith.muli %scan3A_358, %mul3A_369 : i32
        %swap3A = arith.index_cast %mul3A_370 : i32 to index
        %swap3A_371 = tpu.vector_load %arg12[%swap3A] {strides = array<i32>} : memref<80xi32, #tpu.memory_space<vmem>>, vector<16xi32>,
        %swap3A_372 = vector.shape_cast %swap3A_371 : vector<16xi32> to vector<16xi32>
        %swap3A_373 = vector.shape_cast %select_n3A : vector<16xi32> to vector<16xi32>
        tpu.vector_store %arg12[%swap3A], %swap3A_373 {strides = array<i32>} : memref<80xi32, #tpu.memory_space<vmem>>, vector<16xi32>,
      }
      %scan3A_317 = arith.constant 5 : i32
      %add3A_318 = arith.constant 2 : i32
      %add3A_319 = arith.addi %add3A_299, %add3A_318 : i32
      %add3A_320 = arith.constant 0 : i32
      %add3A_321 = arith.addi %add3A_320, %mul3A_16 : i32
      %mul3A_322 = arith.constant 80 : i32
      %mul3A_323 = arith.muli %add3A_319, %mul3A_322 : i32
      %add3A_324 = arith.addi %add3A_321, %mul3A_323 : i32
      %dma_start3A_325 = tpu.memref_slice %arg4[%add3A_324] : memref<800000xi32, #tpu.memory_space<hbm>> -> memref<80xi32, #tpu.memory_space<hbm>>
      %dma_start3A_326 = tpu.memref_slice %arg4[%add3A_324] : memref<800000xi32, #tpu.memory_space<hbm>> -> memref<80xi32, #tpu.memory_space<hbm>>
      tpu.enqueue_dma source(%dma_start3A_326 : memref<80xi32, #tpu.memory_space<hbm>>) target(%arg8 : memref<80xi32, #tpu.memory_space<vmem>>) target_semaphore(%arg21 : memref<!tpu.dma_semaphore, #tpu.memory_space<semaphore_mem>>)
      %dma_start3A_327 = tpu.memref_slice %arg5[%add3A_324] : memref<800000xi32, #tpu.memory_space<hbm>> -> memref<80xi32, #tpu.memory_space<hbm>>
      %dma_start3A_328 = tpu.memref_slice %arg5[%add3A_324] : memref<800000xi32, #tpu.memory_space<hbm>> -> memref<80xi32, #tpu.memory_space<hbm>>
      tpu.enqueue_dma source(%dma_start3A_328 : memref<80xi32, #tpu.memory_space<hbm>>) target(%arg10 : memref<80xi32, #tpu.memory_space<vmem>>) target_semaphore(%arg21 : memref<!tpu.dma_semaphore, #tpu.memory_space<semaphore_mem>>)
      %scan3A_329 = arith.constant 0 : i32
      %scan3A_330 = arith.constant 0 : i32
      %scan3A_331 = arith.constant 80 : i32
      %scan3A_332 = arith.addi %scan3A_330, %scan3A_331 : i32
      %scan3A_333 = arith.constant 1 : i32
      scf.for %scan3A_358 = %scan3A_330 to %scan3A_332 step %scan3A_333  : i32 {
        %get3A = arith.index_cast %scan3A_358 : i32 to index
        %get3A_359 = arith.constant 0 : index
        %get3A_360 = tpu.vector_load %arg14[%get3A, %get3A_359] {strides = array<i32>} : memref<80x32xf32, #tpu.memory_space<vmem>>, vector<1x16xf32>,
        %get3A_361 = vector.shape_cast %get3A_360 : vector<1x16xf32> to vector<16xf32>
        %get3A_362 = arith.index_cast %scan3A_358 : i32 to index
        %get3A_363 = arith.constant 16 : index
        %get3A_364 = tpu.vector_load %arg14[%get3A_362, %get3A_363] {strides = array<i32>} : memref<80x32xf32, #tpu.memory_space<vmem>>, vector<1x16xf32>,
        %get3A_365 = vector.shape_cast %get3A_364 : vector<1x16xf32> to vector<16xf32>
        %get3A_366 = arith.index_cast %scan3A_358 : i32 to index
        %get3A_367 = arith.constant 0 : index
        %get3A_368 = tpu.vector_load %arg17[%get3A_366, %get3A_367] {strides = array<i32>} : memref<80x64xf32, #tpu.memory_space<vmem>>, vector<1x16xf32>,
        %get3A_369 = vector.shape_cast %get3A_368 : vector<1x16xf32> to vector<16xf32>
        %mul3A_370 = arith.mulf %get3A_361, %get3A_369 : vector<16xf32>
        %swap3A = arith.index_cast %scan3A_358 : i32 to index
        %swap3A_371 = arith.constant 0 : index
        %swap3A_372 = tpu.vector_load %arg18[%swap3A, %swap3A_371] {strides = array<i32>} : memref<80x64xf32, #tpu.memory_space<vmem>>, vector<1x16xf32>,
        %swap3A_373 = vector.shape_cast %swap3A_372 : vector<1x16xf32> to vector<16xf32>
        %swap3A_374 = vector.shape_cast %mul3A_370 : vector<16xf32> to vector<1x16xf32>
        tpu.vector_store %arg18[%swap3A, %swap3A_371], %swap3A_374 {strides = array<i32>} : memref<80x64xf32, #tpu.memory_space<vmem>>, vector<1x16xf32>,
        %get3A_375 = arith.index_cast %scan3A_358 : i32 to index
        %get3A_376 = arith.constant 16 : index
        %get3A_377 = tpu.vector_load %arg17[%get3A_375, %get3A_376] {strides = array<i32>} : memref<80x64xf32, #tpu.memory_space<vmem>>, vector<1x16xf32>,
        %get3A_378 = vector.shape_cast %get3A_377 : vector<1x16xf32> to vector<16xf32>
        %mul3A_379 = arith.mulf %get3A_365, %get3A_378 : vector<16xf32>
        %swap3A_380 = arith.index_cast %scan3A_358 : i32 to index
        %swap3A_381 = arith.constant 16 : index
        %swap3A_382 = tpu.vector_load %arg18[%swap3A_380, %swap3A_381] {strides = array<i32>} : memref<80x64xf32, #tpu.memory_space<vmem>>, vector<1x16xf32>,
        %swap3A_383 = vector.shape_cast %swap3A_382 : vector<1x16xf32> to vector<16xf32>
        %swap3A_384 = vector.shape_cast %mul3A_379 : vector<16xf32> to vector<1x16xf32>
        tpu.vector_store %arg18[%swap3A_380, %swap3A_381], %swap3A_384 {strides = array<i32>} : memref<80x64xf32, #tpu.memory_space<vmem>>, vector<1x16xf32>,
        %get3A_385 = arith.index_cast %scan3A_358 : i32 to index
        %get3A_386 = arith.constant 32 : index
        %get3A_387 = tpu.vector_load %arg17[%get3A_385, %get3A_386] {strides = array<i32>} : memref<80x64xf32, #tpu.memory_space<vmem>>, vector<1x16xf32>,
        %get3A_388 = vector.shape_cast %get3A_387 : vector<1x16xf32> to vector<16xf32>
        %mul3A_389 = arith.mulf %get3A_361, %get3A_388 : vector<16xf32>
        %swap3A_390 = arith.index_cast %scan3A_358 : i32 to index
        %swap3A_391 = arith.constant 32 : index
        %swap3A_392 = tpu.vector_load %arg18[%swap3A_390, %swap3A_391] {strides = array<i32>} : memref<80x64xf32, #tpu.memory_space<vmem>>, vector<1x16xf32>,
        %swap3A_393 = vector.shape_cast %swap3A_392 : vector<1x16xf32> to vector<16xf32>
        %swap3A_394 = vector.shape_cast %mul3A_389 : vector<16xf32> to vector<1x16xf32>
        tpu.vector_store %arg18[%swap3A_390, %swap3A_391], %swap3A_394 {strides = array<i32>} : memref<80x64xf32, #tpu.memory_space<vmem>>, vector<1x16xf32>,
        %get3A_395 = arith.index_cast %scan3A_358 : i32 to index
        %get3A_396 = arith.constant 48 : index
        %get3A_397 = tpu.vector_load %arg17[%get3A_395, %get3A_396] {strides = array<i32>} : memref<80x64xf32, #tpu.memory_space<vmem>>, vector<1x16xf32>,
        %get3A_398 = vector.shape_cast %get3A_397 : vector<1x16xf32> to vector<16xf32>
        %mul3A_399 = arith.mulf %get3A_365, %get3A_398 : vector<16xf32>
        %swap3A_400 = arith.index_cast %scan3A_358 : i32 to index
        %swap3A_401 = arith.constant 48 : index
        %swap3A_402 = tpu.vector_load %arg18[%swap3A_400, %swap3A_401] {strides = array<i32>} : memref<80x64xf32, #tpu.memory_space<vmem>>, vector<1x16xf32>,
        %swap3A_403 = vector.shape_cast %swap3A_402 : vector<1x16xf32> to vector<16xf32>
        %swap3A_404 = vector.shape_cast %mul3A_399 : vector<16xf32> to vector<1x16xf32>
        tpu.vector_store %arg18[%swap3A_400, %swap3A_401], %swap3A_404 {strides = array<i32>} : memref<80x64xf32, #tpu.memory_space<vmem>>, vector<1x16xf32>,
      }
      %scan3A_334 = arith.constant 80 : i32
      %dma_start3A_335 = arith.constant 0 : i32
      %dma_start3A_336 = arith.constant 0 : i32
      %dma_start3A_337 = tpu.memref_slice %arg19[%dma_start3A_335, %dma_start3A_336] : memref<25600x64xf32, #tpu.memory_space<vmem_shared>> -> memref<25600x64xf32, #tpu.memory_space<vmem_shared>>
      tpu.enqueue_indirect_dma source(%arg18 : memref<80x64xf32, #tpu.memory_space<vmem>>) target(%dma_start3A_337 : memref<25600x64xf32, #tpu.memory_space<vmem_shared>>) offsets(%arg12 : memref<80xi32, #tpu.memory_space<vmem>>) semaphore(%arg27 : memref<!tpu.dma_semaphore, #tpu.memory_space<semaphore_mem>>) {add = true}
      %dma_wait3A_338 = arith.constant 0 : i32
      %dma_wait3A_339 = tpu.memref_slice %arg4[%dma_wait3A_338] : memref<800000xi32, #tpu.memory_space<hbm>> -> memref<80xi32, #tpu.memory_space<hbm>>
      %dma_wait3A_340 = arith.constant 0 : i32
      %dma_wait3A_341 = tpu.memref_slice %arg4[%dma_wait3A_340] : memref<800000xi32, #tpu.memory_space<hbm>> -> memref<80xi32, #tpu.memory_space<hbm>>
      tpu.wait_dma2 semaphore(%arg21 : memref<!tpu.dma_semaphore, #tpu.memory_space<semaphore_mem>>) src(%dma_wait3A_341 : memref<80xi32, #tpu.memory_space<hbm>>) dst(%arg8 : memref<80xi32, #tpu.memory_space<vmem>>)
      %dma_wait3A_342 = arith.constant 0 : i32
      %dma_wait3A_343 = tpu.memref_slice %arg5[%dma_wait3A_342] : memref<800000xi32, #tpu.memory_space<hbm>> -> memref<80xi32, #tpu.memory_space<hbm>>
      %dma_wait3A_344 = arith.constant 0 : i32
      %dma_wait3A_345 = tpu.memref_slice %arg5[%dma_wait3A_344] : memref<800000xi32, #tpu.memory_space<hbm>> -> memref<80xi32, #tpu.memory_space<hbm>>
      tpu.wait_dma2 semaphore(%arg21 : memref<!tpu.dma_semaphore, #tpu.memory_space<semaphore_mem>>) src(%dma_wait3A_345 : memref<80xi32, #tpu.memory_space<hbm>>) dst(%arg10 : memref<80xi32, #tpu.memory_space<vmem>>)
      %add3A_346 = arith.constant 2 : i32
      %add3A_347 = arith.addi %add3A_299, %add3A_346 : i32
      %mul3A_348 = arith.constant 80 : i32
      %mul3A_349 = arith.muli %add3A_347, %mul3A_348 : i32
      %add3A_350 = arith.addi %mul3A_16, %mul3A_349 : i32
      %dma_start3A_351 = arith.constant 0 : i32
      %dma_start3A_352 = arith.constant 0 : i32
      %dma_start3A_353 = tpu.memref_slice %arg2[%dma_start3A_351, %dma_start3A_352] : memref<50000x32xf32, #tpu.memory_space<hbm>> -> memref<50000x32xf32, #tpu.memory_space<hbm>>
      tpu.enqueue_indirect_dma source(%dma_start3A_353 : memref<50000x32xf32, #tpu.memory_space<hbm>>) target(%arg14 : memref<80x32xf32, #tpu.memory_space<vmem>>) offsets(%arg8 : memref<80xi32, #tpu.memory_space<vmem>>) semaphore(%arg23 : memref<!tpu.dma_semaphore, #tpu.memory_space<semaphore_mem>>)
      %dma_start3A_354 = arith.constant 0 : i32
      %dma_start3A_355 = tpu.memref_slice %arg3[%add3A_350, %dma_start3A_354] : memref<384000x64xf32, #tpu.memory_space<hbm>> -> memref<80x64xf32, #tpu.memory_space<hbm>>
      %dma_start3A_356 = arith.constant 0 : i32
      %dma_start3A_357 = tpu.memref_slice %arg3[%add3A_350, %dma_start3A_356] : memref<384000x64xf32, #tpu.memory_space<hbm>> -> memref<80x64xf32, #tpu.memory_space<hbm>>
      tpu.enqueue_dma source(%dma_start3A_357 : memref<80x64xf32, #tpu.memory_space<hbm>>) target(%arg17 : memref<80x64xf32, #tpu.memory_space<vmem>>) target_semaphore(%arg25 : memref<!tpu.dma_semaphore, #tpu.memory_space<semaphore_mem>>)
    }
    %scan3A_167 = arith.constant 148 : i32
    %dma_wait3A_168 = arith.constant 0 : i32
    %dma_wait3A_169 = arith.constant 0 : i32
    %dma_wait3A_170 = tpu.memref_slice %arg2[%dma_wait3A_168, %dma_wait3A_169] : memref<50000x32xf32, #tpu.memory_space<hbm>> -> memref<50000x32xf32, #tpu.memory_space<hbm>>
    tpu.wait_indirect_dma semaphore(%arg22 : memref<!tpu.dma_semaphore, #tpu.memory_space<semaphore_mem>>) src(%dma_wait3A_170 : memref<50000x32xf32, #tpu.memory_space<hbm>>) dst(%arg13 : memref<80x32xf32, #tpu.memory_space<vmem>>)
    %dma_wait3A_171 = arith.constant 0 : i32
    %dma_wait3A_172 = arith.constant 0 : i32
    %dma_wait3A_173 = tpu.memref_slice %arg3[%dma_wait3A_171, %dma_wait3A_172] : memref<384000x64xf32, #tpu.memory_space<hbm>> -> memref<80x64xf32, #tpu.memory_space<hbm>>
    %dma_wait3A_174 = arith.constant 0 : i32
    %dma_wait3A_175 = arith.constant 0 : i32
    %dma_wait3A_176 = tpu.memref_slice %arg3[%dma_wait3A_174, %dma_wait3A_175] : memref<384000x64xf32, #tpu.memory_space<hbm>> -> memref<80x64xf32, #tpu.memory_space<hbm>>
    tpu.wait_dma2 semaphore(%arg24 : memref<!tpu.dma_semaphore, #tpu.memory_space<semaphore_mem>>) src(%dma_wait3A_176 : memref<80x64xf32, #tpu.memory_space<hbm>>) dst(%arg15 : memref<80x64xf32, #tpu.memory_space<vmem>>)
    %dma_wait3A_177 = arith.constant 0 : i32
    %dma_wait3A_178 = arith.constant 0 : i32
    %dma_wait3A_179 = tpu.memref_slice %arg19[%dma_wait3A_177, %dma_wait3A_178] : memref<25600x64xf32, #tpu.memory_space<vmem_shared>> -> memref<25600x64xf32, #tpu.memory_space<vmem_shared>>
    tpu.wait_indirect_dma semaphore(%arg26 : memref<!tpu.dma_semaphore, #tpu.memory_space<semaphore_mem>>) src(%arg16 : memref<80x64xf32, #tpu.memory_space<vmem>>) dst(%dma_wait3A_179 : memref<25600x64xf32, #tpu.memory_space<vmem_shared>>)
    %scan3A_180 = arith.constant 0 : i32
    %scan3A_181 = arith.constant 0 : i32
    %scan3A_182 = arith.constant 5 : i32
    %scan3A_183 = arith.addi %scan3A_181, %scan3A_182 : i32
    %scan3A_184 = arith.constant 1 : i32
    scf.for %scan3A_235 = %scan3A_181 to %scan3A_183 step %scan3A_184  : i32 {
      %mul3A_236 = arith.constant 16 : i32
      %mul3A_237 = arith.muli %scan3A_235, %mul3A_236 : i32
      %get3A = arith.index_cast %mul3A_237 : i32 to index
      %get3A_238 = tpu.vector_load %arg9[%get3A] {strides = array<i32>} : memref<80xi32, #tpu.memory_space<vmem>>, vector<16xi32>,
      %get3A_239 = vector.shape_cast %get3A_238 : vector<16xi32> to vector<16xi32>
      %sub3A = vector.broadcast %mul3A_0 : i32 to vector<16xi32>
      %sub3A_240 = arith.subi %get3A_239, %sub3A : vector<16xi32>
      %ge3A = arith.constant 0 : i32
      %ge3A_241 = vector.broadcast %ge3A : i32 to vector<16xi32>
      %ge3A_242 = arith.cmpi sge, %sub3A_240, %ge3A_241 : vector<16xi32>
      %lt3A = arith.constant 25000 : i32
      %lt3A_243 = vector.broadcast %lt3A : i32 to vector<16xi32>
      %lt3A_244 = arith.cmpi slt, %sub3A_240, %lt3A_243 : vector<16xi32>
      %and3A = arith.andi %ge3A_242, %lt3A_244 : vector<16xi1>
      %jit3A = arith.constant 25000 : i32
      %broadcast_in_dim3A_245 = vector.broadcast %jit3A : i32 to vector<16xi32>
      %select_n3A = arith.select %and3A, %sub3A_240, %broadcast_in_dim3A_245 : vector<16xi1>, vector<16xi32>
      %mul3A_246 = arith.constant 16 : i32
      %mul3A_247 = arith.muli %scan3A_235, %mul3A_246 : i32
      %swap3A = arith.index_cast %mul3A_247 : i32 to index
      %swap3A_248 = tpu.vector_load %arg11[%swap3A] {strides = array<i32>} : memref<80xi32, #tpu.memory_space<vmem>>, vector<16xi32>,
      %swap3A_249 = vector.shape_cast %swap3A_248 : vector<16xi32> to vector<16xi32>
      %swap3A_250 = vector.shape_cast %select_n3A : vector<16xi32> to vector<16xi32>
      tpu.vector_store %arg11[%swap3A], %swap3A_250 {strides = array<i32>} : memref<80xi32, #tpu.memory_space<vmem>>, vector<16xi32>,
    }
    %scan3A_185 = arith.constant 5 : i32
    %scan3A_186 = arith.constant 0 : i32
    %scan3A_187 = arith.constant 0 : i32
    %scan3A_188 = arith.constant 80 : i32
    %scan3A_189 = arith.addi %scan3A_187, %scan3A_188 : i32
    %scan3A_190 = arith.constant 1 : i32
    scf.for %scan3A_235 = %scan3A_187 to %scan3A_189 step %scan3A_190  : i32 {
      %get3A = arith.index_cast %scan3A_235 : i32 to index
      %get3A_236 = arith.constant 0 : index
      %get3A_237 = tpu.vector_load %arg13[%get3A, %get3A_236] {strides = array<i32>} : memref<80x32xf32, #tpu.memory_space<vmem>>, vector<1x16xf32>,
      %get3A_238 = vector.shape_cast %get3A_237 : vector<1x16xf32> to vector<16xf32>
      %get3A_239 = arith.index_cast %scan3A_235 : i32 to index
      %get3A_240 = arith.constant 16 : index
      %get3A_241 = tpu.vector_load %arg13[%get3A_239, %get3A_240] {strides = array<i32>} : memref<80x32xf32, #tpu.memory_space<vmem>>, vector<1x16xf32>,
      %get3A_242 = vector.shape_cast %get3A_241 : vector<1x16xf32> to vector<16xf32>
      %get3A_243 = arith.index_cast %scan3A_235 : i32 to index
      %get3A_244 = arith.constant 0 : index
      %get3A_245 = tpu.vector_load %arg15[%get3A_243, %get3A_244] {strides = array<i32>} : memref<80x64xf32, #tpu.memory_space<vmem>>, vector<1x16xf32>,
      %get3A_246 = vector.shape_cast %get3A_245 : vector<1x16xf32> to vector<16xf32>
      %mul3A_247 = arith.mulf %get3A_238, %get3A_246 : vector<16xf32>
      %swap3A = arith.index_cast %scan3A_235 : i32 to index
      %swap3A_248 = arith.constant 0 : index
      %swap3A_249 = tpu.vector_load %arg16[%swap3A, %swap3A_248] {strides = array<i32>} : memref<80x64xf32, #tpu.memory_space<vmem>>, vector<1x16xf32>,
      %swap3A_250 = vector.shape_cast %swap3A_249 : vector<1x16xf32> to vector<16xf32>
      %swap3A_251 = vector.shape_cast %mul3A_247 : vector<16xf32> to vector<1x16xf32>
      tpu.vector_store %arg16[%swap3A, %swap3A_248], %swap3A_251 {strides = array<i32>} : memref<80x64xf32, #tpu.memory_space<vmem>>, vector<1x16xf32>,
      %get3A_252 = arith.index_cast %scan3A_235 : i32 to index
      %get3A_253 = arith.constant 16 : index
      %get3A_254 = tpu.vector_load %arg15[%get3A_252, %get3A_253] {strides = array<i32>} : memref<80x64xf32, #tpu.memory_space<vmem>>, vector<1x16xf32>,
      %get3A_255 = vector.shape_cast %get3A_254 : vector<1x16xf32> to vector<16xf32>
      %mul3A_256 = arith.mulf %get3A_242, %get3A_255 : vector<16xf32>
      %swap3A_257 = arith.index_cast %scan3A_235 : i32 to index
      %swap3A_258 = arith.constant 16 : index
      %swap3A_259 = tpu.vector_load %arg16[%swap3A_257, %swap3A_258] {strides = array<i32>} : memref<80x64xf32, #tpu.memory_space<vmem>>, vector<1x16xf32>,
      %swap3A_260 = vector.shape_cast %swap3A_259 : vector<1x16xf32> to vector<16xf32>
      %swap3A_261 = vector.shape_cast %mul3A_256 : vector<16xf32> to vector<1x16xf32>
      tpu.vector_store %arg16[%swap3A_257, %swap3A_258], %swap3A_261 {strides = array<i32>} : memref<80x64xf32, #tpu.memory_space<vmem>>, vector<1x16xf32>,
      %get3A_262 = arith.index_cast %scan3A_235 : i32 to index
      %get3A_263 = arith.constant 32 : index
      %get3A_264 = tpu.vector_load %arg15[%get3A_262, %get3A_263] {strides = array<i32>} : memref<80x64xf32, #tpu.memory_space<vmem>>, vector<1x16xf32>,
      %get3A_265 = vector.shape_cast %get3A_264 : vector<1x16xf32> to vector<16xf32>
      %mul3A_266 = arith.mulf %get3A_238, %get3A_265 : vector<16xf32>
      %swap3A_267 = arith.index_cast %scan3A_235 : i32 to index
      %swap3A_268 = arith.constant 32 : index
      %swap3A_269 = tpu.vector_load %arg16[%swap3A_267, %swap3A_268] {strides = array<i32>} : memref<80x64xf32, #tpu.memory_space<vmem>>, vector<1x16xf32>,
      %swap3A_270 = vector.shape_cast %swap3A_269 : vector<1x16xf32> to vector<16xf32>
      %swap3A_271 = vector.shape_cast %mul3A_266 : vector<16xf32> to vector<1x16xf32>
      tpu.vector_store %arg16[%swap3A_267, %swap3A_268], %swap3A_271 {strides = array<i32>} : memref<80x64xf32, #tpu.memory_space<vmem>>, vector<1x16xf32>,
      %get3A_272 = arith.index_cast %scan3A_235 : i32 to index
      %get3A_273 = arith.constant 48 : index
      %get3A_274 = tpu.vector_load %arg15[%get3A_272, %get3A_273] {strides = array<i32>} : memref<80x64xf32, #tpu.memory_space<vmem>>, vector<1x16xf32>,
      %get3A_275 = vector.shape_cast %get3A_274 : vector<1x16xf32> to vector<16xf32>
      %mul3A_276 = arith.mulf %get3A_242, %get3A_275 : vector<16xf32>
      %swap3A_277 = arith.index_cast %scan3A_235 : i32 to index
      %swap3A_278 = arith.constant 48 : index
      %swap3A_279 = tpu.vector_load %arg16[%swap3A_277, %swap3A_278] {strides = array<i32>} : memref<80x64xf32, #tpu.memory_space<vmem>>, vector<1x16xf32>,
      %swap3A_280 = vector.shape_cast %swap3A_279 : vector<1x16xf32> to vector<16xf32>
      %swap3A_281 = vector.shape_cast %mul3A_276 : vector<16xf32> to vector<1x16xf32>
      tpu.vector_store %arg16[%swap3A_277, %swap3A_278], %swap3A_281 {strides = array<i32>} : memref<80x64xf32, #tpu.memory_space<vmem>>, vector<1x16xf32>,
    }
    %scan3A_191 = arith.constant 80 : i32
    %dma_start3A_192 = arith.constant 0 : i32
    %dma_start3A_193 = arith.constant 0 : i32
    %dma_start3A_194 = tpu.memref_slice %arg19[%dma_start3A_192, %dma_start3A_193] : memref<25600x64xf32, #tpu.memory_space<vmem_shared>> -> memref<25600x64xf32, #tpu.memory_space<vmem_shared>>
    tpu.enqueue_indirect_dma source(%arg16 : memref<80x64xf32, #tpu.memory_space<vmem>>) target(%dma_start3A_194 : memref<25600x64xf32, #tpu.memory_space<vmem_shared>>) offsets(%arg11 : memref<80xi32, #tpu.memory_space<vmem>>) semaphore(%arg26 : memref<!tpu.dma_semaphore, #tpu.memory_space<semaphore_mem>>) {add = true}
    %dma_wait3A_195 = arith.constant 0 : i32
    %dma_wait3A_196 = arith.constant 0 : i32
    %dma_wait3A_197 = tpu.memref_slice %arg2[%dma_wait3A_195, %dma_wait3A_196] : memref<50000x32xf32, #tpu.memory_space<hbm>> -> memref<50000x32xf32, #tpu.memory_space<hbm>>
    tpu.wait_indirect_dma semaphore(%arg23 : memref<!tpu.dma_semaphore, #tpu.memory_space<semaphore_mem>>) src(%dma_wait3A_197 : memref<50000x32xf32, #tpu.memory_space<hbm>>) dst(%arg14 : memref<80x32xf32, #tpu.memory_space<vmem>>)
    %dma_wait3A_198 = arith.constant 0 : i32
    %dma_wait3A_199 = arith.constant 0 : i32
    %dma_wait3A_200 = tpu.memref_slice %arg3[%dma_wait3A_198, %dma_wait3A_199] : memref<384000x64xf32, #tpu.memory_space<hbm>> -> memref<80x64xf32, #tpu.memory_space<hbm>>
    %dma_wait3A_201 = arith.constant 0 : i32
    %dma_wait3A_202 = arith.constant 0 : i32
    %dma_wait3A_203 = tpu.memref_slice %arg3[%dma_wait3A_201, %dma_wait3A_202] : memref<384000x64xf32, #tpu.memory_space<hbm>> -> memref<80x64xf32, #tpu.memory_space<hbm>>
    tpu.wait_dma2 semaphore(%arg25 : memref<!tpu.dma_semaphore, #tpu.memory_space<semaphore_mem>>) src(%dma_wait3A_203 : memref<80x64xf32, #tpu.memory_space<hbm>>) dst(%arg17 : memref<80x64xf32, #tpu.memory_space<vmem>>)
    %dma_wait3A_204 = arith.constant 0 : i32
    %dma_wait3A_205 = arith.constant 0 : i32
    %dma_wait3A_206 = tpu.memref_slice %arg19[%dma_wait3A_204, %dma_wait3A_205] : memref<25600x64xf32, #tpu.memory_space<vmem_shared>> -> memref<25600x64xf32, #tpu.memory_space<vmem_shared>>
    tpu.wait_indirect_dma semaphore(%arg27 : memref<!tpu.dma_semaphore, #tpu.memory_space<semaphore_mem>>) src(%arg18 : memref<80x64xf32, #tpu.memory_space<vmem>>) dst(%dma_wait3A_206 : memref<25600x64xf32, #tpu.memory_space<vmem_shared>>)
    %scan3A_207 = arith.constant 0 : i32
    %scan3A_208 = arith.constant 0 : i32
    %scan3A_209 = arith.constant 5 : i32
    %scan3A_210 = arith.addi %scan3A_208, %scan3A_209 : i32
    %scan3A_211 = arith.constant 1 : i32
    scf.for %scan3A_235 = %scan3A_208 to %scan3A_210 step %scan3A_211  : i32 {
      %mul3A_236 = arith.constant 16 : i32
      %mul3A_237 = arith.muli %scan3A_235, %mul3A_236 : i32
      %get3A = arith.index_cast %mul3A_237 : i32 to index
      %get3A_238 = tpu.vector_load %arg10[%get3A] {strides = array<i32>} : memref<80xi32, #tpu.memory_space<vmem>>, vector<16xi32>,
      %get3A_239 = vector.shape_cast %get3A_238 : vector<16xi32> to vector<16xi32>
      %sub3A = vector.broadcast %mul3A_0 : i32 to vector<16xi32>
      %sub3A_240 = arith.subi %get3A_239, %sub3A : vector<16xi32>
      %ge3A = arith.constant 0 : i32
      %ge3A_241 = vector.broadcast %ge3A : i32 to vector<16xi32>
      %ge3A_242 = arith.cmpi sge, %sub3A_240, %ge3A_241 : vector<16xi32>
      %lt3A = arith.constant 25000 : i32
      %lt3A_243 = vector.broadcast %lt3A : i32 to vector<16xi32>
      %lt3A_244 = arith.cmpi slt, %sub3A_240, %lt3A_243 : vector<16xi32>
      %and3A = arith.andi %ge3A_242, %lt3A_244 : vector<16xi1>
      %jit3A = arith.constant 25000 : i32
      %broadcast_in_dim3A_245 = vector.broadcast %jit3A : i32 to vector<16xi32>
      %select_n3A = arith.select %and3A, %sub3A_240, %broadcast_in_dim3A_245 : vector<16xi1>, vector<16xi32>
      %mul3A_246 = arith.constant 16 : i32
      %mul3A_247 = arith.muli %scan3A_235, %mul3A_246 : i32
      %swap3A = arith.index_cast %mul3A_247 : i32 to index
      %swap3A_248 = tpu.vector_load %arg12[%swap3A] {strides = array<i32>} : memref<80xi32, #tpu.memory_space<vmem>>, vector<16xi32>,
      %swap3A_249 = vector.shape_cast %swap3A_248 : vector<16xi32> to vector<16xi32>
      %swap3A_250 = vector.shape_cast %select_n3A : vector<16xi32> to vector<16xi32>
      tpu.vector_store %arg12[%swap3A], %swap3A_250 {strides = array<i32>} : memref<80xi32, #tpu.memory_space<vmem>>, vector<16xi32>,
    }
    %scan3A_212 = arith.constant 5 : i32
    %scan3A_213 = arith.constant 0 : i32
    %scan3A_214 = arith.constant 0 : i32
    %scan3A_215 = arith.constant 80 : i32
    %scan3A_216 = arith.addi %scan3A_214, %scan3A_215 : i32
    %scan3A_217 = arith.constant 1 : i32
    scf.for %scan3A_235 = %scan3A_214 to %scan3A_216 step %scan3A_217  : i32 {
      %get3A = arith.index_cast %scan3A_235 : i32 to index
      %get3A_236 = arith.constant 0 : index
      %get3A_237 = tpu.vector_load %arg14[%get3A, %get3A_236] {strides = array<i32>} : memref<80x32xf32, #tpu.memory_space<vmem>>, vector<1x16xf32>,
      %get3A_238 = vector.shape_cast %get3A_237 : vector<1x16xf32> to vector<16xf32>
      %get3A_239 = arith.index_cast %scan3A_235 : i32 to index
      %get3A_240 = arith.constant 16 : index
      %get3A_241 = tpu.vector_load %arg14[%get3A_239, %get3A_240] {strides = array<i32>} : memref<80x32xf32, #tpu.memory_space<vmem>>, vector<1x16xf32>,
      %get3A_242 = vector.shape_cast %get3A_241 : vector<1x16xf32> to vector<16xf32>
      %get3A_243 = arith.index_cast %scan3A_235 : i32 to index
      %get3A_244 = arith.constant 0 : index
      %get3A_245 = tpu.vector_load %arg17[%get3A_243, %get3A_244] {strides = array<i32>} : memref<80x64xf32, #tpu.memory_space<vmem>>, vector<1x16xf32>,
      %get3A_246 = vector.shape_cast %get3A_245 : vector<1x16xf32> to vector<16xf32>
      %mul3A_247 = arith.mulf %get3A_238, %get3A_246 : vector<16xf32>
      %swap3A = arith.index_cast %scan3A_235 : i32 to index
      %swap3A_248 = arith.constant 0 : index
      %swap3A_249 = tpu.vector_load %arg18[%swap3A, %swap3A_248] {strides = array<i32>} : memref<80x64xf32, #tpu.memory_space<vmem>>, vector<1x16xf32>,
      %swap3A_250 = vector.shape_cast %swap3A_249 : vector<1x16xf32> to vector<16xf32>
      %swap3A_251 = vector.shape_cast %mul3A_247 : vector<16xf32> to vector<1x16xf32>
      tpu.vector_store %arg18[%swap3A, %swap3A_248], %swap3A_251 {strides = array<i32>} : memref<80x64xf32, #tpu.memory_space<vmem>>, vector<1x16xf32>,
      %get3A_252 = arith.index_cast %scan3A_235 : i32 to index
      %get3A_253 = arith.constant 16 : index
      %get3A_254 = tpu.vector_load %arg17[%get3A_252, %get3A_253] {strides = array<i32>} : memref<80x64xf32, #tpu.memory_space<vmem>>, vector<1x16xf32>,
      %get3A_255 = vector.shape_cast %get3A_254 : vector<1x16xf32> to vector<16xf32>
      %mul3A_256 = arith.mulf %get3A_242, %get3A_255 : vector<16xf32>
      %swap3A_257 = arith.index_cast %scan3A_235 : i32 to index
      %swap3A_258 = arith.constant 16 : index
      %swap3A_259 = tpu.vector_load %arg18[%swap3A_257, %swap3A_258] {strides = array<i32>} : memref<80x64xf32, #tpu.memory_space<vmem>>, vector<1x16xf32>,
      %swap3A_260 = vector.shape_cast %swap3A_259 : vector<1x16xf32> to vector<16xf32>
      %swap3A_261 = vector.shape_cast %mul3A_256 : vector<16xf32> to vector<1x16xf32>
      tpu.vector_store %arg18[%swap3A_257, %swap3A_258], %swap3A_261 {strides = array<i32>} : memref<80x64xf32, #tpu.memory_space<vmem>>, vector<1x16xf32>,
      %get3A_262 = arith.index_cast %scan3A_235 : i32 to index
      %get3A_263 = arith.constant 32 : index
      %get3A_264 = tpu.vector_load %arg17[%get3A_262, %get3A_263] {strides = array<i32>} : memref<80x64xf32, #tpu.memory_space<vmem>>, vector<1x16xf32>,
      %get3A_265 = vector.shape_cast %get3A_264 : vector<1x16xf32> to vector<16xf32>
      %mul3A_266 = arith.mulf %get3A_238, %get3A_265 : vector<16xf32>
      %swap3A_267 = arith.index_cast %scan3A_235 : i32 to index
      %swap3A_268 = arith.constant 32 : index
      %swap3A_269 = tpu.vector_load %arg18[%swap3A_267, %swap3A_268] {strides = array<i32>} : memref<80x64xf32, #tpu.memory_space<vmem>>, vector<1x16xf32>,
      %swap3A_270 = vector.shape_cast %swap3A_269 : vector<1x16xf32> to vector<16xf32>
      %swap3A_271 = vector.shape_cast %mul3A_266 : vector<16xf32> to vector<1x16xf32>
      tpu.vector_store %arg18[%swap3A_267, %swap3A_268], %swap3A_271 {strides = array<i32>} : memref<80x64xf32, #tpu.memory_space<vmem>>, vector<1x16xf32>,
      %get3A_272 = arith.index_cast %scan3A_235 : i32 to index
      %get3A_273 = arith.constant 48 : index
      %get3A_274 = tpu.vector_load %arg17[%get3A_272, %get3A_273] {strides = array<i32>} : memref<80x64xf32, #tpu.memory_space<vmem>>, vector<1x16xf32>,
      %get3A_275 = vector.shape_cast %get3A_274 : vector<1x16xf32> to vector<16xf32>
      %mul3A_276 = arith.mulf %get3A_242, %get3A_275 : vector<16xf32>
      %swap3A_277 = arith.index_cast %scan3A_235 : i32 to index
      %swap3A_278 = arith.constant 48 : index
      %swap3A_279 = tpu.vector_load %arg18[%swap3A_277, %swap3A_278] {strides = array<i32>} : memref<80x64xf32, #tpu.memory_space<vmem>>, vector<1x16xf32>,
      %swap3A_280 = vector.shape_cast %swap3A_279 : vector<1x16xf32> to vector<16xf32>
      %swap3A_281 = vector.shape_cast %mul3A_276 : vector<16xf32> to vector<1x16xf32>
      tpu.vector_store %arg18[%swap3A_277, %swap3A_278], %swap3A_281 {strides = array<i32>} : memref<80x64xf32, #tpu.memory_space<vmem>>, vector<1x16xf32>,
    }
    %scan3A_218 = arith.constant 80 : i32
    %dma_start3A_219 = arith.constant 0 : i32
    %dma_start3A_220 = arith.constant 0 : i32
    %dma_start3A_221 = tpu.memref_slice %arg19[%dma_start3A_219, %dma_start3A_220] : memref<25600x64xf32, #tpu.memory_space<vmem_shared>> -> memref<25600x64xf32, #tpu.memory_space<vmem_shared>>
    tpu.enqueue_indirect_dma source(%arg18 : memref<80x64xf32, #tpu.memory_space<vmem>>) target(%dma_start3A_221 : memref<25600x64xf32, #tpu.memory_space<vmem_shared>>) offsets(%arg12 : memref<80xi32, #tpu.memory_space<vmem>>) semaphore(%arg27 : memref<!tpu.dma_semaphore, #tpu.memory_space<semaphore_mem>>) {add = true}
    %dma_wait3A_222 = arith.constant 0 : i32
    %dma_wait3A_223 = arith.constant 0 : i32
    %dma_wait3A_224 = tpu.memref_slice %arg19[%dma_wait3A_222, %dma_wait3A_223] : memref<25600x64xf32, #tpu.memory_space<vmem_shared>> -> memref<25600x64xf32, #tpu.memory_space<vmem_shared>>
    tpu.wait_indirect_dma semaphore(%arg26 : memref<!tpu.dma_semaphore, #tpu.memory_space<semaphore_mem>>) src(%arg16 : memref<80x64xf32, #tpu.memory_space<vmem>>) dst(%dma_wait3A_224 : memref<25600x64xf32, #tpu.memory_space<vmem_shared>>)
    %dma_wait3A_225 = arith.constant 0 : i32
    %dma_wait3A_226 = arith.constant 0 : i32
    %dma_wait3A_227 = tpu.memref_slice %arg19[%dma_wait3A_225, %dma_wait3A_226] : memref<25600x64xf32, #tpu.memory_space<vmem_shared>> -> memref<25600x64xf32, #tpu.memory_space<vmem_shared>>
    tpu.wait_indirect_dma semaphore(%arg27 : memref<!tpu.dma_semaphore, #tpu.memory_space<semaphore_mem>>) src(%arg18 : memref<80x64xf32, #tpu.memory_space<vmem>>) dst(%dma_wait3A_227 : memref<25600x64xf32, #tpu.memory_space<vmem_shared>>)
    %barrier3A_228 = arith.constant 0 : index
    tpu.barrier barrier_id(%barrier3A_228)
    %scan3A_229 = arith.constant 0 : i32
    %scan3A_230 = arith.constant 0 : i32
    %scan3A_231 = arith.constant 20 : i32
    %scan3A_232 = arith.addi %scan3A_230, %scan3A_231 : i32
    %scan3A_233 = arith.constant 1 : i32
    scf.for %scan3A_235 = %scan3A_230 to %scan3A_232 step %scan3A_233  : i32 {
      %mul3A_236 = arith.constant 80 : i32
      %mul3A_237 = arith.muli %scan3A_235, %mul3A_236 : i32
      %add3A_238 = arith.addi %mul3A_8, %mul3A_237 : i32
      "tpu.region"() ({
        %run_scoped3A = tpu.sem_alloc : memref<!tpu.dma_semaphore, #tpu.memory_space<semaphore_mem>>
        %dma_start3A_242 = arith.constant 0 : i32
        %dma_start3A_243 = tpu.memref_slice %arg19[%add3A_238, %dma_start3A_242] : memref<25600x64xf32, #tpu.memory_space<vmem_shared>> -> memref<80x64xf32, #tpu.memory_space<vmem_shared>>
        %dma_start3A_244 = arith.constant 0 : i32
        %dma_start3A_245 = tpu.memref_slice %arg19[%add3A_238, %dma_start3A_244] : memref<25600x64xf32, #tpu.memory_space<vmem_shared>> -> memref<80x64xf32, #tpu.memory_space<vmem_shared>>
        tpu.enqueue_dma source(%dma_start3A_245 : memref<80x64xf32, #tpu.memory_space<vmem_shared>>) target(%arg15 : memref<80x64xf32, #tpu.memory_space<vmem>>) target_semaphore(%run_scoped3A : memref<!tpu.dma_semaphore, #tpu.memory_space<semaphore_mem>>)
        %dma_wait3A_246 = arith.constant 0 : i32
        %dma_wait3A_247 = tpu.memref_slice %arg19[%add3A_238, %dma_wait3A_246] : memref<25600x64xf32, #tpu.memory_space<vmem_shared>> -> memref<80x64xf32, #tpu.memory_space<vmem_shared>>
        %dma_wait3A_248 = arith.constant 0 : i32
        %dma_wait3A_249 = tpu.memref_slice %arg19[%add3A_238, %dma_wait3A_248] : memref<25600x64xf32, #tpu.memory_space<vmem_shared>> -> memref<80x64xf32, #tpu.memory_space<vmem_shared>>
        tpu.wait_dma2 semaphore(%run_scoped3A : memref<!tpu.dma_semaphore, #tpu.memory_space<semaphore_mem>>) src(%dma_wait3A_249 : memref<80x64xf32, #tpu.memory_space<vmem_shared>>) dst(%arg15 : memref<80x64xf32, #tpu.memory_space<vmem>>)
        tpu.yield
      }) : () -> ()
      %mul3A_239 = arith.constant 25600 : i32
      %mul3A_240 = arith.muli %arg0, %mul3A_239 : i32
      %add3A_241 = arith.addi %mul3A_240, %add3A_238 : i32
      "tpu.region"() ({
        %run_scoped3A = tpu.sem_alloc : memref<!tpu.dma_semaphore, #tpu.memory_space<semaphore_mem>>
        %dma_start3A_242 = arith.constant 0 : i32
        %dma_start3A_243 = tpu.memref_slice %arg6[%add3A_241, %dma_start3A_242] : memref<51200x64xf32, #tpu.memory_space<hbm>> -> memref<80x64xf32, #tpu.memory_space<hbm>>
        %dma_start3A_244 = arith.constant 0 : i32
        %dma_start3A_245 = tpu.memref_slice %arg6[%add3A_241, %dma_start3A_244] : memref<51200x64xf32, #tpu.memory_space<hbm>> -> memref<80x64xf32, #tpu.memory_space<hbm>>
        tpu.enqueue_dma source(%arg15 : memref<80x64xf32, #tpu.memory_space<vmem>>) target(%dma_start3A_245 : memref<80x64xf32, #tpu.memory_space<hbm>>) target_semaphore(%run_scoped3A : memref<!tpu.dma_semaphore, #tpu.memory_space<semaphore_mem>>)
        %dma_wait3A_246 = arith.constant 0 : i32
        %dma_wait3A_247 = tpu.memref_slice %arg6[%add3A_241, %dma_wait3A_246] : memref<51200x64xf32, #tpu.memory_space<hbm>> -> memref<80x64xf32, #tpu.memory_space<hbm>>
        %dma_wait3A_248 = arith.constant 0 : i32
        %dma_wait3A_249 = tpu.memref_slice %arg6[%add3A_241, %dma_wait3A_248] : memref<51200x64xf32, #tpu.memory_space<hbm>> -> memref<80x64xf32, #tpu.memory_space<hbm>>
        tpu.wait_dma2 semaphore(%run_scoped3A : memref<!tpu.dma_semaphore, #tpu.memory_space<semaphore_mem>>) src(%arg15 : memref<80x64xf32, #tpu.memory_space<vmem>>) dst(%dma_wait3A_249 : memref<80x64xf32, #tpu.memory_space<hbm>>)
        tpu.yield
      }) : () -> ()
    }
    %scan3A_234 = arith.constant 20 : i32
    return
  }
}

module attributes {stable_mosaic.version = 14 : i64} {
  func.func @mix_body(%arg0: i32, %arg1: memref<8000x16xf32, #tpu.memory_space<vmem>>, %arg2: memref<8000x2xf32, #tpu.memory_space<vmem>>, %arg3: memref<16x64xf32, #tpu.memory_space<vmem>>, %arg4: memref<64x64xf32, #tpu.memory_space<vmem>>, %arg5: memref<64x64xf32, #tpu.memory_space<vmem>>, %arg6: memref<64x64xf32, #tpu.memory_space<vmem>>, %arg7: memref<8000x64xf32, #tpu.memory_space<vmem>>) attributes {dimension_semantics = [#tpu.dimension_semantics<arbitrary>], iteration_bounds = array<i64: 48>, scalar_prefetch = 0 : i64, scratch_operands = 0 : i64, tpu.core_type = #tpu.core_type<tc>, window_params = [{transform_indices = @transform_0, window_bounds = array<i64: 8000, 16>}, {transform_indices = @transform_1, window_bounds = array<i64: 8000, 2>}, {pipeline_mode = #tpu.pipeline_mode<synchronous>, transform_indices = @transform_2, window_bounds = array<i64: 16, 64>}, {pipeline_mode = #tpu.pipeline_mode<synchronous>, transform_indices = @transform_3, window_bounds = array<i64: 64, 64>}, {pipeline_mode = #tpu.pipeline_mode<synchronous>, transform_indices = @transform_4, window_bounds = array<i64: 64, 64>}, {pipeline_mode = #tpu.pipeline_mode<synchronous>, transform_indices = @transform_5, window_bounds = array<i64: 64, 64>}, {transform_indices = @transform_6, window_bounds = array<i64: 8000, 64>}]} {
    %get3A = arith.constant 0 : index
    %get3A_0 = arith.constant 0 : index
    %get3A_1 = vector.load %arg1[%get3A, %get3A_0] : memref<8000x16xf32, #tpu.memory_space<vmem>>, vector<8000x16xf32>
    %get3A_2 = arith.constant 0 : index
    %get3A_3 = arith.constant 0 : index
    %get3A_4 = vector.load %arg3[%get3A_2, %get3A_3] : memref<16x64xf32, #tpu.memory_space<vmem>>, vector<16x64xf32>
    %dot_general3A = arith.constant dense<0.000000e+00> : vector<8000x64xf32>
    %dot_general3A_5 = tpu.matmul %get3A_1, %get3A_4, %dot_general3A {dimension_numbers = #tpu.dot_dimension_numbers<[1], [0], [0], [1], [0, 0, 1, 1], [], []>, transpose_lhs_hint = false} : vector<8000x16xf32>, vector<16x64xf32>, vector<8000x64xf32> -> vector<8000x64xf32>
    %mul3A = arith.constant 2.500000e-01 : f32
    %mul3A_6 = vector.broadcast %mul3A : f32 to vector<8000x64xf32>
    %mul3A_7 = arith.mulf %dot_general3A_5, %mul3A_6 : vector<8000x64xf32>
    %logistic3A = arith.negf %mul3A_7 : vector<8000x64xf32>
    %logistic3A_8 = math.exp %logistic3A : vector<8000x64xf32>
    %logistic3A_9 = arith.constant 1.000000e+00 : f32
    %logistic3A_10 = vector.broadcast %logistic3A_9 : f32 to vector<8000x64xf32>
    %logistic3A_11 = arith.addf %logistic3A_10, %logistic3A_8 : vector<8000x64xf32>
    %logistic3A_12 = arith.divf %logistic3A_10, %logistic3A_11 : vector<8000x64xf32>
    %mul3A_13 = arith.mulf %mul3A_7, %logistic3A_12 : vector<8000x64xf32>
    %get3A_14 = arith.constant 0 : index
    %get3A_15 = arith.constant 0 : index
    %get3A_16 = vector.load %arg4[%get3A_14, %get3A_15] : memref<64x64xf32, #tpu.memory_space<vmem>>, vector<64x64xf32>
    %dot_general3A_17 = arith.constant dense<0.000000e+00> : vector<8000x64xf32>
    %dot_general3A_18 = tpu.matmul %mul3A_13, %get3A_16, %dot_general3A_17 {dimension_numbers = #tpu.dot_dimension_numbers<[1], [0], [0], [1], [0, 0, 1, 1], [], []>, transpose_lhs_hint = false} : vector<8000x64xf32>, vector<64x64xf32>, vector<8000x64xf32> -> vector<8000x64xf32>
    %mul3A_19 = arith.constant 1.250000e-01 : f32
    %mul3A_20 = vector.broadcast %mul3A_19 : f32 to vector<8000x64xf32>
    %mul3A_21 = arith.mulf %dot_general3A_18, %mul3A_20 : vector<8000x64xf32>
    %logistic3A_22 = arith.negf %mul3A_21 : vector<8000x64xf32>
    %logistic3A_23 = math.exp %logistic3A_22 : vector<8000x64xf32>
    %logistic3A_24 = arith.constant 1.000000e+00 : f32
    %logistic3A_25 = vector.broadcast %logistic3A_24 : f32 to vector<8000x64xf32>
    %logistic3A_26 = arith.addf %logistic3A_25, %logistic3A_23 : vector<8000x64xf32>
    %logistic3A_27 = arith.divf %logistic3A_25, %logistic3A_26 : vector<8000x64xf32>
    %mul3A_28 = arith.mulf %mul3A_21, %logistic3A_27 : vector<8000x64xf32>
    %get3A_29 = arith.constant 0 : index
    %get3A_30 = arith.constant 0 : index
    %get3A_31 = vector.load %arg5[%get3A_29, %get3A_30] : memref<64x64xf32, #tpu.memory_space<vmem>>, vector<64x64xf32>
    %dot_general3A_32 = arith.constant dense<0.000000e+00> : vector<8000x64xf32>
    %dot_general3A_33 = tpu.matmul %mul3A_28, %get3A_31, %dot_general3A_32 {dimension_numbers = #tpu.dot_dimension_numbers<[1], [0], [0], [1], [0, 0, 1, 1], [], []>, transpose_lhs_hint = false} : vector<8000x64xf32>, vector<64x64xf32>, vector<8000x64xf32> -> vector<8000x64xf32>
    %mul3A_34 = arith.constant 1.250000e-01 : f32
    %mul3A_35 = vector.broadcast %mul3A_34 : f32 to vector<8000x64xf32>
    %mul3A_36 = arith.mulf %dot_general3A_33, %mul3A_35 : vector<8000x64xf32>
    %logistic3A_37 = arith.negf %mul3A_36 : vector<8000x64xf32>
    %logistic3A_38 = math.exp %logistic3A_37 : vector<8000x64xf32>
    %logistic3A_39 = arith.constant 1.000000e+00 : f32
    %logistic3A_40 = vector.broadcast %logistic3A_39 : f32 to vector<8000x64xf32>
    %logistic3A_41 = arith.addf %logistic3A_40, %logistic3A_38 : vector<8000x64xf32>
    %logistic3A_42 = arith.divf %logistic3A_40, %logistic3A_41 : vector<8000x64xf32>
    %mul3A_43 = arith.mulf %mul3A_36, %logistic3A_42 : vector<8000x64xf32>
    %get3A_44 = arith.constant 0 : index
    %get3A_45 = arith.constant 0 : index
    %get3A_46 = vector.load %arg6[%get3A_44, %get3A_45] : memref<64x64xf32, #tpu.memory_space<vmem>>, vector<64x64xf32>
    %dot_general3A_47 = arith.constant dense<0.000000e+00> : vector<8000x64xf32>
    %dot_general3A_48 = tpu.matmul %mul3A_43, %get3A_46, %dot_general3A_47 {dimension_numbers = #tpu.dot_dimension_numbers<[1], [0], [0], [1], [0, 0, 1, 1], [], []>, transpose_lhs_hint = false} : vector<8000x64xf32>, vector<64x64xf32>, vector<8000x64xf32> -> vector<8000x64xf32>
    %get3A_49 = arith.constant 0 : index
    %get3A_50 = arith.constant 0 : index
    %get3A_51 = vector.load %arg2[%get3A_49, %get3A_50] : memref<8000x2xf32, #tpu.memory_space<vmem>>, vector<8000x2xf32>
    %iota3A = tpu.iota {dimensions = array<i32: 1>} : vector<8000x64xi32>
    %lt3A = arith.constant 32 : i32
    %lt3A_52 = vector.broadcast %lt3A : i32 to vector<8000x64xi32>
    %lt3A_53 = arith.cmpi slt, %iota3A, %lt3A_52 : vector<8000x64xi32>
    %slice3A = vector.extract_strided_slice %get3A_51 {offsets = [0, 0], sizes = [8000, 1], strides = [1, 1]} : vector<8000x2xf32> to vector<8000x1xf32>
    %slice3A_54 = vector.extract_strided_slice %get3A_51 {offsets = [0, 1], sizes = [8000, 1], strides = [1, 1]} : vector<8000x2xf32> to vector<8000x1xf32>
    %broadcast_in_dim3A = vector.shape_cast %slice3A : vector<8000x1xf32> to vector<8000x1xf32>
    %broadcast_in_dim3A_55 = vector.broadcast %broadcast_in_dim3A : vector<8000x1xf32> to vector<8000x64xf32>
    %broadcast_in_dim3A_56 = vector.shape_cast %slice3A_54 : vector<8000x1xf32> to vector<8000x1xf32>
    %broadcast_in_dim3A_57 = vector.broadcast %broadcast_in_dim3A_56 : vector<8000x1xf32> to vector<8000x64xf32>
    %select_n3A = arith.select %lt3A_53, %broadcast_in_dim3A_55, %broadcast_in_dim3A_57 : vector<8000x64xi1>, vector<8000x64xf32>
    %mul3A_58 = arith.mulf %dot_general3A_48, %select_n3A : vector<8000x64xf32>
    %swap3A = arith.constant 0 : index
    %swap3A_59 = arith.constant 0 : index
    %swap3A_60 = vector.load %arg7[%swap3A, %swap3A_59] : memref<8000x64xf32, #tpu.memory_space<vmem>>, vector<8000x64xf32>
    tpu.vector_store %arg7[%swap3A, %swap3A_59], %mul3A_58 {strides = array<i32>} : memref<8000x64xf32, #tpu.memory_space<vmem>>, vector<8000x64xf32>,
    return
  }
  func.func @transform_0(%arg0: i32) -> (i32, i32) {
    %add3A = arith.constant 0 : i32
    %add3A_0 = arith.addi %arg0, %add3A : i32
    %c0_i32 = arith.constant 0 : i32
    %c0_i32_1 = arith.constant 0 : i32
    return %add3A_0, %c0_i32 : i32, i32
  }
  func.func @transform_1(%arg0: i32) -> (i32, i32) {
    %add3A = arith.constant 0 : i32
    %add3A_0 = arith.addi %arg0, %add3A : i32
    %c0_i32 = arith.constant 0 : i32
    %c0_i32_1 = arith.constant 0 : i32
    return %add3A_0, %c0_i32 : i32, i32
  }
  func.func @transform_2(%arg0: i32) -> (i32, i32) {
    %c0_i32 = arith.constant 0 : i32
    %c0_i32_0 = arith.constant 0 : i32
    %c0_i32_1 = arith.constant 0 : i32
    return %c0_i32, %c0_i32_0 : i32, i32
  }
  func.func @transform_3(%arg0: i32) -> (i32, i32) {
    %c0_i32 = arith.constant 0 : i32
    %c0_i32_0 = arith.constant 0 : i32
    %c0_i32_1 = arith.constant 0 : i32
    return %c0_i32, %c0_i32_0 : i32, i32
  }
  func.func @transform_4(%arg0: i32) -> (i32, i32) {
    %c0_i32 = arith.constant 0 : i32
    %c0_i32_0 = arith.constant 0 : i32
    %c0_i32_1 = arith.constant 0 : i32
    return %c0_i32, %c0_i32_0 : i32, i32
  }
  func.func @transform_5(%arg0: i32) -> (i32, i32) {
    %c0_i32 = arith.constant 0 : i32
    %c0_i32_0 = arith.constant 0 : i32
    %c0_i32_1 = arith.constant 0 : i32
    return %c0_i32, %c0_i32_0 : i32, i32
  }
  func.func @transform_6(%arg0: i32) -> (i32, i32) {
    %c0_i32 = arith.constant 0 : i32
    %c0_i32_0 = arith.constant 0 : i32
    return %arg0, %c0_i32 : i32, i32
  }
}

module attributes {stable_mosaic.version = 14 : i64} {
  func.func @mix_body(%arg0: i32, %arg1: memref<8000x16xf32, #tpu.memory_space<vmem>>, %arg2: memref<8000x2xf32, #tpu.memory_space<vmem>>, %arg3: memref<16x64xf32, #tpu.memory_space<vmem>>, %arg4: memref<64x64xf32, #tpu.memory_space<vmem>>, %arg5: memref<64x64xf32, #tpu.memory_space<vmem>>, %arg6: memref<64x64xf32, #tpu.memory_space<vmem>>, %arg7: memref<8000x64xf32, #tpu.memory_space<vmem>>) attributes {dimension_semantics = [#tpu.dimension_semantics<arbitrary>], iteration_bounds = array<i64: 52>, scalar_prefetch = 0 : i64, scratch_operands = 0 : i64, tpu.core_type = #tpu.core_type<tc>, window_params = [{transform_indices = @transform_0, window_bounds = array<i64: 8000, 16>}, {transform_indices = @transform_1, window_bounds = array<i64: 8000, 2>}, {pipeline_mode = #tpu.pipeline_mode<synchronous>, transform_indices = @transform_2, window_bounds = array<i64: 16, 64>}, {pipeline_mode = #tpu.pipeline_mode<synchronous>, transform_indices = @transform_3, window_bounds = array<i64: 64, 64>}, {pipeline_mode = #tpu.pipeline_mode<synchronous>, transform_indices = @transform_4, window_bounds = array<i64: 64, 64>}, {pipeline_mode = #tpu.pipeline_mode<synchronous>, transform_indices = @transform_5, window_bounds = array<i64: 64, 64>}, {transform_indices = @transform_6, window_bounds = array<i64: 8000, 64>}]} {
    %get3A = arith.constant 0 : index
    %get3A_0 = arith.constant 0 : index
    %get3A_1 = vector.load %arg1[%get3A, %get3A_0] : memref<8000x16xf32, #tpu.memory_space<vmem>>, vector<8000x16xf32>
    %get3A_2 = arith.constant 0 : index
    %get3A_3 = arith.constant 0 : index
    %get3A_4 = vector.load %arg3[%get3A_2, %get3A_3] : memref<16x64xf32, #tpu.memory_space<vmem>>, vector<16x64xf32>
    %dot_general3A = arith.constant dense<0.000000e+00> : vector<8000x64xf32>
    %dot_general3A_5 = tpu.matmul %get3A_1, %get3A_4, %dot_general3A {dimension_numbers = #tpu.dot_dimension_numbers<[1], [0], [0], [1], [0, 0, 1, 1], [], []>, transpose_lhs_hint = false} : vector<8000x16xf32>, vector<16x64xf32>, vector<8000x64xf32> -> vector<8000x64xf32>
    %mul3A = arith.constant 2.500000e-01 : f32
    %mul3A_6 = vector.broadcast %mul3A : f32 to vector<8000x64xf32>
    %mul3A_7 = arith.mulf %dot_general3A_5, %mul3A_6 : vector<8000x64xf32>
    %logistic3A = arith.negf %mul3A_7 : vector<8000x64xf32>
    %logistic3A_8 = math.exp %logistic3A : vector<8000x64xf32>
    %logistic3A_9 = arith.constant 1.000000e+00 : f32
    %logistic3A_10 = vector.broadcast %logistic3A_9 : f32 to vector<8000x64xf32>
    %logistic3A_11 = arith.addf %logistic3A_10, %logistic3A_8 : vector<8000x64xf32>
    %logistic3A_12 = arith.divf %logistic3A_10, %logistic3A_11 : vector<8000x64xf32>
    %mul3A_13 = arith.mulf %mul3A_7, %logistic3A_12 : vector<8000x64xf32>
    %get3A_14 = arith.constant 0 : index
    %get3A_15 = arith.constant 0 : index
    %get3A_16 = vector.load %arg4[%get3A_14, %get3A_15] : memref<64x64xf32, #tpu.memory_space<vmem>>, vector<64x64xf32>
    %dot_general3A_17 = arith.constant dense<0.000000e+00> : vector<8000x64xf32>
    %dot_general3A_18 = tpu.matmul %mul3A_13, %get3A_16, %dot_general3A_17 {dimension_numbers = #tpu.dot_dimension_numbers<[1], [0], [0], [1], [0, 0, 1, 1], [], []>, transpose_lhs_hint = false} : vector<8000x64xf32>, vector<64x64xf32>, vector<8000x64xf32> -> vector<8000x64xf32>
    %mul3A_19 = arith.constant 1.250000e-01 : f32
    %mul3A_20 = vector.broadcast %mul3A_19 : f32 to vector<8000x64xf32>
    %mul3A_21 = arith.mulf %dot_general3A_18, %mul3A_20 : vector<8000x64xf32>
    %logistic3A_22 = arith.negf %mul3A_21 : vector<8000x64xf32>
    %logistic3A_23 = math.exp %logistic3A_22 : vector<8000x64xf32>
    %logistic3A_24 = arith.constant 1.000000e+00 : f32
    %logistic3A_25 = vector.broadcast %logistic3A_24 : f32 to vector<8000x64xf32>
    %logistic3A_26 = arith.addf %logistic3A_25, %logistic3A_23 : vector<8000x64xf32>
    %logistic3A_27 = arith.divf %logistic3A_25, %logistic3A_26 : vector<8000x64xf32>
    %mul3A_28 = arith.mulf %mul3A_21, %logistic3A_27 : vector<8000x64xf32>
    %get3A_29 = arith.constant 0 : index
    %get3A_30 = arith.constant 0 : index
    %get3A_31 = vector.load %arg5[%get3A_29, %get3A_30] : memref<64x64xf32, #tpu.memory_space<vmem>>, vector<64x64xf32>
    %dot_general3A_32 = arith.constant dense<0.000000e+00> : vector<8000x64xf32>
    %dot_general3A_33 = tpu.matmul %mul3A_28, %get3A_31, %dot_general3A_32 {dimension_numbers = #tpu.dot_dimension_numbers<[1], [0], [0], [1], [0, 0, 1, 1], [], []>, transpose_lhs_hint = false} : vector<8000x64xf32>, vector<64x64xf32>, vector<8000x64xf32> -> vector<8000x64xf32>
    %mul3A_34 = arith.constant 1.250000e-01 : f32
    %mul3A_35 = vector.broadcast %mul3A_34 : f32 to vector<8000x64xf32>
    %mul3A_36 = arith.mulf %dot_general3A_33, %mul3A_35 : vector<8000x64xf32>
    %logistic3A_37 = arith.negf %mul3A_36 : vector<8000x64xf32>
    %logistic3A_38 = math.exp %logistic3A_37 : vector<8000x64xf32>
    %logistic3A_39 = arith.constant 1.000000e+00 : f32
    %logistic3A_40 = vector.broadcast %logistic3A_39 : f32 to vector<8000x64xf32>
    %logistic3A_41 = arith.addf %logistic3A_40, %logistic3A_38 : vector<8000x64xf32>
    %logistic3A_42 = arith.divf %logistic3A_40, %logistic3A_41 : vector<8000x64xf32>
    %mul3A_43 = arith.mulf %mul3A_36, %logistic3A_42 : vector<8000x64xf32>
    %get3A_44 = arith.constant 0 : index
    %get3A_45 = arith.constant 0 : index
    %get3A_46 = vector.load %arg6[%get3A_44, %get3A_45] : memref<64x64xf32, #tpu.memory_space<vmem>>, vector<64x64xf32>
    %dot_general3A_47 = arith.constant dense<0.000000e+00> : vector<8000x64xf32>
    %dot_general3A_48 = tpu.matmul %mul3A_43, %get3A_46, %dot_general3A_47 {dimension_numbers = #tpu.dot_dimension_numbers<[1], [0], [0], [1], [0, 0, 1, 1], [], []>, transpose_lhs_hint = false} : vector<8000x64xf32>, vector<64x64xf32>, vector<8000x64xf32> -> vector<8000x64xf32>
    %get3A_49 = arith.constant 0 : index
    %get3A_50 = arith.constant 0 : index
    %get3A_51 = vector.load %arg2[%get3A_49, %get3A_50] : memref<8000x2xf32, #tpu.memory_space<vmem>>, vector<8000x2xf32>
    %iota3A = tpu.iota {dimensions = array<i32: 1>} : vector<8000x64xi32>
    %lt3A = arith.constant 32 : i32
    %lt3A_52 = vector.broadcast %lt3A : i32 to vector<8000x64xi32>
    %lt3A_53 = arith.cmpi slt, %iota3A, %lt3A_52 : vector<8000x64xi32>
    %slice3A = vector.extract_strided_slice %get3A_51 {offsets = [0, 0], sizes = [8000, 1], strides = [1, 1]} : vector<8000x2xf32> to vector<8000x1xf32>
    %slice3A_54 = vector.extract_strided_slice %get3A_51 {offsets = [0, 1], sizes = [8000, 1], strides = [1, 1]} : vector<8000x2xf32> to vector<8000x1xf32>
    %broadcast_in_dim3A = vector.shape_cast %slice3A : vector<8000x1xf32> to vector<8000x1xf32>
    %broadcast_in_dim3A_55 = vector.broadcast %broadcast_in_dim3A : vector<8000x1xf32> to vector<8000x64xf32>
    %broadcast_in_dim3A_56 = vector.shape_cast %slice3A_54 : vector<8000x1xf32> to vector<8000x1xf32>
    %broadcast_in_dim3A_57 = vector.broadcast %broadcast_in_dim3A_56 : vector<8000x1xf32> to vector<8000x64xf32>
    %select_n3A = arith.select %lt3A_53, %broadcast_in_dim3A_55, %broadcast_in_dim3A_57 : vector<8000x64xi1>, vector<8000x64xf32>
    %mul3A_58 = arith.mulf %dot_general3A_48, %select_n3A : vector<8000x64xf32>
    %swap3A = arith.constant 0 : index
    %swap3A_59 = arith.constant 0 : index
    %swap3A_60 = vector.load %arg7[%swap3A, %swap3A_59] : memref<8000x64xf32, #tpu.memory_space<vmem>>, vector<8000x64xf32>
    tpu.vector_store %arg7[%swap3A, %swap3A_59], %mul3A_58 {strides = array<i32>} : memref<8000x64xf32, #tpu.memory_space<vmem>>, vector<8000x64xf32>,
    return
  }
  func.func @transform_0(%arg0: i32) -> (i32, i32) {
    %add3A = arith.constant 48 : i32
    %add3A_0 = arith.addi %arg0, %add3A : i32
    %c0_i32 = arith.constant 0 : i32
    %c0_i32_1 = arith.constant 0 : i32
    return %add3A_0, %c0_i32 : i32, i32
  }
  func.func @transform_1(%arg0: i32) -> (i32, i32) {
    %add3A = arith.constant 48 : i32
    %add3A_0 = arith.addi %arg0, %add3A : i32
    %c0_i32 = arith.constant 0 : i32
    %c0_i32_1 = arith.constant 0 : i32
    return %add3A_0, %c0_i32 : i32, i32
  }
  func.func @transform_2(%arg0: i32) -> (i32, i32) {
    %c0_i32 = arith.constant 0 : i32
    %c0_i32_0 = arith.constant 0 : i32
    %c0_i32_1 = arith.constant 0 : i32
    return %c0_i32, %c0_i32_0 : i32, i32
  }
  func.func @transform_3(%arg0: i32) -> (i32, i32) {
    %c0_i32 = arith.constant 0 : i32
    %c0_i32_0 = arith.constant 0 : i32
    %c0_i32_1 = arith.constant 0 : i32
    return %c0_i32, %c0_i32_0 : i32, i32
  }
  func.func @transform_4(%arg0: i32) -> (i32, i32) {
    %c0_i32 = arith.constant 0 : i32
    %c0_i32_0 = arith.constant 0 : i32
    %c0_i32_1 = arith.constant 0 : i32
    return %c0_i32, %c0_i32_0 : i32, i32
  }
  func.func @transform_5(%arg0: i32) -> (i32, i32) {
    %c0_i32 = arith.constant 0 : i32
    %c0_i32_0 = arith.constant 0 : i32
    %c0_i32_1 = arith.constant 0 : i32
    return %c0_i32, %c0_i32_0 : i32, i32
  }
  func.func @transform_6(%arg0: i32) -> (i32, i32) {
    %c0_i32 = arith.constant 0 : i32
    %c0_i32_0 = arith.constant 0 : i32
    return %arg0, %c0_i32 : i32, i32
  }
}

module attributes {stable_mosaic.version = 14 : i64} {
  func.func @perm_body(%arg0: i32, %arg1: memref<200x64xf32, #tpu.memory_space<vmem>>, %arg2: memref<200x64xf32, #tpu.memory_space<vmem>>, %arg3: memref<64x64xf32, #tpu.memory_space<vmem>>, %arg4: memref<200x64xf32, #tpu.memory_space<vmem>>) attributes {dimension_semantics = [#tpu.dimension_semantics<arbitrary>], iteration_bounds = array<i64: 250>, scalar_prefetch = 0 : i64, scratch_operands = 0 : i64, tpu.core_type = #tpu.core_type<tc>, window_params = [{transform_indices = @transform_0, window_bounds = array<i64: 200, 64>}, {transform_indices = @transform_1, window_bounds = array<i64: 200, 64>}, {pipeline_mode = #tpu.pipeline_mode<synchronous>, transform_indices = @transform_2, window_bounds = array<i64: 64, 64>}, {transform_indices = @transform_3, window_bounds = array<i64: 200, 64>}]} {
    %get3A = arith.constant 0 : index
    %get3A_0 = arith.constant 0 : index
    %get3A_1 = vector.load %arg1[%get3A, %get3A_0] : memref<200x64xf32, #tpu.memory_space<vmem>>, vector<200x64xf32>
    %get3A_2 = arith.constant 0 : index
    %get3A_3 = arith.constant 0 : index
    %get3A_4 = vector.load %arg2[%get3A_2, %get3A_3] : memref<200x64xf32, #tpu.memory_space<vmem>>, vector<200x64xf32>
    %add3A = arith.addf %get3A_1, %get3A_4 : vector<200x64xf32>
    %get3A_5 = arith.constant 0 : index
    %get3A_6 = arith.constant 0 : index
    %get3A_7 = vector.load %arg3[%get3A_5, %get3A_6] : memref<64x64xf32, #tpu.memory_space<vmem>>, vector<64x64xf32>
    %dot_general3A = arith.constant dense<0.000000e+00> : vector<200x64xf32>
    %dot_general3A_8 = tpu.matmul %add3A, %get3A_7, %dot_general3A {dimension_numbers = #tpu.dot_dimension_numbers<[1], [0], [0], [1], [0, 0, 1, 1], [], []>, transpose_lhs_hint = false} : vector<200x64xf32>, vector<64x64xf32>, vector<200x64xf32> -> vector<200x64xf32>
    %swap3A = arith.constant 0 : index
    %swap3A_9 = arith.constant 0 : index
    %swap3A_10 = vector.load %arg4[%swap3A, %swap3A_9] : memref<200x64xf32, #tpu.memory_space<vmem>>, vector<200x64xf32>
    tpu.vector_store %arg4[%swap3A, %swap3A_9], %dot_general3A_8 {strides = array<i32>} : memref<200x64xf32, #tpu.memory_space<vmem>>, vector<200x64xf32>,
    return
  }
  func.func @transform_0(%arg0: i32) -> (i32, i32) {
    %lt3A = arith.constant 125 : i32
    %lt3A_0 = arith.cmpi slt, %arg0, %lt3A : i32
    %add3A = arith.constant 3 : i32
    %add3A_1 = arith.addi %arg0, %add3A : i32
    %select_n3A = arith.select %lt3A_0, %arg0, %add3A_1 : i32
    %c0_i32 = arith.constant 0 : i32
    %c0_i32_2 = arith.constant 0 : i32
    return %select_n3A, %c0_i32 : i32, i32
  }
  func.func @transform_1(%arg0: i32) -> (i32, i32) {
    %lt3A = arith.constant 125 : i32
    %lt3A_0 = arith.cmpi slt, %arg0, %lt3A : i32
    %add3A = arith.constant 3 : i32
    %add3A_1 = arith.addi %arg0, %add3A : i32
    %select_n3A = arith.select %lt3A_0, %arg0, %add3A_1 : i32
    %c0_i32 = arith.constant 0 : i32
    %c0_i32_2 = arith.constant 0 : i32
    return %select_n3A, %c0_i32 : i32, i32
  }
  func.func @transform_2(%arg0: i32) -> (i32, i32) {
    %c0_i32 = arith.constant 0 : i32
    %c0_i32_0 = arith.constant 0 : i32
    %c0_i32_1 = arith.constant 0 : i32
    return %c0_i32, %c0_i32_0 : i32, i32
  }
  func.func @transform_3(%arg0: i32) -> (i32, i32) {
    %c0_i32 = arith.constant 0 : i32
    %c0_i32_0 = arith.constant 0 : i32
    return %arg0, %c0_i32 : i32, i32
  }
}

</mosaic_0001>

<sc_bundles>
// kernel: kernel.10.cloned.1.call-start
scs
__scs_entry_jumppad:
0x0: {  	(pc) =	sbr.rel $0x88, $3  }
0x1: {  	(tag) =	ssettag $0x0;
	lr =	simm.s32 $0x1  }
0x2: {  	[smem:$0x3F98] =	sst lr;
	_ =	strace $0xD0000000  }
0x3: {  	_ = 	snop  }
0x4: {  	_ = 	snop  }
0x5: {  	_ = 	snop  }
0x6: {  	_ = 	snop  }
0x7: {  	_ = 	snop  }
__scs_overlays_trampoline_lowered:
0x8: {  	[smem:$0x3FA7] =	sst s0  }
0x9: {  	[smem:$0x3FA8] =	sst s1  }
0xa: {  	[smem:$0x3FA9] =	sst s2  }
0xb: {  	[smem:$0x3FAA] =	sst s3  }
0xc: {  	[smem:$0x3FAB] =	sst s4  }
0xd: {  	[smem:$0x3FAC] =	sst s5  }
0xe: {  	[smem:$0x3FAD] =	sst s6  }
0xf: {  	[smem:$0x3FAE] =	sst s7  }
0x10: {  	[smem:$0x3FAF] =	sst s8  }
0x11: {  	[smem:$0x3FB0] =	sst s9;
	s0 =	simm.s32 @!p0 $0x0  }
0x12: {  	s1 =	sld [smem:$0x3F96];
	s0 =	simm.s32 @p0 $0x1  }
0x13: {  	[smem:$0x3FB1] =	sst s0;
	s0 =	simm.s32 @!p1 $0x0  }
0x14: {  	s2 =	sld [smem:$0x3F95];
	s0 =	simm.s32 @p1 $0x1  }
0x15: {  	[smem:$0x3FB2] =	sst s0;
	s0 =	simm.s32 @!p2 $0x0  }
0x16: {  	s3 =	sld [smem:$0x3FDB];
	s0 =	simm.s32 @p2 $0x1  }
0x17: {  	s4 =	simm.s32 $0x1BF5;
	[smem:$0x3FB4] =	sst s0  }
0x18: {  	s0 =	sld [smem:$0x3F97];
	_ =	swait.ge [sflag:s4], $0x0  }
0x19: {  	s7 =	sld [smem:$0x3F98]  }
0x1a: {  	s8 =	sadd.s32 $0xFFFFE003, lr  }
0x1b: {  	s9 =	sadd.s32 $0xFFFFFEF7, lr;
	s5 =	simm.s32 $0xFFFFFFFF;
	p2 =	slt.u32 s8, $0xFFFFF086  }
0x1c: {  	p1 =	slt.u32 s9, $0xF7A;
	s5 =	simm.s32 @!p2 $0x0  }
0x1d: {  	s5 =	simm.s32 @p1 $0x1;
	p0 =	seq.s32 s7, s2  }
0x1e: {  	s7 =	smul.u32 @!p0 $0xF7A, s2;
	p2 =	seq.s32 @!p0 s5, $0x0  }
0x1f: {  	s9 =	smul.u32 $0xF7A, s1;
	s8 =	simm.s32 @!p0 $0x1BF5;
	p2 =	por !p2, p0  }
0x20: {  	[sflag:s8] =	ssyncset.s32 @!p0 $0xFFFFF086;
	s6 =	sadd.s32 @!p0 s3, s7;
	s7 =	simm.s32 @!p0 $0x108  }
0x21: {  	s3 =	sadd.s32 s3, s9;
	s6 =	sadd.s32 @!p0 $0x88, s6;
	s7 =	simm.s32 @p2 $0x1082  }
0x22: {  	[simem:s7], [sflag:s8] =	dma.local @!p0 [hbm:s6], $0xF7A  }
0x23: {  	s9 =	sor.u32 $0xD0000000, s2;
	s6 =	simm.s32 $0x108;
	_ =	swait.ge @!p0 [sflag:s8], $0x0  }
0x24: {  	s3 =	sadd.s32 $0x88, s3;
	s6 =	simm.s32 @!p1 $0x1082;
	[sflag:s4] =	ssyncset.s32 $0xFFFFF086  }
0x25: {  	[simem:s6], [sflag:s4] =	dma.local [hbm:s3], $0xF7A  }
0x26: {  	[smem:$0x3F98] =	sst s1;
	(tag) =	ssettag s2;
	_ =	strace s9  }
0x27: {  	s1 =	sld [smem:$0x3FA8]  }
0x28: {  	s2 =	sld [smem:$0x3FA9]  }
0x29: {  	s4 =	sld [smem:$0x3FAB]  }
0x2a: {  	p0 =	seq.s32 s5, $0x0;
	s5 =	sld [smem:$0x3FAC]  }
0x2b: {  	s6 =	sld [smem:$0x3FAD]  }
0x2c: {  	s7 =	sld [smem:$0x3FAE]  }
0x2d: {  	s3 =	simm.s32 $0x108;
	s8 =	sld [smem:$0x3FAF]  }
0x2e: {  	s3 =	simm.s32 @!p0 $0x1082;
	s9 =	sld [smem:$0x3FB0]  }
0x2f: {  	lr =	sadd.s32 s0, s3;
	s0 =	sld [smem:$0x3FA7]  }
0x30: {  	s3 =	sld [smem:$0x3FAA]  }
0x31: {  	[smem:$0x3FB3] =	sst s10  }
0x32: {  	s10 =	sld [smem:$0x3FB1];
	_ =	sdelay $0x3  }
0x33: {  	p0 =	seq.s32 s10, $0x1;
	s10 =	sld [smem:$0x3FB3];
	_ =	sdelay $0x3  }
0x34: {  	[smem:$0x3FB3] =	sst s10  }
0x35: {  	s10 =	sld [smem:$0x3FB2];
	_ =	sdelay $0x3  }
0x36: {  	p1 =	seq.s32 s10, $0x1;
	s10 =	sld [smem:$0x3FB3];
	_ =	sdelay $0x3  }
0x37: {  	[smem:$0x3FB3] =	sst s10  }
0x38: {  	s10 =	sld [smem:$0x3FB4]  }
0x39: {  	_ = 	snop;
	(pc) =	sbr.ind lr, $3  }
0x3a: {  	_ = 	snop  }
0x3b: {  	_ = 	snop  }
0x3c: {  	p2 =	seq.s32 s10, $0x1;
	s10 =	sld [smem:$0x3FB3]  }
0x3d: {  	_ =	shalt  }
0x3e: {  	_ =	shalt  }
0x3f: {  	_ =	shalt  }
0x40: {  	_ =	shalt  }
0x41: {  	_ =	shalt  }
0x42: {  	_ =	shalt  }
0x43: {  	_ =	shalt  }
0x44: {  	_ =	shalt  }
0x45: {  	_ =	shalt  }
0x46: {  	_ =	shalt  }
0x47: {  	_ =	shalt  }
0x48: {  	_ =	shalt  }
0x49: {  	_ =	shalt  }
0x4a: {  	_ =	shalt  }
0x4b: {  	_ =	shalt  }
0x4c: {  	_ =	shalt  }
0x4d: {  	_ =	shalt  }
0x4e: {  	_ =	shalt  }
0x4f: {  	_ =	shalt  }
0x50: {  	_ =	shalt  }
0x51: {  	_ =	shalt  }
0x52: {  	_ =	shalt  }
0x53: {  	_ =	shalt  }
0x54: {  	_ =	shalt  }
0x55: {  	_ =	shalt  }
0x56: {  	_ =	shalt  }
0x57: {  	_ =	shalt  }
0x58: {  	_ =	shalt  }
0x59: {  	_ =	shalt  }
0x5a: {  	_ =	shalt  }
0x5b: {  	_ =	shalt  }
0x5c: {  	_ =	shalt  }
0x5d: {  	_ =	shalt  }
0x5e: {  	_ =	shalt  }
0x5f: {  	_ =	shalt  }
0x60: {  	_ =	shalt  }
0x61: {  	_ =	shalt  }
0x62: {  	_ =	shalt  }
0x63: {  	_ =	shalt  }
0x64: {  	_ =	shalt  }
0x65: {  	_ =	shalt  }
0x66: {  	_ =	shalt  }
0x67: {  	_ =	shalt  }
0x68: {  	_ =	shalt  }
0x69: {  	_ =	shalt  }
0x6a: {  	_ =	shalt  }
0x6b: {  	_ =	shalt  }
0x6c: {  	_ =	shalt  }
0x6d: {  	_ =	shalt  }
0x6e: {  	_ =	shalt  }
0x6f: {  	_ =	shalt  }
0x70: {  	_ =	shalt  }
0x71: {  	_ =	shalt  }
0x72: {  	_ =	shalt  }
0x73: {  	_ =	shalt  }
0x74: {  	_ =	shalt  }
0x75: {  	_ =	shalt  }
0x76: {  	_ =	shalt  }
0x77: {  	_ =	shalt  }
0x78: {  	_ =	shalt  }
0x79: {  	_ =	shalt  }
0x7a: {  	_ =	shalt  }
0x7b: {  	_ =	shalt  }
0x7c: {  	_ =	shalt  }
0x7d: {  	_ =	shalt  }
0x7e: {  	_ =	shalt  }
0x7f: {  	_ =	shalt  }
0x80: {  	_ =	shalt  }
0x81: {  	_ =	shalt  }
0x82: {  	_ =	shalt  }
0x83: {  	_ =	shalt  }
0x84: {  	_ =	shalt  }
0x85: {  	_ =	shalt  }
0x86: {  	_ =	shalt  }
0x87: {  	_ =	shalt  }
.Lfunc_end0:
.L_simem_size_0:
called_computation.1_lowered:
.L_overlay_start_0:
0x88: {  	s2 =	sld [smem:$0x3FD9]  }
0x89: {  	s3 =	sld [smem:$0x3FFE];
	_ =	sdelay $0x1  }
0x8a: {  	s1 =	srdreg.scid  }
0x8b: {  	s0 =	sand.u32 $0x1, s1  }
0x8c: {  	s17 =	sshll.u32 s0, $0xA;
	s2 =	sadd.s32 s3, s2  }
0x8d: {  	s2 =	sadd.s32 s2, s17  }
0x8e: {  	[smem:$0x3FBF] =	sst s2  }
0x8f: {  	_ = 	snop  }
0x90: {  	s18 =	sld [smem:$0x3FC6]  }
0x91: {  	s4 =	sld [smem:$0x3FC5]  }
0x92: {  	s5 =	sld [smem:$0x3FD0];
	(tm) =	ssettm $0x1  }
0x93: {  	s19 =	sld [smem:$0x3FFB];
	_ =	sdelay $0x3  }
0x94: {  	_ =	strace s19  }
0x95: {  	s2 =	sld [smem:$0x3FFC];
	_ =	sdelay $0x3  }
0x96: {  	_ =	strace s2  }
0x97: {  	s2 =	sld [smem:$0x3FFD];
	_ =	sdelay $0x3  }
0x98: {  	_ =	strace s2  }
0x99: {  	_ =	strace $0x8FFFFFFF  }
0x9a: {  	s20 =	sld [smem:$0x3FDB];
	_ =	sdelay $0x1  }
0x9b: {  	s6 =	simm.s32 $_scs_section_size  }
0x9c: {  	s7 =	simm.s32 $_size__tile_overlayer_lowered;
	s8 =	simm.s32 $_tile_overlayer_lowered  }
0x9d: {  	s9 =	simm.s32 $0x1BFF;
	s21 =	sshll.u32 s8, $0x1;
	s6 =	sadd.s32 s6, s20  }
0x9e: {  	s22 =	simm.s32 $0x0;
	s7 =	sshll.u32 s7, $0x1;
	s8 =	sadd.s32 s21, s6  }
0x9f: {  	[timem:s22], [sflag:s9] =	dma.local [hbm:s8], s7  }
0xa0: {  	_ =	swait.ge [sflag:s9], s7  }
0xa1: {  	s7 =	ssub.s32 $0x0, s7;
	[sflag:s9] =	ssyncset.done $0x0  }
0xa2: {  	[sflag:s9] =	ssyncadd.s32 s7;
	_ =	sdelay $0x1  }
0xa3: {  	s23 =	simm.s32 $0x1B8B  }
0xa4: {  	_ =	swait.ge [sflag:s23], $0x1  }
0xa5: {  	[sflag:s23] =	ssyncset.done $0x0  }
0xa6: {  	[sflag:s23] =	ssyncadd.s32 $0xFFFFFFFF  }
0xa7: {  	s7 =	sld [smem:$0x0]  }
0xa8: {  	s8 =	sand.u32 $0xFFFFFFFE, s1  }
0xa9: {  	p0 =	sne.s32 s1, s8  }
0xaa: {  	s8 =	sshll.u32 @p0 s8, $0xE  }
0xab: {  	s8 =	sadd.s32 @p0 $0x11B8D, s8;
	s9 =	sshll.u32 @p0 s7, $0x11  }
0xac: {  	s8 =	sor.u32 @p0 s9, s8  }
0xad: {  	[sflag:s8] =	ssyncadd.remote.s32 @p0 $0x1;
	_ =	sdelay $0x1  }
0xae: {  	s8 =	simm.s32 @p0 $0x1B8D  }
0xaf: {  	_ =	swait.eq @p0 [sflag:s8], $0x1  }
0xb0: {  	[sflag:s8] =	ssyncadd.s32 @p0 $0xFFFFFFFF  }
0xb1: {  	s9 =	sshll.u32 @!p0 s1, $0xE  }
0xb2: {  	s9 =	sor.u32 @!p0 $0x4000, s9;
	s8 =	simm.s32 @!p0 $0x1B8D  }
0xb3: {  	s7 =	sshll.u32 @!p0 s7, $0x11;
	s9 =	sadd.s32 @!p0 $0x11B8D, s9;
	_ =	swait.eq @!p0 [sflag:s8], $0x1  }
0xb4: {  	s7 =	sor.u32 @!p0 s7, s9;
	[sflag:s8] =	ssyncadd.s32 @!p0 $0xFFFFFFFF  }
0xb5: {  	s25 =	simm.s32 $0x1B8E;
	s24 =	sld [smem:$0x3FFE];
	[sflag:s7] =	ssyncadd.remote.s32 @!p0 $0x1  }
0xb6: {  	s26 =	simm.s32 $execute0_lowered;
	[smem:$0x3FD2] =	sst s25  }
0xb7: {  	s8 =	sshll.u32 s26, $0x1;
	_ =	strace $0x80000049;
	[dreg:$0x1] =	wrdreg $0xFFFFFFFF  }
0xb8: {  	s28 =	simm.s32 $_size_execute0_lowered;
	s6 =	sadd.s32 s6, s8;
	[dreg:$0x0] =	wrdreg $0x0  }
0xb9: {  	s8 =	sshll.u32 s28, $0x1;
	[dreg:$0x2] =	wrdreg s6  }
0xba: {  	[dreg:$0x3] =	wrdreg s8  }
0xbb: {  	[dreg:$0x4] =	wrdreg $0xC0  }
0xbc: {  	_ =	task [dreg:s22], $0x5FFFF  }
0xbd: {  	[dreg:$0x1] =	wrdreg $0xFFFFFFFF  }
0xbe: {  	[dreg:$0x0] =	wrdreg $0x60  }
0xbf: {  	[dreg:$0x2] =	wrdreg s5  }
0xc0: {  	[dreg:$0x3] =	wrdreg s24  }
0xc1: {  	[dreg:$0x4] =	wrdreg s18  }
0xc2: {  	[dreg:$0x5] =	wrdreg s4  }
0xc3: {  	[dreg:$0x6] =	wrdreg $0x65E00  }
0xc4: {  	[dreg:$0x7] =	wrdreg $0xA  }
0xc5: {  	_ =	task.clear_ibuf [dreg:s22], $0x8FFFF;
	_ =	strace $0x90000049  }
0xc6: {  	s29 =	simm.s32 $0xA;
	_ =	strace $0x8000004B  }
0xc7: {  	_ =	swait.ge [sflag:s29], $0x1  }
0xc8: {  	[sflag:s29] =	ssyncadd.s32 $0xFFFFFFFF  }
0xc9: {  	_ =	strace $0x9000004B  }
0xca: {  	_ =	sfence  }
0xcb: {  	s30 =	sld [smem:$0x0];
	_ =	sdelay $0x2  }
0xcc: {  	s31 =	sshll.u32 s1, $0xD;
	s1 =	sshrl.u32 s1, $0x2  }
0xcd: {  	s4 =	sand.u32 $0x4000, s31;
	s1 =	sadd.s32 s1, s30  }
0xce: {  	s0 =	sor.u32 s4, s0;
	s1 =	sshll.u32 s1, $0x11  }
0xcf: {  	s0 =	sor.u32 s1, s0  }
0xd0: {  	s0 =	sadd.s32 $0x8F2B, s0  }
0xd1: {  	[sflag:s0] =	ssyncadd.remote.s32 $0x1  }
0xd2: {  	_ =	sfence.sel $0xFFFF  }
0xd3: {  	[dreg:$0x0] =	wrdreg $0xFFFFFFFF;
	(pc) =	sbr.abs _section_cstart, $3  }
0xd4: {  	[dreg:$0x1] =	wrdreg $0xFFFFFFFF  }
0xd5: {  	_ =	task.clear_ibuf [dreg:s22], $0x2FFFF;
	_ =	strace $0x9FFFFFFF  }
0xd6: {  	(tm) =	ssettm $0x7FFFFFFF  }
0xd7: {  	_ =	shalt  }
tec
execute0_lowered:
.L_overlay_start_1:
0x0: {  	(tag) =	ssettag $0x1  }
0x1: {  	s1 =	rddreg [dreg:$0x0]  }
0x2: {  	s0 =	rddreg [dreg:$0x1]  }
0x3: {  	s2 =	rddreg [dreg:$0x2];
	s15 =	stileid.u32  }
0x4: {  	s3 =	rddreg [dreg:$0x3];
	s7 =	smul.u32 $0x6590, s15  }
0x5: {  	s4 =	rddreg [dreg:$0x4];
	s14 =	smul.u32 $0x196400, s15  }
0x6: {  	s5 =	srdreg.scid;
	s6 =	simm.s32 $0x0;
	s31 =	smul.u32 $0x32C80, s15  }
0x7: {  	s29 =	simm.s32 $0x29E0;
	s30 =	simm.s32 $0x9;
	s21 =	smul.u32 $0x3200, s15  }
0x8: {  	s5 =	sand.u32 $0x1, s5;
	[smem:$0x7FF] =	sst s6;
	s23 =	smul.u32 $0x64000, s15  }
0x9: {  	s8 =	sadd.s32 $0x18D0A00, s0;
	s9 =	smul.u32 $0x32000, s5;
	s10 =	ssub.s32 $0x2, s5  }
0xa: {  	_ =	strace $0x8000004A;
	s5 =	smul.u32 $0x61A8, s5;
	s11 =	sshrl.u32 s10, $0x1  }
0xb: {  	s12 =	sshrl.u32 s7, $0x3;
	s14 =	sshrl.u32 s14, $0x3;
	s0 =	sadd.s32 s9, s0  }
0xc: {  	s10 =	ssub.s32 s10, s11;
	s9 =	sadd.s32 $0x5DC00, s7;
	s25 =	sadd.s32 $0xBB8A, s12  }
0xd: {  	s16 =	sadd.s32 $0xBB94, s12;
	s17 =	sadd.s32 s8, s14;
	s26 =	sadd.s32 s2, s25  }
0xe: {  	s20 =	sadd.s32 $0xBB9E, s12;
	s18 =	sadd.s32 s2, s16;
	[dreg:$0x8] =	wrdreg s26  }
0xf: {  	s12 =	sadd.s32 $0xC828, s12;
	s19 =	sadd.s32 s3, s16;
	[dreg:$0xb] =	wrdreg s18  }
0x10: {  	s24 =	sshrl.u32 s9, $0x3;
	s16 =	sadd.s32 s2, s20;
	[dreg:$0xc] =	wrdreg s19  }
0x11: {  	s22 =	sadd.s32 s2, s12;
	s0 =	sadd.s32 s21, s0;
	[dreg:$0xd] =	wrdreg s16  }
0x12: {  	s12 =	sadd.s32 s3, s12;
	s10 =	smax.u32 s10, $0x1;
	[dreg:$0xf] =	wrdreg s22  }
0x13: {  	s13 =	sadd.s32 s2, s24;
	s11 =	sadd.s32 s3, s24;
	[dreg:$0x10] =	wrdreg s12  }
0x14: {  	s24 =	sadd.s32 $0x280, s17;
	s26 =	sadd.s32 $0x780, s17;
	[dreg:$0x15] =	wrdreg s10  }
0x15: {  	s28 =	sadd.s32 $0x1BFD200, s0;
	s0 =	simm.s32 $0x50;
	[dreg:$0x6] =	wrdreg s13  }
0x16: {  	s10 =	simm.s32 $0x1;
	s12 =	simm.s32 $0x15E0;
	[dreg:$0x7] =	wrdreg s11  }
0x17: {  	s16 =	simm.s32 $0x3;
	s19 =	simm.s32 $0x4;
	[dreg:$0x11] =	wrdreg s24  }
0x18: {  	s18 =	simm.s32 $0xA0;
	s13 =	sadd.s32 s3, s25;
	[dreg:$0x13] =	wrdreg s26  }
0x19: {  	s11 =	sadd.s32 s8, s31;
	s25 =	sadd.s32 $0x500, s17;
	[dreg:$0x9] =	wrdreg s13  }
0x1a: {  	s31 =	sshrl.u32 s23, $0x2;
	s23 =	simm.s32 $0x7;
	[dreg:$0xa] =	wrdreg s11  }
0x1b: {  	s24 =	simm.s32 $0x8;
	s13 =	sadd.s32 s3, s20;
	[dreg:$0x12] =	wrdreg s25  }
0x1c: {  	s11 =	sadd.s32 $0x32A00, s17;
	s26 =	sadd.s32 s31, s4;
	s17 =	simm.s32 $0x5  }
0x1d: {  	s20 =	simm.s32 $0x6;
	s25 =	simm.s32 $0x0;
	[dreg:$0xe] =	wrdreg s13  }
0x1e: {  	v1 =	vimm.f32 $0.0e+00;
	v0 =	vmov s5;
	[dreg:$0x14] =	wrdreg s11;
	s13 =	simm.s32 $0x2;
	s11 =	simm.s32 $0x0  }
.LBB2_1:
0x1f: {  	s5 =	simm.s32 $0x0;
	s14 =	simm.s32 $0x0  }
.LBB2_2:
0x20: {  	p0 =	sne.s32 s14, $0x4FC0  }
.Ltmp0:
0x21: {  	_ = 	snop;
	(pc) =	sbr.rel @p0 .LBB2_2-.Ltmp0, $4  }
0x22: {  	s15 =	sand.u32 $0x7F00, s14  }
0x23: {  	s21 =	sand.u32 $0x30, s5;
	s15 =	sshrl.u32 s15, $0x2  }
0x24: {  	s15 =	sor.u32 s21, s15  }
0x25: {  	s5 =	sadd.s32 $0x10, s5;
	s14 =	sadd.s32 $0x40, s14;
	[tilespmem:s15+$0x29E0] =	vst v1  }
0x26: {  	[dreg:$0x16] =	wrdreg s11;
	s5 =	sadd.s32 $0x0, s26  }
0x27: {  	[spmem:s5] =	stream.linear.scatter [tilespmem:s29], [sflag:$0x9], $0x1400, $0x38;
	[tilespmem:$0x1F5E0] =	vst v63  }
0x28: {  	s5 =	simm.s32 $0x5000;
	_ =	swait.ge [sflag:s30], $0x1400  }
.LBB2_4:
0x29: {  	s14 =	sshra.s32 s5, $0x2;
	[sflag:s30] =	ssyncset.done $0x0;
	p0 =	sne.s32 s5, $0x5F000  }
.Ltmp1:
0x2a: {  	s14 =	sadd.s32 s14, s26;
	[sflag:s30] =	ssyncadd.s32 $0xFFFFEC00;
	(pc) =	sbr.rel @p0 .LBB2_4-.Ltmp1, $3  }
0x2b: {  	[spmem:s14] =	stream.linear.scatter [tilespmem:s29], [sflag:$0x9], $0x1400, $0x38;
	[tilespmem:$0x1F5E0] =	vst v63  }
0x2c: {  	s5 =	sadd.s32 $0x5000, s5;
	_ =	sdelay $0x1  }
0x2d: {  	_ =	swait.ge [sflag:s30], $0x1400  }
0x2e: {  	[sflag:s30] =	ssyncset.done $0x0  }
0x2f: {  	[sflag:s30] =	ssyncadd.s32 $0xFFFFEC00  }
0x30: {  	[bflag:$0x0] =	sbarrier.arrive $0xFFFF  }
0x31: {  	s5 =	simm.s32 $0x0;
	s11 =	rddreg [dreg:$0x6]  }
0x32: {  	[tilespmem:s5], [sflag:$0x1] =	stream.linear.gather [hbm4b:s11+s5], $0x50, $0x38;
	[tilespmem:$0x1F5E0] =	vst v63  }
0x33: {  	s14 =	simm.s32 $0xA0;
	s21 =	rddreg [dreg:$0x7]  }
0x34: {  	[tilespmem:s14], [sflag:$0x1] =	stream.linear.gather [hbm4b:s21+s5], $0x50, $0x38;
	[tilespmem:$0x1F5E0] =	vst v63  }
0x35: {  	s22 =	rddreg [dreg:$0x8]  }
0x36: {  	[tilespmem:s0], [sflag:$0x2] =	stream.linear.gather [hbm4b:s22+s5], $0x50, $0x38;
	[tilespmem:$0x1F5E0] =	vst v63  }
0x37: {  	s15 =	simm.s32 $0xF0;
	s31 =	rddreg [dreg:$0x9]  }
0x38: {  	[tilespmem:s15], [sflag:$0x2] =	stream.linear.gather [hbm4b:s31+s5], $0x50, $0x38;
	[tilespmem:$0x1F5E0] =	vst v63  }
0x39: {  	_ =	swait.ge [sflag:s10], $0x50  }
0x3a: {  	[sflag:s10] =	ssyncset.done $0x0  }
0x3b: {  	[sflag:s10] =	ssyncadd.s32 $0xFFFFFFB0  }
0x3c: {  	_ =	swait.ge [sflag:s10], $0x50  }
0x3d: {  	[sflag:s10] =	ssyncset.done $0x0  }
0x3e: {  	s21 =	simm.s32 $0x1E0;
	[sflag:s10] =	ssyncadd.s32 $0xFFFFFFB0  }
0x3f: {  	[tilespmem:s21], [sflag:$0x3] =	stream.indirect.gather [hbm4b:s1+s0], $0x20, s5, s0, $0xb8;
	[tilespmem:$0x1F5E0] =	vst v63  }
0x40: {  	s22 =	rddreg [dreg:$0xa]  }
0x41: {  	[tilespmem:s12], [sflag:$0x5] =	stream.linear.gather [hbm4b:s22+s5], $0x1400, $0x38;
	[tilespmem:$0x1F5E0] =	vst v63  }
0x42: {  	_ =	swait.ge [sflag:s13], $0x50  }
0x43: {  	[sflag:s13] =	ssyncset.done $0x0  }
0x44: {  	[sflag:s13] =	ssyncadd.s32 $0xFFFFFFB0  }
0x45: {  	_ =	swait.ge [sflag:s13], $0x50  }
0x46: {  	[sflag:s13] =	ssyncset.done $0x0  }
0x47: {  	s31 =	simm.s32 $0xBE0;
	[sflag:s13] =	ssyncadd.s32 $0xFFFFFFB0  }
0x48: {  	[tilespmem:s31], [sflag:$0x4] =	stream.indirect.gather [hbm4b:s1+s0], $0x20, s0, s0, $0xb8;
	[tilespmem:$0x1F5E0] =	vst v63  }
0x49: {  	s21 =	simm.s32 $0x3DE0;
	s15 =	rddreg [dreg:$0x11]  }
0x4a: {  	[tilespmem:s21], [sflag:$0x6] =	stream.linear.gather [hbm4b:s15+s5], $0x1400, $0x38;
	[tilespmem:$0x1F5E0] =	vst v63  }
0x4b: {  	_ =	swait.ge [sflag:s16], $0xA00  }
0x4c: {  	[sflag:s16] =	ssyncset.done $0x0  }
0x4d: {  	[sflag:s16] =	ssyncadd.s32 $0xFFFFF600  }
0x4e: {  	_ =	swait.ge [sflag:s17], $0x1400  }
0x4f: {  	[sflag:s17] =	ssyncset.done $0x0  }
0x50: {  	[sflag:s17] =	ssyncadd.s32 $0xFFFFEC00  }
0x51: {  	v2 =	vld [tilespmem:$0xA0]  }
0x52: {  	v3 =	vld [tilespmem:$0xB0]  }
0x53: {  	v4 =	vld [tilespmem:$0xC0]  }
0x54: {  	v5 =	vld [tilespmem:$0xD0]  }
0x55: {  	v6 =	vld [tilespmem:$0xE0]  }
0x56: {  	v2 =	vsub.s32 v2, v0  }
0x57: {  	v3 =	vsub.s32 v3, v0;
	v2 =	vmin.u32 v2, $0x61A8  }
0x58: {  	[tilespmem:$0x140] =	vst v2;
	v2 =	vmin.u32 v3, $0x61A8;
	v3 =	vsub.s32 v4, v0  }
0x59: {  	[tilespmem:$0x150] =	vst v2;
	v2 =	vmin.u32 v3, $0x61A8;
	v3 =	vsub.s32 v5, v0  }
0x5a: {  	[tilespmem:$0x160] =	vst v2;
	v2 =	vmin.u32 v3, $0x61A8;
	v3 =	vsub.s32 v6, v0  }
0x5b: {  	[tilespmem:$0x170] =	vst v2;
	v2 =	vmin.u32 v3, $0x61A8  }
0x5c: {  	s22 =	rddreg [dreg:$0xb];
	[tilespmem:$0x180] =	vst v2  }
0x5d: {  	[tilespmem:s5], [sflag:$0x1] =	stream.linear.gather [hbm4b:s22+s5], $0x50, $0x38;
	[tilespmem:$0x1F5E0] =	vst v63  }
0x5e: {  	s31 =	rddreg [dreg:$0xc]  }
0x5f: {  	[tilespmem:s14], [sflag:$0x1] =	stream.linear.gather [hbm4b:s31+s5], $0x50, $0x38;
	[tilespmem:$0x1F5E0] =	vst v63  }
0x60: {  	s5 =	simm.s32 $0x0  }
0x61: {  	v2 =	vld [tilespmem:s5+$0x1600]  }
0x62: {  	v3 =	vld [tilespmem:s5+$0x15F0]  }
0x63: {  	v5 =	vld [tilespmem:s5+$0x15E0]  }
0x64: {  	s14 =	simm.s32 $0x1F0;
	v4 =	vld [tilespmem:s5+$0x1610]  }
0x65: {  	v7 =	vld [tilespmem:s14+$0xFFFFFFF0]  }
0x66: {  	s15 =	simm.s32 $0x100;
	v6 =	vld [tilespmem:s14+$0x0]  }
.LBB2_6:
0x67: {  	p0 =	sne.s32 s15, $0x4F00  }
0x68: {  	s14 =	sadd.s32 $0x20, s14;
	s21 =	smov.u32 s15;
	s15 =	sadd.s32 $0x100, s15  }
0x69: {  	_ = 	snop  }
0x6a: {  	v5 =	vmul.f32 v5, v7;
	v7 =	vmul.f32 v2, v7  }
0x6b: {  	s21 =	sshra.s32 s21, $0x2;
	v8 =	vmul.f32 v3, v6;
	v6 =	vmul.f32 v4, v6  }
0x6c: {  	v2 =	vld [tilespmem:s21+$0x1600];
	[tilespmem:s5+$0x29E0] =	vst v5  }
.Ltmp2:
0x6d: {  	v3 =	vld [tilespmem:s21+$0x15F0];
	[tilespmem:s5+$0x2A00] =	vst v7;
	(pc) =	sbr.rel @p0 .LBB2_6-.Ltmp2, $4  }
0x6e: {  	v5 =	vld [tilespmem:s21+$0x15E0];
	[tilespmem:s5+$0x29F0] =	vst v8  }
0x6f: {  	v4 =	vld [tilespmem:s21+$0x1610];
	[tilespmem:s5+$0x2A10] =	vst v6;
	s5 =	smov.u32 s21  }
0x70: {  	v7 =	vld [tilespmem:s14+$0xFFFFFFF0]  }
0x71: {  	v6 =	vld [tilespmem:s14+$0x0]  }
0x72: {  	_ =	sdelay $0x2  }
0x73: {  	v5 =	vmul.f32 v5, v7  }
0x74: {  	v2 =	vmul.f32 v2, v7  }
0x75: {  	v3 =	vmul.f32 v3, v6;
	[tilespmem:s5+$0x29E0] =	vst v5  }
0x76: {  	v4 =	vmul.f32 v4, v6;
	[tilespmem:s5+$0x2A00] =	vst v2  }
0x77: {  	[tilespmem:s5+$0x29F0] =	vst v3  }
0x78: {  	s14 =	simm.s32 $0x140;
	[tilespmem:s5+$0x2A10] =	vst v4  }
0x79: {  	[spmem:s4] =	stream.indirect.scatter.add.f32 [tilespmem:s29], [sflag:$0x7], $0x40, s14, s0, $0xb8;
	[tilespmem:$0x1F5E0] =	vst v63  }
0x7a: {  	_ =	swait.ge [sflag:s10], $0x50  }
0x7b: {  	[sflag:s10] =	ssyncset.done $0x0  }
0x7c: {  	[sflag:s10] =	ssyncadd.s32 $0xFFFFFFB0  }
0x7d: {  	_ =	swait.ge [sflag:s10], $0x50  }
0x7e: {  	[sflag:s10] =	ssyncset.done $0x0  }
0x7f: {  	s15 =	simm.s32 $0x0;
	s11 =	simm.s32 $0x1E0;
	[sflag:s10] =	ssyncadd.s32 $0xFFFFFFB0  }
0x80: {  	[tilespmem:s11], [sflag:$0x3] =	stream.indirect.gather [hbm4b:s1+s0], $0x20, s15, s0, $0xb8;
	[tilespmem:$0x1F5E0] =	vst v63  }
0x81: {  	s21 =	rddreg [dreg:$0x12]  }
0x82: {  	[tilespmem:s12], [sflag:$0x5] =	stream.linear.gather [hbm4b:s21+s15], $0x1400, $0x38;
	[tilespmem:$0x1F5E0] =	vst v63  }
0x83: {  	_ =	swait.ge [sflag:s19], $0xA00  }
0x84: {  	[sflag:s19] =	ssyncset.done $0x0  }
0x85: {  	[sflag:s19] =	ssyncadd.s32 $0xFFFFF600  }
0x86: {  	_ =	swait.ge [sflag:s20], $0x1400  }
0x87: {  	[sflag:s20] =	ssyncset.done $0x0  }
0x88: {  	[sflag:s20] =	ssyncadd.s32 $0xFFFFEC00  }
0x89: {  	v2 =	vld [tilespmem:$0xF0]  }
0x8a: {  	v3 =	vld [tilespmem:$0x100]  }
0x8b: {  	v4 =	vld [tilespmem:$0x110]  }
0x8c: {  	v5 =	vld [tilespmem:$0x120]  }
0x8d: {  	v6 =	vld [tilespmem:$0x130]  }
0x8e: {  	v2 =	vsub.s32 v2, v0  }
0x8f: {  	v3 =	vsub.s32 v3, v0;
	v2 =	vmin.u32 v2, $0x61A8  }
0x90: {  	[tilespmem:$0x190] =	vst v2;
	v2 =	vmin.u32 v3, $0x61A8;
	v3 =	vsub.s32 v4, v0  }
0x91: {  	[tilespmem:$0x1A0] =	vst v2;
	v2 =	vmin.u32 v3, $0x61A8;
	v3 =	vsub.s32 v5, v0  }
0x92: {  	[tilespmem:$0x1B0] =	vst v2;
	v2 =	vmin.u32 v3, $0x61A8;
	v3 =	vsub.s32 v6, v0  }
0x93: {  	[tilespmem:$0x1C0] =	vst v2;
	v2 =	vmin.u32 v3, $0x61A8  }
0x94: {  	s22 =	rddreg [dreg:$0xd];
	[tilespmem:$0x1D0] =	vst v2  }
0x95: {  	[tilespmem:s0], [sflag:$0x2] =	stream.linear.gather [hbm4b:s22+s15], $0x50, $0x38;
	[tilespmem:$0x1F5E0] =	vst v63  }
0x96: {  	s5 =	simm.s32 $0x0;
	s14 =	simm.s32 $0xF0;
	s31 =	rddreg [dreg:$0xe]  }
0x97: {  	[tilespmem:s14], [sflag:$0x2] =	stream.linear.gather [hbm4b:s31+s15], $0x50, $0x38;
	[tilespmem:$0x1F5E0] =	vst v63  }
0x98: {  	v2 =	vld [tilespmem:s5+$0x3E00]  }
0x99: {  	v3 =	vld [tilespmem:s5+$0x3DF0]  }
0x9a: {  	v5 =	vld [tilespmem:s5+$0x3DE0]  }
0x9b: {  	s14 =	simm.s32 $0xBF0;
	v4 =	vld [tilespmem:s5+$0x3E10]  }
0x9c: {  	v7 =	vld [tilespmem:s14+$0xFFFFFFF0]  }
0x9d: {  	s15 =	simm.s32 $0x100;
	v6 =	vld [tilespmem:s14+$0x0]  }
.LBB2_8:
0x9e: {  	p0 =	sne.s32 s15, $0x4F00  }
0x9f: {  	s14 =	sadd.s32 $0x20, s14;
	s21 =	smov.u32 s15;
	s15 =	sadd.s32 $0x100, s15  }
0xa0: {  	_ = 	snop  }
0xa1: {  	v5 =	vmul.f32 v5, v7;
	v7 =	vmul.f32 v2, v7  }
0xa2: {  	s21 =	sshra.s32 s21, $0x2;
	v8 =	vmul.f32 v3, v6;
	v6 =	vmul.f32 v4, v6  }
0xa3: {  	v2 =	vld [tilespmem:s21+$0x3E00];
	[tilespmem:s5+$0x51E0] =	vst v5  }
.Ltmp3:
0xa4: {  	v3 =	vld [tilespmem:s21+$0x3DF0];
	[tilespmem:s5+$0x5200] =	vst v7;
	(pc) =	sbr.rel @p0 .LBB2_8-.Ltmp3, $4  }
0xa5: {  	v5 =	vld [tilespmem:s21+$0x3DE0];
	[tilespmem:s5+$0x51F0] =	vst v8  }
0xa6: {  	v4 =	vld [tilespmem:s21+$0x3E10];
	[tilespmem:s5+$0x5210] =	vst v6;
	s5 =	smov.u32 s21  }
0xa7: {  	v7 =	vld [tilespmem:s14+$0xFFFFFFF0]  }
0xa8: {  	v6 =	vld [tilespmem:s14+$0x0]  }
0xa9: {  	_ =	sdelay $0x2  }
0xaa: {  	v5 =	vmul.f32 v5, v7  }
0xab: {  	v2 =	vmul.f32 v2, v7  }
0xac: {  	v3 =	vmul.f32 v3, v6;
	[tilespmem:s5+$0x51E0] =	vst v5  }
0xad: {  	v4 =	vmul.f32 v4, v6;
	[tilespmem:s5+$0x5200] =	vst v2  }
0xae: {  	[tilespmem:s5+$0x51F0] =	vst v3  }
0xaf: {  	s15 =	simm.s32 $0x190;
	s11 =	simm.s32 $0x51E0;
	[tilespmem:s5+$0x5210] =	vst v4  }
0xb0: {  	[spmem:s4] =	stream.indirect.scatter.add.f32 [tilespmem:s11], [sflag:$0x8], $0x40, s15, s0, $0xb8;
	[tilespmem:$0x1F5E0] =	vst v63  }
0xb1: {  	_ =	swait.ge [sflag:s13], $0x50  }
0xb2: {  	[sflag:s13] =	ssyncset.done $0x0  }
0xb3: {  	[sflag:s13] =	ssyncadd.s32 $0xFFFFFFB0  }
0xb4: {  	_ =	swait.ge [sflag:s13], $0x50  }
0xb5: {  	[sflag:s13] =	ssyncset.done $0x0  }
0xb6: {  	s21 =	simm.s32 $0xBE0;
	[sflag:s13] =	ssyncadd.s32 $0xFFFFFFB0  }
0xb7: {  	[tilespmem:s21], [sflag:$0x4] =	stream.indirect.gather [hbm4b:s1+s0], $0x20, s0, s0, $0xb8;
	[tilespmem:$0x1F5E0] =	vst v63  }
0xb8: {  	s31 =	simm.s32 $0x3DE0;
	s5 =	simm.s32 $0x0;
	s22 =	rddreg [dreg:$0x13]  }
0xb9: {  	[tilespmem:s31], [sflag:$0x6] =	stream.linear.gather [hbm4b:s22+s25], $0x1400, $0x38;
	[tilespmem:$0x1F5E0] =	vst v63  }
.LBB2_10:
0xba: {  	_ =	swait.ge [sflag:s16], $0xA00  }
0xbb: {  	[sflag:s16] =	ssyncset.done $0x0  }
0xbc: {  	[sflag:s16] =	ssyncadd.s32 $0xFFFFF600  }
0xbd: {  	_ =	swait.ge [sflag:s17], $0x1400  }
0xbe: {  	[sflag:s17] =	ssyncset.done $0x0  }
0xbf: {  	[sflag:s17] =	ssyncadd.s32 $0xFFFFEC00  }
0xc0: {  	_ =	swait.ge [sflag:s23], $0x1400  }
0xc1: {  	[sflag:s23] =	ssyncset.done $0x0  }
0xc2: {  	[sflag:s23] =	ssyncadd.s32 $0xFFFFEC00  }
0xc3: {  	v2 =	vld [tilespmem:$0xA0]  }
0xc4: {  	v3 =	vld [tilespmem:$0xB0]  }
0xc5: {  	v4 =	vld [tilespmem:$0xC0]  }
0xc6: {  	v5 =	vld [tilespmem:$0xD0]  }
0xc7: {  	v6 =	vld [tilespmem:$0xE0]  }
0xc8: {  	v2 =	vsub.s32 v2, v0  }
0xc9: {  	s14 =	smul.u32 $0xA0, s5;
	v3 =	vsub.s32 v3, v0;
	v2 =	vmin.u32 v2, $0x61A8  }
0xca: {  	[tilespmem:$0x140] =	vst v2;
	v2 =	vmin.u32 v3, $0x61A8;
	v3 =	vsub.s32 v4, v0  }
0xcb: {  	s15 =	sadd.s32 $0x140, s14;
	[tilespmem:$0x150] =	vst v2;
	v2 =	vmin.u32 v3, $0x61A8;
	v3 =	vsub.s32 v5, v0  }
0xcc: {  	s21 =	sadd.s32 s9, s15;
	[tilespmem:$0x160] =	vst v2;
	v2 =	vmin.u32 v3, $0x61A8;
	v3 =	vsub.s32 v6, v0  }
0xcd: {  	s21 =	sshrl.u32 s21, $0x3;
	[tilespmem:$0x170] =	vst v2;
	v2 =	vmin.u32 v3, $0x61A8  }
0xce: {  	s22 =	sadd.s32 s2, s21;
	[tilespmem:$0x180] =	vst v2  }
0xcf: {  	[tilespmem:s25], [sflag:$0x1] =	stream.linear.gather [hbm4b:s22+s25], $0x50, $0x38;
	[tilespmem:$0x1F5E0] =	vst v63  }
0xd0: {  	s21 =	sadd.s32 s3, s21  }
0xd1: {  	[tilespmem:s18], [sflag:$0x1] =	stream.linear.gather [hbm4b:s21+s25], $0x50, $0x38;
	[tilespmem:$0x1F5E0] =	vst v63  }
0xd2: {  	s21 =	simm.s32 $0x0  }
0xd3: {  	v2 =	vld [tilespmem:s21+$0x1600]  }
0xd4: {  	v3 =	vld [tilespmem:s21+$0x15F0]  }
0xd5: {  	v5 =	vld [tilespmem:s21+$0x15E0]  }
0xd6: {  	s22 =	simm.s32 $0x1F0;
	v4 =	vld [tilespmem:s21+$0x1610]  }
0xd7: {  	v7 =	vld [tilespmem:s22+$0xFFFFFFF0]  }
0xd8: {  	s31 =	simm.s32 $0x100;
	v6 =	vld [tilespmem:s22+$0x0]  }
.LBB2_11:
0xd9: {  	p0 =	sne.s32 s31, $0x4F00  }
0xda: {  	s22 =	sadd.s32 $0x20, s22;
	s11 =	smov.u32 s31;
	s31 =	sadd.s32 $0x100, s31  }
0xdb: {  	_ = 	snop  }
0xdc: {  	v5 =	vmul.f32 v5, v7;
	v7 =	vmul.f32 v2, v7  }
0xdd: {  	s11 =	sshra.s32 s11, $0x2;
	v8 =	vmul.f32 v3, v6;
	v6 =	vmul.f32 v4, v6  }
0xde: {  	v2 =	vld [tilespmem:s11+$0x1600];
	[tilespmem:s21+$0x29E0] =	vst v5  }
.Ltmp4:
0xdf: {  	v3 =	vld [tilespmem:s11+$0x15F0];
	[tilespmem:s21+$0x2A00] =	vst v7;
	(pc) =	sbr.rel @p0 .LBB2_11-.Ltmp4, $4  }
0xe0: {  	v5 =	vld [tilespmem:s11+$0x15E0];
	[tilespmem:s21+$0x29F0] =	vst v8  }
0xe1: {  	v4 =	vld [tilespmem:s11+$0x1610];
	[tilespmem:s21+$0x2A10] =	vst v6;
	s21 =	smov.u32 s11  }
0xe2: {  	v7 =	vld [tilespmem:s22+$0xFFFFFFF0]  }
0xe3: {  	v6 =	vld [tilespmem:s22+$0x0]  }
0xe4: {  	_ =	sdelay $0x2  }
0xe5: {  	v5 =	vmul.f32 v5, v7  }
0xe6: {  	v2 =	vmul.f32 v2, v7  }
0xe7: {  	v3 =	vmul.f32 v3, v6;
	[tilespmem:s21+$0x29E0] =	vst v5  }
0xe8: {  	v4 =	vmul.f32 v4, v6;
	[tilespmem:s21+$0x2A00] =	vst v2  }
0xe9: {  	[tilespmem:s21+$0x29F0] =	vst v3  }
0xea: {  	s11 =	simm.s32 $0x140;
	[tilespmem:s21+$0x2A10] =	vst v4  }
0xeb: {  	[spmem:s4] =	stream.indirect.scatter.add.f32 [tilespmem:s29], [sflag:$0x7], $0x40, s11, s0, $0xb8;
	[tilespmem:$0x1F5E0] =	vst v63  }
0xec: {  	_ =	swait.ge [sflag:s10], $0x50  }
0xed: {  	[sflag:s10] =	ssyncset.done $0x0  }
0xee: {  	[sflag:s10] =	ssyncadd.s32 $0xFFFFFFB0  }
0xef: {  	_ =	swait.ge [sflag:s10], $0x50  }
0xf0: {  	s31 =	simm.s32 $0x1E0;
	s15 =	sadd.s32 s7, s15;
	[sflag:s10] =	ssyncset.done $0x0  }
0xf1: {  	s15 =	sshll.u32 s15, $0x3;
	s11 =	simm.s32 $0x0;
	[sflag:s10] =	ssyncadd.s32 $0xFFFFFFB0  }
0xf2: {  	[tilespmem:s31], [sflag:$0x3] =	stream.indirect.gather [hbm4b:s1+s0], $0x20, s11, s0, $0xb8;
	[tilespmem:$0x1F5E0] =	vst v63  }
0xf3: {  	s15 =	sadd.s32 s8, s15  }
0xf4: {  	[tilespmem:s12], [sflag:$0x5] =	stream.linear.gather [hbm4b:s15+s11], $0x1400, $0x38;
	[tilespmem:$0x1F5E0] =	vst v63  }
0xf5: {  	_ =	swait.ge [sflag:s19], $0xA00  }
0xf6: {  	[sflag:s19] =	ssyncset.done $0x0  }
0xf7: {  	[sflag:s19] =	ssyncadd.s32 $0xFFFFF600  }
0xf8: {  	_ =	swait.ge [sflag:s20], $0x1400  }
0xf9: {  	[sflag:s20] =	ssyncset.done $0x0  }
0xfa: {  	[sflag:s20] =	ssyncadd.s32 $0xFFFFEC00  }
0xfb: {  	_ =	swait.ge [sflag:s24], $0x1400  }
0xfc: {  	[sflag:s24] =	ssyncset.done $0x0  }
0xfd: {  	[sflag:s24] =	ssyncadd.s32 $0xFFFFEC00  }
0xfe: {  	v2 =	vld [tilespmem:$0xF0]  }
0xff: {  	v3 =	vld [tilespmem:$0x100]  }
0x100: {  	v4 =	vld [tilespmem:$0x110]  }
0x101: {  	v5 =	vld [tilespmem:$0x120]  }
0x102: {  	v6 =	vld [tilespmem:$0x130]  }
0x103: {  	v2 =	vsub.s32 v2, v0  }
0x104: {  	v3 =	vsub.s32 v3, v0;
	v2 =	vmin.u32 v2, $0x61A8  }
0x105: {  	[tilespmem:$0x190] =	vst v2;
	v2 =	vmin.u32 v3, $0x61A8;
	v3 =	vsub.s32 v4, v0  }
0x106: {  	s14 =	sadd.s32 $0x190, s14;
	[tilespmem:$0x1A0] =	vst v2;
	v2 =	vmin.u32 v3, $0x61A8;
	v3 =	vsub.s32 v5, v0  }
0x107: {  	s21 =	sadd.s32 s9, s14;
	[tilespmem:$0x1B0] =	vst v2;
	v2 =	vmin.u32 v3, $0x61A8;
	v3 =	vsub.s32 v6, v0  }
0x108: {  	s15 =	sshrl.u32 s21, $0x3;
	[tilespmem:$0x1C0] =	vst v2;
	v2 =	vmin.u32 v3, $0x61A8  }
0x109: {  	s22 =	sadd.s32 s2, s15;
	[tilespmem:$0x1D0] =	vst v2  }
0x10a: {  	[tilespmem:s0], [sflag:$0x2] =	stream.linear.gather [hbm4b:s22+s11], $0x50, $0x38;
	[tilespmem:$0x1F5E0] =	vst v63  }
0x10b: {  	s31 =	simm.s32 $0xF0;
	s15 =	sadd.s32 s3, s15  }
0x10c: {  	[tilespmem:s31], [sflag:$0x2] =	stream.linear.gather [hbm4b:s15+s11], $0x50, $0x38;
	[tilespmem:$0x1F5E0] =	vst v63  }
0x10d: {  	s15 =	simm.s32 $0x0  }
0x10e: {  	v2 =	vld [tilespmem:s15+$0x3E00]  }
0x10f: {  	v3 =	vld [tilespmem:s15+$0x3DF0]  }
0x110: {  	v5 =	vld [tilespmem:s15+$0x3DE0]  }
0x111: {  	s21 =	simm.s32 $0xBF0;
	v4 =	vld [tilespmem:s15+$0x3E10]  }
0x112: {  	v7 =	vld [tilespmem:s21+$0xFFFFFFF0]  }
0x113: {  	s22 =	simm.s32 $0x100;
	v6 =	vld [tilespmem:s21+$0x0]  }
.LBB2_13:
0x114: {  	p0 =	sne.s32 s22, $0x4F00  }
0x115: {  	s21 =	sadd.s32 $0x20, s21;
	s11 =	smov.u32 s22;
	s22 =	sadd.s32 $0x100, s22  }
0x116: {  	_ = 	snop  }
0x117: {  	v5 =	vmul.f32 v5, v7;
	v7 =	vmul.f32 v2, v7  }
0x118: {  	s11 =	sshra.s32 s11, $0x2;
	v8 =	vmul.f32 v3, v6;
	v6 =	vmul.f32 v4, v6  }
0x119: {  	v2 =	vld [tilespmem:s11+$0x3E00];
	[tilespmem:s15+$0x51E0] =	vst v5  }
.Ltmp5:
0x11a: {  	v3 =	vld [tilespmem:s11+$0x3DF0];
	[tilespmem:s15+$0x5200] =	vst v7;
	(pc) =	sbr.rel @p0 .LBB2_13-.Ltmp5, $4  }
0x11b: {  	v5 =	vld [tilespmem:s11+$0x3DE0];
	[tilespmem:s15+$0x51F0] =	vst v8  }
0x11c: {  	v4 =	vld [tilespmem:s11+$0x3E10];
	[tilespmem:s15+$0x5210] =	vst v6;
	s15 =	smov.u32 s11  }
0x11d: {  	v7 =	vld [tilespmem:s21+$0xFFFFFFF0]  }
0x11e: {  	v6 =	vld [tilespmem:s21+$0x0]  }
0x11f: {  	_ =	sdelay $0x2  }
0x120: {  	v5 =	vmul.f32 v5, v7  }
0x121: {  	v2 =	vmul.f32 v2, v7  }
0x122: {  	v3 =	vmul.f32 v3, v6;
	[tilespmem:s15+$0x51E0] =	vst v5  }
0x123: {  	v4 =	vmul.f32 v4, v6;
	[tilespmem:s15+$0x5200] =	vst v2  }
0x124: {  	[tilespmem:s15+$0x51F0] =	vst v3  }
0x125: {  	s11 =	simm.s32 $0x190;
	s31 =	simm.s32 $0x51E0;
	[tilespmem:s15+$0x5210] =	vst v4  }
0x126: {  	[spmem:s4] =	stream.indirect.scatter.add.f32 [tilespmem:s31], [sflag:$0x8], $0x40, s11, s0, $0xb8;
	[tilespmem:$0x1F5E0] =	vst v63  }
0x127: {  	_ =	swait.ge [sflag:s13], $0x50  }
0x128: {  	[sflag:s13] =	ssyncset.done $0x0  }
0x129: {  	s5 =	sadd.s32 $0x1, s5;
	[sflag:s13] =	ssyncadd.s32 $0xFFFFFFB0  }
0x12a: {  	p0 =	sne.s32 s5, $0xA0;
	_ =	swait.ge [sflag:s13], $0x50  }
.Ltmp6:
0x12b: {  	s22 =	sadd.s32 s7, s14;
	[sflag:s13] =	ssyncset.done $0x0;
	(pc) =	sbr.rel @p0 .LBB2_10-.Ltmp6, $4  }
0x12c: {  	s21 =	simm.s32 $0xBE0;
	s11 =	sshll.u32 s22, $0x3;
	[sflag:s13] =	ssyncadd.s32 $0xFFFFFFB0  }
0x12d: {  	[tilespmem:s21], [sflag:$0x4] =	stream.indirect.gather [hbm4b:s1+s0], $0x20, s0, s0, $0xb8;
	[tilespmem:$0x1F5E0] =	vst v63  }
0x12e: {  	s31 =	simm.s32 $0x3DE0;
	s11 =	sadd.s32 s8, s11  }
0x12f: {  	[tilespmem:s31], [sflag:$0x6] =	stream.linear.gather [hbm4b:s11+s6], $0x1400, $0x38;
	[tilespmem:$0x1F5E0] =	vst v63  }
0x130: {  	_ =	swait.ge [sflag:s16], $0xA00  }
0x131: {  	[sflag:s16] =	ssyncset.done $0x0  }
0x132: {  	[sflag:s16] =	ssyncadd.s32 $0xFFFFF600  }
0x133: {  	_ =	swait.ge [sflag:s17], $0x1400  }
0x134: {  	[sflag:s17] =	ssyncset.done $0x0  }
0x135: {  	[sflag:s17] =	ssyncadd.s32 $0xFFFFEC00  }
0x136: {  	_ =	swait.ge [sflag:s23], $0x1400  }
0x137: {  	[sflag:s23] =	ssyncset.done $0x0  }
0x138: {  	[sflag:s23] =	ssyncadd.s32 $0xFFFFEC00  }
0x139: {  	v2 =	vld [tilespmem:$0xA0]  }
0x13a: {  	v3 =	vld [tilespmem:$0xB0]  }
0x13b: {  	v4 =	vld [tilespmem:$0xC0]  }
0x13c: {  	v5 =	vld [tilespmem:$0xD0]  }
0x13d: {  	v6 =	vld [tilespmem:$0xE0]  }
0x13e: {  	v2 =	vsub.s32 v2, v0  }
0x13f: {  	v3 =	vsub.s32 v3, v0;
	v2 =	vmin.u32 v2, $0x61A8  }
0x140: {  	[tilespmem:$0x140] =	vst v2;
	v2 =	vmin.u32 v3, $0x61A8;
	v3 =	vsub.s32 v4, v0  }
0x141: {  	[tilespmem:$0x150] =	vst v2;
	v2 =	vmin.u32 v3, $0x61A8;
	v3 =	vsub.s32 v5, v0  }
0x142: {  	[tilespmem:$0x160] =	vst v2;
	v2 =	vmin.u32 v3, $0x61A8;
	v3 =	vsub.s32 v6, v0  }
0x143: {  	[tilespmem:$0x170] =	vst v2;
	v2 =	vmin.u32 v3, $0x61A8  }
0x144: {  	s5 =	simm.s32 $0x0;
	s11 =	rddreg [dreg:$0xf];
	[tilespmem:$0x180] =	vst v2  }
0x145: {  	[tilespmem:s5], [sflag:$0x1] =	stream.linear.gather [hbm4b:s11+s5], $0x50, $0x38;
	[tilespmem:$0x1F5E0] =	vst v63  }
0x146: {  	s31 =	rddreg [dreg:$0x10]  }
0x147: {  	[tilespmem:s18], [sflag:$0x1] =	stream.linear.gather [hbm4b:s31+s5], $0x50, $0x38;
	[tilespmem:$0x1F5E0] =	vst v63  }
0x148: {  	s5 =	simm.s32 $0x0  }
0x149: {  	v2 =	vld [tilespmem:s5+$0x1600]  }
0x14a: {  	v3 =	vld [tilespmem:s5+$0x15F0]  }
0x14b: {  	v5 =	vld [tilespmem:s5+$0x15E0]  }
0x14c: {  	s14 =	simm.s32 $0x1F0;
	v4 =	vld [tilespmem:s5+$0x1610]  }
0x14d: {  	v7 =	vld [tilespmem:s14+$0xFFFFFFF0]  }
0x14e: {  	s15 =	simm.s32 $0x100;
	v6 =	vld [tilespmem:s14+$0x0]  }
.LBB2_16:
0x14f: {  	p0 =	sne.s32 s15, $0x4F00  }
0x150: {  	s14 =	sadd.s32 $0x20, s14;
	s11 =	smov.u32 s15;
	s15 =	sadd.s32 $0x100, s15  }
0x151: {  	_ = 	snop  }
0x152: {  	v5 =	vmul.f32 v5, v7;
	v7 =	vmul.f32 v2, v7  }
0x153: {  	s11 =	sshra.s32 s11, $0x2;
	v8 =	vmul.f32 v3, v6;
	v6 =	vmul.f32 v4, v6  }
0x154: {  	v2 =	vld [tilespmem:s11+$0x1600];
	[tilespmem:s5+$0x29E0] =	vst v5  }
.Ltmp7:
0x155: {  	v3 =	vld [tilespmem:s11+$0x15F0];
	[tilespmem:s5+$0x2A00] =	vst v7;
	(pc) =	sbr.rel @p0 .LBB2_16-.Ltmp7, $4  }
0x156: {  	v5 =	vld [tilespmem:s11+$0x15E0];
	[tilespmem:s5+$0x29F0] =	vst v8  }
0x157: {  	v4 =	vld [tilespmem:s11+$0x1610];
	[tilespmem:s5+$0x2A10] =	vst v6;
	s5 =	smov.u32 s11  }
0x158: {  	v7 =	vld [tilespmem:s14+$0xFFFFFFF0]  }
0x159: {  	v6 =	vld [tilespmem:s14+$0x0]  }
0x15a: {  	_ =	sdelay $0x2  }
0x15b: {  	v5 =	vmul.f32 v5, v7  }
0x15c: {  	v2 =	vmul.f32 v2, v7  }
0x15d: {  	v3 =	vmul.f32 v3, v6;
	[tilespmem:s5+$0x29E0] =	vst v5  }
0x15e: {  	v4 =	vmul.f32 v4, v6;
	[tilespmem:s5+$0x2A00] =	vst v2  }
0x15f: {  	[tilespmem:s5+$0x29F0] =	vst v3  }
0x160: {  	s21 =	simm.s32 $0x140;
	[tilespmem:s5+$0x2A10] =	vst v4  }
0x161: {  	[spmem:s4] =	stream.indirect.scatter.add.f32 [tilespmem:s29], [sflag:$0x7], $0x40, s21, s0, $0xb8;
	[tilespmem:$0x1F5E0] =	vst v63  }
0x162: {  	_ =	swait.ge [sflag:s10], $0x50  }
0x163: {  	[sflag:s10] =	ssyncset.done $0x0  }
0x164: {  	[sflag:s10] =	ssyncadd.s32 $0xFFFFFFB0  }
0x165: {  	_ =	swait.ge [sflag:s10], $0x50  }
0x166: {  	[sflag:s10] =	ssyncset.done $0x0  }
0x167: {  	s22 =	simm.s32 $0x0;
	s11 =	simm.s32 $0x1E0;
	[sflag:s10] =	ssyncadd.s32 $0xFFFFFFB0  }
0x168: {  	[tilespmem:s11], [sflag:$0x3] =	stream.indirect.gather [hbm4b:s1+s0], $0x20, s22, s0, $0xb8;
	[tilespmem:$0x1F5E0] =	vst v63  }
0x169: {  	s31 =	rddreg [dreg:$0x14]  }
0x16a: {  	[tilespmem:s12], [sflag:$0x5] =	stream.linear.gather [hbm4b:s31+s22], $0x1400, $0x38;
	[tilespmem:$0x1F5E0] =	vst v63  }
0x16b: {  	_ =	swait.ge [sflag:s19], $0xA00  }
0x16c: {  	[sflag:s19] =	ssyncset.done $0x0  }
0x16d: {  	[sflag:s19] =	ssyncadd.s32 $0xFFFFF600  }
0x16e: {  	_ =	swait.ge [sflag:s20], $0x1400  }
0x16f: {  	[sflag:s20] =	ssyncset.done $0x0  }
0x170: {  	[sflag:s20] =	ssyncadd.s32 $0xFFFFEC00  }
0x171: {  	_ =	swait.ge [sflag:s24], $0x1400  }
0x172: {  	[sflag:s24] =	ssyncset.done $0x0  }
0x173: {  	[sflag:s24] =	ssyncadd.s32 $0xFFFFEC00  }
0x174: {  	v2 =	vld [tilespmem:$0xF0]  }
0x175: {  	v3 =	vld [tilespmem:$0x100]  }
0x176: {  	v4 =	vld [tilespmem:$0x110]  }
0x177: {  	v5 =	vld [tilespmem:$0x120]  }
0x178: {  	v6 =	vld [tilespmem:$0x130]  }
0x179: {  	v2 =	vsub.s32 v2, v0  }
0x17a: {  	v3 =	vsub.s32 v3, v0;
	v2 =	vmin.u32 v2, $0x61A8  }
0x17b: {  	[tilespmem:$0x190] =	vst v2;
	v2 =	vmin.u32 v3, $0x61A8;
	v3 =	vsub.s32 v4, v0  }
0x17c: {  	[tilespmem:$0x1A0] =	vst v2;
	v2 =	vmin.u32 v3, $0x61A8;
	v3 =	vsub.s32 v5, v0  }
0x17d: {  	[tilespmem:$0x1B0] =	vst v2;
	v2 =	vmin.u32 v3, $0x61A8;
	v3 =	vsub.s32 v6, v0  }
0x17e: {  	[tilespmem:$0x1C0] =	vst v2;
	v2 =	vmin.u32 v3, $0x61A8  }
0x17f: {  	s5 =	simm.s32 $0x0;
	[tilespmem:$0x1D0] =	vst v2  }
0x180: {  	v2 =	vld [tilespmem:s5+$0x3E00]  }
0x181: {  	v3 =	vld [tilespmem:s5+$0x3DF0]  }
0x182: {  	v5 =	vld [tilespmem:s5+$0x3DE0]  }
0x183: {  	s14 =	simm.s32 $0xBF0;
	v4 =	vld [tilespmem:s5+$0x3E10]  }
0x184: {  	v7 =	vld [tilespmem:s14+$0xFFFFFFF0]  }
0x185: {  	s15 =	simm.s32 $0x100;
	v6 =	vld [tilespmem:s14+$0x0]  }
.LBB2_18:
0x186: {  	p0 =	sne.s32 s15, $0x4F00  }
0x187: {  	s14 =	sadd.s32 $0x20, s14;
	s11 =	smov.u32 s15;
	s15 =	sadd.s32 $0x100, s15  }
0x188: {  	_ = 	snop  }
0x189: {  	v5 =	vmul.f32 v5, v7;
	v7 =	vmul.f32 v2, v7  }
0x18a: {  	s11 =	sshra.s32 s11, $0x2;
	v8 =	vmul.f32 v3, v6;
	v6 =	vmul.f32 v4, v6  }
0x18b: {  	v2 =	vld [tilespmem:s11+$0x3E00];
	[tilespmem:s5+$0x51E0] =	vst v5  }
.Ltmp8:
0x18c: {  	v3 =	vld [tilespmem:s11+$0x3DF0];
	[tilespmem:s5+$0x5200] =	vst v7;
	(pc) =	sbr.rel @p0 .LBB2_18-.Ltmp8, $4  }
0x18d: {  	v5 =	vld [tilespmem:s11+$0x3DE0];
	[tilespmem:s5+$0x51F0] =	vst v8  }
0x18e: {  	v4 =	vld [tilespmem:s11+$0x3E10];
	[tilespmem:s5+$0x5210] =	vst v6;
	s5 =	smov.u32 s11  }
0x18f: {  	v7 =	vld [tilespmem:s14+$0xFFFFFFF0]  }
0x190: {  	v6 =	vld [tilespmem:s14+$0x0]  }
0x191: {  	_ =	sdelay $0x2  }
0x192: {  	v5 =	vmul.f32 v5, v7  }
0x193: {  	v2 =	vmul.f32 v2, v7  }
0x194: {  	v3 =	vmul.f32 v3, v6;
	[tilespmem:s5+$0x51E0] =	vst v5  }
0x195: {  	v4 =	vmul.f32 v4, v6;
	[tilespmem:s5+$0x5200] =	vst v2  }
0x196: {  	[tilespmem:s5+$0x51F0] =	vst v3  }
0x197: {  	s31 =	simm.s32 $0x190;
	s11 =	simm.s32 $0x51E0;
	[tilespmem:s5+$0x5210] =	vst v4  }
0x198: {  	[spmem:s4] =	stream.indirect.scatter.add.f32 [tilespmem:s11], [sflag:$0x8], $0x40, s31, s0, $0xb8;
	[tilespmem:$0x1F5E0] =	vst v63  }
0x199: {  	_ =	swait.ge [sflag:s16], $0xA00  }
0x19a: {  	[sflag:s16] =	ssyncset.done $0x0  }
0x19b: {  	[sflag:s16] =	ssyncadd.s32 $0xFFFFF600  }
0x19c: {  	_ =	swait.ge [sflag:s17], $0x1400  }
0x19d: {  	[sflag:s17] =	ssyncset.done $0x0  }
0x19e: {  	[sflag:s17] =	ssyncadd.s32 $0xFFFFEC00  }
0x19f: {  	_ =	swait.ge [sflag:s23], $0x1400  }
0x1a0: {  	[sflag:s23] =	ssyncset.done $0x0  }
0x1a1: {  	[sflag:s23] =	ssyncadd.s32 $0xFFFFEC00  }
0x1a2: {  	v2 =	vld [tilespmem:$0xA0]  }
0x1a3: {  	v3 =	vld [tilespmem:$0xB0]  }
0x1a4: {  	v4 =	vld [tilespmem:$0xC0]  }
0x1a5: {  	v5 =	vld [tilespmem:$0xD0]  }
0x1a6: {  	v6 =	vld [tilespmem:$0xE0]  }
0x1a7: {  	v2 =	vsub.s32 v2, v0  }
0x1a8: {  	v3 =	vsub.s32 v3, v0;
	v2 =	vmin.u32 v2, $0x61A8  }
0x1a9: {  	[tilespmem:$0x140] =	vst v2;
	v2 =	vmin.u32 v3, $0x61A8;
	v3 =	vsub.s32 v4, v0  }
0x1aa: {  	[tilespmem:$0x150] =	vst v2;
	v2 =	vmin.u32 v3, $0x61A8;
	v3 =	vsub.s32 v5, v0  }
0x1ab: {  	[tilespmem:$0x160] =	vst v2;
	v2 =	vmin.u32 v3, $0x61A8;
	v3 =	vsub.s32 v6, v0  }
0x1ac: {  	[tilespmem:$0x170] =	vst v2;
	v2 =	vmin.u32 v3, $0x61A8  }
0x1ad: {  	s5 =	simm.s32 $0x0;
	[tilespmem:$0x180] =	vst v2  }
0x1ae: {  	v2 =	vld [tilespmem:s5+$0x1600]  }
0x1af: {  	v3 =	vld [tilespmem:s5+$0x15F0]  }
0x1b0: {  	v5 =	vld [tilespmem:s5+$0x15E0]  }
0x1b1: {  	s14 =	simm.s32 $0x1F0;
	v4 =	vld [tilespmem:s5+$0x1610]  }
0x1b2: {  	v7 =	vld [tilespmem:s14+$0xFFFFFFF0]  }
0x1b3: {  	s15 =	simm.s32 $0x100;
	v6 =	vld [tilespmem:s14+$0x0]  }
.LBB2_20:
0x1b4: {  	p0 =	sne.s32 s15, $0x4F00  }
0x1b5: {  	s14 =	sadd.s32 $0x20, s14;
	s11 =	smov.u32 s15;
	s15 =	sadd.s32 $0x100, s15  }
0x1b6: {  	_ = 	snop  }
0x1b7: {  	v5 =	vmul.f32 v5, v7;
	v7 =	vmul.f32 v2, v7  }
0x1b8: {  	s11 =	sshra.s32 s11, $0x2;
	v8 =	vmul.f32 v3, v6;
	v6 =	vmul.f32 v4, v6  }
0x1b9: {  	v2 =	vld [tilespmem:s11+$0x1600];
	[tilespmem:s5+$0x29E0] =	vst v5  }
.Ltmp9:
0x1ba: {  	v3 =	vld [tilespmem:s11+$0x15F0];
	[tilespmem:s5+$0x2A00] =	vst v7;
	(pc) =	sbr.rel @p0 .LBB2_20-.Ltmp9, $4  }
0x1bb: {  	v5 =	vld [tilespmem:s11+$0x15E0];
	[tilespmem:s5+$0x29F0] =	vst v8  }
0x1bc: {  	v4 =	vld [tilespmem:s11+$0x1610];
	[tilespmem:s5+$0x2A10] =	vst v6;
	s5 =	smov.u32 s11  }
0x1bd: {  	v7 =	vld [tilespmem:s14+$0xFFFFFFF0]  }
0x1be: {  	v6 =	vld [tilespmem:s14+$0x0]  }
0x1bf: {  	_ =	sdelay $0x2  }
0x1c0: {  	v5 =	vmul.f32 v5, v7  }
0x1c1: {  	v2 =	vmul.f32 v2, v7  }
0x1c2: {  	v3 =	vmul.f32 v3, v6;
	[tilespmem:s5+$0x29E0] =	vst v5  }
0x1c3: {  	v4 =	vmul.f32 v4, v6;
	[tilespmem:s5+$0x2A00] =	vst v2  }
0x1c4: {  	[tilespmem:s5+$0x29F0] =	vst v3  }
0x1c5: {  	s22 =	simm.s32 $0x140;
	[tilespmem:s5+$0x2A10] =	vst v4  }
0x1c6: {  	[spmem:s4] =	stream.indirect.scatter.add.f32 [tilespmem:s29], [sflag:$0x7], $0x40, s22, s0, $0xb8;
	[tilespmem:$0x1F5E0] =	vst v63  }
0x1c7: {  	_ =	swait.ge [sflag:s24], $0x1400  }
0x1c8: {  	[sflag:s24] =	ssyncset.done $0x0  }
0x1c9: {  	[sflag:s24] =	ssyncadd.s32 $0xFFFFEC00  }
0x1ca: {  	_ =	swait.ge [sflag:s23], $0x1400  }
0x1cb: {  	[sflag:s23] =	ssyncset.done $0x0  }
0x1cc: {  	[sflag:s23] =	ssyncadd.s32 $0xFFFFEC00  }
0x1cd: {  	[bflag:$0x0] =	sbarrier.arrive $0xFFFF  }
0x1ce: {  	[tilespmem:s12], [sflag:$0x9] =	stream.linear.gather [spmem:s26], $0x1400, $0x38;
	[tilespmem:$0x1F5E0] =	vst v63  }
0x1cf: {  	_ =	swait.ge [sflag:s30], $0x1400  }
0x1d0: {  	[sflag:s30] =	ssyncset.done $0x0  }
0x1d1: {  	s31 =	sadd.s32 $0x0, s28;
	[sflag:s30] =	ssyncadd.s32 $0xFFFFEC00  }
0x1d2: {  	[hbm4b:s31+s6] =	stream.linear.scatter [tilespmem:s12], [sflag:$0x9], $0x1400, $0x38;
	[tilespmem:$0x1F5E0] =	vst v63  }
0x1d3: {  	_ =	swait.ge [sflag:s30], $0x1400  }
0x1d4: {  	s14 =	smov.u32 s26;
	s5 =	simm.s32 $0x280;
	[sflag:s30] =	ssyncset.done $0x0  }
.LBB2_22:
0x1d5: {  	p0 =	sne.s32 s5, $0x2F80;
	[sflag:s30] =	ssyncadd.s32 $0xFFFFEC00;
	s14 =	sadd.s32 $0x1400, s14  }
0x1d6: {  	[tilespmem:s12], [sflag:$0x9] =	stream.linear.gather [spmem:s14], $0x1400, $0x38;
	[tilespmem:$0x1F5E0] =	vst v63  }
0x1d7: {  	s11 =	smov.u32 s5;
	s5 =	sadd.s32 $0x280, s5;
	_ =	swait.ge [sflag:s30], $0x1400  }
.Ltmp10:
0x1d8: {  	[sflag:s30] =	ssyncset.done $0x0;
	(pc) =	sbr.rel @p0 .LBB2_22-.Ltmp10, $4  }
0x1d9: {  	s11 =	sadd.s32 s11, s28;
	[sflag:s30] =	ssyncadd.s32 $0xFFFFEC00  }
0x1da: {  	[hbm4b:s11+s6] =	stream.linear.scatter [tilespmem:s12], [sflag:$0x9], $0x1400, $0x38;
	[tilespmem:$0x1F5E0] =	vst v63  }
0x1db: {  	_ =	swait.ge [sflag:s30], $0x1400  }
0x1dc: {  	[sflag:s30] =	ssyncset.done $0x0  }
0x1dd: {  	s11 =	rddreg [dreg:$0x16]  }
0x1de: {  	s5 =	rddreg [dreg:$0x15];
	s11 =	sadd.s32 $0x1, s11  }
0x1df: {  	p0 =	sne.s32 s11, s5  }
.Ltmp11:
0x1e0: {  	_ = 	snop;
	(pc) =	sbr.rel @p0 .LBB2_1-.Ltmp11, $2  }
0x1e1: {  	_ =	sdelay $0x2  }
0x1e2: {  	[sflag:s30] =	ssyncadd.s32 $0xFFFFEC00  }
0x1e3: {  	_ =	sfence.sel $0x180000  }
0x1e4: {  	[bflag:$0x0] =	sbarrier.arrive $0xFFFF  }
0x1e5: {  	_ =	strace $0x9000004A  }
0x1e6: {  	s0 =	stileid.u32;
	[bflag:$0x2] =	sbarrier.arrive $0xFFFF  }
0x1e7: {  	p0 =	sne.s32 s0, $0x0;
	s0 =	rddreg [dreg:$0x5]  }
0x1e8: {  	s0 =	sadd.s32 @!p0 $0x100000, s0  }
0x1e9: {  	[sflag:s0] =	ssyncadd.tile.s32 @!p0 $0x1;
	_ =	shalt  }
.Lfunc_end2:
_tile_overlayer_lowered:
.L_overlay_start_2:
0x1ea: {  	(tag) =	ssettag $0x2  }
0x1eb: {  	s0 =	rddreg [dreg:$0x0];
	s2 =	stileid.u32  }
0x1ec: {  	s1 =	rddreg [dreg:$0x1];
	p0 =	sne.s32 s2, $0x0  }
0x1ed: {  	s3 =	rddreg [dreg:$0x2];
	[bflag:$0x3] =	sbarrier.arrive $0xFFFF;
	s2 =	simm.s32 @!p0 $0x1C09  }
0x1ee: {  	[timem:s3], [sflag:s2] =	dma.local @!p0 [hbm:s0], s1  }
0x1ef: {  	s0 =	simm.s32 @!p0 $0x9  }
0x1f0: {  	_ =	swait.ge @!p0 [sflag:s0], s1  }
0x1f1: {  	s1 =	ssub.s32 @!p0 $0x0, s1;
	[sflag:s0] =	ssyncset.done @!p0 $0x0  }
0x1f2: {  	[sflag:s0] =	ssyncadd.s32 @!p0 s1  }
0x1f3: {  	[bflag:$0x3] =	sbarrier.arrive $0xFFFF  }
0x1f4: {  	_ =	shalt  }

// kernel: kernel.7.cloned.1.call-start
scs
__scs_entry_jumppad:
0x0: {  	(pc) =	sbr.rel $0x88, $3  }
0x1: {  	(tag) =	ssettag $0x0;
	lr =	simm.s32 $0x1  }
0x2: {  	[smem:$0x3F98] =	sst lr;
	_ =	strace $0xD0000000  }
0x3: {  	_ = 	snop  }
0x4: {  	_ = 	snop  }
0x5: {  	_ = 	snop  }
0x6: {  	_ = 	snop  }
0x7: {  	_ = 	snop  }
__scs_overlays_trampoline_lowered:
0x8: {  	[smem:$0x3FA7] =	sst s0  }
0x9: {  	[smem:$0x3FA8] =	sst s1  }
0xa: {  	[smem:$0x3FA9] =	sst s2  }
0xb: {  	[smem:$0x3FAA] =	sst s3  }
0xc: {  	[smem:$0x3FAB] =	sst s4  }
0xd: {  	[smem:$0x3FAC] =	sst s5  }
0xe: {  	[smem:$0x3FAD] =	sst s6  }
0xf: {  	[smem:$0x3FAE] =	sst s7  }
0x10: {  	[smem:$0x3FAF] =	sst s8  }
0x11: {  	[smem:$0x3FB0] =	sst s9;
	s0 =	simm.s32 @!p0 $0x0  }
0x12: {  	s1 =	sld [smem:$0x3F96];
	s0 =	simm.s32 @p0 $0x1  }
0x13: {  	[smem:$0x3FB1] =	sst s0;
	s0 =	simm.s32 @!p1 $0x0  }
0x14: {  	s2 =	sld [smem:$0x3F95];
	s0 =	simm.s32 @p1 $0x1  }
0x15: {  	[smem:$0x3FB2] =	sst s0;
	s0 =	simm.s32 @!p2 $0x0  }
0x16: {  	s3 =	sld [smem:$0x3FDB];
	s0 =	simm.s32 @p2 $0x1  }
0x17: {  	s4 =	simm.s32 $0x1BF5;
	[smem:$0x3FB4] =	sst s0  }
0x18: {  	s0 =	sld [smem:$0x3F97];
	_ =	swait.ge [sflag:s4], $0x0  }
0x19: {  	s7 =	sld [smem:$0x3F98]  }
0x1a: {  	s8 =	sadd.s32 $0xFFFFE003, lr  }
0x1b: {  	s9 =	sadd.s32 $0xFFFFFEF7, lr;
	s5 =	simm.s32 $0xFFFFFFFF;
	p2 =	slt.u32 s8, $0xFFFFF086  }
0x1c: {  	p1 =	slt.u32 s9, $0xF7A;
	s5 =	simm.s32 @!p2 $0x0  }
0x1d: {  	s5 =	simm.s32 @p1 $0x1;
	p0 =	seq.s32 s7, s2  }
0x1e: {  	s7 =	smul.u32 @!p0 $0xF7A, s2;
	p2 =	seq.s32 @!p0 s5, $0x0  }
0x1f: {  	s9 =	smul.u32 $0xF7A, s1;
	s8 =	simm.s32 @!p0 $0x1BF5;
	p2 =	por !p2, p0  }
0x20: {  	[sflag:s8] =	ssyncset.s32 @!p0 $0xFFFFF086;
	s6 =	sadd.s32 @!p0 s3, s7;
	s7 =	simm.s32 @!p0 $0x108  }
0x21: {  	s3 =	sadd.s32 s3, s9;
	s6 =	sadd.s32 @!p0 $0x88, s6;
	s7 =	simm.s32 @p2 $0x1082  }
0x22: {  	[simem:s7], [sflag:s8] =	dma.local @!p0 [hbm:s6], $0xF7A  }
0x23: {  	s9 =	sor.u32 $0xD0000000, s2;
	s6 =	simm.s32 $0x108;
	_ =	swait.ge @!p0 [sflag:s8], $0x0  }
0x24: {  	s3 =	sadd.s32 $0x88, s3;
	s6 =	simm.s32 @!p1 $0x1082;
	[sflag:s4] =	ssyncset.s32 $0xFFFFF086  }
0x25: {  	[simem:s6], [sflag:s4] =	dma.local [hbm:s3], $0xF7A  }
0x26: {  	[smem:$0x3F98] =	sst s1;
	(tag) =	ssettag s2;
	_ =	strace s9  }
0x27: {  	s1 =	sld [smem:$0x3FA8]  }
0x28: {  	s2 =	sld [smem:$0x3FA9]  }
0x29: {  	s4 =	sld [smem:$0x3FAB]  }
0x2a: {  	p0 =	seq.s32 s5, $0x0;
	s5 =	sld [smem:$0x3FAC]  }
0x2b: {  	s6 =	sld [smem:$0x3FAD]  }
0x2c: {  	s7 =	sld [smem:$0x3FAE]  }
0x2d: {  	s3 =	simm.s32 $0x108;
	s8 =	sld [smem:$0x3FAF]  }
0x2e: {  	s3 =	simm.s32 @!p0 $0x1082;
	s9 =	sld [smem:$0x3FB0]  }
0x2f: {  	lr =	sadd.s32 s0, s3;
	s0 =	sld [smem:$0x3FA7]  }
0x30: {  	s3 =	sld [smem:$0x3FAA]  }
0x31: {  	[smem:$0x3FB3] =	sst s10  }
0x32: {  	s10 =	sld [smem:$0x3FB1];
	_ =	sdelay $0x3  }
0x33: {  	p0 =	seq.s32 s10, $0x1;
	s10 =	sld [smem:$0x3FB3];
	_ =	sdelay $0x3  }
0x34: {  	[smem:$0x3FB3] =	sst s10  }
0x35: {  	s10 =	sld [smem:$0x3FB2];
	_ =	sdelay $0x3  }
0x36: {  	p1 =	seq.s32 s10, $0x1;
	s10 =	sld [smem:$0x3FB3];
	_ =	sdelay $0x3  }
0x37: {  	[smem:$0x3FB3] =	sst s10  }
0x38: {  	s10 =	sld [smem:$0x3FB4]  }
0x39: {  	_ = 	snop;
	(pc) =	sbr.ind lr, $3  }
0x3a: {  	_ = 	snop  }
0x3b: {  	_ = 	snop  }
0x3c: {  	p2 =	seq.s32 s10, $0x1;
	s10 =	sld [smem:$0x3FB3]  }
0x3d: {  	_ =	shalt  }
0x3e: {  	_ =	shalt  }
0x3f: {  	_ =	shalt  }
0x40: {  	_ =	shalt  }
0x41: {  	_ =	shalt  }
0x42: {  	_ =	shalt  }
0x43: {  	_ =	shalt  }
0x44: {  	_ =	shalt  }
0x45: {  	_ =	shalt  }
0x46: {  	_ =	shalt  }
0x47: {  	_ =	shalt  }
0x48: {  	_ =	shalt  }
0x49: {  	_ =	shalt  }
0x4a: {  	_ =	shalt  }
0x4b: {  	_ =	shalt  }
0x4c: {  	_ =	shalt  }
0x4d: {  	_ =	shalt  }
0x4e: {  	_ =	shalt  }
0x4f: {  	_ =	shalt  }
0x50: {  	_ =	shalt  }
0x51: {  	_ =	shalt  }
0x52: {  	_ =	shalt  }
0x53: {  	_ =	shalt  }
0x54: {  	_ =	shalt  }
0x55: {  	_ =	shalt  }
0x56: {  	_ =	shalt  }
0x57: {  	_ =	shalt  }
0x58: {  	_ =	shalt  }
0x59: {  	_ =	shalt  }
0x5a: {  	_ =	shalt  }
0x5b: {  	_ =	shalt  }
0x5c: {  	_ =	shalt  }
0x5d: {  	_ =	shalt  }
0x5e: {  	_ =	shalt  }
0x5f: {  	_ =	shalt  }
0x60: {  	_ =	shalt  }
0x61: {  	_ =	shalt  }
0x62: {  	_ =	shalt  }
0x63: {  	_ =	shalt  }
0x64: {  	_ =	shalt  }
0x65: {  	_ =	shalt  }
0x66: {  	_ =	shalt  }
0x67: {  	_ =	shalt  }
0x68: {  	_ =	shalt  }
0x69: {  	_ =	shalt  }
0x6a: {  	_ =	shalt  }
0x6b: {  	_ =	shalt  }
0x6c: {  	_ =	shalt  }
0x6d: {  	_ =	shalt  }
0x6e: {  	_ =	shalt  }
0x6f: {  	_ =	shalt  }
0x70: {  	_ =	shalt  }
0x71: {  	_ =	shalt  }
0x72: {  	_ =	shalt  }
0x73: {  	_ =	shalt  }
0x74: {  	_ =	shalt  }
0x75: {  	_ =	shalt  }
0x76: {  	_ =	shalt  }
0x77: {  	_ =	shalt  }
0x78: {  	_ =	shalt  }
0x79: {  	_ =	shalt  }
0x7a: {  	_ =	shalt  }
0x7b: {  	_ =	shalt  }
0x7c: {  	_ =	shalt  }
0x7d: {  	_ =	shalt  }
0x7e: {  	_ =	shalt  }
0x7f: {  	_ =	shalt  }
0x80: {  	_ =	shalt  }
0x81: {  	_ =	shalt  }
0x82: {  	_ =	shalt  }
0x83: {  	_ =	shalt  }
0x84: {  	_ =	shalt  }
0x85: {  	_ =	shalt  }
0x86: {  	_ =	shalt  }
0x87: {  	_ =	shalt  }
.Lfunc_end0:
.L_simem_size_0:
called_computation_lowered:
.L_overlay_start_0:
0x88: {  	s2 =	sld [smem:$0x3FD9]  }
0x89: {  	s3 =	sld [smem:$0x3FFE];
	_ =	sdelay $0x1  }
0x8a: {  	s1 =	srdreg.scid  }
0x8b: {  	s0 =	sand.u32 $0x1, s1  }
0x8c: {  	s17 =	sshll.u32 s0, $0xA;
	s2 =	sadd.s32 s3, s2  }
0x8d: {  	s2 =	sadd.s32 s2, s17  }
0x8e: {  	[smem:$0x3FBF] =	sst s2  }
0x8f: {  	_ = 	snop  }
0x90: {  	s2 =	sld [smem:$0x3FC6]  }
0x91: {  	s18 =	sld [smem:$0x3FC5]  }
0x92: {  	s4 =	sld [smem:$0x3FD0];
	(tm) =	ssettm $0x1  }
0x93: {  	s5 =	sld [smem:$0x3FFB];
	_ =	sdelay $0x3  }
0x94: {  	_ =	strace s5  }
0x95: {  	s5 =	sld [smem:$0x3FFC];
	_ =	sdelay $0x3  }
0x96: {  	_ =	strace s5  }
0x97: {  	s5 =	sld [smem:$0x3FFD];
	_ =	sdelay $0x3  }
0x98: {  	_ =	strace s5  }
0x99: {  	_ =	strace $0x8FFFFFFF  }
0x9a: {  	s19 =	sld [smem:$0x3FDB];
	_ =	sdelay $0x1  }
0x9b: {  	s6 =	simm.s32 $_scs_section_size  }
0x9c: {  	s7 =	simm.s32 $_size__tile_overlayer_lowered;
	s8 =	simm.s32 $_tile_overlayer_lowered  }
0x9d: {  	s22 =	simm.s32 $0x1BFF;
	s21 =	sshll.u32 s8, $0x1;
	s5 =	sadd.s32 s6, s19  }
0x9e: {  	s9 =	simm.s32 $0x0;
	s20 =	sshll.u32 s7, $0x1;
	s7 =	sadd.s32 s21, s5  }
0x9f: {  	[timem:s9], [sflag:s22] =	dma.local [hbm:s7], s20  }
0xa0: {  	_ =	swait.ge [sflag:s22], s20  }
0xa1: {  	s6 =	ssub.s32 $0x0, s20;
	[sflag:s22] =	ssyncset.done $0x0  }
0xa2: {  	[sflag:s22] =	ssyncadd.s32 s6;
	_ =	sdelay $0x1  }
0xa3: {  	s23 =	simm.s32 $0x1B8B  }
0xa4: {  	_ =	swait.ge [sflag:s23], $0x1  }
0xa5: {  	[sflag:s23] =	ssyncset.done $0x0  }
0xa6: {  	s25 =	simm.s32 $0x1B8E;
	s24 =	sld [smem:$0x3FFE];
	[sflag:s23] =	ssyncadd.s32 $0xFFFFFFFF  }
0xa7: {  	s26 =	simm.s32 $execute0_lowered;
	[smem:$0x3FD2] =	sst s25  }
0xa8: {  	s7 =	sshll.u32 s26, $0x1;
	_ =	strace $0x80000046;
	[dreg:$0x1] =	wrdreg $0xFFFFFFFF  }
0xa9: {  	s28 =	simm.s32 $_size_execute0_lowered;
	s5 =	sadd.s32 s5, s7;
	[dreg:$0x0] =	wrdreg $0x0  }
0xaa: {  	s7 =	sshll.u32 s28, $0x1;
	[dreg:$0x2] =	wrdreg s5  }
0xab: {  	[dreg:$0x3] =	wrdreg s7  }
0xac: {  	[dreg:$0x4] =	wrdreg $0xC0  }
0xad: {  	_ =	task [dreg:s9], $0x5FFFF  }
0xae: {  	[dreg:$0x1] =	wrdreg $0xFFFFFFFF  }
0xaf: {  	[dreg:$0x0] =	wrdreg $0x60  }
0xb0: {  	[dreg:$0x2] =	wrdreg s4  }
0xb1: {  	[dreg:$0x3] =	wrdreg s24  }
0xb2: {  	[dreg:$0x4] =	wrdreg s2  }
0xb3: {  	[dreg:$0x5] =	wrdreg s18  }
0xb4: {  	[dreg:$0x6] =	wrdreg $0x65E00  }
0xb5: {  	[dreg:$0x7] =	wrdreg $0x9  }
0xb6: {  	_ =	task.clear_ibuf [dreg:s9], $0x8FFFF;
	_ =	strace $0x90000046  }
0xb7: {  	s29 =	simm.s32 $0x9;
	_ =	strace $0x80000048  }
0xb8: {  	_ =	swait.ge [sflag:s29], $0x1  }
0xb9: {  	[sflag:s29] =	ssyncadd.s32 $0xFFFFFFFF  }
0xba: {  	_ =	strace $0x90000048  }
0xbb: {  	_ =	sfence  }
0xbc: {  	s30 =	sld [smem:$0x0];
	_ =	sdelay $0x2  }
0xbd: {  	s31 =	sshll.u32 s1, $0xD;
	s1 =	sshrl.u32 s1, $0x2  }
0xbe: {  	s3 =	sand.u32 $0x4000, s31;
	s1 =	sadd.s32 s1, s30  }
0xbf: {  	s0 =	sor.u32 s3, s0;
	s1 =	sshll.u32 s1, $0x11  }
0xc0: {  	s0 =	sor.u32 s1, s0  }
0xc1: {  	s0 =	sadd.s32 $0x8F2B, s0  }
0xc2: {  	[sflag:s0] =	ssyncadd.remote.s32 $0x1  }
0xc3: {  	_ =	sfence.sel $0xFFFF  }
0xc4: {  	[dreg:$0x0] =	wrdreg $0xFFFFFFFF;
	(pc) =	sbr.abs _section_cstart, $3  }
0xc5: {  	[dreg:$0x1] =	wrdreg $0xFFFFFFFF  }
0xc6: {  	_ =	task.clear_ibuf [dreg:s9], $0x2FFFF;
	_ =	strace $0x9FFFFFFF  }
0xc7: {  	(tm) =	ssettm $0x7FFFFFFF  }
tec
execute0_lowered:
.L_overlay_start_1:
0x0: {  	(tag) =	ssettag $0x1  }
0x1: {  	s1 =	rddreg [dreg:$0x0]  }
0x2: {  	s0 =	rddreg [dreg:$0x1]  }
0x3: {  	s2 =	rddreg [dreg:$0x2]  }
0x4: {  	s3 =	rddreg [dreg:$0x3]  }
0x5: {  	s4 =	rddreg [dreg:$0x4];
	s5 =	simm.s32 $0x0;
	s14 =	stileid.u32  }
0x6: {  	s6 =	srdreg.scid;
	s29 =	simm.s32 $0x50;
	s11 =	smul.u32 $0x5DC0, s14  }
0x7: {  	s31 =	simm.s32 $0x1;
	[smem:$0x7FF] =	sst s5;
	s16 =	smul.u32 $0x2EE00, s14  }
0x8: {  	s6 =	sand.u32 $0x1, s6;
	s7 =	sadd.s32 $0x1E48A00, s0;
	s24 =	smul.u32 $0x3200, s14  }
0x9: {  	s8 =	smul.u32 $0x32000, s6;
	s9 =	ssub.s32 $0x2, s6;
	_ =	strace $0x80000047  }
0xa: {  	s10 =	sshrl.u32 s9, $0x1;
	s26 =	sshrl.u32 s11, $0x3;
	s28 =	sadd.s32 $0x50, s11  }
0xb: {  	s13 =	sadd.s32 $0xA0, s11;
	s22 =	sadd.s32 $0xF0, s11;
	s0 =	sadd.s32 s8, s0  }
0xc: {  	s8 =	ssub.s32 s9, s10;
	s9 =	smul.u32 $0x61A8, s6;
	s12 =	sadd.s32 s2, s26  }
0xd: {  	s6 =	sadd.s32 s3, s26;
	s30 =	sshrl.u32 s28, $0x3;
	s17 =	sshll.u32 s28, $0x3  }
0xe: {  	s18 =	sshrl.u32 s13, $0x3;
	s21 =	sshll.u32 s13, $0x3;
	[dreg:$0x6] =	wrdreg s12  }
0xf: {  	s23 =	sshrl.u32 s22, $0x3;
	[dreg:$0x7] =	wrdreg s6;
	s15 =	sadd.s32 s2, s30  }
0x10: {  	s10 =	sshll.u32 s22, $0x3;
	s6 =	sadd.s32 s3, s30;
	[dreg:$0x8] =	wrdreg s15  }
0x11: {  	s26 =	smul.u32 $0x64000, s14;
	s12 =	sadd.s32 s7, s16;
	[dreg:$0x9] =	wrdreg s6  }
0x12: {  	s14 =	simm.s32 $0x4;
	s19 =	sadd.s32 s2, s18;
	[dreg:$0xa] =	wrdreg s12  }
0x13: {  	s22 =	simm.s32 $0x0;
	s20 =	sadd.s32 s3, s18;
	[dreg:$0xc] =	wrdreg s19  }
0x14: {  	s25 =	sadd.s32 s2, s23;
	s28 =	sadd.s32 s7, s10;
	[dreg:$0xd] =	wrdreg s20  }
0x15: {  	s0 =	sadd.s32 s24, s0;
	s8 =	smax.u32 s8, $0x1;
	[dreg:$0xf] =	wrdreg s25  }
0x16: {  	s18 =	simm.s32 $0x7;
	s6 =	sadd.s32 s7, s17;
	[dreg:$0x11] =	wrdreg s28  }
0x17: {  	s20 =	sadd.s32 $0x140, s11;
	s30 =	sshrl.u32 s26, $0x2;
	[dreg:$0x12] =	wrdreg s8  }
0x18: {  	s24 =	sadd.s32 $0x186CA00, s0;
	s25 =	simm.s32 $0x29E0;
	s26 =	simm.s32 $0x9  }
0x19: {  	s8 =	simm.s32 $0x2;
	s12 =	simm.s32 $0x5;
	s15 =	simm.s32 $0x6  }
0x1a: {  	v0 =	vmov s9;
	s19 =	simm.s32 $0x8;
	s9 =	simm.s32 $0x0;
	s17 =	simm.s32 $0xA0  }
0x1b: {  	[dreg:$0xb] =	wrdreg s6;
	s6 =	sadd.s32 s7, s21;
	s21 =	sadd.s32 $0x190, s11  }
0x1c: {  	s11 =	simm.s32 $0x3;
	[dreg:$0xe] =	wrdreg s6;
	s6 =	sadd.s32 s3, s23  }
0x1d: {  	v1 =	vimm.f32 $0.0e+00;
	s23 =	sadd.s32 s30, s4;
	[dreg:$0x10] =	wrdreg s6;
	s6 =	simm.s32 $0x15E0  }
.LBB2_1:
0x1e: {  	[dreg:$0x13] =	wrdreg s9;
	s0 =	simm.s32 $0x0;
	s9 =	simm.s32 $0x0  }
.LBB2_2:
0x1f: {  	p0 =	sne.s32 s9, $0x4FC0  }
.Ltmp0:
0x20: {  	_ = 	snop;
	(pc) =	sbr.rel @p0 .LBB2_2-.Ltmp0, $4  }
0x21: {  	s10 =	sand.u32 $0x7F00, s9  }
0x22: {  	s13 =	sand.u32 $0x30, s0;
	s10 =	sshrl.u32 s10, $0x2  }
0x23: {  	s10 =	sor.u32 s13, s10  }
0x24: {  	s0 =	sadd.s32 $0x10, s0;
	s9 =	sadd.s32 $0x40, s9;
	[tilespmem:s10+$0x29E0] =	vst v1  }
0x25: {  	s0 =	sadd.s32 $0x0, s23  }
0x26: {  	[spmem:s0] =	stream.linear.scatter [tilespmem:s25], [sflag:$0x9], $0x1400, $0x38;
	[tilespmem:$0x1F5E0] =	vst v63  }
0x27: {  	s0 =	simm.s32 $0x5000;
	_ =	swait.ge [sflag:s26], $0x1400  }
.LBB2_4:
0x28: {  	s9 =	sshra.s32 s0, $0x2;
	[sflag:s26] =	ssyncset.done $0x0;
	p0 =	sne.s32 s0, $0x5F000  }
.Ltmp1:
0x29: {  	s9 =	sadd.s32 s9, s23;
	[sflag:s26] =	ssyncadd.s32 $0xFFFFEC00;
	(pc) =	sbr.rel @p0 .LBB2_4-.Ltmp1, $3  }
0x2a: {  	[spmem:s9] =	stream.linear.scatter [tilespmem:s25], [sflag:$0x9], $0x1400, $0x38;
	[tilespmem:$0x1F5E0] =	vst v63  }
0x2b: {  	s0 =	sadd.s32 $0x5000, s0;
	_ =	sdelay $0x1  }
0x2c: {  	_ =	swait.ge [sflag:s26], $0x1400  }
0x2d: {  	[sflag:s26] =	ssyncset.done $0x0  }
0x2e: {  	[sflag:s26] =	ssyncadd.s32 $0xFFFFEC00  }
0x2f: {  	[bflag:$0x0] =	sbarrier.arrive $0xFFFF  }
0x30: {  	s0 =	simm.s32 $0x0;
	s9 =	rddreg [dreg:$0x6]  }
0x31: {  	[tilespmem:s0], [sflag:$0x1] =	stream.linear.gather [hbm4b:s9+s0], $0x50, $0x38;
	[tilespmem:$0x1F5E0] =	vst v63  }
0x32: {  	s10 =	simm.s32 $0xA0;
	s16 =	rddreg [dreg:$0x7]  }
0x33: {  	[tilespmem:s10], [sflag:$0x1] =	stream.linear.gather [hbm4b:s16+s0], $0x50, $0x38;
	[tilespmem:$0x1F5E0] =	vst v63  }
0x34: {  	s28 =	rddreg [dreg:$0x8]  }
0x35: {  	[tilespmem:s29], [sflag:$0x2] =	stream.linear.gather [hbm4b:s28+s0], $0x50, $0x38;
	[tilespmem:$0x1F5E0] =	vst v63  }
0x36: {  	s13 =	simm.s32 $0xF0;
	s30 =	rddreg [dreg:$0x9]  }
0x37: {  	[tilespmem:s13], [sflag:$0x2] =	stream.linear.gather [hbm4b:s30+s0], $0x50, $0x38;
	[tilespmem:$0x1F5E0] =	vst v63  }
0x38: {  	_ =	swait.ge [sflag:s31], $0x50  }
0x39: {  	[sflag:s31] =	ssyncset.done $0x0  }
0x3a: {  	[sflag:s31] =	ssyncadd.s32 $0xFFFFFFB0  }
0x3b: {  	_ =	swait.ge [sflag:s31], $0x50  }
0x3c: {  	[sflag:s31] =	ssyncset.done $0x0  }
0x3d: {  	s16 =	simm.s32 $0x1E0;
	[sflag:s31] =	ssyncadd.s32 $0xFFFFFFB0  }
0x3e: {  	[tilespmem:s16], [sflag:$0x3] =	stream.indirect.gather [hbm4b:s1+s29], $0x20, s0, s29, $0xb8;
	[tilespmem:$0x1F5E0] =	vst v63  }
0x3f: {  	s28 =	rddreg [dreg:$0xa]  }
0x40: {  	[tilespmem:s6], [sflag:$0x5] =	stream.linear.gather [hbm4b:s28+s0], $0x1400, $0x38;
	[tilespmem:$0x1F5E0] =	vst v63  }
0x41: {  	_ =	swait.ge [sflag:s8], $0x50  }
0x42: {  	[sflag:s8] =	ssyncset.done $0x0  }
0x43: {  	[sflag:s8] =	ssyncadd.s32 $0xFFFFFFB0  }
0x44: {  	_ =	swait.ge [sflag:s8], $0x50  }
0x45: {  	[sflag:s8] =	ssyncset.done $0x0  }
0x46: {  	s30 =	simm.s32 $0xBE0;
	[sflag:s8] =	ssyncadd.s32 $0xFFFFFFB0  }
0x47: {  	[tilespmem:s30], [sflag:$0x4] =	stream.indirect.gather [hbm4b:s1+s29], $0x20, s29, s29, $0xb8;
	[tilespmem:$0x1F5E0] =	vst v63  }
0x48: {  	s16 =	simm.s32 $0x3DE0;
	s13 =	rddreg [dreg:$0xb]  }
0x49: {  	[tilespmem:s16], [sflag:$0x6] =	stream.linear.gather [hbm4b:s13+s0], $0x1400, $0x38;
	[tilespmem:$0x1F5E0] =	vst v63  }
0x4a: {  	_ =	swait.ge [sflag:s11], $0xA00  }
0x4b: {  	[sflag:s11] =	ssyncset.done $0x0  }
0x4c: {  	[sflag:s11] =	ssyncadd.s32 $0xFFFFF600  }
0x4d: {  	_ =	swait.ge [sflag:s12], $0x1400  }
0x4e: {  	[sflag:s12] =	ssyncset.done $0x0  }
0x4f: {  	[sflag:s12] =	ssyncadd.s32 $0xFFFFEC00  }
0x50: {  	v2 =	vld [tilespmem:$0xA0]  }
0x51: {  	v3 =	vld [tilespmem:$0xB0]  }
0x52: {  	v4 =	vld [tilespmem:$0xC0]  }
0x53: {  	v5 =	vld [tilespmem:$0xD0]  }
0x54: {  	v6 =	vld [tilespmem:$0xE0]  }
0x55: {  	v2 =	vsub.s32 v2, v0  }
0x56: {  	v3 =	vsub.s32 v3, v0;
	v2 =	vmin.u32 v2, $0x61A8  }
0x57: {  	[tilespmem:$0x140] =	vst v2;
	v2 =	vmin.u32 v3, $0x61A8;
	v3 =	vsub.s32 v4, v0  }
0x58: {  	[tilespmem:$0x150] =	vst v2;
	v2 =	vmin.u32 v3, $0x61A8;
	v3 =	vsub.s32 v5, v0  }
0x59: {  	[tilespmem:$0x160] =	vst v2;
	v2 =	vmin.u32 v3, $0x61A8;
	v3 =	vsub.s32 v6, v0  }
0x5a: {  	[tilespmem:$0x170] =	vst v2;
	v2 =	vmin.u32 v3, $0x61A8  }
0x5b: {  	s28 =	rddreg [dreg:$0xc];
	[tilespmem:$0x180] =	vst v2  }
0x5c: {  	[tilespmem:s0], [sflag:$0x1] =	stream.linear.gather [hbm4b:s28+s0], $0x50, $0x38;
	[tilespmem:$0x1F5E0] =	vst v63  }
0x5d: {  	s30 =	rddreg [dreg:$0xd]  }
0x5e: {  	[tilespmem:s10], [sflag:$0x1] =	stream.linear.gather [hbm4b:s30+s0], $0x50, $0x38;
	[tilespmem:$0x1F5E0] =	vst v63  }
0x5f: {  	s0 =	simm.s32 $0x0  }
0x60: {  	v2 =	vld [tilespmem:s0+$0x1600]  }
0x61: {  	v3 =	vld [tilespmem:s0+$0x15F0]  }
0x62: {  	v5 =	vld [tilespmem:s0+$0x15E0]  }
0x63: {  	s9 =	simm.s32 $0x1F0;
	v4 =	vld [tilespmem:s0+$0x1610]  }
0x64: {  	v7 =	vld [tilespmem:s9+$0xFFFFFFF0]  }
0x65: {  	s10 =	simm.s32 $0x100;
	v6 =	vld [tilespmem:s9+$0x0]  }
.LBB2_6:
0x66: {  	p0 =	sne.s32 s10, $0x4F00  }
0x67: {  	s9 =	sadd.s32 $0x20, s9;
	s13 =	smov.u32 s10;
	s10 =	sadd.s32 $0x100, s10  }
0x68: {  	_ = 	snop  }
0x69: {  	v5 =	vmul.f32 v5, v7;
	v7 =	vmul.f32 v2, v7  }
0x6a: {  	s13 =	sshra.s32 s13, $0x2;
	v8 =	vmul.f32 v3, v6;
	v6 =	vmul.f32 v4, v6  }
0x6b: {  	v2 =	vld [tilespmem:s13+$0x1600];
	[tilespmem:s0+$0x29E0] =	vst v5  }
.Ltmp2:
0x6c: {  	v3 =	vld [tilespmem:s13+$0x15F0];
	[tilespmem:s0+$0x2A00] =	vst v7;
	(pc) =	sbr.rel @p0 .LBB2_6-.Ltmp2, $4  }
0x6d: {  	v5 =	vld [tilespmem:s13+$0x15E0];
	[tilespmem:s0+$0x29F0] =	vst v8  }
0x6e: {  	v4 =	vld [tilespmem:s13+$0x1610];
	[tilespmem:s0+$0x2A10] =	vst v6;
	s0 =	smov.u32 s13  }
0x6f: {  	v7 =	vld [tilespmem:s9+$0xFFFFFFF0]  }
0x70: {  	v6 =	vld [tilespmem:s9+$0x0]  }
0x71: {  	_ =	sdelay $0x2  }
0x72: {  	v5 =	vmul.f32 v5, v7  }
0x73: {  	v2 =	vmul.f32 v2, v7  }
0x74: {  	v3 =	vmul.f32 v3, v6;
	[tilespmem:s0+$0x29E0] =	vst v5  }
0x75: {  	v4 =	vmul.f32 v4, v6;
	[tilespmem:s0+$0x2A00] =	vst v2  }
0x76: {  	[tilespmem:s0+$0x29F0] =	vst v3  }
0x77: {  	s10 =	simm.s32 $0x140;
	[tilespmem:s0+$0x2A10] =	vst v4  }
0x78: {  	[spmem:s4] =	stream.indirect.scatter.add.f32 [tilespmem:s25], [sflag:$0x7], $0x40, s10, s29, $0xb8;
	[tilespmem:$0x1F5E0] =	vst v63  }
0x79: {  	_ =	swait.ge [sflag:s31], $0x50  }
0x7a: {  	[sflag:s31] =	ssyncset.done $0x0  }
0x7b: {  	[sflag:s31] =	ssyncadd.s32 $0xFFFFFFB0  }
0x7c: {  	_ =	swait.ge [sflag:s31], $0x50  }
0x7d: {  	[sflag:s31] =	ssyncset.done $0x0  }
0x7e: {  	s13 =	simm.s32 $0x0;
	s9 =	simm.s32 $0x1E0;
	[sflag:s31] =	ssyncadd.s32 $0xFFFFFFB0  }
0x7f: {  	[tilespmem:s9], [sflag:$0x3] =	stream.indirect.gather [hbm4b:s1+s29], $0x20, s13, s29, $0xb8;
	[tilespmem:$0x1F5E0] =	vst v63  }
0x80: {  	s16 =	rddreg [dreg:$0xe]  }
0x81: {  	[tilespmem:s6], [sflag:$0x5] =	stream.linear.gather [hbm4b:s16+s13], $0x1400, $0x38;
	[tilespmem:$0x1F5E0] =	vst v63  }
0x82: {  	_ =	swait.ge [sflag:s14], $0xA00  }
0x83: {  	[sflag:s14] =	ssyncset.done $0x0  }
0x84: {  	[sflag:s14] =	ssyncadd.s32 $0xFFFFF600  }
0x85: {  	_ =	swait.ge [sflag:s15], $0x1400  }
0x86: {  	[sflag:s15] =	ssyncset.done $0x0  }
0x87: {  	[sflag:s15] =	ssyncadd.s32 $0xFFFFEC00  }
0x88: {  	v2 =	vld [tilespmem:$0xF0]  }
0x89: {  	v3 =	vld [tilespmem:$0x100]  }
0x8a: {  	v4 =	vld [tilespmem:$0x110]  }
0x8b: {  	v5 =	vld [tilespmem:$0x120]  }
0x8c: {  	v6 =	vld [tilespmem:$0x130]  }
0x8d: {  	v2 =	vsub.s32 v2, v0  }
0x8e: {  	v3 =	vsub.s32 v3, v0;
	v2 =	vmin.u32 v2, $0x61A8  }
0x8f: {  	[tilespmem:$0x190] =	vst v2;
	v2 =	vmin.u32 v3, $0x61A8;
	v3 =	vsub.s32 v4, v0  }
0x90: {  	[tilespmem:$0x1A0] =	vst v2;
	v2 =	vmin.u32 v3, $0x61A8;
	v3 =	vsub.s32 v5, v0  }
0x91: {  	[tilespmem:$0x1B0] =	vst v2;
	v2 =	vmin.u32 v3, $0x61A8;
	v3 =	vsub.s32 v6, v0  }
0x92: {  	[tilespmem:$0x1C0] =	vst v2;
	v2 =	vmin.u32 v3, $0x61A8  }
0x93: {  	s28 =	rddreg [dreg:$0xf];
	[tilespmem:$0x1D0] =	vst v2  }
0x94: {  	[tilespmem:s29], [sflag:$0x2] =	stream.linear.gather [hbm4b:s28+s13], $0x50, $0x38;
	[tilespmem:$0x1F5E0] =	vst v63  }
0x95: {  	s0 =	simm.s32 $0x0;
	s10 =	simm.s32 $0xF0;
	s30 =	rddreg [dreg:$0x10]  }
0x96: {  	[tilespmem:s10], [sflag:$0x2] =	stream.linear.gather [hbm4b:s30+s13], $0x50, $0x38;
	[tilespmem:$0x1F5E0] =	vst v63  }
0x97: {  	v2 =	vld [tilespmem:s0+$0x3E00]  }
0x98: {  	v3 =	vld [tilespmem:s0+$0x3DF0]  }
0x99: {  	v5 =	vld [tilespmem:s0+$0x3DE0]  }
0x9a: {  	s9 =	simm.s32 $0xBF0;
	v4 =	vld [tilespmem:s0+$0x3E10]  }
0x9b: {  	v7 =	vld [tilespmem:s9+$0xFFFFFFF0]  }
0x9c: {  	s10 =	simm.s32 $0x100;
	v6 =	vld [tilespmem:s9+$0x0]  }
.LBB2_8:
0x9d: {  	p0 =	sne.s32 s10, $0x4F00  }
0x9e: {  	s9 =	sadd.s32 $0x20, s9;
	s13 =	smov.u32 s10;
	s10 =	sadd.s32 $0x100, s10  }
0x9f: {  	_ = 	snop  }
0xa0: {  	v5 =	vmul.f32 v5, v7;
	v7 =	vmul.f32 v2, v7  }
0xa1: {  	s13 =	sshra.s32 s13, $0x2;
	v8 =	vmul.f32 v3, v6;
	v6 =	vmul.f32 v4, v6  }
0xa2: {  	v2 =	vld [tilespmem:s13+$0x3E00];
	[tilespmem:s0+$0x51E0] =	vst v5  }
.Ltmp3:
0xa3: {  	v3 =	vld [tilespmem:s13+$0x3DF0];
	[tilespmem:s0+$0x5200] =	vst v7;
	(pc) =	sbr.rel @p0 .LBB2_8-.Ltmp3, $4  }
0xa4: {  	v5 =	vld [tilespmem:s13+$0x3DE0];
	[tilespmem:s0+$0x51F0] =	vst v8  }
0xa5: {  	v4 =	vld [tilespmem:s13+$0x3E10];
	[tilespmem:s0+$0x5210] =	vst v6;
	s0 =	smov.u32 s13  }
0xa6: {  	v7 =	vld [tilespmem:s9+$0xFFFFFFF0]  }
0xa7: {  	v6 =	vld [tilespmem:s9+$0x0]  }
0xa8: {  	_ =	sdelay $0x2  }
0xa9: {  	v5 =	vmul.f32 v5, v7  }
0xaa: {  	v2 =	vmul.f32 v2, v7  }
0xab: {  	v3 =	vmul.f32 v3, v6;
	[tilespmem:s0+$0x51E0] =	vst v5  }
0xac: {  	v4 =	vmul.f32 v4, v6;
	[tilespmem:s0+$0x5200] =	vst v2  }
0xad: {  	[tilespmem:s0+$0x51F0] =	vst v3  }
0xae: {  	s10 =	simm.s32 $0x190;
	s9 =	simm.s32 $0x51E0;
	[tilespmem:s0+$0x5210] =	vst v4  }
0xaf: {  	[spmem:s4] =	stream.indirect.scatter.add.f32 [tilespmem:s9], [sflag:$0x8], $0x40, s10, s29, $0xb8;
	[tilespmem:$0x1F5E0] =	vst v63  }
0xb0: {  	_ =	swait.ge [sflag:s8], $0x50  }
0xb1: {  	[sflag:s8] =	ssyncset.done $0x0  }
0xb2: {  	[sflag:s8] =	ssyncadd.s32 $0xFFFFFFB0  }
0xb3: {  	_ =	swait.ge [sflag:s8], $0x50  }
0xb4: {  	[sflag:s8] =	ssyncset.done $0x0  }
0xb5: {  	s13 =	simm.s32 $0xBE0;
	[sflag:s8] =	ssyncadd.s32 $0xFFFFFFB0  }
0xb6: {  	[tilespmem:s13], [sflag:$0x4] =	stream.indirect.gather [hbm4b:s1+s29], $0x20, s29, s29, $0xb8;
	[tilespmem:$0x1F5E0] =	vst v63  }
0xb7: {  	s30 =	simm.s32 $0x3DE0;
	s28 =	simm.s32 $0x0;
	s16 =	rddreg [dreg:$0x11]  }
0xb8: {  	[tilespmem:s30], [sflag:$0x6] =	stream.linear.gather [hbm4b:s16+s22], $0x1400, $0x38;
	[tilespmem:$0x1F5E0] =	vst v63  }
.LBB2_10:
0xb9: {  	_ =	swait.ge [sflag:s11], $0xA00  }
0xba: {  	[sflag:s11] =	ssyncset.done $0x0  }
0xbb: {  	[sflag:s11] =	ssyncadd.s32 $0xFFFFF600  }
0xbc: {  	_ =	swait.ge [sflag:s12], $0x1400  }
0xbd: {  	[sflag:s12] =	ssyncset.done $0x0  }
0xbe: {  	[sflag:s12] =	ssyncadd.s32 $0xFFFFEC00  }
0xbf: {  	_ =	swait.ge [sflag:s18], $0x1400  }
0xc0: {  	[sflag:s18] =	ssyncset.done $0x0  }
0xc1: {  	[sflag:s18] =	ssyncadd.s32 $0xFFFFEC00  }
0xc2: {  	v2 =	vld [tilespmem:$0xA0]  }
0xc3: {  	v3 =	vld [tilespmem:$0xB0]  }
0xc4: {  	v4 =	vld [tilespmem:$0xC0]  }
0xc5: {  	v5 =	vld [tilespmem:$0xD0]  }
0xc6: {  	v6 =	vld [tilespmem:$0xE0]  }
0xc7: {  	v2 =	vsub.s32 v2, v0  }
0xc8: {  	v3 =	vsub.s32 v3, v0;
	v2 =	vmin.u32 v2, $0x61A8  }
0xc9: {  	s30 =	smul.u32 $0xA0, s28;
	[tilespmem:$0x140] =	vst v2;
	v2 =	vmin.u32 v3, $0x61A8;
	v3 =	vsub.s32 v4, v0  }
0xca: {  	[tilespmem:$0x150] =	vst v2;
	v2 =	vmin.u32 v3, $0x61A8;
	v3 =	vsub.s32 v5, v0  }
0xcb: {  	s0 =	sadd.s32 s30, s20;
	[tilespmem:$0x160] =	vst v2;
	v2 =	vmin.u32 v3, $0x61A8;
	v3 =	vsub.s32 v6, v0  }
0xcc: {  	s9 =	sshrl.u32 s0, $0x3;
	[tilespmem:$0x170] =	vst v2;
	v2 =	vmin.u32 v3, $0x61A8  }
0xcd: {  	s10 =	sadd.s32 s2, s9;
	[tilespmem:$0x180] =	vst v2  }
0xce: {  	[tilespmem:s22], [sflag:$0x1] =	stream.linear.gather [hbm4b:s10+s22], $0x50, $0x38;
	[tilespmem:$0x1F5E0] =	vst v63  }
0xcf: {  	s9 =	sadd.s32 s3, s9  }
0xd0: {  	[tilespmem:s17], [sflag:$0x1] =	stream.linear.gather [hbm4b:s9+s22], $0x50, $0x38;
	[tilespmem:$0x1F5E0] =	vst v63  }
0xd1: {  	s9 =	simm.s32 $0x0  }
0xd2: {  	v2 =	vld [tilespmem:s9+$0x1600]  }
0xd3: {  	v3 =	vld [tilespmem:s9+$0x15F0]  }
0xd4: {  	v5 =	vld [tilespmem:s9+$0x15E0]  }
0xd5: {  	s10 =	simm.s32 $0x1F0;
	v4 =	vld [tilespmem:s9+$0x1610]  }
0xd6: {  	v7 =	vld [tilespmem:s10+$0xFFFFFFF0]  }
0xd7: {  	s13 =	simm.s32 $0x100;
	v6 =	vld [tilespmem:s10+$0x0]  }
.LBB2_11:
0xd8: {  	p0 =	sne.s32 s13, $0x4F00  }
0xd9: {  	s10 =	sadd.s32 $0x20, s10;
	s16 =	smov.u32 s13;
	s13 =	sadd.s32 $0x100, s13  }
0xda: {  	_ = 	snop  }
0xdb: {  	v5 =	vmul.f32 v5, v7;
	v7 =	vmul.f32 v2, v7  }
0xdc: {  	s16 =	sshra.s32 s16, $0x2;
	v8 =	vmul.f32 v3, v6;
	v6 =	vmul.f32 v4, v6  }
0xdd: {  	v2 =	vld [tilespmem:s16+$0x1600];
	[tilespmem:s9+$0x29E0] =	vst v5  }
.Ltmp4:
0xde: {  	v3 =	vld [tilespmem:s16+$0x15F0];
	[tilespmem:s9+$0x2A00] =	vst v7;
	(pc) =	sbr.rel @p0 .LBB2_11-.Ltmp4, $4  }
0xdf: {  	v5 =	vld [tilespmem:s16+$0x15E0];
	[tilespmem:s9+$0x29F0] =	vst v8  }
0xe0: {  	v4 =	vld [tilespmem:s16+$0x1610];
	[tilespmem:s9+$0x2A10] =	vst v6;
	s9 =	smov.u32 s16  }
0xe1: {  	v7 =	vld [tilespmem:s10+$0xFFFFFFF0]  }
0xe2: {  	v6 =	vld [tilespmem:s10+$0x0]  }
0xe3: {  	_ =	sdelay $0x2  }
0xe4: {  	v5 =	vmul.f32 v5, v7  }
0xe5: {  	v2 =	vmul.f32 v2, v7  }
0xe6: {  	v3 =	vmul.f32 v3, v6;
	[tilespmem:s9+$0x29E0] =	vst v5  }
0xe7: {  	v4 =	vmul.f32 v4, v6;
	[tilespmem:s9+$0x2A00] =	vst v2  }
0xe8: {  	[tilespmem:s9+$0x29F0] =	vst v3  }
0xe9: {  	s13 =	simm.s32 $0x140;
	[tilespmem:s9+$0x2A10] =	vst v4  }
0xea: {  	[spmem:s4] =	stream.indirect.scatter.add.f32 [tilespmem:s25], [sflag:$0x7], $0x40, s13, s29, $0xb8;
	[tilespmem:$0x1F5E0] =	vst v63  }
0xeb: {  	_ =	swait.ge [sflag:s31], $0x50  }
0xec: {  	[sflag:s31] =	ssyncset.done $0x0  }
0xed: {  	[sflag:s31] =	ssyncadd.s32 $0xFFFFFFB0  }
0xee: {  	_ =	swait.ge [sflag:s31], $0x50  }
0xef: {  	s10 =	simm.s32 $0x1E0;
	[sflag:s31] =	ssyncset.done $0x0  }
0xf0: {  	s0 =	sshll.u32 s0, $0x3;
	s9 =	simm.s32 $0x0;
	[sflag:s31] =	ssyncadd.s32 $0xFFFFFFB0  }
0xf1: {  	[tilespmem:s10], [sflag:$0x3] =	stream.indirect.gather [hbm4b:s1+s29], $0x20, s9, s29, $0xb8;
	[tilespmem:$0x1F5E0] =	vst v63  }
0xf2: {  	s0 =	sadd.s32 s7, s0  }
0xf3: {  	[tilespmem:s6], [sflag:$0x5] =	stream.linear.gather [hbm4b:s0+s9], $0x1400, $0x38;
	[tilespmem:$0x1F5E0] =	vst v63  }
0xf4: {  	_ =	swait.ge [sflag:s14], $0xA00  }
0xf5: {  	[sflag:s14] =	ssyncset.done $0x0  }
0xf6: {  	[sflag:s14] =	ssyncadd.s32 $0xFFFFF600  }
0xf7: {  	_ =	swait.ge [sflag:s15], $0x1400  }
0xf8: {  	[sflag:s15] =	ssyncset.done $0x0  }
0xf9: {  	[sflag:s15] =	ssyncadd.s32 $0xFFFFEC00  }
0xfa: {  	_ =	swait.ge [sflag:s19], $0x1400  }
0xfb: {  	[sflag:s19] =	ssyncset.done $0x0  }
0xfc: {  	[sflag:s19] =	ssyncadd.s32 $0xFFFFEC00  }
0xfd: {  	v2 =	vld [tilespmem:$0xF0]  }
0xfe: {  	v3 =	vld [tilespmem:$0x100]  }
0xff: {  	v4 =	vld [tilespmem:$0x110]  }
0x100: {  	v5 =	vld [tilespmem:$0x120]  }
0x101: {  	v6 =	vld [tilespmem:$0x130]  }
0x102: {  	v2 =	vsub.s32 v2, v0  }
0x103: {  	v3 =	vsub.s32 v3, v0;
	v2 =	vmin.u32 v2, $0x61A8  }
0x104: {  	[tilespmem:$0x190] =	vst v2;
	v2 =	vmin.u32 v3, $0x61A8;
	v3 =	vsub.s32 v4, v0  }
0x105: {  	[tilespmem:$0x1A0] =	vst v2;
	v2 =	vmin.u32 v3, $0x61A8;
	v3 =	vsub.s32 v5, v0  }
0x106: {  	s0 =	sadd.s32 s30, s21;
	[tilespmem:$0x1B0] =	vst v2;
	v2 =	vmin.u32 v3, $0x61A8;
	v3 =	vsub.s32 v6, v0  }
0x107: {  	s16 =	sshrl.u32 s0, $0x3;
	[tilespmem:$0x1C0] =	vst v2;
	v2 =	vmin.u32 v3, $0x61A8  }
0x108: {  	s13 =	sadd.s32 s2, s16;
	[tilespmem:$0x1D0] =	vst v2  }
0x109: {  	[tilespmem:s29], [sflag:$0x2] =	stream.linear.gather [hbm4b:s13+s9], $0x50, $0x38;
	[tilespmem:$0x1F5E0] =	vst v63  }
0x10a: {  	s30 =	simm.s32 $0xF0;
	s10 =	sadd.s32 s3, s16  }
0x10b: {  	[tilespmem:s30], [sflag:$0x2] =	stream.linear.gather [hbm4b:s10+s9], $0x50, $0x38;
	[tilespmem:$0x1F5E0] =	vst v63  }
0x10c: {  	s9 =	simm.s32 $0x0  }
0x10d: {  	v2 =	vld [tilespmem:s9+$0x3E00]  }
0x10e: {  	v3 =	vld [tilespmem:s9+$0x3DF0]  }
0x10f: {  	v5 =	vld [tilespmem:s9+$0x3DE0]  }
0x110: {  	s10 =	simm.s32 $0xBF0;
	v4 =	vld [tilespmem:s9+$0x3E10]  }
0x111: {  	v7 =	vld [tilespmem:s10+$0xFFFFFFF0]  }
0x112: {  	s13 =	simm.s32 $0x100;
	v6 =	vld [tilespmem:s10+$0x0]  }
.LBB2_13:
0x113: {  	p0 =	sne.s32 s13, $0x4F00  }
0x114: {  	s10 =	sadd.s32 $0x20, s10;
	s16 =	smov.u32 s13;
	s13 =	sadd.s32 $0x100, s13  }
0x115: {  	_ = 	snop  }
0x116: {  	v5 =	vmul.f32 v5, v7;
	v7 =	vmul.f32 v2, v7  }
0x117: {  	s16 =	sshra.s32 s16, $0x2;
	v8 =	vmul.f32 v3, v6;
	v6 =	vmul.f32 v4, v6  }
0x118: {  	v2 =	vld [tilespmem:s16+$0x3E00];
	[tilespmem:s9+$0x51E0] =	vst v5  }
.Ltmp5:
0x119: {  	v3 =	vld [tilespmem:s16+$0x3DF0];
	[tilespmem:s9+$0x5200] =	vst v7;
	(pc) =	sbr.rel @p0 .LBB2_13-.Ltmp5, $4  }
0x11a: {  	v5 =	vld [tilespmem:s16+$0x3DE0];
	[tilespmem:s9+$0x51F0] =	vst v8  }
0x11b: {  	v4 =	vld [tilespmem:s16+$0x3E10];
	[tilespmem:s9+$0x5210] =	vst v6;
	s9 =	smov.u32 s16  }
0x11c: {  	v7 =	vld [tilespmem:s10+$0xFFFFFFF0]  }
0x11d: {  	v6 =	vld [tilespmem:s10+$0x0]  }
0x11e: {  	_ =	sdelay $0x2  }
0x11f: {  	v5 =	vmul.f32 v5, v7  }
0x120: {  	v2 =	vmul.f32 v2, v7  }
0x121: {  	v3 =	vmul.f32 v3, v6;
	[tilespmem:s9+$0x51E0] =	vst v5  }
0x122: {  	v4 =	vmul.f32 v4, v6;
	[tilespmem:s9+$0x5200] =	vst v2  }
0x123: {  	[tilespmem:s9+$0x51F0] =	vst v3  }
0x124: {  	s13 =	simm.s32 $0x190;
	s10 =	simm.s32 $0x51E0;
	[tilespmem:s9+$0x5210] =	vst v4  }
0x125: {  	[spmem:s4] =	stream.indirect.scatter.add.f32 [tilespmem:s10], [sflag:$0x8], $0x40, s13, s29, $0xb8;
	[tilespmem:$0x1F5E0] =	vst v63  }
0x126: {  	_ =	swait.ge [sflag:s8], $0x50  }
0x127: {  	[sflag:s8] =	ssyncset.done $0x0  }
0x128: {  	s28 =	sadd.s32 $0x1, s28;
	[sflag:s8] =	ssyncadd.s32 $0xFFFFFFB0  }
0x129: {  	p0 =	sne.s32 s28, $0x94;
	_ =	swait.ge [sflag:s8], $0x50  }
.Ltmp6:
0x12a: {  	[sflag:s8] =	ssyncset.done $0x0;
	(pc) =	sbr.rel @p0 .LBB2_10-.Ltmp6, $4  }
0x12b: {  	s16 =	simm.s32 $0xBE0;
	s0 =	sshll.u32 s0, $0x3;
	[sflag:s8] =	ssyncadd.s32 $0xFFFFFFB0  }
0x12c: {  	[tilespmem:s16], [sflag:$0x4] =	stream.indirect.gather [hbm4b:s1+s29], $0x20, s29, s29, $0xb8;
	[tilespmem:$0x1F5E0] =	vst v63  }
0x12d: {  	s30 =	simm.s32 $0x3DE0;
	s0 =	sadd.s32 s7, s0  }
0x12e: {  	[tilespmem:s30], [sflag:$0x6] =	stream.linear.gather [hbm4b:s0+s5], $0x1400, $0x38;
	[tilespmem:$0x1F5E0] =	vst v63  }
0x12f: {  	_ =	swait.ge [sflag:s11], $0xA00  }
0x130: {  	[sflag:s11] =	ssyncset.done $0x0  }
0x131: {  	[sflag:s11] =	ssyncadd.s32 $0xFFFFF600  }
0x132: {  	_ =	swait.ge [sflag:s12], $0x1400  }
0x133: {  	[sflag:s12] =	ssyncset.done $0x0  }
0x134: {  	[sflag:s12] =	ssyncadd.s32 $0xFFFFEC00  }
0x135: {  	_ =	swait.ge [sflag:s18], $0x1400  }
0x136: {  	[sflag:s18] =	ssyncset.done $0x0  }
0x137: {  	[sflag:s18] =	ssyncadd.s32 $0xFFFFEC00  }
0x138: {  	v2 =	vld [tilespmem:$0xA0]  }
0x139: {  	v3 =	vld [tilespmem:$0xB0]  }
0x13a: {  	v4 =	vld [tilespmem:$0xC0]  }
0x13b: {  	v5 =	vld [tilespmem:$0xD0]  }
0x13c: {  	v6 =	vld [tilespmem:$0xE0]  }
0x13d: {  	v2 =	vsub.s32 v2, v0  }
0x13e: {  	v3 =	vsub.s32 v3, v0;
	v2 =	vmin.u32 v2, $0x61A8  }
0x13f: {  	[tilespmem:$0x140] =	vst v2;
	v2 =	vmin.u32 v3, $0x61A8;
	v3 =	vsub.s32 v4, v0  }
0x140: {  	[tilespmem:$0x150] =	vst v2;
	v2 =	vmin.u32 v3, $0x61A8;
	v3 =	vsub.s32 v5, v0  }
0x141: {  	[tilespmem:$0x160] =	vst v2;
	v2 =	vmin.u32 v3, $0x61A8;
	v3 =	vsub.s32 v6, v0  }
0x142: {  	[tilespmem:$0x170] =	vst v2;
	v2 =	vmin.u32 v3, $0x61A8  }
0x143: {  	s0 =	simm.s32 $0x0;
	[tilespmem:$0x180] =	vst v2  }
0x144: {  	v2 =	vld [tilespmem:s0+$0x1600]  }
0x145: {  	v3 =	vld [tilespmem:s0+$0x15F0]  }
0x146: {  	v5 =	vld [tilespmem:s0+$0x15E0]  }
0x147: {  	s9 =	simm.s32 $0x1F0;
	v4 =	vld [tilespmem:s0+$0x1610]  }
0x148: {  	v7 =	vld [tilespmem:s9+$0xFFFFFFF0]  }
0x149: {  	s10 =	simm.s32 $0x100;
	v6 =	vld [tilespmem:s9+$0x0]  }
.LBB2_16:
0x14a: {  	p0 =	sne.s32 s10, $0x4F00  }
0x14b: {  	s9 =	sadd.s32 $0x20, s9;
	s13 =	smov.u32 s10;
	s10 =	sadd.s32 $0x100, s10  }
0x14c: {  	_ = 	snop  }
0x14d: {  	v5 =	vmul.f32 v5, v7;
	v7 =	vmul.f32 v2, v7  }
0x14e: {  	s13 =	sshra.s32 s13, $0x2;
	v8 =	vmul.f32 v3, v6;
	v6 =	vmul.f32 v4, v6  }
0x14f: {  	v2 =	vld [tilespmem:s13+$0x1600];
	[tilespmem:s0+$0x29E0] =	vst v5  }
.Ltmp7:
0x150: {  	v3 =	vld [tilespmem:s13+$0x15F0];
	[tilespmem:s0+$0x2A00] =	vst v7;
	(pc) =	sbr.rel @p0 .LBB2_16-.Ltmp7, $4  }
0x151: {  	v5 =	vld [tilespmem:s13+$0x15E0];
	[tilespmem:s0+$0x29F0] =	vst v8  }
0x152: {  	v4 =	vld [tilespmem:s13+$0x1610];
	[tilespmem:s0+$0x2A10] =	vst v6;
	s0 =	smov.u32 s13  }
0x153: {  	v7 =	vld [tilespmem:s9+$0xFFFFFFF0]  }
0x154: {  	v6 =	vld [tilespmem:s9+$0x0]  }
0x155: {  	_ =	sdelay $0x2  }
0x156: {  	v5 =	vmul.f32 v5, v7  }
0x157: {  	v2 =	vmul.f32 v2, v7  }
0x158: {  	v3 =	vmul.f32 v3, v6;
	[tilespmem:s0+$0x29E0] =	vst v5  }
0x159: {  	v4 =	vmul.f32 v4, v6;
	[tilespmem:s0+$0x2A00] =	vst v2  }
0x15a: {  	[tilespmem:s0+$0x29F0] =	vst v3  }
0x15b: {  	s30 =	simm.s32 $0x140;
	[tilespmem:s0+$0x2A10] =	vst v4  }
0x15c: {  	[spmem:s4] =	stream.indirect.scatter.add.f32 [tilespmem:s25], [sflag:$0x7], $0x40, s30, s29, $0xb8;
	[tilespmem:$0x1F5E0] =	vst v63  }
0x15d: {  	_ =	swait.ge [sflag:s14], $0xA00  }
0x15e: {  	[sflag:s14] =	ssyncset.done $0x0  }
0x15f: {  	[sflag:s14] =	ssyncadd.s32 $0xFFFFF600  }
0x160: {  	_ =	swait.ge [sflag:s15], $0x1400  }
0x161: {  	[sflag:s15] =	ssyncset.done $0x0  }
0x162: {  	[sflag:s15] =	ssyncadd.s32 $0xFFFFEC00  }
0x163: {  	_ =	swait.ge [sflag:s19], $0x1400  }
0x164: {  	[sflag:s19] =	ssyncset.done $0x0  }
0x165: {  	[sflag:s19] =	ssyncadd.s32 $0xFFFFEC00  }
0x166: {  	v2 =	vld [tilespmem:$0xF0]  }
0x167: {  	v3 =	vld [tilespmem:$0x100]  }
0x168: {  	v4 =	vld [tilespmem:$0x110]  }
0x169: {  	v5 =	vld [tilespmem:$0x120]  }
0x16a: {  	v6 =	vld [tilespmem:$0x130]  }
0x16b: {  	v2 =	vsub.s32 v2, v0  }
0x16c: {  	v3 =	vsub.s32 v3, v0;
	v2 =	vmin.u32 v2, $0x61A8  }
0x16d: {  	[tilespmem:$0x190] =	vst v2;
	v2 =	vmin.u32 v3, $0x61A8;
	v3 =	vsub.s32 v4, v0  }
0x16e: {  	[tilespmem:$0x1A0] =	vst v2;
	v2 =	vmin.u32 v3, $0x61A8;
	v3 =	vsub.s32 v5, v0  }
0x16f: {  	[tilespmem:$0x1B0] =	vst v2;
	v2 =	vmin.u32 v3, $0x61A8;
	v3 =	vsub.s32 v6, v0  }
0x170: {  	[tilespmem:$0x1C0] =	vst v2;
	v2 =	vmin.u32 v3, $0x61A8  }
0x171: {  	s0 =	simm.s32 $0x0;
	[tilespmem:$0x1D0] =	vst v2  }
0x172: {  	v2 =	vld [tilespmem:s0+$0x3E00]  }
0x173: {  	v3 =	vld [tilespmem:s0+$0x3DF0]  }
0x174: {  	v5 =	vld [tilespmem:s0+$0x3DE0]  }
0x175: {  	s9 =	simm.s32 $0xBF0;
	v4 =	vld [tilespmem:s0+$0x3E10]  }
0x176: {  	v7 =	vld [tilespmem:s9+$0xFFFFFFF0]  }
0x177: {  	s10 =	simm.s32 $0x100;
	v6 =	vld [tilespmem:s9+$0x0]  }
.LBB2_18:
0x178: {  	p0 =	sne.s32 s10, $0x4F00  }
0x179: {  	s9 =	sadd.s32 $0x20, s9;
	s13 =	smov.u32 s10;
	s10 =	sadd.s32 $0x100, s10  }
0x17a: {  	_ = 	snop  }
0x17b: {  	v5 =	vmul.f32 v5, v7;
	v7 =	vmul.f32 v2, v7  }
0x17c: {  	s13 =	sshra.s32 s13, $0x2;
	v8 =	vmul.f32 v3, v6;
	v6 =	vmul.f32 v4, v6  }
0x17d: {  	v2 =	vld [tilespmem:s13+$0x3E00];
	[tilespmem:s0+$0x51E0] =	vst v5  }
.Ltmp8:
0x17e: {  	v3 =	vld [tilespmem:s13+$0x3DF0];
	[tilespmem:s0+$0x5200] =	vst v7;
	(pc) =	sbr.rel @p0 .LBB2_18-.Ltmp8, $4  }
0x17f: {  	v5 =	vld [tilespmem:s13+$0x3DE0];
	[tilespmem:s0+$0x51F0] =	vst v8  }
0x180: {  	v4 =	vld [tilespmem:s13+$0x3E10];
	[tilespmem:s0+$0x5210] =	vst v6;
	s0 =	smov.u32 s13  }
0x181: {  	v7 =	vld [tilespmem:s9+$0xFFFFFFF0]  }
0x182: {  	v6 =	vld [tilespmem:s9+$0x0]  }
0x183: {  	_ =	sdelay $0x2  }
0x184: {  	v5 =	vmul.f32 v5, v7  }
0x185: {  	v2 =	vmul.f32 v2, v7  }
0x186: {  	v3 =	vmul.f32 v3, v6;
	[tilespmem:s0+$0x51E0] =	vst v5  }
0x187: {  	v4 =	vmul.f32 v4, v6;
	[tilespmem:s0+$0x5200] =	vst v2  }
0x188: {  	[tilespmem:s0+$0x51F0] =	vst v3  }
0x189: {  	s28 =	simm.s32 $0x190;
	s9 =	simm.s32 $0x51E0;
	[tilespmem:s0+$0x5210] =	vst v4  }
0x18a: {  	[spmem:s4] =	stream.indirect.scatter.add.f32 [tilespmem:s9], [sflag:$0x8], $0x40, s28, s29, $0xb8;
	[tilespmem:$0x1F5E0] =	vst v63  }
0x18b: {  	_ =	swait.ge [sflag:s18], $0x1400  }
0x18c: {  	[sflag:s18] =	ssyncset.done $0x0  }
0x18d: {  	[sflag:s18] =	ssyncadd.s32 $0xFFFFEC00  }
0x18e: {  	_ =	swait.ge [sflag:s19], $0x1400  }
0x18f: {  	[sflag:s19] =	ssyncset.done $0x0  }
0x190: {  	[sflag:s19] =	ssyncadd.s32 $0xFFFFEC00  }
0x191: {  	[bflag:$0x0] =	sbarrier.arrive $0xFFFF  }
0x192: {  	[tilespmem:s6], [sflag:$0x9] =	stream.linear.gather [spmem:s23], $0x1400, $0x38;
	[tilespmem:$0x1F5E0] =	vst v63  }
0x193: {  	_ =	swait.ge [sflag:s26], $0x1400  }
0x194: {  	[sflag:s26] =	ssyncset.done $0x0  }
0x195: {  	s30 =	sadd.s32 $0x0, s24;
	[sflag:s26] =	ssyncadd.s32 $0xFFFFEC00  }
0x196: {  	[hbm4b:s30+s5] =	stream.linear.scatter [tilespmem:s6], [sflag:$0x9], $0x1400, $0x38;
	[tilespmem:$0x1F5E0] =	vst v63  }
0x197: {  	_ =	swait.ge [sflag:s26], $0x1400  }
0x198: {  	s0 =	simm.s32 $0x280;
	s9 =	smov.u32 s23;
	[sflag:s26] =	ssyncset.done $0x0  }
.LBB2_20:
0x199: {  	p0 =	sne.s32 s0, $0x2F80;
	[sflag:s26] =	ssyncadd.s32 $0xFFFFEC00;
	s9 =	sadd.s32 $0x1400, s9  }
0x19a: {  	[tilespmem:s6], [sflag:$0x9] =	stream.linear.gather [spmem:s9], $0x1400, $0x38;
	[tilespmem:$0x1F5E0] =	vst v63  }
0x19b: {  	s10 =	smov.u32 s0;
	s0 =	sadd.s32 $0x280, s0;
	_ =	swait.ge [sflag:s26], $0x1400  }
.Ltmp9:
0x19c: {  	[sflag:s26] =	ssyncset.done $0x0;
	(pc) =	sbr.rel @p0 .LBB2_20-.Ltmp9, $4  }
0x19d: {  	s10 =	sadd.s32 s10, s24;
	[sflag:s26] =	ssyncadd.s32 $0xFFFFEC00  }
0x19e: {  	[hbm4b:s10+s5] =	stream.linear.scatter [tilespmem:s6], [sflag:$0x9], $0x1400, $0x38;
	[tilespmem:$0x1F5E0] =	vst v63  }
0x19f: {  	_ =	swait.ge [sflag:s26], $0x1400  }
0x1a0: {  	[sflag:s26] =	ssyncset.done $0x0  }
0x1a1: {  	s9 =	rddreg [dreg:$0x13]  }
0x1a2: {  	s0 =	rddreg [dreg:$0x12];
	s9 =	sadd.s32 $0x1, s9  }
0x1a3: {  	p0 =	sne.s32 s9, s0  }
.Ltmp10:
0x1a4: {  	_ = 	snop;
	(pc) =	sbr.rel @p0 .LBB2_1-.Ltmp10, $2  }
0x1a5: {  	_ =	sdelay $0x2  }
0x1a6: {  	[sflag:s26] =	ssyncadd.s32 $0xFFFFEC00  }
0x1a7: {  	_ =	sfence.sel $0x180000  }
0x1a8: {  	[bflag:$0x0] =	sbarrier.arrive $0xFFFF  }
0x1a9: {  	_ =	strace $0x90000047  }
0x1aa: {  	s0 =	stileid.u32;
	[bflag:$0x2] =	sbarrier.arrive $0xFFFF  }
0x1ab: {  	p0 =	sne.s32 s0, $0x0;
	s0 =	rddreg [dreg:$0x5]  }
0x1ac: {  	s0 =	sadd.s32 @!p0 $0x100000, s0  }
0x1ad: {  	[sflag:s0] =	ssyncadd.tile.s32 @!p0 $0x1;
	_ =	shalt  }
.Lfunc_end2:
_tile_overlayer_lowered:
.L_overlay_start_2:
0x1ae: {  	(tag) =	ssettag $0x2  }
0x1af: {  	s0 =	rddreg [dreg:$0x0];
	s2 =	stileid.u32  }
0x1b0: {  	s1 =	rddreg [dreg:$0x1];
	p0 =	sne.s32 s2, $0x0  }
0x1b1: {  	s3 =	rddreg [dreg:$0x2];
	[bflag:$0x3] =	sbarrier.arrive $0xFFFF;
	s2 =	simm.s32 @!p0 $0x1C09  }
0x1b2: {  	[timem:s3], [sflag:s2] =	dma.local @!p0 [hbm:s0], s1  }
0x1b3: {  	s0 =	simm.s32 @!p0 $0x9  }
0x1b4: {  	_ =	swait.ge @!p0 [sflag:s0], s1  }
0x1b5: {  	s1 =	ssub.s32 @!p0 $0x0, s1;
	[sflag:s0] =	ssyncset.done @!p0 $0x0  }
0x1b6: {  	[sflag:s0] =	ssyncadd.s32 @!p0 s1  }
0x1b7: {  	[bflag:$0x3] =	sbarrier.arrive $0xFFFF  }
0x1b8: {  	_ =	shalt  }

</sc_bundles>
